<compile_context>
chip_gen: v7x
topology: tpu7x:2x2x1
jax: 0.10.2.dev20260603
libtpu: 0.0.44.dev20260713+nightly
codegen_flags: <defaults>
</compile_context>

<pallas_src>
import functools

import jax
import jax.numpy as jnp
from jax import lax
from jax.experimental import pallas as pl
from jax.experimental.pallas import tpu as pltpu
from jax.experimental.pallas import tpu_sc as plsc

_EMBED = 32
_TILE = 128
_CHUNK_TILES = 12
_GATHER_DN = lax.GatherDimensionNumbers(
    offset_dims=(), collapsed_slice_dims=(0,), start_index_map=(0,))


def _reg_gather(v, idx):
    return lax.gather(v, idx[:, None], _GATHER_DN, slice_sizes=(1,),
                      mode=lax.GatherScatterMode.PROMISE_IN_BOUNDS)


def _body(num_workers, num_cores, xt, w0t, w1t, w2t, of,
          xv0, xv1, qv0, qv1, w0v, w1v, w2v,
          sin0, sin1, sout0, sout1):
    wid = lax.axis_index("s") * num_cores + lax.axis_index("c")

    pltpu.sync_copy(w0t, w0v)
    pltpu.sync_copy(w1t, w1v)
    pltpu.sync_copy(w2t, w2v)

    xvs, qvs = (xv0, xv1), (qv0, qv1)
    sins, souts = (sin0, sin1), (sout0, sout1)
    rows = _CHUNK_TILES * _TILE

    n_tiles = xt.shape[1] // _TILE
    base_cnt = n_tiles // num_workers
    n_extra = n_tiles % num_workers
    cnt = base_cnt + jnp.where(wid < n_extra, 1, 0)
    start = base_cnt * wid + jnp.minimum(wid, n_extra)
    n_full = base_cnt // _CHUNK_TILES
    assert n_full % 2 == 0

    def in_start(c, b):
        col = (start + c * _CHUNK_TILES) * _TILE
        pltpu.async_copy(xt.at[:, pl.ds(col, rows)], xvs[b], sins[b])

    def in_wait(b):
        pltpu.make_async_copy(xt.at[:, pl.ds(0, rows)], xvs[b], sins[b]).wait()

    def out_start(c, b):
        col = (start + c * _CHUNK_TILES) * _TILE
        pltpu.async_copy(qvs[b], of.at[:, pl.ds(col, rows)], souts[b])

    def out_wait(b):
        pltpu.make_async_copy(qvs[b], of.at[:, pl.ds(0, rows)], souts[b]).wait()

    def compute(xv, qv, n_rows):
        for dh in range(2):
            t0 = [w0v[pl.ds((dh * 16 + i) * 16, 16)] for i in range(16)]
            t1 = [w1v[pl.ds((dh * 16 + i) * 16, 16)] for i in range(16)]
            t2 = [w2v[pl.ds((dh * 16 + i) * 16, 16)] for i in range(16)]

            def grp(g, carry):
                b = g * 16
                x0 = xv[0, pl.ds(b, 16)]
                x1 = xv[1, pl.ds(b, 16)]
                x2 = xv[2, pl.ds(b, 16)]
                for i in range(16):
                    v = (_reg_gather(t0[i], x0) + _reg_gather(t1[i], x1)
                         + _reg_gather(t2[i], x2))
                    qv[dh * 16 + i, pl.ds(b, 16)] = v
                return carry

            lax.fori_loop(0, n_rows // 16, grp, 0)

    in_start(0, 0)
    in_start(1, 1)

    def pair(p, carry):
        for b in range(2):
            c = 2 * p + b

            @pl.when(p >= 1)
            def _():
                out_wait(b)

            in_wait(b)
            compute(xvs[b], qvs[b], rows)
            out_start(c, b)

            @pl.when(c + 2 < n_full)
            def _():
                in_start(c + 2, b)
        return carry

    lax.fori_loop(0, n_full // 2, pair, 0)
    out_wait(0)
    out_wait(1)

    def rem_tile(j, carry):
        tb = start + n_full * _CHUNK_TILES + j
        col = tb * _TILE
        pltpu.sync_copy(xt.at[:, pl.ds(col, _TILE)],
                        xv0.at[:, pl.ds(0, _TILE)])
        compute(xv0, qv0, _TILE)
        pltpu.sync_copy(qv0.at[:, pl.ds(0, _TILE)],
                        of.at[:, pl.ds(col, _TILE)])
        return carry

    lax.fori_loop(0, cnt - n_full * _CHUNK_TILES, rem_tile, 0)


def kernel(x, w0, w1, w2):
    e = x.shape[0]
    info = plsc.get_sparse_core_info()
    nw = info.num_cores * info.num_subcores
    assert e % _TILE == 0

    def tcols(w):
        return jnp.pad(w.T, ((0, 0), (0, 16 - w.shape[0]))).reshape(-1)

    mesh = plsc.VectorSubcoreMesh(core_axis_name="c", subcore_axis_name="s")
    rows_chunk = _CHUNK_TILES * _TILE
    k = pl.kernel(
        functools.partial(_body, nw, info.num_cores),
        out_type=jax.ShapeDtypeStruct((_EMBED, e), jnp.float32),
        mesh=mesh,
        scratch_types=[
            pltpu.VMEM((3, rows_chunk), jnp.int32),
            pltpu.VMEM((3, rows_chunk), jnp.int32),
            pltpu.VMEM((_EMBED, rows_chunk), jnp.float32),
            pltpu.VMEM((_EMBED, rows_chunk), jnp.float32),
            pltpu.VMEM((_EMBED * 16,), jnp.float32),
            pltpu.VMEM((_EMBED * 16,), jnp.float32),
            pltpu.VMEM((_EMBED * 16,), jnp.float32),
            pltpu.SemaphoreType.DMA,
            pltpu.SemaphoreType.DMA,
            pltpu.SemaphoreType.DMA,
            pltpu.SemaphoreType.DMA,
        ],
    )
    out = k(x.T, tcols(w0), tcols(w1), tcols(w2))
    return out.T

# --- scband reference (transcript-rebuilt; emitter-appended) ---
"""Pipeline reference for scband-bond-embedding-net-37228776522446 (READ-ONLY COPY).

The authoritative reference and input builder live on the scoring server;
editing this copy changes nothing except your own understanding.
"""

import jax, jax.numpy as jnp
import numpy as np

EMBED_DIM = 32
# bond feature cardinalities: [5, 6, 2], each +3 as in the torch module
TABLE_SIZES = [5 + 3, 6 + 3, 2 + 3]
E = 1_600_000


def _xavier_uniform(key, shape):
    fan_in, fan_out = shape[0], shape[1]
    bound = float(np.sqrt(6.0 / (fan_in + fan_out)))
    return jax.random.uniform(key, shape, dtype=jnp.float32, minval=-bound, maxval=bound)


def setup_inputs(seed: int = 0) -> dict:
    key = jax.random.key(seed)
    kx, k0, k1, k2 = jax.random.split(key, 4)
    # indices in [0, 5): valid for all three tables (min table size is 5)
    x = jax.random.randint(kx, (E, 3), 0, 5, dtype=jnp.int32)
    w0 = _xavier_uniform(k0, (TABLE_SIZES[0], EMBED_DIM))
    w1 = _xavier_uniform(k1, (TABLE_SIZES[1], EMBED_DIM))
    w2 = _xavier_uniform(k2, (TABLE_SIZES[2], EMBED_DIM))
    return {"x": x, "w0": w0, "w1": w1, "w2": w2}


def reference(x, w0, w1, w2):
    # out = sum_i embedding_i(x[:, i])
    out = jnp.take(w0, x[:, 0], axis=0)
    out = out + jnp.take(w1, x[:, 1], axis=0)
    out = out + jnp.take(w2, x[:, 2], axis=0)
    return out

if __name__ == "__main__":
    import jax
    _d = setup_inputs()
    print(jax.jit(kernel)(*tuple(_d.values())))

</pallas_src>

<mosaic_0001>
#map = affine_map<(d0, d1) -> (0, 0)>
#map1 = affine_map<(d0, d1) -> (0)>
module attributes {stable_mosaic.version = 14 : i64} {
  func.func @_body(%arg0: i32, %arg1: i32, %arg2: memref<3x1600000xi32, #tpu.memory_space<hbm>>, %arg3: memref<512xf32, #tpu.memory_space<hbm>>, %arg4: memref<512xf32, #tpu.memory_space<hbm>>, %arg5: memref<512xf32, #tpu.memory_space<hbm>>, %arg6: memref<32x1600000xf32, #tpu.memory_space<hbm>>, %arg7: memref<3x1536xi32, #tpu.memory_space<vmem>>, %arg8: memref<3x1536xi32, #tpu.memory_space<vmem>>, %arg9: memref<32x1536xf32, #tpu.memory_space<vmem>>, %arg10: memref<32x1536xf32, #tpu.memory_space<vmem>>, %arg11: memref<512xf32, #tpu.memory_space<vmem>>, %arg12: memref<512xf32, #tpu.memory_space<vmem>>, %arg13: memref<512xf32, #tpu.memory_space<vmem>>, %arg14: memref<!tpu.dma_semaphore, #tpu.memory_space<semaphore_mem>>, %arg15: memref<!tpu.dma_semaphore, #tpu.memory_space<semaphore_mem>>, %arg16: memref<!tpu.dma_semaphore, #tpu.memory_space<semaphore_mem>>, %arg17: memref<!tpu.dma_semaphore, #tpu.memory_space<semaphore_mem>>) attributes {dimension_semantics = [#tpu.dimension_semantics<core_parallel>, #tpu.dimension_semantics<subcore_parallel>], iteration_bounds = array<i64: 2, 16>, scalar_prefetch = 0 : i64, scratch_operands = 11 : i64, tpu.core_type = #tpu.core_type<sc_vector_subcore>, window_params = [{transform_indices = #map}, {transform_indices = #map1}, {transform_indices = #map1}, {transform_indices = #map1}, {transform_indices = #map}]} {
    %mul3A = arith.constant 2 : i32
    %mul3A_0 = arith.muli %arg1, %mul3A : i32
    %add3A = arith.addi %mul3A_0, %arg0 : i32
    "tpu.region"() ({
      %run_scoped3A = tpu.sem_alloc : memref<!tpu.dma_semaphore, #tpu.memory_space<semaphore_mem>>
      tpu.enqueue_dma source(%arg3 : memref<512xf32, #tpu.memory_space<hbm>>) target(%arg11 : memref<512xf32, #tpu.memory_space<vmem>>) target_semaphore(%run_scoped3A : memref<!tpu.dma_semaphore, #tpu.memory_space<semaphore_mem>>)
      tpu.wait_dma2 semaphore(%run_scoped3A : memref<!tpu.dma_semaphore, #tpu.memory_space<semaphore_mem>>) src(%arg3 : memref<512xf32, #tpu.memory_space<hbm>>) dst(%arg11 : memref<512xf32, #tpu.memory_space<vmem>>)
      tpu.yield
    }) : () -> ()
    "tpu.region"() ({
      %run_scoped3A = tpu.sem_alloc : memref<!tpu.dma_semaphore, #tpu.memory_space<semaphore_mem>>
      tpu.enqueue_dma source(%arg4 : memref<512xf32, #tpu.memory_space<hbm>>) target(%arg12 : memref<512xf32, #tpu.memory_space<vmem>>) target_semaphore(%run_scoped3A : memref<!tpu.dma_semaphore, #tpu.memory_space<semaphore_mem>>)
      tpu.wait_dma2 semaphore(%run_scoped3A : memref<!tpu.dma_semaphore, #tpu.memory_space<semaphore_mem>>) src(%arg4 : memref<512xf32, #tpu.memory_space<hbm>>) dst(%arg12 : memref<512xf32, #tpu.memory_space<vmem>>)
      tpu.yield
    }) : () -> ()
    "tpu.region"() ({
      %run_scoped3A = tpu.sem_alloc : memref<!tpu.dma_semaphore, #tpu.memory_space<semaphore_mem>>
      tpu.enqueue_dma source(%arg5 : memref<512xf32, #tpu.memory_space<hbm>>) target(%arg13 : memref<512xf32, #tpu.memory_space<vmem>>) target_semaphore(%run_scoped3A : memref<!tpu.dma_semaphore, #tpu.memory_space<semaphore_mem>>)
      tpu.wait_dma2 semaphore(%run_scoped3A : memref<!tpu.dma_semaphore, #tpu.memory_space<semaphore_mem>>) src(%arg5 : memref<512xf32, #tpu.memory_space<hbm>>) dst(%arg13 : memref<512xf32, #tpu.memory_space<vmem>>)
      tpu.yield
    }) : () -> ()
    %lt3A = arith.constant 20 : i32
    %lt3A_1 = arith.cmpi slt, %add3A, %lt3A : i32
    %jit3A = arith.constant 1 : i32
    %jit3A_2 = arith.constant 0 : i32
    %select_n3A = arith.select %lt3A_1, %jit3A, %jit3A_2 : i32
    %add3A_3 = arith.constant 390 : i32
    %add3A_4 = arith.addi %add3A_3, %select_n3A : i32
    %mul3A_5 = arith.constant 390 : i32
    %mul3A_6 = arith.muli %mul3A_5, %add3A : i32
    %min3A = arith.constant 20 : i32
    %min3A_7 = arith.minsi %add3A, %min3A : i32
    %add3A_8 = arith.addi %mul3A_6, %min3A_7 : i32
    %add3A_9 = arith.constant 0 : i32
    %add3A_10 = arith.addi %add3A_8, %add3A_9 : i32
    %mul3A_11 = arith.constant 128 : i32
    %mul3A_12 = arith.muli %add3A_10, %mul3A_11 : i32
    %dma_start3A = arith.constant 0 : i32
    %dma_start3A_13 = tpu.memref_slice %arg2[%dma_start3A, %mul3A_12] : memref<3x1600000xi32, #tpu.memory_space<hbm>> -> memref<3x1536xi32, #tpu.memory_space<hbm>>
    %dma_start3A_14 = arith.constant 0 : i32
    %dma_start3A_15 = tpu.memref_slice %arg2[%dma_start3A_14, %mul3A_12] : memref<3x1600000xi32, #tpu.memory_space<hbm>> -> memref<3x1536xi32, #tpu.memory_space<hbm>>
    tpu.enqueue_dma source(%dma_start3A_15 : memref<3x1536xi32, #tpu.memory_space<hbm>>) target(%arg7 : memref<3x1536xi32, #tpu.memory_space<vmem>>) target_semaphore(%arg14 : memref<!tpu.dma_semaphore, #tpu.memory_space<semaphore_mem>>)
    %add3A_16 = arith.constant 12 : i32
    %add3A_17 = arith.addi %add3A_8, %add3A_16 : i32
    %mul3A_18 = arith.constant 128 : i32
    %mul3A_19 = arith.muli %add3A_17, %mul3A_18 : i32
    %dma_start3A_20 = arith.constant 0 : i32
    %dma_start3A_21 = tpu.memref_slice %arg2[%dma_start3A_20, %mul3A_19] : memref<3x1600000xi32, #tpu.memory_space<hbm>> -> memref<3x1536xi32, #tpu.memory_space<hbm>>
    %dma_start3A_22 = arith.constant 0 : i32
    %dma_start3A_23 = tpu.memref_slice %arg2[%dma_start3A_22, %mul3A_19] : memref<3x1600000xi32, #tpu.memory_space<hbm>> -> memref<3x1536xi32, #tpu.memory_space<hbm>>
    tpu.enqueue_dma source(%dma_start3A_23 : memref<3x1536xi32, #tpu.memory_space<hbm>>) target(%arg8 : memref<3x1536xi32, #tpu.memory_space<vmem>>) target_semaphore(%arg15 : memref<!tpu.dma_semaphore, #tpu.memory_space<semaphore_mem>>)
    %scan3A = arith.constant 0 : i32
    %scan3A_24 = arith.constant 0 : i32
    %scan3A_25 = arith.constant 16 : i32
    %scan3A_26 = arith.addi %scan3A_24, %scan3A_25 : i32
    %scan3A_27 = arith.constant 1 : i32
    scf.for %scan3A_50 = %scan3A_24 to %scan3A_26 step %scan3A_27  : i32 {
      %mul3A_51 = arith.constant 2 : i32
      %mul3A_52 = arith.muli %mul3A_51, %scan3A_50 : i32
      %add3A_53 = arith.constant 0 : i32
      %add3A_54 = arith.addi %mul3A_52, %add3A_53 : i32
      %ge3A = arith.constant 1 : i32
      %ge3A_55 = arith.cmpi sge, %scan3A_50, %ge3A : i32
      %convert_element_type3A = arith.extui %ge3A_55 : i1 to i32
      %cond3A = arith.constant 0 : i32
      %cond3A_56 = arith.cmpi ne, %convert_element_type3A, %cond3A : i32
      scf.if %cond3A_56 {
        %dma_wait3A_709 = arith.constant 0 : i32
        %dma_wait3A_710 = arith.constant 0 : i32
        %dma_wait3A_711 = tpu.memref_slice %arg6[%dma_wait3A_709, %dma_wait3A_710] : memref<32x1600000xf32, #tpu.memory_space<hbm>> -> memref<32x1536xf32, #tpu.memory_space<hbm>>
        %dma_wait3A_712 = arith.constant 0 : i32
        %dma_wait3A_713 = arith.constant 0 : i32
        %dma_wait3A_714 = tpu.memref_slice %arg6[%dma_wait3A_712, %dma_wait3A_713] : memref<32x1600000xf32, #tpu.memory_space<hbm>> -> memref<32x1536xf32, #tpu.memory_space<hbm>>
        tpu.wait_dma2 semaphore(%arg16 : memref<!tpu.dma_semaphore, #tpu.memory_space<semaphore_mem>>) src(%arg9 : memref<32x1536xf32, #tpu.memory_space<vmem>>) dst(%dma_wait3A_714 : memref<32x1536xf32, #tpu.memory_space<hbm>>)
      } else {
      }
      %dma_wait3A_57 = arith.constant 0 : i32
      %dma_wait3A_58 = arith.constant 0 : i32
      %dma_wait3A_59 = tpu.memref_slice %arg2[%dma_wait3A_57, %dma_wait3A_58] : memref<3x1600000xi32, #tpu.memory_space<hbm>> -> memref<3x1536xi32, #tpu.memory_space<hbm>>
      %dma_wait3A_60 = arith.constant 0 : i32
      %dma_wait3A_61 = arith.constant 0 : i32
      %dma_wait3A_62 = tpu.memref_slice %arg2[%dma_wait3A_60, %dma_wait3A_61] : memref<3x1600000xi32, #tpu.memory_space<hbm>> -> memref<3x1536xi32, #tpu.memory_space<hbm>>
      tpu.wait_dma2 semaphore(%arg14 : memref<!tpu.dma_semaphore, #tpu.memory_space<semaphore_mem>>) src(%dma_wait3A_62 : memref<3x1536xi32, #tpu.memory_space<hbm>>) dst(%arg7 : memref<3x1536xi32, #tpu.memory_space<vmem>>)
      %get3A = arith.constant 0 : index
      %get3A_63 = tpu.vector_load %arg11[%get3A] {strides = array<i32>} : memref<512xf32, #tpu.memory_space<vmem>>, vector<16xf32>,
      %get3A_64 = vector.shape_cast %get3A_63 : vector<16xf32> to vector<16xf32>
      %get3A_65 = arith.constant 16 : index
      %get3A_66 = tpu.vector_load %arg11[%get3A_65] {strides = array<i32>} : memref<512xf32, #tpu.memory_space<vmem>>, vector<16xf32>,
      %get3A_67 = vector.shape_cast %get3A_66 : vector<16xf32> to vector<16xf32>
      %get3A_68 = arith.constant 32 : index
      %get3A_69 = tpu.vector_load %arg11[%get3A_68] {strides = array<i32>} : memref<512xf32, #tpu.memory_space<vmem>>, vector<16xf32>,
      %get3A_70 = vector.shape_cast %get3A_69 : vector<16xf32> to vector<16xf32>
      %get3A_71 = arith.constant 48 : index
      %get3A_72 = tpu.vector_load %arg11[%get3A_71] {strides = array<i32>} : memref<512xf32, #tpu.memory_space<vmem>>, vector<16xf32>,
      %get3A_73 = vector.shape_cast %get3A_72 : vector<16xf32> to vector<16xf32>
      %get3A_74 = arith.constant 64 : index
      %get3A_75 = tpu.vector_load %arg11[%get3A_74] {strides = array<i32>} : memref<512xf32, #tpu.memory_space<vmem>>, vector<16xf32>,
      %get3A_76 = vector.shape_cast %get3A_75 : vector<16xf32> to vector<16xf32>
      %get3A_77 = arith.constant 80 : index
      %get3A_78 = tpu.vector_load %arg11[%get3A_77] {strides = array<i32>} : memref<512xf32, #tpu.memory_space<vmem>>, vector<16xf32>,
      %get3A_79 = vector.shape_cast %get3A_78 : vector<16xf32> to vector<16xf32>
      %get3A_80 = arith.constant 96 : index
      %get3A_81 = tpu.vector_load %arg11[%get3A_80] {strides = array<i32>} : memref<512xf32, #tpu.memory_space<vmem>>, vector<16xf32>,
      %get3A_82 = vector.shape_cast %get3A_81 : vector<16xf32> to vector<16xf32>
      %get3A_83 = arith.constant 112 : index
      %get3A_84 = tpu.vector_load %arg11[%get3A_83] {strides = array<i32>} : memref<512xf32, #tpu.memory_space<vmem>>, vector<16xf32>,
      %get3A_85 = vector.shape_cast %get3A_84 : vector<16xf32> to vector<16xf32>
      %get3A_86 = arith.constant 128 : index
      %get3A_87 = tpu.vector_load %arg11[%get3A_86] {strides = array<i32>} : memref<512xf32, #tpu.memory_space<vmem>>, vector<16xf32>,
      %get3A_88 = vector.shape_cast %get3A_87 : vector<16xf32> to vector<16xf32>
      %get3A_89 = arith.constant 144 : index
      %get3A_90 = tpu.vector_load %arg11[%get3A_89] {strides = array<i32>} : memref<512xf32, #tpu.memory_space<vmem>>, vector<16xf32>,
      %get3A_91 = vector.shape_cast %get3A_90 : vector<16xf32> to vector<16xf32>
      %get3A_92 = arith.constant 160 : index
      %get3A_93 = tpu.vector_load %arg11[%get3A_92] {strides = array<i32>} : memref<512xf32, #tpu.memory_space<vmem>>, vector<16xf32>,
      %get3A_94 = vector.shape_cast %get3A_93 : vector<16xf32> to vector<16xf32>
      %get3A_95 = arith.constant 176 : index
      %get3A_96 = tpu.vector_load %arg11[%get3A_95] {strides = array<i32>} : memref<512xf32, #tpu.memory_space<vmem>>, vector<16xf32>,
      %get3A_97 = vector.shape_cast %get3A_96 : vector<16xf32> to vector<16xf32>
      %get3A_98 = arith.constant 192 : index
      %get3A_99 = tpu.vector_load %arg11[%get3A_98] {strides = array<i32>} : memref<512xf32, #tpu.memory_space<vmem>>, vector<16xf32>,
      %get3A_100 = vector.shape_cast %get3A_99 : vector<16xf32> to vector<16xf32>
      %get3A_101 = arith.constant 208 : index
      %get3A_102 = tpu.vector_load %arg11[%get3A_101] {strides = array<i32>} : memref<512xf32, #tpu.memory_space<vmem>>, vector<16xf32>,
      %get3A_103 = vector.shape_cast %get3A_102 : vector<16xf32> to vector<16xf32>
      %get3A_104 = arith.constant 224 : index
      %get3A_105 = tpu.vector_load %arg11[%get3A_104] {strides = array<i32>} : memref<512xf32, #tpu.memory_space<vmem>>, vector<16xf32>,
      %get3A_106 = vector.shape_cast %get3A_105 : vector<16xf32> to vector<16xf32>
      %get3A_107 = arith.constant 240 : index
      %get3A_108 = tpu.vector_load %arg11[%get3A_107] {strides = array<i32>} : memref<512xf32, #tpu.memory_space<vmem>>, vector<16xf32>,
      %get3A_109 = vector.shape_cast %get3A_108 : vector<16xf32> to vector<16xf32>
      %get3A_110 = arith.constant 0 : index
      %get3A_111 = tpu.vector_load %arg12[%get3A_110] {strides = array<i32>} : memref<512xf32, #tpu.memory_space<vmem>>, vector<16xf32>,
      %get3A_112 = vector.shape_cast %get3A_111 : vector<16xf32> to vector<16xf32>
      %get3A_113 = arith.constant 16 : index
      %get3A_114 = tpu.vector_load %arg12[%get3A_113] {strides = array<i32>} : memref<512xf32, #tpu.memory_space<vmem>>, vector<16xf32>,
      %get3A_115 = vector.shape_cast %get3A_114 : vector<16xf32> to vector<16xf32>
      %get3A_116 = arith.constant 32 : index
      %get3A_117 = tpu.vector_load %arg12[%get3A_116] {strides = array<i32>} : memref<512xf32, #tpu.memory_space<vmem>>, vector<16xf32>,
      %get3A_118 = vector.shape_cast %get3A_117 : vector<16xf32> to vector<16xf32>
      %get3A_119 = arith.constant 48 : index
      %get3A_120 = tpu.vector_load %arg12[%get3A_119] {strides = array<i32>} : memref<512xf32, #tpu.memory_space<vmem>>, vector<16xf32>,
      %get3A_121 = vector.shape_cast %get3A_120 : vector<16xf32> to vector<16xf32>
      %get3A_122 = arith.constant 64 : index
      %get3A_123 = tpu.vector_load %arg12[%get3A_122] {strides = array<i32>} : memref<512xf32, #tpu.memory_space<vmem>>, vector<16xf32>,
      %get3A_124 = vector.shape_cast %get3A_123 : vector<16xf32> to vector<16xf32>
      %get3A_125 = arith.constant 80 : index
      %get3A_126 = tpu.vector_load %arg12[%get3A_125] {strides = array<i32>} : memref<512xf32, #tpu.memory_space<vmem>>, vector<16xf32>,
      %get3A_127 = vector.shape_cast %get3A_126 : vector<16xf32> to vector<16xf32>
      %get3A_128 = arith.constant 96 : index
      %get3A_129 = tpu.vector_load %arg12[%get3A_128] {strides = array<i32>} : memref<512xf32, #tpu.memory_space<vmem>>, vector<16xf32>,
      %get3A_130 = vector.shape_cast %get3A_129 : vector<16xf32> to vector<16xf32>
      %get3A_131 = arith.constant 112 : index
      %get3A_132 = tpu.vector_load %arg12[%get3A_131] {strides = array<i32>} : memref<512xf32, #tpu.memory_space<vmem>>, vector<16xf32>,
      %get3A_133 = vector.shape_cast %get3A_132 : vector<16xf32> to vector<16xf32>
      %get3A_134 = arith.constant 128 : index
      %get3A_135 = tpu.vector_load %arg12[%get3A_134] {strides = array<i32>} : memref<512xf32, #tpu.memory_space<vmem>>, vector<16xf32>,
      %get3A_136 = vector.shape_cast %get3A_135 : vector<16xf32> to vector<16xf32>
      %get3A_137 = arith.constant 144 : index
      %get3A_138 = tpu.vector_load %arg12[%get3A_137] {strides = array<i32>} : memref<512xf32, #tpu.memory_space<vmem>>, vector<16xf32>,
      %get3A_139 = vector.shape_cast %get3A_138 : vector<16xf32> to vector<16xf32>
      %get3A_140 = arith.constant 160 : index
      %get3A_141 = tpu.vector_load %arg12[%get3A_140] {strides = array<i32>} : memref<512xf32, #tpu.memory_space<vmem>>, vector<16xf32>,
      %get3A_142 = vector.shape_cast %get3A_141 : vector<16xf32> to vector<16xf32>
      %get3A_143 = arith.constant 176 : index
      %get3A_144 = tpu.vector_load %arg12[%get3A_143] {strides = array<i32>} : memref<512xf32, #tpu.memory_space<vmem>>, vector<16xf32>,
      %get3A_145 = vector.shape_cast %get3A_144 : vector<16xf32> to vector<16xf32>
      %get3A_146 = arith.constant 192 : index
      %get3A_147 = tpu.vector_load %arg12[%get3A_146] {strides = array<i32>} : memref<512xf32, #tpu.memory_space<vmem>>, vector<16xf32>,
      %get3A_148 = vector.shape_cast %get3A_147 : vector<16xf32> to vector<16xf32>
      %get3A_149 = arith.constant 208 : index
      %get3A_150 = tpu.vector_load %arg12[%get3A_149] {strides = array<i32>} : memref<512xf32, #tpu.memory_space<vmem>>, vector<16xf32>,
      %get3A_151 = vector.shape_cast %get3A_150 : vector<16xf32> to vector<16xf32>
      %get3A_152 = arith.constant 224 : index
      %get3A_153 = tpu.vector_load %arg12[%get3A_152] {strides = array<i32>} : memref<512xf32, #tpu.memory_space<vmem>>, vector<16xf32>,
      %get3A_154 = vector.shape_cast %get3A_153 : vector<16xf32> to vector<16xf32>
      %get3A_155 = arith.constant 240 : index
      %get3A_156 = tpu.vector_load %arg12[%get3A_155] {strides = array<i32>} : memref<512xf32, #tpu.memory_space<vmem>>, vector<16xf32>,
      %get3A_157 = vector.shape_cast %get3A_156 : vector<16xf32> to vector<16xf32>
      %get3A_158 = arith.constant 0 : index
      %get3A_159 = tpu.vector_load %arg13[%get3A_158] {strides = array<i32>} : memref<512xf32, #tpu.memory_space<vmem>>, vector<16xf32>,
      %get3A_160 = vector.shape_cast %get3A_159 : vector<16xf32> to vector<16xf32>
      %get3A_161 = arith.constant 16 : index
      %get3A_162 = tpu.vector_load %arg13[%get3A_161] {strides = array<i32>} : memref<512xf32, #tpu.memory_space<vmem>>, vector<16xf32>,
      %get3A_163 = vector.shape_cast %get3A_162 : vector<16xf32> to vector<16xf32>
      %get3A_164 = arith.constant 32 : index
      %get3A_165 = tpu.vector_load %arg13[%get3A_164] {strides = array<i32>} : memref<512xf32, #tpu.memory_space<vmem>>, vector<16xf32>,
      %get3A_166 = vector.shape_cast %get3A_165 : vector<16xf32> to vector<16xf32>
      %get3A_167 = arith.constant 48 : index
      %get3A_168 = tpu.vector_load %arg13[%get3A_167] {strides = array<i32>} : memref<512xf32, #tpu.memory_space<vmem>>, vector<16xf32>,
      %get3A_169 = vector.shape_cast %get3A_168 : vector<16xf32> to vector<16xf32>
      %get3A_170 = arith.constant 64 : index
      %get3A_171 = tpu.vector_load %arg13[%get3A_170] {strides = array<i32>} : memref<512xf32, #tpu.memory_space<vmem>>, vector<16xf32>,
      %get3A_172 = vector.shape_cast %get3A_171 : vector<16xf32> to vector<16xf32>
      %get3A_173 = arith.constant 80 : index
      %get3A_174 = tpu.vector_load %arg13[%get3A_173] {strides = array<i32>} : memref<512xf32, #tpu.memory_space<vmem>>, vector<16xf32>,
      %get3A_175 = vector.shape_cast %get3A_174 : vector<16xf32> to vector<16xf32>
      %get3A_176 = arith.constant 96 : index
      %get3A_177 = tpu.vector_load %arg13[%get3A_176] {strides = array<i32>} : memref<512xf32, #tpu.memory_space<vmem>>, vector<16xf32>,
      %get3A_178 = vector.shape_cast %get3A_177 : vector<16xf32> to vector<16xf32>
      %get3A_179 = arith.constant 112 : index
      %get3A_180 = tpu.vector_load %arg13[%get3A_179] {strides = array<i32>} : memref<512xf32, #tpu.memory_space<vmem>>, vector<16xf32>,
      %get3A_181 = vector.shape_cast %get3A_180 : vector<16xf32> to vector<16xf32>
      %get3A_182 = arith.constant 128 : index
      %get3A_183 = tpu.vector_load %arg13[%get3A_182] {strides = array<i32>} : memref<512xf32, #tpu.memory_space<vmem>>, vector<16xf32>,
      %get3A_184 = vector.shape_cast %get3A_183 : vector<16xf32> to vector<16xf32>
      %get3A_185 = arith.constant 144 : index
      %get3A_186 = tpu.vector_load %arg13[%get3A_185] {strides = array<i32>} : memref<512xf32, #tpu.memory_space<vmem>>, vector<16xf32>,
      %get3A_187 = vector.shape_cast %get3A_186 : vector<16xf32> to vector<16xf32>
      %get3A_188 = arith.constant 160 : index
      %get3A_189 = tpu.vector_load %arg13[%get3A_188] {strides = array<i32>} : memref<512xf32, #tpu.memory_space<vmem>>, vector<16xf32>,
      %get3A_190 = vector.shape_cast %get3A_189 : vector<16xf32> to vector<16xf32>
      %get3A_191 = arith.constant 176 : index
      %get3A_192 = tpu.vector_load %arg13[%get3A_191] {strides = array<i32>} : memref<512xf32, #tpu.memory_space<vmem>>, vector<16xf32>,
      %get3A_193 = vector.shape_cast %get3A_192 : vector<16xf32> to vector<16xf32>
      %get3A_194 = arith.constant 192 : index
      %get3A_195 = tpu.vector_load %arg13[%get3A_194] {strides = array<i32>} : memref<512xf32, #tpu.memory_space<vmem>>, vector<16xf32>,
      %get3A_196 = vector.shape_cast %get3A_195 : vector<16xf32> to vector<16xf32>
      %get3A_197 = arith.constant 208 : index
      %get3A_198 = tpu.vector_load %arg13[%get3A_197] {strides = array<i32>} : memref<512xf32, #tpu.memory_space<vmem>>, vector<16xf32>,
      %get3A_199 = vector.shape_cast %get3A_198 : vector<16xf32> to vector<16xf32>
      %get3A_200 = arith.constant 224 : index
      %get3A_201 = tpu.vector_load %arg13[%get3A_200] {strides = array<i32>} : memref<512xf32, #tpu.memory_space<vmem>>, vector<16xf32>,
      %get3A_202 = vector.shape_cast %get3A_201 : vector<16xf32> to vector<16xf32>
      %get3A_203 = arith.constant 240 : index
      %get3A_204 = tpu.vector_load %arg13[%get3A_203] {strides = array<i32>} : memref<512xf32, #tpu.memory_space<vmem>>, vector<16xf32>,
      %get3A_205 = vector.shape_cast %get3A_204 : vector<16xf32> to vector<16xf32>
      %scan3A_206 = arith.constant 0 : i32
      %scan3A_207 = arith.constant 0 : i32
      %scan3A_208 = arith.constant 96 : i32
      %scan3A_209 = arith.addi %scan3A_207, %scan3A_208 : i32
      %scan3A_210 = arith.constant 1 : i32
      scf.for %scan3A_709 = %scan3A_207 to %scan3A_209 step %scan3A_210  : i32 {
        %mul3A_710 = arith.constant 16 : i32
        %mul3A_711 = arith.muli %scan3A_709, %mul3A_710 : i32
        %get3A_712 = arith.constant 0 : i32
        %get3A_713 = arith.index_cast %get3A_712 : i32 to index
        %get3A_714 = arith.index_cast %mul3A_711 : i32 to index
        %get3A_715 = tpu.vector_load %arg7[%get3A_713, %get3A_714] {strides = array<i32>} : memref<3x1536xi32, #tpu.memory_space<vmem>>, vector<1x16xi32>,
        %get3A_716 = vector.shape_cast %get3A_715 : vector<1x16xi32> to vector<16xi32>
        %get3A_717 = arith.constant 1 : i32
        %get3A_718 = arith.index_cast %get3A_717 : i32 to index
        %get3A_719 = arith.index_cast %mul3A_711 : i32 to index
        %get3A_720 = tpu.vector_load %arg7[%get3A_718, %get3A_719] {strides = array<i32>} : memref<3x1536xi32, #tpu.memory_space<vmem>>, vector<1x16xi32>,
        %get3A_721 = vector.shape_cast %get3A_720 : vector<1x16xi32> to vector<16xi32>
        %get3A_722 = arith.constant 2 : i32
        %get3A_723 = arith.index_cast %get3A_722 : i32 to index
        %get3A_724 = arith.index_cast %mul3A_711 : i32 to index
        %get3A_725 = tpu.vector_load %arg7[%get3A_723, %get3A_724] {strides = array<i32>} : memref<3x1536xi32, #tpu.memory_space<vmem>>, vector<1x16xi32>,
        %get3A_726 = vector.shape_cast %get3A_725 : vector<1x16xi32> to vector<16xi32>
        %broadcast_in_dim3A = vector.shape_cast %get3A_716 : vector<16xi32> to vector<16x1xi32>
        %gather3A = vector.shape_cast %broadcast_in_dim3A : vector<16x1xi32> to vector<16xi32>
        %gather3A_727 = tpu.dynamic_gather %get3A_64[%gather3A] in [0] : vector<16xf32>, vector<16xi32> -> vector<16xf32>
        %broadcast_in_dim3A_728 = vector.shape_cast %get3A_721 : vector<16xi32> to vector<16x1xi32>
        %gather3A_729 = vector.shape_cast %broadcast_in_dim3A_728 : vector<16x1xi32> to vector<16xi32>
        %gather3A_730 = tpu.dynamic_gather %get3A_112[%gather3A_729] in [0] : vector<16xf32>, vector<16xi32> -> vector<16xf32>
        %add3A_731 = arith.addf %gather3A_727, %gather3A_730 : vector<16xf32>
        %broadcast_in_dim3A_732 = vector.shape_cast %get3A_726 : vector<16xi32> to vector<16x1xi32>
        %gather3A_733 = vector.shape_cast %broadcast_in_dim3A_732 : vector<16x1xi32> to vector<16xi32>
        %gather3A_734 = tpu.dynamic_gather %get3A_160[%gather3A_733] in [0] : vector<16xf32>, vector<16xi32> -> vector<16xf32>
        %add3A_735 = arith.addf %add3A_731, %gather3A_734 : vector<16xf32>
        %swap3A = arith.constant 0 : i32
        %swap3A_736 = arith.index_cast %swap3A : i32 to index
        %swap3A_737 = arith.index_cast %mul3A_711 : i32 to index
        %swap3A_738 = tpu.vector_load %arg9[%swap3A_736, %swap3A_737] {strides = array<i32>} : memref<32x1536xf32, #tpu.memory_space<vmem>>, vector<1x16xf32>,
        %swap3A_739 = vector.shape_cast %swap3A_738 : vector<1x16xf32> to vector<16xf32>
        %swap3A_740 = vector.shape_cast %add3A_735 : vector<16xf32> to vector<1x16xf32>
        tpu.vector_store %arg9[%swap3A_736, %swap3A_737], %swap3A_740 {strides = array<i32>} : memref<32x1536xf32, #tpu.memory_space<vmem>>, vector<1x16xf32>,
        %broadcast_in_dim3A_741 = vector.shape_cast %get3A_716 : vector<16xi32> to vector<16x1xi32>
        %gather3A_742 = vector.shape_cast %broadcast_in_dim3A_741 : vector<16x1xi32> to vector<16xi32>
        %gather3A_743 = tpu.dynamic_gather %get3A_67[%gather3A_742] in [0] : vector<16xf32>, vector<16xi32> -> vector<16xf32>
        %broadcast_in_dim3A_744 = vector.shape_cast %get3A_721 : vector<16xi32> to vector<16x1xi32>
        %gather3A_745 = vector.shape_cast %broadcast_in_dim3A_744 : vector<16x1xi32> to vector<16xi32>
        %gather3A_746 = tpu.dynamic_gather %get3A_115[%gather3A_745] in [0] : vector<16xf32>, vector<16xi32> -> vector<16xf32>
        %add3A_747 = arith.addf %gather3A_743, %gather3A_746 : vector<16xf32>
        %broadcast_in_dim3A_748 = vector.shape_cast %get3A_726 : vector<16xi32> to vector<16x1xi32>
        %gather3A_749 = vector.shape_cast %broadcast_in_dim3A_748 : vector<16x1xi32> to vector<16xi32>
        %gather3A_750 = tpu.dynamic_gather %get3A_163[%gather3A_749] in [0] : vector<16xf32>, vector<16xi32> -> vector<16xf32>
        %add3A_751 = arith.addf %add3A_747, %gather3A_750 : vector<16xf32>
        %swap3A_752 = arith.constant 1 : i32
        %swap3A_753 = arith.index_cast %swap3A_752 : i32 to index
        %swap3A_754 = arith.index_cast %mul3A_711 : i32 to index
        %swap3A_755 = tpu.vector_load %arg9[%swap3A_753, %swap3A_754] {strides = array<i32>} : memref<32x1536xf32, #tpu.memory_space<vmem>>, vector<1x16xf32>,
        %swap3A_756 = vector.shape_cast %swap3A_755 : vector<1x16xf32> to vector<16xf32>
        %swap3A_757 = vector.shape_cast %add3A_751 : vector<16xf32> to vector<1x16xf32>
        tpu.vector_store %arg9[%swap3A_753, %swap3A_754], %swap3A_757 {strides = array<i32>} : memref<32x1536xf32, #tpu.memory_space<vmem>>, vector<1x16xf32>,
        %broadcast_in_dim3A_758 = vector.shape_cast %get3A_716 : vector<16xi32> to vector<16x1xi32>
        %gather3A_759 = vector.shape_cast %broadcast_in_dim3A_758 : vector<16x1xi32> to vector<16xi32>
        %gather3A_760 = tpu.dynamic_gather %get3A_70[%gather3A_759] in [0] : vector<16xf32>, vector<16xi32> -> vector<16xf32>
        %broadcast_in_dim3A_761 = vector.shape_cast %get3A_721 : vector<16xi32> to vector<16x1xi32>
        %gather3A_762 = vector.shape_cast %broadcast_in_dim3A_761 : vector<16x1xi32> to vector<16xi32>
        %gather3A_763 = tpu.dynamic_gather %get3A_118[%gather3A_762] in [0] : vector<16xf32>, vector<16xi32> -> vector<16xf32>
        %add3A_764 = arith.addf %gather3A_760, %gather3A_763 : vector<16xf32>
        %broadcast_in_dim3A_765 = vector.shape_cast %get3A_726 : vector<16xi32> to vector<16x1xi32>
        %gather3A_766 = vector.shape_cast %broadcast_in_dim3A_765 : vector<16x1xi32> to vector<16xi32>
        %gather3A_767 = tpu.dynamic_gather %get3A_166[%gather3A_766] in [0] : vector<16xf32>, vector<16xi32> -> vector<16xf32>
        %add3A_768 = arith.addf %add3A_764, %gather3A_767 : vector<16xf32>
        %swap3A_769 = arith.constant 2 : i32
        %swap3A_770 = arith.index_cast %swap3A_769 : i32 to index
        %swap3A_771 = arith.index_cast %mul3A_711 : i32 to index
        %swap3A_772 = tpu.vector_load %arg9[%swap3A_770, %swap3A_771] {strides = array<i32>} : memref<32x1536xf32, #tpu.memory_space<vmem>>, vector<1x16xf32>,
        %swap3A_773 = vector.shape_cast %swap3A_772 : vector<1x16xf32> to vector<16xf32>
        %swap3A_774 = vector.shape_cast %add3A_768 : vector<16xf32> to vector<1x16xf32>
        tpu.vector_store %arg9[%swap3A_770, %swap3A_771], %swap3A_774 {strides = array<i32>} : memref<32x1536xf32, #tpu.memory_space<vmem>>, vector<1x16xf32>,
        %broadcast_in_dim3A_775 = vector.shape_cast %get3A_716 : vector<16xi32> to vector<16x1xi32>
        %gather3A_776 = vector.shape_cast %broadcast_in_dim3A_775 : vector<16x1xi32> to vector<16xi32>
        %gather3A_777 = tpu.dynamic_gather %get3A_73[%gather3A_776] in [0] : vector<16xf32>, vector<16xi32> -> vector<16xf32>
        %broadcast_in_dim3A_778 = vector.shape_cast %get3A_721 : vector<16xi32> to vector<16x1xi32>
        %gather3A_779 = vector.shape_cast %broadcast_in_dim3A_778 : vector<16x1xi32> to vector<16xi32>
        %gather3A_780 = tpu.dynamic_gather %get3A_121[%gather3A_779] in [0] : vector<16xf32>, vector<16xi32> -> vector<16xf32>
        %add3A_781 = arith.addf %gather3A_777, %gather3A_780 : vector<16xf32>
        %broadcast_in_dim3A_782 = vector.shape_cast %get3A_726 : vector<16xi32> to vector<16x1xi32>
        %gather3A_783 = vector.shape_cast %broadcast_in_dim3A_782 : vector<16x1xi32> to vector<16xi32>
        %gather3A_784 = tpu.dynamic_gather %get3A_169[%gather3A_783] in [0] : vector<16xf32>, vector<16xi32> -> vector<16xf32>
        %add3A_785 = arith.addf %add3A_781, %gather3A_784 : vector<16xf32>
        %swap3A_786 = arith.constant 3 : i32
        %swap3A_787 = arith.index_cast %swap3A_786 : i32 to index
        %swap3A_788 = arith.index_cast %mul3A_711 : i32 to index
        %swap3A_789 = tpu.vector_load %arg9[%swap3A_787, %swap3A_788] {strides = array<i32>} : memref<32x1536xf32, #tpu.memory_space<vmem>>, vector<1x16xf32>,
        %swap3A_790 = vector.shape_cast %swap3A_789 : vector<1x16xf32> to vector<16xf32>
        %swap3A_791 = vector.shape_cast %add3A_785 : vector<16xf32> to vector<1x16xf32>
        tpu.vector_store %arg9[%swap3A_787, %swap3A_788], %swap3A_791 {strides = array<i32>} : memref<32x1536xf32, #tpu.memory_space<vmem>>, vector<1x16xf32>,
        %broadcast_in_dim3A_792 = vector.shape_cast %get3A_716 : vector<16xi32> to vector<16x1xi32>
        %gather3A_793 = vector.shape_cast %broadcast_in_dim3A_792 : vector<16x1xi32> to vector<16xi32>
        %gather3A_794 = tpu.dynamic_gather %get3A_76[%gather3A_793] in [0] : vector<16xf32>, vector<16xi32> -> vector<16xf32>
        %broadcast_in_dim3A_795 = vector.shape_cast %get3A_721 : vector<16xi32> to vector<16x1xi32>
        %gather3A_796 = vector.shape_cast %broadcast_in_dim3A_795 : vector<16x1xi32> to vector<16xi32>
        %gather3A_797 = tpu.dynamic_gather %get3A_124[%gather3A_796] in [0] : vector<16xf32>, vector<16xi32> -> vector<16xf32>
        %add3A_798 = arith.addf %gather3A_794, %gather3A_797 : vector<16xf32>
        %broadcast_in_dim3A_799 = vector.shape_cast %get3A_726 : vector<16xi32> to vector<16x1xi32>
        %gather3A_800 = vector.shape_cast %broadcast_in_dim3A_799 : vector<16x1xi32> to vector<16xi32>
        %gather3A_801 = tpu.dynamic_gather %get3A_172[%gather3A_800] in [0] : vector<16xf32>, vector<16xi32> -> vector<16xf32>
        %add3A_802 = arith.addf %add3A_798, %gather3A_801 : vector<16xf32>
        %swap3A_803 = arith.constant 4 : i32
        %swap3A_804 = arith.index_cast %swap3A_803 : i32 to index
        %swap3A_805 = arith.index_cast %mul3A_711 : i32 to index
        %swap3A_806 = tpu.vector_load %arg9[%swap3A_804, %swap3A_805] {strides = array<i32>} : memref<32x1536xf32, #tpu.memory_space<vmem>>, vector<1x16xf32>,
        %swap3A_807 = vector.shape_cast %swap3A_806 : vector<1x16xf32> to vector<16xf32>
        %swap3A_808 = vector.shape_cast %add3A_802 : vector<16xf32> to vector<1x16xf32>
        tpu.vector_store %arg9[%swap3A_804, %swap3A_805], %swap3A_808 {strides = array<i32>} : memref<32x1536xf32, #tpu.memory_space<vmem>>, vector<1x16xf32>,
        %broadcast_in_dim3A_809 = vector.shape_cast %get3A_716 : vector<16xi32> to vector<16x1xi32>
        %gather3A_810 = vector.shape_cast %broadcast_in_dim3A_809 : vector<16x1xi32> to vector<16xi32>
        %gather3A_811 = tpu.dynamic_gather %get3A_79[%gather3A_810] in [0] : vector<16xf32>, vector<16xi32> -> vector<16xf32>
        %broadcast_in_dim3A_812 = vector.shape_cast %get3A_721 : vector<16xi32> to vector<16x1xi32>
        %gather3A_813 = vector.shape_cast %broadcast_in_dim3A_812 : vector<16x1xi32> to vector<16xi32>
        %gather3A_814 = tpu.dynamic_gather %get3A_127[%gather3A_813] in [0] : vector<16xf32>, vector<16xi32> -> vector<16xf32>
        %add3A_815 = arith.addf %gather3A_811, %gather3A_814 : vector<16xf32>
        %broadcast_in_dim3A_816 = vector.shape_cast %get3A_726 : vector<16xi32> to vector<16x1xi32>
        %gather3A_817 = vector.shape_cast %broadcast_in_dim3A_816 : vector<16x1xi32> to vector<16xi32>
        %gather3A_818 = tpu.dynamic_gather %get3A_175[%gather3A_817] in [0] : vector<16xf32>, vector<16xi32> -> vector<16xf32>
        %add3A_819 = arith.addf %add3A_815, %gather3A_818 : vector<16xf32>
        %swap3A_820 = arith.constant 5 : i32
        %swap3A_821 = arith.index_cast %swap3A_820 : i32 to index
        %swap3A_822 = arith.index_cast %mul3A_711 : i32 to index
        %swap3A_823 = tpu.vector_load %arg9[%swap3A_821, %swap3A_822] {strides = array<i32>} : memref<32x1536xf32, #tpu.memory_space<vmem>>, vector<1x16xf32>,
        %swap3A_824 = vector.shape_cast %swap3A_823 : vector<1x16xf32> to vector<16xf32>
        %swap3A_825 = vector.shape_cast %add3A_819 : vector<16xf32> to vector<1x16xf32>
        tpu.vector_store %arg9[%swap3A_821, %swap3A_822], %swap3A_825 {strides = array<i32>} : memref<32x1536xf32, #tpu.memory_space<vmem>>, vector<1x16xf32>,
        %broadcast_in_dim3A_826 = vector.shape_cast %get3A_716 : vector<16xi32> to vector<16x1xi32>
        %gather3A_827 = vector.shape_cast %broadcast_in_dim3A_826 : vector<16x1xi32> to vector<16xi32>
        %gather3A_828 = tpu.dynamic_gather %get3A_82[%gather3A_827] in [0] : vector<16xf32>, vector<16xi32> -> vector<16xf32>
        %broadcast_in_dim3A_829 = vector.shape_cast %get3A_721 : vector<16xi32> to vector<16x1xi32>
        %gather3A_830 = vector.shape_cast %broadcast_in_dim3A_829 : vector<16x1xi32> to vector<16xi32>
        %gather3A_831 = tpu.dynamic_gather %get3A_130[%gather3A_830] in [0] : vector<16xf32>, vector<16xi32> -> vector<16xf32>
        %add3A_832 = arith.addf %gather3A_828, %gather3A_831 : vector<16xf32>
        %broadcast_in_dim3A_833 = vector.shape_cast %get3A_726 : vector<16xi32> to vector<16x1xi32>
        %gather3A_834 = vector.shape_cast %broadcast_in_dim3A_833 : vector<16x1xi32> to vector<16xi32>
        %gather3A_835 = tpu.dynamic_gather %get3A_178[%gather3A_834] in [0] : vector<16xf32>, vector<16xi32> -> vector<16xf32>
        %add3A_836 = arith.addf %add3A_832, %gather3A_835 : vector<16xf32>
        %swap3A_837 = arith.constant 6 : i32
        %swap3A_838 = arith.index_cast %swap3A_837 : i32 to index
        %swap3A_839 = arith.index_cast %mul3A_711 : i32 to index
        %swap3A_840 = tpu.vector_load %arg9[%swap3A_838, %swap3A_839] {strides = array<i32>} : memref<32x1536xf32, #tpu.memory_space<vmem>>, vector<1x16xf32>,
        %swap3A_841 = vector.shape_cast %swap3A_840 : vector<1x16xf32> to vector<16xf32>
        %swap3A_842 = vector.shape_cast %add3A_836 : vector<16xf32> to vector<1x16xf32>
        tpu.vector_store %arg9[%swap3A_838, %swap3A_839], %swap3A_842 {strides = array<i32>} : memref<32x1536xf32, #tpu.memory_space<vmem>>, vector<1x16xf32>,
        %broadcast_in_dim3A_843 = vector.shape_cast %get3A_716 : vector<16xi32> to vector<16x1xi32>
        %gather3A_844 = vector.shape_cast %broadcast_in_dim3A_843 : vector<16x1xi32> to vector<16xi32>
        %gather3A_845 = tpu.dynamic_gather %get3A_85[%gather3A_844] in [0] : vector<16xf32>, vector<16xi32> -> vector<16xf32>
        %broadcast_in_dim3A_846 = vector.shape_cast %get3A_721 : vector<16xi32> to vector<16x1xi32>
        %gather3A_847 = vector.shape_cast %broadcast_in_dim3A_846 : vector<16x1xi32> to vector<16xi32>
        %gather3A_848 = tpu.dynamic_gather %get3A_133[%gather3A_847] in [0] : vector<16xf32>, vector<16xi32> -> vector<16xf32>
        %add3A_849 = arith.addf %gather3A_845, %gather3A_848 : vector<16xf32>
        %broadcast_in_dim3A_850 = vector.shape_cast %get3A_726 : vector<16xi32> to vector<16x1xi32>
        %gather3A_851 = vector.shape_cast %broadcast_in_dim3A_850 : vector<16x1xi32> to vector<16xi32>
        %gather3A_852 = tpu.dynamic_gather %get3A_181[%gather3A_851] in [0] : vector<16xf32>, vector<16xi32> -> vector<16xf32>
        %add3A_853 = arith.addf %add3A_849, %gather3A_852 : vector<16xf32>
        %swap3A_854 = arith.constant 7 : i32
        %swap3A_855 = arith.index_cast %swap3A_854 : i32 to index
        %swap3A_856 = arith.index_cast %mul3A_711 : i32 to index
        %swap3A_857 = tpu.vector_load %arg9[%swap3A_855, %swap3A_856] {strides = array<i32>} : memref<32x1536xf32, #tpu.memory_space<vmem>>, vector<1x16xf32>,
        %swap3A_858 = vector.shape_cast %swap3A_857 : vector<1x16xf32> to vector<16xf32>
        %swap3A_859 = vector.shape_cast %add3A_853 : vector<16xf32> to vector<1x16xf32>
        tpu.vector_store %arg9[%swap3A_855, %swap3A_856], %swap3A_859 {strides = array<i32>} : memref<32x1536xf32, #tpu.memory_space<vmem>>, vector<1x16xf32>,
        %broadcast_in_dim3A_860 = vector.shape_cast %get3A_716 : vector<16xi32> to vector<16x1xi32>
        %gather3A_861 = vector.shape_cast %broadcast_in_dim3A_860 : vector<16x1xi32> to vector<16xi32>
        %gather3A_862 = tpu.dynamic_gather %get3A_88[%gather3A_861] in [0] : vector<16xf32>, vector<16xi32> -> vector<16xf32>
        %broadcast_in_dim3A_863 = vector.shape_cast %get3A_721 : vector<16xi32> to vector<16x1xi32>
        %gather3A_864 = vector.shape_cast %broadcast_in_dim3A_863 : vector<16x1xi32> to vector<16xi32>
        %gather3A_865 = tpu.dynamic_gather %get3A_136[%gather3A_864] in [0] : vector<16xf32>, vector<16xi32> -> vector<16xf32>
        %add3A_866 = arith.addf %gather3A_862, %gather3A_865 : vector<16xf32>
        %broadcast_in_dim3A_867 = vector.shape_cast %get3A_726 : vector<16xi32> to vector<16x1xi32>
        %gather3A_868 = vector.shape_cast %broadcast_in_dim3A_867 : vector<16x1xi32> to vector<16xi32>
        %gather3A_869 = tpu.dynamic_gather %get3A_184[%gather3A_868] in [0] : vector<16xf32>, vector<16xi32> -> vector<16xf32>
        %add3A_870 = arith.addf %add3A_866, %gather3A_869 : vector<16xf32>
        %swap3A_871 = arith.constant 8 : i32
        %swap3A_872 = arith.index_cast %swap3A_871 : i32 to index
        %swap3A_873 = arith.index_cast %mul3A_711 : i32 to index
        %swap3A_874 = tpu.vector_load %arg9[%swap3A_872, %swap3A_873] {strides = array<i32>} : memref<32x1536xf32, #tpu.memory_space<vmem>>, vector<1x16xf32>,
        %swap3A_875 = vector.shape_cast %swap3A_874 : vector<1x16xf32> to vector<16xf32>
        %swap3A_876 = vector.shape_cast %add3A_870 : vector<16xf32> to vector<1x16xf32>
        tpu.vector_store %arg9[%swap3A_872, %swap3A_873], %swap3A_876 {strides = array<i32>} : memref<32x1536xf32, #tpu.memory_space<vmem>>, vector<1x16xf32>,
        %broadcast_in_dim3A_877 = vector.shape_cast %get3A_716 : vector<16xi32> to vector<16x1xi32>
        %gather3A_878 = vector.shape_cast %broadcast_in_dim3A_877 : vector<16x1xi32> to vector<16xi32>
        %gather3A_879 = tpu.dynamic_gather %get3A_91[%gather3A_878] in [0] : vector<16xf32>, vector<16xi32> -> vector<16xf32>
        %broadcast_in_dim3A_880 = vector.shape_cast %get3A_721 : vector<16xi32> to vector<16x1xi32>
        %gather3A_881 = vector.shape_cast %broadcast_in_dim3A_880 : vector<16x1xi32> to vector<16xi32>
        %gather3A_882 = tpu.dynamic_gather %get3A_139[%gather3A_881] in [0] : vector<16xf32>, vector<16xi32> -> vector<16xf32>
        %add3A_883 = arith.addf %gather3A_879, %gather3A_882 : vector<16xf32>
        %broadcast_in_dim3A_884 = vector.shape_cast %get3A_726 : vector<16xi32> to vector<16x1xi32>
        %gather3A_885 = vector.shape_cast %broadcast_in_dim3A_884 : vector<16x1xi32> to vector<16xi32>
        %gather3A_886 = tpu.dynamic_gather %get3A_187[%gather3A_885] in [0] : vector<16xf32>, vector<16xi32> -> vector<16xf32>
        %add3A_887 = arith.addf %add3A_883, %gather3A_886 : vector<16xf32>
        %swap3A_888 = arith.constant 9 : i32
        %swap3A_889 = arith.index_cast %swap3A_888 : i32 to index
        %swap3A_890 = arith.index_cast %mul3A_711 : i32 to index
        %swap3A_891 = tpu.vector_load %arg9[%swap3A_889, %swap3A_890] {strides = array<i32>} : memref<32x1536xf32, #tpu.memory_space<vmem>>, vector<1x16xf32>,
        %swap3A_892 = vector.shape_cast %swap3A_891 : vector<1x16xf32> to vector<16xf32>
        %swap3A_893 = vector.shape_cast %add3A_887 : vector<16xf32> to vector<1x16xf32>
        tpu.vector_store %arg9[%swap3A_889, %swap3A_890], %swap3A_893 {strides = array<i32>} : memref<32x1536xf32, #tpu.memory_space<vmem>>, vector<1x16xf32>,
        %broadcast_in_dim3A_894 = vector.shape_cast %get3A_716 : vector<16xi32> to vector<16x1xi32>
        %gather3A_895 = vector.shape_cast %broadcast_in_dim3A_894 : vector<16x1xi32> to vector<16xi32>
        %gather3A_896 = tpu.dynamic_gather %get3A_94[%gather3A_895] in [0] : vector<16xf32>, vector<16xi32> -> vector<16xf32>
        %broadcast_in_dim3A_897 = vector.shape_cast %get3A_721 : vector<16xi32> to vector<16x1xi32>
        %gather3A_898 = vector.shape_cast %broadcast_in_dim3A_897 : vector<16x1xi32> to vector<16xi32>
        %gather3A_899 = tpu.dynamic_gather %get3A_142[%gather3A_898] in [0] : vector<16xf32>, vector<16xi32> -> vector<16xf32>
        %add3A_900 = arith.addf %gather3A_896, %gather3A_899 : vector<16xf32>
        %broadcast_in_dim3A_901 = vector.shape_cast %get3A_726 : vector<16xi32> to vector<16x1xi32>
        %gather3A_902 = vector.shape_cast %broadcast_in_dim3A_901 : vector<16x1xi32> to vector<16xi32>
        %gather3A_903 = tpu.dynamic_gather %get3A_190[%gather3A_902] in [0] : vector<16xf32>, vector<16xi32> -> vector<16xf32>
        %add3A_904 = arith.addf %add3A_900, %gather3A_903 : vector<16xf32>
        %swap3A_905 = arith.constant 10 : i32
        %swap3A_906 = arith.index_cast %swap3A_905 : i32 to index
        %swap3A_907 = arith.index_cast %mul3A_711 : i32 to index
        %swap3A_908 = tpu.vector_load %arg9[%swap3A_906, %swap3A_907] {strides = array<i32>} : memref<32x1536xf32, #tpu.memory_space<vmem>>, vector<1x16xf32>,
        %swap3A_909 = vector.shape_cast %swap3A_908 : vector<1x16xf32> to vector<16xf32>
        %swap3A_910 = vector.shape_cast %add3A_904 : vector<16xf32> to vector<1x16xf32>
        tpu.vector_store %arg9[%swap3A_906, %swap3A_907], %swap3A_910 {strides = array<i32>} : memref<32x1536xf32, #tpu.memory_space<vmem>>, vector<1x16xf32>,
        %broadcast_in_dim3A_911 = vector.shape_cast %get3A_716 : vector<16xi32> to vector<16x1xi32>
        %gather3A_912 = vector.shape_cast %broadcast_in_dim3A_911 : vector<16x1xi32> to vector<16xi32>
        %gather3A_913 = tpu.dynamic_gather %get3A_97[%gather3A_912] in [0] : vector<16xf32>, vector<16xi32> -> vector<16xf32>
        %broadcast_in_dim3A_914 = vector.shape_cast %get3A_721 : vector<16xi32> to vector<16x1xi32>
        %gather3A_915 = vector.shape_cast %broadcast_in_dim3A_914 : vector<16x1xi32> to vector<16xi32>
        %gather3A_916 = tpu.dynamic_gather %get3A_145[%gather3A_915] in [0] : vector<16xf32>, vector<16xi32> -> vector<16xf32>
        %add3A_917 = arith.addf %gather3A_913, %gather3A_916 : vector<16xf32>
        %broadcast_in_dim3A_918 = vector.shape_cast %get3A_726 : vector<16xi32> to vector<16x1xi32>
        %gather3A_919 = vector.shape_cast %broadcast_in_dim3A_918 : vector<16x1xi32> to vector<16xi32>
        %gather3A_920 = tpu.dynamic_gather %get3A_193[%gather3A_919] in [0] : vector<16xf32>, vector<16xi32> -> vector<16xf32>
        %add3A_921 = arith.addf %add3A_917, %gather3A_920 : vector<16xf32>
        %swap3A_922 = arith.constant 11 : i32
        %swap3A_923 = arith.index_cast %swap3A_922 : i32 to index
        %swap3A_924 = arith.index_cast %mul3A_711 : i32 to index
        %swap3A_925 = tpu.vector_load %arg9[%swap3A_923, %swap3A_924] {strides = array<i32>} : memref<32x1536xf32, #tpu.memory_space<vmem>>, vector<1x16xf32>,
        %swap3A_926 = vector.shape_cast %swap3A_925 : vector<1x16xf32> to vector<16xf32>
        %swap3A_927 = vector.shape_cast %add3A_921 : vector<16xf32> to vector<1x16xf32>
        tpu.vector_store %arg9[%swap3A_923, %swap3A_924], %swap3A_927 {strides = array<i32>} : memref<32x1536xf32, #tpu.memory_space<vmem>>, vector<1x16xf32>,
        %broadcast_in_dim3A_928 = vector.shape_cast %get3A_716 : vector<16xi32> to vector<16x1xi32>
        %gather3A_929 = vector.shape_cast %broadcast_in_dim3A_928 : vector<16x1xi32> to vector<16xi32>
        %gather3A_930 = tpu.dynamic_gather %get3A_100[%gather3A_929] in [0] : vector<16xf32>, vector<16xi32> -> vector<16xf32>
        %broadcast_in_dim3A_931 = vector.shape_cast %get3A_721 : vector<16xi32> to vector<16x1xi32>
        %gather3A_932 = vector.shape_cast %broadcast_in_dim3A_931 : vector<16x1xi32> to vector<16xi32>
        %gather3A_933 = tpu.dynamic_gather %get3A_148[%gather3A_932] in [0] : vector<16xf32>, vector<16xi32> -> vector<16xf32>
        %add3A_934 = arith.addf %gather3A_930, %gather3A_933 : vector<16xf32>
        %broadcast_in_dim3A_935 = vector.shape_cast %get3A_726 : vector<16xi32> to vector<16x1xi32>
        %gather3A_936 = vector.shape_cast %broadcast_in_dim3A_935 : vector<16x1xi32> to vector<16xi32>
        %gather3A_937 = tpu.dynamic_gather %get3A_196[%gather3A_936] in [0] : vector<16xf32>, vector<16xi32> -> vector<16xf32>
        %add3A_938 = arith.addf %add3A_934, %gather3A_937 : vector<16xf32>
        %swap3A_939 = arith.constant 12 : i32
        %swap3A_940 = arith.index_cast %swap3A_939 : i32 to index
        %swap3A_941 = arith.index_cast %mul3A_711 : i32 to index
        %swap3A_942 = tpu.vector_load %arg9[%swap3A_940, %swap3A_941] {strides = array<i32>} : memref<32x1536xf32, #tpu.memory_space<vmem>>, vector<1x16xf32>,
        %swap3A_943 = vector.shape_cast %swap3A_942 : vector<1x16xf32> to vector<16xf32>
        %swap3A_944 = vector.shape_cast %add3A_938 : vector<16xf32> to vector<1x16xf32>
        tpu.vector_store %arg9[%swap3A_940, %swap3A_941], %swap3A_944 {strides = array<i32>} : memref<32x1536xf32, #tpu.memory_space<vmem>>, vector<1x16xf32>,
        %broadcast_in_dim3A_945 = vector.shape_cast %get3A_716 : vector<16xi32> to vector<16x1xi32>
        %gather3A_946 = vector.shape_cast %broadcast_in_dim3A_945 : vector<16x1xi32> to vector<16xi32>
        %gather3A_947 = tpu.dynamic_gather %get3A_103[%gather3A_946] in [0] : vector<16xf32>, vector<16xi32> -> vector<16xf32>
        %broadcast_in_dim3A_948 = vector.shape_cast %get3A_721 : vector<16xi32> to vector<16x1xi32>
        %gather3A_949 = vector.shape_cast %broadcast_in_dim3A_948 : vector<16x1xi32> to vector<16xi32>
        %gather3A_950 = tpu.dynamic_gather %get3A_151[%gather3A_949] in [0] : vector<16xf32>, vector<16xi32> -> vector<16xf32>
        %add3A_951 = arith.addf %gather3A_947, %gather3A_950 : vector<16xf32>
        %broadcast_in_dim3A_952 = vector.shape_cast %get3A_726 : vector<16xi32> to vector<16x1xi32>
        %gather3A_953 = vector.shape_cast %broadcast_in_dim3A_952 : vector<16x1xi32> to vector<16xi32>
        %gather3A_954 = tpu.dynamic_gather %get3A_199[%gather3A_953] in [0] : vector<16xf32>, vector<16xi32> -> vector<16xf32>
        %add3A_955 = arith.addf %add3A_951, %gather3A_954 : vector<16xf32>
        %swap3A_956 = arith.constant 13 : i32
        %swap3A_957 = arith.index_cast %swap3A_956 : i32 to index
        %swap3A_958 = arith.index_cast %mul3A_711 : i32 to index
        %swap3A_959 = tpu.vector_load %arg9[%swap3A_957, %swap3A_958] {strides = array<i32>} : memref<32x1536xf32, #tpu.memory_space<vmem>>, vector<1x16xf32>,
        %swap3A_960 = vector.shape_cast %swap3A_959 : vector<1x16xf32> to vector<16xf32>
        %swap3A_961 = vector.shape_cast %add3A_955 : vector<16xf32> to vector<1x16xf32>
        tpu.vector_store %arg9[%swap3A_957, %swap3A_958], %swap3A_961 {strides = array<i32>} : memref<32x1536xf32, #tpu.memory_space<vmem>>, vector<1x16xf32>,
        %broadcast_in_dim3A_962 = vector.shape_cast %get3A_716 : vector<16xi32> to vector<16x1xi32>
        %gather3A_963 = vector.shape_cast %broadcast_in_dim3A_962 : vector<16x1xi32> to vector<16xi32>
        %gather3A_964 = tpu.dynamic_gather %get3A_106[%gather3A_963] in [0] : vector<16xf32>, vector<16xi32> -> vector<16xf32>
        %broadcast_in_dim3A_965 = vector.shape_cast %get3A_721 : vector<16xi32> to vector<16x1xi32>
        %gather3A_966 = vector.shape_cast %broadcast_in_dim3A_965 : vector<16x1xi32> to vector<16xi32>
        %gather3A_967 = tpu.dynamic_gather %get3A_154[%gather3A_966] in [0] : vector<16xf32>, vector<16xi32> -> vector<16xf32>
        %add3A_968 = arith.addf %gather3A_964, %gather3A_967 : vector<16xf32>
        %broadcast_in_dim3A_969 = vector.shape_cast %get3A_726 : vector<16xi32> to vector<16x1xi32>
        %gather3A_970 = vector.shape_cast %broadcast_in_dim3A_969 : vector<16x1xi32> to vector<16xi32>
        %gather3A_971 = tpu.dynamic_gather %get3A_202[%gather3A_970] in [0] : vector<16xf32>, vector<16xi32> -> vector<16xf32>
        %add3A_972 = arith.addf %add3A_968, %gather3A_971 : vector<16xf32>
        %swap3A_973 = arith.constant 14 : i32
        %swap3A_974 = arith.index_cast %swap3A_973 : i32 to index
        %swap3A_975 = arith.index_cast %mul3A_711 : i32 to index
        %swap3A_976 = tpu.vector_load %arg9[%swap3A_974, %swap3A_975] {strides = array<i32>} : memref<32x1536xf32, #tpu.memory_space<vmem>>, vector<1x16xf32>,
        %swap3A_977 = vector.shape_cast %swap3A_976 : vector<1x16xf32> to vector<16xf32>
        %swap3A_978 = vector.shape_cast %add3A_972 : vector<16xf32> to vector<1x16xf32>
        tpu.vector_store %arg9[%swap3A_974, %swap3A_975], %swap3A_978 {strides = array<i32>} : memref<32x1536xf32, #tpu.memory_space<vmem>>, vector<1x16xf32>,
        %broadcast_in_dim3A_979 = vector.shape_cast %get3A_716 : vector<16xi32> to vector<16x1xi32>
        %gather3A_980 = vector.shape_cast %broadcast_in_dim3A_979 : vector<16x1xi32> to vector<16xi32>
        %gather3A_981 = tpu.dynamic_gather %get3A_109[%gather3A_980] in [0] : vector<16xf32>, vector<16xi32> -> vector<16xf32>
        %broadcast_in_dim3A_982 = vector.shape_cast %get3A_721 : vector<16xi32> to vector<16x1xi32>
        %gather3A_983 = vector.shape_cast %broadcast_in_dim3A_982 : vector<16x1xi32> to vector<16xi32>
        %gather3A_984 = tpu.dynamic_gather %get3A_157[%gather3A_983] in [0] : vector<16xf32>, vector<16xi32> -> vector<16xf32>
        %add3A_985 = arith.addf %gather3A_981, %gather3A_984 : vector<16xf32>
        %broadcast_in_dim3A_986 = vector.shape_cast %get3A_726 : vector<16xi32> to vector<16x1xi32>
        %gather3A_987 = vector.shape_cast %broadcast_in_dim3A_986 : vector<16x1xi32> to vector<16xi32>
        %gather3A_988 = tpu.dynamic_gather %get3A_205[%gather3A_987] in [0] : vector<16xf32>, vector<16xi32> -> vector<16xf32>
        %add3A_989 = arith.addf %add3A_985, %gather3A_988 : vector<16xf32>
        %swap3A_990 = arith.constant 15 : i32
        %swap3A_991 = arith.index_cast %swap3A_990 : i32 to index
        %swap3A_992 = arith.index_cast %mul3A_711 : i32 to index
        %swap3A_993 = tpu.vector_load %arg9[%swap3A_991, %swap3A_992] {strides = array<i32>} : memref<32x1536xf32, #tpu.memory_space<vmem>>, vector<1x16xf32>,
        %swap3A_994 = vector.shape_cast %swap3A_993 : vector<1x16xf32> to vector<16xf32>
        %swap3A_995 = vector.shape_cast %add3A_989 : vector<16xf32> to vector<1x16xf32>
        tpu.vector_store %arg9[%swap3A_991, %swap3A_992], %swap3A_995 {strides = array<i32>} : memref<32x1536xf32, #tpu.memory_space<vmem>>, vector<1x16xf32>,
      }
      %scan3A_211 = arith.constant 96 : i32
      %get3A_212 = arith.constant 256 : index
      %get3A_213 = tpu.vector_load %arg11[%get3A_212] {strides = array<i32>} : memref<512xf32, #tpu.memory_space<vmem>>, vector<16xf32>,
      %get3A_214 = vector.shape_cast %get3A_213 : vector<16xf32> to vector<16xf32>
      %get3A_215 = arith.constant 272 : index
      %get3A_216 = tpu.vector_load %arg11[%get3A_215] {strides = array<i32>} : memref<512xf32, #tpu.memory_space<vmem>>, vector<16xf32>,
      %get3A_217 = vector.shape_cast %get3A_216 : vector<16xf32> to vector<16xf32>
      %get3A_218 = arith.constant 288 : index
      %get3A_219 = tpu.vector_load %arg11[%get3A_218] {strides = array<i32>} : memref<512xf32, #tpu.memory_space<vmem>>, vector<16xf32>,
      %get3A_220 = vector.shape_cast %get3A_219 : vector<16xf32> to vector<16xf32>
      %get3A_221 = arith.constant 304 : index
      %get3A_222 = tpu.vector_load %arg11[%get3A_221] {strides = array<i32>} : memref<512xf32, #tpu.memory_space<vmem>>, vector<16xf32>,
      %get3A_223 = vector.shape_cast %get3A_222 : vector<16xf32> to vector<16xf32>
      %get3A_224 = arith.constant 320 : index
      %get3A_225 = tpu.vector_load %arg11[%get3A_224] {strides = array<i32>} : memref<512xf32, #tpu.memory_space<vmem>>, vector<16xf32>,
      %get3A_226 = vector.shape_cast %get3A_225 : vector<16xf32> to vector<16xf32>
      %get3A_227 = arith.constant 336 : index
      %get3A_228 = tpu.vector_load %arg11[%get3A_227] {strides = array<i32>} : memref<512xf32, #tpu.memory_space<vmem>>, vector<16xf32>,
      %get3A_229 = vector.shape_cast %get3A_228 : vector<16xf32> to vector<16xf32>
      %get3A_230 = arith.constant 352 : index
      %get3A_231 = tpu.vector_load %arg11[%get3A_230] {strides = array<i32>} : memref<512xf32, #tpu.memory_space<vmem>>, vector<16xf32>,
      %get3A_232 = vector.shape_cast %get3A_231 : vector<16xf32> to vector<16xf32>
      %get3A_233 = arith.constant 368 : index
      %get3A_234 = tpu.vector_load %arg11[%get3A_233] {strides = array<i32>} : memref<512xf32, #tpu.memory_space<vmem>>, vector<16xf32>,
      %get3A_235 = vector.shape_cast %get3A_234 : vector<16xf32> to vector<16xf32>
      %get3A_236 = arith.constant 384 : index
      %get3A_237 = tpu.vector_load %arg11[%get3A_236] {strides = array<i32>} : memref<512xf32, #tpu.memory_space<vmem>>, vector<16xf32>,
      %get3A_238 = vector.shape_cast %get3A_237 : vector<16xf32> to vector<16xf32>
      %get3A_239 = arith.constant 400 : index
      %get3A_240 = tpu.vector_load %arg11[%get3A_239] {strides = array<i32>} : memref<512xf32, #tpu.memory_space<vmem>>, vector<16xf32>,
      %get3A_241 = vector.shape_cast %get3A_240 : vector<16xf32> to vector<16xf32>
      %get3A_242 = arith.constant 416 : index
      %get3A_243 = tpu.vector_load %arg11[%get3A_242] {strides = array<i32>} : memref<512xf32, #tpu.memory_space<vmem>>, vector<16xf32>,
      %get3A_244 = vector.shape_cast %get3A_243 : vector<16xf32> to vector<16xf32>
      %get3A_245 = arith.constant 432 : index
      %get3A_246 = tpu.vector_load %arg11[%get3A_245] {strides = array<i32>} : memref<512xf32, #tpu.memory_space<vmem>>, vector<16xf32>,
      %get3A_247 = vector.shape_cast %get3A_246 : vector<16xf32> to vector<16xf32>
      %get3A_248 = arith.constant 448 : index
      %get3A_249 = tpu.vector_load %arg11[%get3A_248] {strides = array<i32>} : memref<512xf32, #tpu.memory_space<vmem>>, vector<16xf32>,
      %get3A_250 = vector.shape_cast %get3A_249 : vector<16xf32> to vector<16xf32>
      %get3A_251 = arith.constant 464 : index
      %get3A_252 = tpu.vector_load %arg11[%get3A_251] {strides = array<i32>} : memref<512xf32, #tpu.memory_space<vmem>>, vector<16xf32>,
      %get3A_253 = vector.shape_cast %get3A_252 : vector<16xf32> to vector<16xf32>
      %get3A_254 = arith.constant 480 : index
      %get3A_255 = tpu.vector_load %arg11[%get3A_254] {strides = array<i32>} : memref<512xf32, #tpu.memory_space<vmem>>, vector<16xf32>,
      %get3A_256 = vector.shape_cast %get3A_255 : vector<16xf32> to vector<16xf32>
      %get3A_257 = arith.constant 496 : index
      %get3A_258 = tpu.vector_load %arg11[%get3A_257] {strides = array<i32>} : memref<512xf32, #tpu.memory_space<vmem>>, vector<16xf32>,
      %get3A_259 = vector.shape_cast %get3A_258 : vector<16xf32> to vector<16xf32>
      %get3A_260 = arith.constant 256 : index
      %get3A_261 = tpu.vector_load %arg12[%get3A_260] {strides = array<i32>} : memref<512xf32, #tpu.memory_space<vmem>>, vector<16xf32>,
      %get3A_262 = vector.shape_cast %get3A_261 : vector<16xf32> to vector<16xf32>
      %get3A_263 = arith.constant 272 : index
      %get3A_264 = tpu.vector_load %arg12[%get3A_263] {strides = array<i32>} : memref<512xf32, #tpu.memory_space<vmem>>, vector<16xf32>,
      %get3A_265 = vector.shape_cast %get3A_264 : vector<16xf32> to vector<16xf32>
      %get3A_266 = arith.constant 288 : index
      %get3A_267 = tpu.vector_load %arg12[%get3A_266] {strides = array<i32>} : memref<512xf32, #tpu.memory_space<vmem>>, vector<16xf32>,
      %get3A_268 = vector.shape_cast %get3A_267 : vector<16xf32> to vector<16xf32>
      %get3A_269 = arith.constant 304 : index
      %get3A_270 = tpu.vector_load %arg12[%get3A_269] {strides = array<i32>} : memref<512xf32, #tpu.memory_space<vmem>>, vector<16xf32>,
      %get3A_271 = vector.shape_cast %get3A_270 : vector<16xf32> to vector<16xf32>
      %get3A_272 = arith.constant 320 : index
      %get3A_273 = tpu.vector_load %arg12[%get3A_272] {strides = array<i32>} : memref<512xf32, #tpu.memory_space<vmem>>, vector<16xf32>,
      %get3A_274 = vector.shape_cast %get3A_273 : vector<16xf32> to vector<16xf32>
      %get3A_275 = arith.constant 336 : index
      %get3A_276 = tpu.vector_load %arg12[%get3A_275] {strides = array<i32>} : memref<512xf32, #tpu.memory_space<vmem>>, vector<16xf32>,
      %get3A_277 = vector.shape_cast %get3A_276 : vector<16xf32> to vector<16xf32>
      %get3A_278 = arith.constant 352 : index
      %get3A_279 = tpu.vector_load %arg12[%get3A_278] {strides = array<i32>} : memref<512xf32, #tpu.memory_space<vmem>>, vector<16xf32>,
      %get3A_280 = vector.shape_cast %get3A_279 : vector<16xf32> to vector<16xf32>
      %get3A_281 = arith.constant 368 : index
      %get3A_282 = tpu.vector_load %arg12[%get3A_281] {strides = array<i32>} : memref<512xf32, #tpu.memory_space<vmem>>, vector<16xf32>,
      %get3A_283 = vector.shape_cast %get3A_282 : vector<16xf32> to vector<16xf32>
      %get3A_284 = arith.constant 384 : index
      %get3A_285 = tpu.vector_load %arg12[%get3A_284] {strides = array<i32>} : memref<512xf32, #tpu.memory_space<vmem>>, vector<16xf32>,
      %get3A_286 = vector.shape_cast %get3A_285 : vector<16xf32> to vector<16xf32>
      %get3A_287 = arith.constant 400 : index
      %get3A_288 = tpu.vector_load %arg12[%get3A_287] {strides = array<i32>} : memref<512xf32, #tpu.memory_space<vmem>>, vector<16xf32>,
      %get3A_289 = vector.shape_cast %get3A_288 : vector<16xf32> to vector<16xf32>
      %get3A_290 = arith.constant 416 : index
      %get3A_291 = tpu.vector_load %arg12[%get3A_290] {strides = array<i32>} : memref<512xf32, #tpu.memory_space<vmem>>, vector<16xf32>,
      %get3A_292 = vector.shape_cast %get3A_291 : vector<16xf32> to vector<16xf32>
      %get3A_293 = arith.constant 432 : index
      %get3A_294 = tpu.vector_load %arg12[%get3A_293] {strides = array<i32>} : memref<512xf32, #tpu.memory_space<vmem>>, vector<16xf32>,
      %get3A_295 = vector.shape_cast %get3A_294 : vector<16xf32> to vector<16xf32>
      %get3A_296 = arith.constant 448 : index
      %get3A_297 = tpu.vector_load %arg12[%get3A_296] {strides = array<i32>} : memref<512xf32, #tpu.memory_space<vmem>>, vector<16xf32>,
      %get3A_298 = vector.shape_cast %get3A_297 : vector<16xf32> to vector<16xf32>
      %get3A_299 = arith.constant 464 : index
      %get3A_300 = tpu.vector_load %arg12[%get3A_299] {strides = array<i32>} : memref<512xf32, #tpu.memory_space<vmem>>, vector<16xf32>,
      %get3A_301 = vector.shape_cast %get3A_300 : vector<16xf32> to vector<16xf32>
      %get3A_302 = arith.constant 480 : index
      %get3A_303 = tpu.vector_load %arg12[%get3A_302] {strides = array<i32>} : memref<512xf32, #tpu.memory_space<vmem>>, vector<16xf32>,
      %get3A_304 = vector.shape_cast %get3A_303 : vector<16xf32> to vector<16xf32>
      %get3A_305 = arith.constant 496 : index
      %get3A_306 = tpu.vector_load %arg12[%get3A_305] {strides = array<i32>} : memref<512xf32, #tpu.memory_space<vmem>>, vector<16xf32>,
      %get3A_307 = vector.shape_cast %get3A_306 : vector<16xf32> to vector<16xf32>
      %get3A_308 = arith.constant 256 : index
      %get3A_309 = tpu.vector_load %arg13[%get3A_308] {strides = array<i32>} : memref<512xf32, #tpu.memory_space<vmem>>, vector<16xf32>,
      %get3A_310 = vector.shape_cast %get3A_309 : vector<16xf32> to vector<16xf32>
      %get3A_311 = arith.constant 272 : index
      %get3A_312 = tpu.vector_load %arg13[%get3A_311] {strides = array<i32>} : memref<512xf32, #tpu.memory_space<vmem>>, vector<16xf32>,
      %get3A_313 = vector.shape_cast %get3A_312 : vector<16xf32> to vector<16xf32>
      %get3A_314 = arith.constant 288 : index
      %get3A_315 = tpu.vector_load %arg13[%get3A_314] {strides = array<i32>} : memref<512xf32, #tpu.memory_space<vmem>>, vector<16xf32>,
      %get3A_316 = vector.shape_cast %get3A_315 : vector<16xf32> to vector<16xf32>
      %get3A_317 = arith.constant 304 : index
      %get3A_318 = tpu.vector_load %arg13[%get3A_317] {strides = array<i32>} : memref<512xf32, #tpu.memory_space<vmem>>, vector<16xf32>,
      %get3A_319 = vector.shape_cast %get3A_318 : vector<16xf32> to vector<16xf32>
      %get3A_320 = arith.constant 320 : index
      %get3A_321 = tpu.vector_load %arg13[%get3A_320] {strides = array<i32>} : memref<512xf32, #tpu.memory_space<vmem>>, vector<16xf32>,
      %get3A_322 = vector.shape_cast %get3A_321 : vector<16xf32> to vector<16xf32>
      %get3A_323 = arith.constant 336 : index
      %get3A_324 = tpu.vector_load %arg13[%get3A_323] {strides = array<i32>} : memref<512xf32, #tpu.memory_space<vmem>>, vector<16xf32>,
      %get3A_325 = vector.shape_cast %get3A_324 : vector<16xf32> to vector<16xf32>
      %get3A_326 = arith.constant 352 : index
      %get3A_327 = tpu.vector_load %arg13[%get3A_326] {strides = array<i32>} : memref<512xf32, #tpu.memory_space<vmem>>, vector<16xf32>,
      %get3A_328 = vector.shape_cast %get3A_327 : vector<16xf32> to vector<16xf32>
      %get3A_329 = arith.constant 368 : index
      %get3A_330 = tpu.vector_load %arg13[%get3A_329] {strides = array<i32>} : memref<512xf32, #tpu.memory_space<vmem>>, vector<16xf32>,
      %get3A_331 = vector.shape_cast %get3A_330 : vector<16xf32> to vector<16xf32>
      %get3A_332 = arith.constant 384 : index
      %get3A_333 = tpu.vector_load %arg13[%get3A_332] {strides = array<i32>} : memref<512xf32, #tpu.memory_space<vmem>>, vector<16xf32>,
      %get3A_334 = vector.shape_cast %get3A_333 : vector<16xf32> to vector<16xf32>
      %get3A_335 = arith.constant 400 : index
      %get3A_336 = tpu.vector_load %arg13[%get3A_335] {strides = array<i32>} : memref<512xf32, #tpu.memory_space<vmem>>, vector<16xf32>,
      %get3A_337 = vector.shape_cast %get3A_336 : vector<16xf32> to vector<16xf32>
      %get3A_338 = arith.constant 416 : index
      %get3A_339 = tpu.vector_load %arg13[%get3A_338] {strides = array<i32>} : memref<512xf32, #tpu.memory_space<vmem>>, vector<16xf32>,
      %get3A_340 = vector.shape_cast %get3A_339 : vector<16xf32> to vector<16xf32>
      %get3A_341 = arith.constant 432 : index
      %get3A_342 = tpu.vector_load %arg13[%get3A_341] {strides = array<i32>} : memref<512xf32, #tpu.memory_space<vmem>>, vector<16xf32>,
      %get3A_343 = vector.shape_cast %get3A_342 : vector<16xf32> to vector<16xf32>
      %get3A_344 = arith.constant 448 : index
      %get3A_345 = tpu.vector_load %arg13[%get3A_344] {strides = array<i32>} : memref<512xf32, #tpu.memory_space<vmem>>, vector<16xf32>,
      %get3A_346 = vector.shape_cast %get3A_345 : vector<16xf32> to vector<16xf32>
      %get3A_347 = arith.constant 464 : index
      %get3A_348 = tpu.vector_load %arg13[%get3A_347] {strides = array<i32>} : memref<512xf32, #tpu.memory_space<vmem>>, vector<16xf32>,
      %get3A_349 = vector.shape_cast %get3A_348 : vector<16xf32> to vector<16xf32>
      %get3A_350 = arith.constant 480 : index
      %get3A_351 = tpu.vector_load %arg13[%get3A_350] {strides = array<i32>} : memref<512xf32, #tpu.memory_space<vmem>>, vector<16xf32>,
      %get3A_352 = vector.shape_cast %get3A_351 : vector<16xf32> to vector<16xf32>
      %get3A_353 = arith.constant 496 : index
      %get3A_354 = tpu.vector_load %arg13[%get3A_353] {strides = array<i32>} : memref<512xf32, #tpu.memory_space<vmem>>, vector<16xf32>,
      %get3A_355 = vector.shape_cast %get3A_354 : vector<16xf32> to vector<16xf32>
      %scan3A_356 = arith.constant 0 : i32
      %scan3A_357 = arith.constant 0 : i32
      %scan3A_358 = arith.constant 96 : i32
      %scan3A_359 = arith.addi %scan3A_357, %scan3A_358 : i32
      %scan3A_360 = arith.constant 1 : i32
      scf.for %scan3A_709 = %scan3A_357 to %scan3A_359 step %scan3A_360  : i32 {
        %mul3A_710 = arith.constant 16 : i32
        %mul3A_711 = arith.muli %scan3A_709, %mul3A_710 : i32
        %get3A_712 = arith.constant 0 : i32
        %get3A_713 = arith.index_cast %get3A_712 : i32 to index
        %get3A_714 = arith.index_cast %mul3A_711 : i32 to index
        %get3A_715 = tpu.vector_load %arg7[%get3A_713, %get3A_714] {strides = array<i32>} : memref<3x1536xi32, #tpu.memory_space<vmem>>, vector<1x16xi32>,
        %get3A_716 = vector.shape_cast %get3A_715 : vector<1x16xi32> to vector<16xi32>
        %get3A_717 = arith.constant 1 : i32
        %get3A_718 = arith.index_cast %get3A_717 : i32 to index
        %get3A_719 = arith.index_cast %mul3A_711 : i32 to index
        %get3A_720 = tpu.vector_load %arg7[%get3A_718, %get3A_719] {strides = array<i32>} : memref<3x1536xi32, #tpu.memory_space<vmem>>, vector<1x16xi32>,
        %get3A_721 = vector.shape_cast %get3A_720 : vector<1x16xi32> to vector<16xi32>
        %get3A_722 = arith.constant 2 : i32
        %get3A_723 = arith.index_cast %get3A_722 : i32 to index
        %get3A_724 = arith.index_cast %mul3A_711 : i32 to index
        %get3A_725 = tpu.vector_load %arg7[%get3A_723, %get3A_724] {strides = array<i32>} : memref<3x1536xi32, #tpu.memory_space<vmem>>, vector<1x16xi32>,
        %get3A_726 = vector.shape_cast %get3A_725 : vector<1x16xi32> to vector<16xi32>
        %broadcast_in_dim3A = vector.shape_cast %get3A_716 : vector<16xi32> to vector<16x1xi32>
        %gather3A = vector.shape_cast %broadcast_in_dim3A : vector<16x1xi32> to vector<16xi32>
        %gather3A_727 = tpu.dynamic_gather %get3A_214[%gather3A] in [0] : vector<16xf32>, vector<16xi32> -> vector<16xf32>
        %broadcast_in_dim3A_728 = vector.shape_cast %get3A_721 : vector<16xi32> to vector<16x1xi32>
        %gather3A_729 = vector.shape_cast %broadcast_in_dim3A_728 : vector<16x1xi32> to vector<16xi32>
        %gather3A_730 = tpu.dynamic_gather %get3A_262[%gather3A_729] in [0] : vector<16xf32>, vector<16xi32> -> vector<16xf32>
        %add3A_731 = arith.addf %gather3A_727, %gather3A_730 : vector<16xf32>
        %broadcast_in_dim3A_732 = vector.shape_cast %get3A_726 : vector<16xi32> to vector<16x1xi32>
        %gather3A_733 = vector.shape_cast %broadcast_in_dim3A_732 : vector<16x1xi32> to vector<16xi32>
        %gather3A_734 = tpu.dynamic_gather %get3A_310[%gather3A_733] in [0] : vector<16xf32>, vector<16xi32> -> vector<16xf32>
        %add3A_735 = arith.addf %add3A_731, %gather3A_734 : vector<16xf32>
        %swap3A = arith.constant 16 : i32
        %swap3A_736 = arith.index_cast %swap3A : i32 to index
        %swap3A_737 = arith.index_cast %mul3A_711 : i32 to index
        %swap3A_738 = tpu.vector_load %arg9[%swap3A_736, %swap3A_737] {strides = array<i32>} : memref<32x1536xf32, #tpu.memory_space<vmem>>, vector<1x16xf32>,
        %swap3A_739 = vector.shape_cast %swap3A_738 : vector<1x16xf32> to vector<16xf32>
        %swap3A_740 = vector.shape_cast %add3A_735 : vector<16xf32> to vector<1x16xf32>
        tpu.vector_store %arg9[%swap3A_736, %swap3A_737], %swap3A_740 {strides = array<i32>} : memref<32x1536xf32, #tpu.memory_space<vmem>>, vector<1x16xf32>,
        %broadcast_in_dim3A_741 = vector.shape_cast %get3A_716 : vector<16xi32> to vector<16x1xi32>
        %gather3A_742 = vector.shape_cast %broadcast_in_dim3A_741 : vector<16x1xi32> to vector<16xi32>
        %gather3A_743 = tpu.dynamic_gather %get3A_217[%gather3A_742] in [0] : vector<16xf32>, vector<16xi32> -> vector<16xf32>
        %broadcast_in_dim3A_744 = vector.shape_cast %get3A_721 : vector<16xi32> to vector<16x1xi32>
        %gather3A_745 = vector.shape_cast %broadcast_in_dim3A_744 : vector<16x1xi32> to vector<16xi32>
        %gather3A_746 = tpu.dynamic_gather %get3A_265[%gather3A_745] in [0] : vector<16xf32>, vector<16xi32> -> vector<16xf32>
        %add3A_747 = arith.addf %gather3A_743, %gather3A_746 : vector<16xf32>
        %broadcast_in_dim3A_748 = vector.shape_cast %get3A_726 : vector<16xi32> to vector<16x1xi32>
        %gather3A_749 = vector.shape_cast %broadcast_in_dim3A_748 : vector<16x1xi32> to vector<16xi32>
        %gather3A_750 = tpu.dynamic_gather %get3A_313[%gather3A_749] in [0] : vector<16xf32>, vector<16xi32> -> vector<16xf32>
        %add3A_751 = arith.addf %add3A_747, %gather3A_750 : vector<16xf32>
        %swap3A_752 = arith.constant 17 : i32
        %swap3A_753 = arith.index_cast %swap3A_752 : i32 to index
        %swap3A_754 = arith.index_cast %mul3A_711 : i32 to index
        %swap3A_755 = tpu.vector_load %arg9[%swap3A_753, %swap3A_754] {strides = array<i32>} : memref<32x1536xf32, #tpu.memory_space<vmem>>, vector<1x16xf32>,
        %swap3A_756 = vector.shape_cast %swap3A_755 : vector<1x16xf32> to vector<16xf32>
        %swap3A_757 = vector.shape_cast %add3A_751 : vector<16xf32> to vector<1x16xf32>
        tpu.vector_store %arg9[%swap3A_753, %swap3A_754], %swap3A_757 {strides = array<i32>} : memref<32x1536xf32, #tpu.memory_space<vmem>>, vector<1x16xf32>,
        %broadcast_in_dim3A_758 = vector.shape_cast %get3A_716 : vector<16xi32> to vector<16x1xi32>
        %gather3A_759 = vector.shape_cast %broadcast_in_dim3A_758 : vector<16x1xi32> to vector<16xi32>
        %gather3A_760 = tpu.dynamic_gather %get3A_220[%gather3A_759] in [0] : vector<16xf32>, vector<16xi32> -> vector<16xf32>
        %broadcast_in_dim3A_761 = vector.shape_cast %get3A_721 : vector<16xi32> to vector<16x1xi32>
        %gather3A_762 = vector.shape_cast %broadcast_in_dim3A_761 : vector<16x1xi32> to vector<16xi32>
        %gather3A_763 = tpu.dynamic_gather %get3A_268[%gather3A_762] in [0] : vector<16xf32>, vector<16xi32> -> vector<16xf32>
        %add3A_764 = arith.addf %gather3A_760, %gather3A_763 : vector<16xf32>
        %broadcast_in_dim3A_765 = vector.shape_cast %get3A_726 : vector<16xi32> to vector<16x1xi32>
        %gather3A_766 = vector.shape_cast %broadcast_in_dim3A_765 : vector<16x1xi32> to vector<16xi32>
        %gather3A_767 = tpu.dynamic_gather %get3A_316[%gather3A_766] in [0] : vector<16xf32>, vector<16xi32> -> vector<16xf32>
        %add3A_768 = arith.addf %add3A_764, %gather3A_767 : vector<16xf32>
        %swap3A_769 = arith.constant 18 : i32
        %swap3A_770 = arith.index_cast %swap3A_769 : i32 to index
        %swap3A_771 = arith.index_cast %mul3A_711 : i32 to index
        %swap3A_772 = tpu.vector_load %arg9[%swap3A_770, %swap3A_771] {strides = array<i32>} : memref<32x1536xf32, #tpu.memory_space<vmem>>, vector<1x16xf32>,
        %swap3A_773 = vector.shape_cast %swap3A_772 : vector<1x16xf32> to vector<16xf32>
        %swap3A_774 = vector.shape_cast %add3A_768 : vector<16xf32> to vector<1x16xf32>
        tpu.vector_store %arg9[%swap3A_770, %swap3A_771], %swap3A_774 {strides = array<i32>} : memref<32x1536xf32, #tpu.memory_space<vmem>>, vector<1x16xf32>,
        %broadcast_in_dim3A_775 = vector.shape_cast %get3A_716 : vector<16xi32> to vector<16x1xi32>
        %gather3A_776 = vector.shape_cast %broadcast_in_dim3A_775 : vector<16x1xi32> to vector<16xi32>
        %gather3A_777 = tpu.dynamic_gather %get3A_223[%gather3A_776] in [0] : vector<16xf32>, vector<16xi32> -> vector<16xf32>
        %broadcast_in_dim3A_778 = vector.shape_cast %get3A_721 : vector<16xi32> to vector<16x1xi32>
        %gather3A_779 = vector.shape_cast %broadcast_in_dim3A_778 : vector<16x1xi32> to vector<16xi32>
        %gather3A_780 = tpu.dynamic_gather %get3A_271[%gather3A_779] in [0] : vector<16xf32>, vector<16xi32> -> vector<16xf32>
        %add3A_781 = arith.addf %gather3A_777, %gather3A_780 : vector<16xf32>
        %broadcast_in_dim3A_782 = vector.shape_cast %get3A_726 : vector<16xi32> to vector<16x1xi32>
        %gather3A_783 = vector.shape_cast %broadcast_in_dim3A_782 : vector<16x1xi32> to vector<16xi32>
        %gather3A_784 = tpu.dynamic_gather %get3A_319[%gather3A_783] in [0] : vector<16xf32>, vector<16xi32> -> vector<16xf32>
        %add3A_785 = arith.addf %add3A_781, %gather3A_784 : vector<16xf32>
        %swap3A_786 = arith.constant 19 : i32
        %swap3A_787 = arith.index_cast %swap3A_786 : i32 to index
        %swap3A_788 = arith.index_cast %mul3A_711 : i32 to index
        %swap3A_789 = tpu.vector_load %arg9[%swap3A_787, %swap3A_788] {strides = array<i32>} : memref<32x1536xf32, #tpu.memory_space<vmem>>, vector<1x16xf32>,
        %swap3A_790 = vector.shape_cast %swap3A_789 : vector<1x16xf32> to vector<16xf32>
        %swap3A_791 = vector.shape_cast %add3A_785 : vector<16xf32> to vector<1x16xf32>
        tpu.vector_store %arg9[%swap3A_787, %swap3A_788], %swap3A_791 {strides = array<i32>} : memref<32x1536xf32, #tpu.memory_space<vmem>>, vector<1x16xf32>,
        %broadcast_in_dim3A_792 = vector.shape_cast %get3A_716 : vector<16xi32> to vector<16x1xi32>
        %gather3A_793 = vector.shape_cast %broadcast_in_dim3A_792 : vector<16x1xi32> to vector<16xi32>
        %gather3A_794 = tpu.dynamic_gather %get3A_226[%gather3A_793] in [0] : vector<16xf32>, vector<16xi32> -> vector<16xf32>
        %broadcast_in_dim3A_795 = vector.shape_cast %get3A_721 : vector<16xi32> to vector<16x1xi32>
        %gather3A_796 = vector.shape_cast %broadcast_in_dim3A_795 : vector<16x1xi32> to vector<16xi32>
        %gather3A_797 = tpu.dynamic_gather %get3A_274[%gather3A_796] in [0] : vector<16xf32>, vector<16xi32> -> vector<16xf32>
        %add3A_798 = arith.addf %gather3A_794, %gather3A_797 : vector<16xf32>
        %broadcast_in_dim3A_799 = vector.shape_cast %get3A_726 : vector<16xi32> to vector<16x1xi32>
        %gather3A_800 = vector.shape_cast %broadcast_in_dim3A_799 : vector<16x1xi32> to vector<16xi32>
        %gather3A_801 = tpu.dynamic_gather %get3A_322[%gather3A_800] in [0] : vector<16xf32>, vector<16xi32> -> vector<16xf32>
        %add3A_802 = arith.addf %add3A_798, %gather3A_801 : vector<16xf32>
        %swap3A_803 = arith.constant 20 : i32
        %swap3A_804 = arith.index_cast %swap3A_803 : i32 to index
        %swap3A_805 = arith.index_cast %mul3A_711 : i32 to index
        %swap3A_806 = tpu.vector_load %arg9[%swap3A_804, %swap3A_805] {strides = array<i32>} : memref<32x1536xf32, #tpu.memory_space<vmem>>, vector<1x16xf32>,
        %swap3A_807 = vector.shape_cast %swap3A_806 : vector<1x16xf32> to vector<16xf32>
        %swap3A_808 = vector.shape_cast %add3A_802 : vector<16xf32> to vector<1x16xf32>
        tpu.vector_store %arg9[%swap3A_804, %swap3A_805], %swap3A_808 {strides = array<i32>} : memref<32x1536xf32, #tpu.memory_space<vmem>>, vector<1x16xf32>,
        %broadcast_in_dim3A_809 = vector.shape_cast %get3A_716 : vector<16xi32> to vector<16x1xi32>
        %gather3A_810 = vector.shape_cast %broadcast_in_dim3A_809 : vector<16x1xi32> to vector<16xi32>
        %gather3A_811 = tpu.dynamic_gather %get3A_229[%gather3A_810] in [0] : vector<16xf32>, vector<16xi32> -> vector<16xf32>
        %broadcast_in_dim3A_812 = vector.shape_cast %get3A_721 : vector<16xi32> to vector<16x1xi32>
        %gather3A_813 = vector.shape_cast %broadcast_in_dim3A_812 : vector<16x1xi32> to vector<16xi32>
        %gather3A_814 = tpu.dynamic_gather %get3A_277[%gather3A_813] in [0] : vector<16xf32>, vector<16xi32> -> vector<16xf32>
        %add3A_815 = arith.addf %gather3A_811, %gather3A_814 : vector<16xf32>
        %broadcast_in_dim3A_816 = vector.shape_cast %get3A_726 : vector<16xi32> to vector<16x1xi32>
        %gather3A_817 = vector.shape_cast %broadcast_in_dim3A_816 : vector<16x1xi32> to vector<16xi32>
        %gather3A_818 = tpu.dynamic_gather %get3A_325[%gather3A_817] in [0] : vector<16xf32>, vector<16xi32> -> vector<16xf32>
        %add3A_819 = arith.addf %add3A_815, %gather3A_818 : vector<16xf32>
        %swap3A_820 = arith.constant 21 : i32
        %swap3A_821 = arith.index_cast %swap3A_820 : i32 to index
        %swap3A_822 = arith.index_cast %mul3A_711 : i32 to index
        %swap3A_823 = tpu.vector_load %arg9[%swap3A_821, %swap3A_822] {strides = array<i32>} : memref<32x1536xf32, #tpu.memory_space<vmem>>, vector<1x16xf32>,
        %swap3A_824 = vector.shape_cast %swap3A_823 : vector<1x16xf32> to vector<16xf32>
        %swap3A_825 = vector.shape_cast %add3A_819 : vector<16xf32> to vector<1x16xf32>
        tpu.vector_store %arg9[%swap3A_821, %swap3A_822], %swap3A_825 {strides = array<i32>} : memref<32x1536xf32, #tpu.memory_space<vmem>>, vector<1x16xf32>,
        %broadcast_in_dim3A_826 = vector.shape_cast %get3A_716 : vector<16xi32> to vector<16x1xi32>
        %gather3A_827 = vector.shape_cast %broadcast_in_dim3A_826 : vector<16x1xi32> to vector<16xi32>
        %gather3A_828 = tpu.dynamic_gather %get3A_232[%gather3A_827] in [0] : vector<16xf32>, vector<16xi32> -> vector<16xf32>
        %broadcast_in_dim3A_829 = vector.shape_cast %get3A_721 : vector<16xi32> to vector<16x1xi32>
        %gather3A_830 = vector.shape_cast %broadcast_in_dim3A_829 : vector<16x1xi32> to vector<16xi32>
        %gather3A_831 = tpu.dynamic_gather %get3A_280[%gather3A_830] in [0] : vector<16xf32>, vector<16xi32> -> vector<16xf32>
        %add3A_832 = arith.addf %gather3A_828, %gather3A_831 : vector<16xf32>
        %broadcast_in_dim3A_833 = vector.shape_cast %get3A_726 : vector<16xi32> to vector<16x1xi32>
        %gather3A_834 = vector.shape_cast %broadcast_in_dim3A_833 : vector<16x1xi32> to vector<16xi32>
        %gather3A_835 = tpu.dynamic_gather %get3A_328[%gather3A_834] in [0] : vector<16xf32>, vector<16xi32> -> vector<16xf32>
        %add3A_836 = arith.addf %add3A_832, %gather3A_835 : vector<16xf32>
        %swap3A_837 = arith.constant 22 : i32
        %swap3A_838 = arith.index_cast %swap3A_837 : i32 to index
        %swap3A_839 = arith.index_cast %mul3A_711 : i32 to index
        %swap3A_840 = tpu.vector_load %arg9[%swap3A_838, %swap3A_839] {strides = array<i32>} : memref<32x1536xf32, #tpu.memory_space<vmem>>, vector<1x16xf32>,
        %swap3A_841 = vector.shape_cast %swap3A_840 : vector<1x16xf32> to vector<16xf32>
        %swap3A_842 = vector.shape_cast %add3A_836 : vector<16xf32> to vector<1x16xf32>
        tpu.vector_store %arg9[%swap3A_838, %swap3A_839], %swap3A_842 {strides = array<i32>} : memref<32x1536xf32, #tpu.memory_space<vmem>>, vector<1x16xf32>,
        %broadcast_in_dim3A_843 = vector.shape_cast %get3A_716 : vector<16xi32> to vector<16x1xi32>
        %gather3A_844 = vector.shape_cast %broadcast_in_dim3A_843 : vector<16x1xi32> to vector<16xi32>
        %gather3A_845 = tpu.dynamic_gather %get3A_235[%gather3A_844] in [0] : vector<16xf32>, vector<16xi32> -> vector<16xf32>
        %broadcast_in_dim3A_846 = vector.shape_cast %get3A_721 : vector<16xi32> to vector<16x1xi32>
        %gather3A_847 = vector.shape_cast %broadcast_in_dim3A_846 : vector<16x1xi32> to vector<16xi32>
        %gather3A_848 = tpu.dynamic_gather %get3A_283[%gather3A_847] in [0] : vector<16xf32>, vector<16xi32> -> vector<16xf32>
        %add3A_849 = arith.addf %gather3A_845, %gather3A_848 : vector<16xf32>
        %broadcast_in_dim3A_850 = vector.shape_cast %get3A_726 : vector<16xi32> to vector<16x1xi32>
        %gather3A_851 = vector.shape_cast %broadcast_in_dim3A_850 : vector<16x1xi32> to vector<16xi32>
        %gather3A_852 = tpu.dynamic_gather %get3A_331[%gather3A_851] in [0] : vector<16xf32>, vector<16xi32> -> vector<16xf32>
        %add3A_853 = arith.addf %add3A_849, %gather3A_852 : vector<16xf32>
        %swap3A_854 = arith.constant 23 : i32
        %swap3A_855 = arith.index_cast %swap3A_854 : i32 to index
        %swap3A_856 = arith.index_cast %mul3A_711 : i32 to index
        %swap3A_857 = tpu.vector_load %arg9[%swap3A_855, %swap3A_856] {strides = array<i32>} : memref<32x1536xf32, #tpu.memory_space<vmem>>, vector<1x16xf32>,
        %swap3A_858 = vector.shape_cast %swap3A_857 : vector<1x16xf32> to vector<16xf32>
        %swap3A_859 = vector.shape_cast %add3A_853 : vector<16xf32> to vector<1x16xf32>
        tpu.vector_store %arg9[%swap3A_855, %swap3A_856], %swap3A_859 {strides = array<i32>} : memref<32x1536xf32, #tpu.memory_space<vmem>>, vector<1x16xf32>,
        %broadcast_in_dim3A_860 = vector.shape_cast %get3A_716 : vector<16xi32> to vector<16x1xi32>
        %gather3A_861 = vector.shape_cast %broadcast_in_dim3A_860 : vector<16x1xi32> to vector<16xi32>
        %gather3A_862 = tpu.dynamic_gather %get3A_238[%gather3A_861] in [0] : vector<16xf32>, vector<16xi32> -> vector<16xf32>
        %broadcast_in_dim3A_863 = vector.shape_cast %get3A_721 : vector<16xi32> to vector<16x1xi32>
        %gather3A_864 = vector.shape_cast %broadcast_in_dim3A_863 : vector<16x1xi32> to vector<16xi32>
        %gather3A_865 = tpu.dynamic_gather %get3A_286[%gather3A_864] in [0] : vector<16xf32>, vector<16xi32> -> vector<16xf32>
        %add3A_866 = arith.addf %gather3A_862, %gather3A_865 : vector<16xf32>
        %broadcast_in_dim3A_867 = vector.shape_cast %get3A_726 : vector<16xi32> to vector<16x1xi32>
        %gather3A_868 = vector.shape_cast %broadcast_in_dim3A_867 : vector<16x1xi32> to vector<16xi32>
        %gather3A_869 = tpu.dynamic_gather %get3A_334[%gather3A_868] in [0] : vector<16xf32>, vector<16xi32> -> vector<16xf32>
        %add3A_870 = arith.addf %add3A_866, %gather3A_869 : vector<16xf32>
        %swap3A_871 = arith.constant 24 : i32
        %swap3A_872 = arith.index_cast %swap3A_871 : i32 to index
        %swap3A_873 = arith.index_cast %mul3A_711 : i32 to index
        %swap3A_874 = tpu.vector_load %arg9[%swap3A_872, %swap3A_873] {strides = array<i32>} : memref<32x1536xf32, #tpu.memory_space<vmem>>, vector<1x16xf32>,
        %swap3A_875 = vector.shape_cast %swap3A_874 : vector<1x16xf32> to vector<16xf32>
        %swap3A_876 = vector.shape_cast %add3A_870 : vector<16xf32> to vector<1x16xf32>
        tpu.vector_store %arg9[%swap3A_872, %swap3A_873], %swap3A_876 {strides = array<i32>} : memref<32x1536xf32, #tpu.memory_space<vmem>>, vector<1x16xf32>,
        %broadcast_in_dim3A_877 = vector.shape_cast %get3A_716 : vector<16xi32> to vector<16x1xi32>
        %gather3A_878 = vector.shape_cast %broadcast_in_dim3A_877 : vector<16x1xi32> to vector<16xi32>
        %gather3A_879 = tpu.dynamic_gather %get3A_241[%gather3A_878] in [0] : vector<16xf32>, vector<16xi32> -> vector<16xf32>
        %broadcast_in_dim3A_880 = vector.shape_cast %get3A_721 : vector<16xi32> to vector<16x1xi32>
        %gather3A_881 = vector.shape_cast %broadcast_in_dim3A_880 : vector<16x1xi32> to vector<16xi32>
        %gather3A_882 = tpu.dynamic_gather %get3A_289[%gather3A_881] in [0] : vector<16xf32>, vector<16xi32> -> vector<16xf32>
        %add3A_883 = arith.addf %gather3A_879, %gather3A_882 : vector<16xf32>
        %broadcast_in_dim3A_884 = vector.shape_cast %get3A_726 : vector<16xi32> to vector<16x1xi32>
        %gather3A_885 = vector.shape_cast %broadcast_in_dim3A_884 : vector<16x1xi32> to vector<16xi32>
        %gather3A_886 = tpu.dynamic_gather %get3A_337[%gather3A_885] in [0] : vector<16xf32>, vector<16xi32> -> vector<16xf32>
        %add3A_887 = arith.addf %add3A_883, %gather3A_886 : vector<16xf32>
        %swap3A_888 = arith.constant 25 : i32
        %swap3A_889 = arith.index_cast %swap3A_888 : i32 to index
        %swap3A_890 = arith.index_cast %mul3A_711 : i32 to index
        %swap3A_891 = tpu.vector_load %arg9[%swap3A_889, %swap3A_890] {strides = array<i32>} : memref<32x1536xf32, #tpu.memory_space<vmem>>, vector<1x16xf32>,
        %swap3A_892 = vector.shape_cast %swap3A_891 : vector<1x16xf32> to vector<16xf32>
        %swap3A_893 = vector.shape_cast %add3A_887 : vector<16xf32> to vector<1x16xf32>
        tpu.vector_store %arg9[%swap3A_889, %swap3A_890], %swap3A_893 {strides = array<i32>} : memref<32x1536xf32, #tpu.memory_space<vmem>>, vector<1x16xf32>,
        %broadcast_in_dim3A_894 = vector.shape_cast %get3A_716 : vector<16xi32> to vector<16x1xi32>
        %gather3A_895 = vector.shape_cast %broadcast_in_dim3A_894 : vector<16x1xi32> to vector<16xi32>
        %gather3A_896 = tpu.dynamic_gather %get3A_244[%gather3A_895] in [0] : vector<16xf32>, vector<16xi32> -> vector<16xf32>
        %broadcast_in_dim3A_897 = vector.shape_cast %get3A_721 : vector<16xi32> to vector<16x1xi32>
        %gather3A_898 = vector.shape_cast %broadcast_in_dim3A_897 : vector<16x1xi32> to vector<16xi32>
        %gather3A_899 = tpu.dynamic_gather %get3A_292[%gather3A_898] in [0] : vector<16xf32>, vector<16xi32> -> vector<16xf32>
        %add3A_900 = arith.addf %gather3A_896, %gather3A_899 : vector<16xf32>
        %broadcast_in_dim3A_901 = vector.shape_cast %get3A_726 : vector<16xi32> to vector<16x1xi32>
        %gather3A_902 = vector.shape_cast %broadcast_in_dim3A_901 : vector<16x1xi32> to vector<16xi32>
        %gather3A_903 = tpu.dynamic_gather %get3A_340[%gather3A_902] in [0] : vector<16xf32>, vector<16xi32> -> vector<16xf32>
        %add3A_904 = arith.addf %add3A_900, %gather3A_903 : vector<16xf32>
        %swap3A_905 = arith.constant 26 : i32
        %swap3A_906 = arith.index_cast %swap3A_905 : i32 to index
        %swap3A_907 = arith.index_cast %mul3A_711 : i32 to index
        %swap3A_908 = tpu.vector_load %arg9[%swap3A_906, %swap3A_907] {strides = array<i32>} : memref<32x1536xf32, #tpu.memory_space<vmem>>, vector<1x16xf32>,
        %swap3A_909 = vector.shape_cast %swap3A_908 : vector<1x16xf32> to vector<16xf32>
        %swap3A_910 = vector.shape_cast %add3A_904 : vector<16xf32> to vector<1x16xf32>
        tpu.vector_store %arg9[%swap3A_906, %swap3A_907], %swap3A_910 {strides = array<i32>} : memref<32x1536xf32, #tpu.memory_space<vmem>>, vector<1x16xf32>,
        %broadcast_in_dim3A_911 = vector.shape_cast %get3A_716 : vector<16xi32> to vector<16x1xi32>
        %gather3A_912 = vector.shape_cast %broadcast_in_dim3A_911 : vector<16x1xi32> to vector<16xi32>
        %gather3A_913 = tpu.dynamic_gather %get3A_247[%gather3A_912] in [0] : vector<16xf32>, vector<16xi32> -> vector<16xf32>
        %broadcast_in_dim3A_914 = vector.shape_cast %get3A_721 : vector<16xi32> to vector<16x1xi32>
        %gather3A_915 = vector.shape_cast %broadcast_in_dim3A_914 : vector<16x1xi32> to vector<16xi32>
        %gather3A_916 = tpu.dynamic_gather %get3A_295[%gather3A_915] in [0] : vector<16xf32>, vector<16xi32> -> vector<16xf32>
        %add3A_917 = arith.addf %gather3A_913, %gather3A_916 : vector<16xf32>
        %broadcast_in_dim3A_918 = vector.shape_cast %get3A_726 : vector<16xi32> to vector<16x1xi32>
        %gather3A_919 = vector.shape_cast %broadcast_in_dim3A_918 : vector<16x1xi32> to vector<16xi32>
        %gather3A_920 = tpu.dynamic_gather %get3A_343[%gather3A_919] in [0] : vector<16xf32>, vector<16xi32> -> vector<16xf32>
        %add3A_921 = arith.addf %add3A_917, %gather3A_920 : vector<16xf32>
        %swap3A_922 = arith.constant 27 : i32
        %swap3A_923 = arith.index_cast %swap3A_922 : i32 to index
        %swap3A_924 = arith.index_cast %mul3A_711 : i32 to index
        %swap3A_925 = tpu.vector_load %arg9[%swap3A_923, %swap3A_924] {strides = array<i32>} : memref<32x1536xf32, #tpu.memory_space<vmem>>, vector<1x16xf32>,
        %swap3A_926 = vector.shape_cast %swap3A_925 : vector<1x16xf32> to vector<16xf32>
        %swap3A_927 = vector.shape_cast %add3A_921 : vector<16xf32> to vector<1x16xf32>
        tpu.vector_store %arg9[%swap3A_923, %swap3A_924], %swap3A_927 {strides = array<i32>} : memref<32x1536xf32, #tpu.memory_space<vmem>>, vector<1x16xf32>,
        %broadcast_in_dim3A_928 = vector.shape_cast %get3A_716 : vector<16xi32> to vector<16x1xi32>
        %gather3A_929 = vector.shape_cast %broadcast_in_dim3A_928 : vector<16x1xi32> to vector<16xi32>
        %gather3A_930 = tpu.dynamic_gather %get3A_250[%gather3A_929] in [0] : vector<16xf32>, vector<16xi32> -> vector<16xf32>
        %broadcast_in_dim3A_931 = vector.shape_cast %get3A_721 : vector<16xi32> to vector<16x1xi32>
        %gather3A_932 = vector.shape_cast %broadcast_in_dim3A_931 : vector<16x1xi32> to vector<16xi32>
        %gather3A_933 = tpu.dynamic_gather %get3A_298[%gather3A_932] in [0] : vector<16xf32>, vector<16xi32> -> vector<16xf32>
        %add3A_934 = arith.addf %gather3A_930, %gather3A_933 : vector<16xf32>
        %broadcast_in_dim3A_935 = vector.shape_cast %get3A_726 : vector<16xi32> to vector<16x1xi32>
        %gather3A_936 = vector.shape_cast %broadcast_in_dim3A_935 : vector<16x1xi32> to vector<16xi32>
        %gather3A_937 = tpu.dynamic_gather %get3A_346[%gather3A_936] in [0] : vector<16xf32>, vector<16xi32> -> vector<16xf32>
        %add3A_938 = arith.addf %add3A_934, %gather3A_937 : vector<16xf32>
        %swap3A_939 = arith.constant 28 : i32
        %swap3A_940 = arith.index_cast %swap3A_939 : i32 to index
        %swap3A_941 = arith.index_cast %mul3A_711 : i32 to index
        %swap3A_942 = tpu.vector_load %arg9[%swap3A_940, %swap3A_941] {strides = array<i32>} : memref<32x1536xf32, #tpu.memory_space<vmem>>, vector<1x16xf32>,
        %swap3A_943 = vector.shape_cast %swap3A_942 : vector<1x16xf32> to vector<16xf32>
        %swap3A_944 = vector.shape_cast %add3A_938 : vector<16xf32> to vector<1x16xf32>
        tpu.vector_store %arg9[%swap3A_940, %swap3A_941], %swap3A_944 {strides = array<i32>} : memref<32x1536xf32, #tpu.memory_space<vmem>>, vector<1x16xf32>,
        %broadcast_in_dim3A_945 = vector.shape_cast %get3A_716 : vector<16xi32> to vector<16x1xi32>
        %gather3A_946 = vector.shape_cast %broadcast_in_dim3A_945 : vector<16x1xi32> to vector<16xi32>
        %gather3A_947 = tpu.dynamic_gather %get3A_253[%gather3A_946] in [0] : vector<16xf32>, vector<16xi32> -> vector<16xf32>
        %broadcast_in_dim3A_948 = vector.shape_cast %get3A_721 : vector<16xi32> to vector<16x1xi32>
        %gather3A_949 = vector.shape_cast %broadcast_in_dim3A_948 : vector<16x1xi32> to vector<16xi32>
        %gather3A_950 = tpu.dynamic_gather %get3A_301[%gather3A_949] in [0] : vector<16xf32>, vector<16xi32> -> vector<16xf32>
        %add3A_951 = arith.addf %gather3A_947, %gather3A_950 : vector<16xf32>
        %broadcast_in_dim3A_952 = vector.shape_cast %get3A_726 : vector<16xi32> to vector<16x1xi32>
        %gather3A_953 = vector.shape_cast %broadcast_in_dim3A_952 : vector<16x1xi32> to vector<16xi32>
        %gather3A_954 = tpu.dynamic_gather %get3A_349[%gather3A_953] in [0] : vector<16xf32>, vector<16xi32> -> vector<16xf32>
        %add3A_955 = arith.addf %add3A_951, %gather3A_954 : vector<16xf32>
        %swap3A_956 = arith.constant 29 : i32
        %swap3A_957 = arith.index_cast %swap3A_956 : i32 to index
        %swap3A_958 = arith.index_cast %mul3A_711 : i32 to index
        %swap3A_959 = tpu.vector_load %arg9[%swap3A_957, %swap3A_958] {strides = array<i32>} : memref<32x1536xf32, #tpu.memory_space<vmem>>, vector<1x16xf32>,
        %swap3A_960 = vector.shape_cast %swap3A_959 : vector<1x16xf32> to vector<16xf32>
        %swap3A_961 = vector.shape_cast %add3A_955 : vector<16xf32> to vector<1x16xf32>
        tpu.vector_store %arg9[%swap3A_957, %swap3A_958], %swap3A_961 {strides = array<i32>} : memref<32x1536xf32, #tpu.memory_space<vmem>>, vector<1x16xf32>,
        %broadcast_in_dim3A_962 = vector.shape_cast %get3A_716 : vector<16xi32> to vector<16x1xi32>
        %gather3A_963 = vector.shape_cast %broadcast_in_dim3A_962 : vector<16x1xi32> to vector<16xi32>
        %gather3A_964 = tpu.dynamic_gather %get3A_256[%gather3A_963] in [0] : vector<16xf32>, vector<16xi32> -> vector<16xf32>
        %broadcast_in_dim3A_965 = vector.shape_cast %get3A_721 : vector<16xi32> to vector<16x1xi32>
        %gather3A_966 = vector.shape_cast %broadcast_in_dim3A_965 : vector<16x1xi32> to vector<16xi32>
        %gather3A_967 = tpu.dynamic_gather %get3A_304[%gather3A_966] in [0] : vector<16xf32>, vector<16xi32> -> vector<16xf32>
        %add3A_968 = arith.addf %gather3A_964, %gather3A_967 : vector<16xf32>
        %broadcast_in_dim3A_969 = vector.shape_cast %get3A_726 : vector<16xi32> to vector<16x1xi32>
        %gather3A_970 = vector.shape_cast %broadcast_in_dim3A_969 : vector<16x1xi32> to vector<16xi32>
        %gather3A_971 = tpu.dynamic_gather %get3A_352[%gather3A_970] in [0] : vector<16xf32>, vector<16xi32> -> vector<16xf32>
        %add3A_972 = arith.addf %add3A_968, %gather3A_971 : vector<16xf32>
        %swap3A_973 = arith.constant 30 : i32
        %swap3A_974 = arith.index_cast %swap3A_973 : i32 to index
        %swap3A_975 = arith.index_cast %mul3A_711 : i32 to index
        %swap3A_976 = tpu.vector_load %arg9[%swap3A_974, %swap3A_975] {strides = array<i32>} : memref<32x1536xf32, #tpu.memory_space<vmem>>, vector<1x16xf32>,
        %swap3A_977 = vector.shape_cast %swap3A_976 : vector<1x16xf32> to vector<16xf32>
        %swap3A_978 = vector.shape_cast %add3A_972 : vector<16xf32> to vector<1x16xf32>
        tpu.vector_store %arg9[%swap3A_974, %swap3A_975], %swap3A_978 {strides = array<i32>} : memref<32x1536xf32, #tpu.memory_space<vmem>>, vector<1x16xf32>,
        %broadcast_in_dim3A_979 = vector.shape_cast %get3A_716 : vector<16xi32> to vector<16x1xi32>
        %gather3A_980 = vector.shape_cast %broadcast_in_dim3A_979 : vector<16x1xi32> to vector<16xi32>
        %gather3A_981 = tpu.dynamic_gather %get3A_259[%gather3A_980] in [0] : vector<16xf32>, vector<16xi32> -> vector<16xf32>
        %broadcast_in_dim3A_982 = vector.shape_cast %get3A_721 : vector<16xi32> to vector<16x1xi32>
        %gather3A_983 = vector.shape_cast %broadcast_in_dim3A_982 : vector<16x1xi32> to vector<16xi32>
        %gather3A_984 = tpu.dynamic_gather %get3A_307[%gather3A_983] in [0] : vector<16xf32>, vector<16xi32> -> vector<16xf32>
        %add3A_985 = arith.addf %gather3A_981, %gather3A_984 : vector<16xf32>
        %broadcast_in_dim3A_986 = vector.shape_cast %get3A_726 : vector<16xi32> to vector<16x1xi32>
        %gather3A_987 = vector.shape_cast %broadcast_in_dim3A_986 : vector<16x1xi32> to vector<16xi32>
        %gather3A_988 = tpu.dynamic_gather %get3A_355[%gather3A_987] in [0] : vector<16xf32>, vector<16xi32> -> vector<16xf32>
        %add3A_989 = arith.addf %add3A_985, %gather3A_988 : vector<16xf32>
        %swap3A_990 = arith.constant 31 : i32
        %swap3A_991 = arith.index_cast %swap3A_990 : i32 to index
        %swap3A_992 = arith.index_cast %mul3A_711 : i32 to index
        %swap3A_993 = tpu.vector_load %arg9[%swap3A_991, %swap3A_992] {strides = array<i32>} : memref<32x1536xf32, #tpu.memory_space<vmem>>, vector<1x16xf32>,
        %swap3A_994 = vector.shape_cast %swap3A_993 : vector<1x16xf32> to vector<16xf32>
        %swap3A_995 = vector.shape_cast %add3A_989 : vector<16xf32> to vector<1x16xf32>
        tpu.vector_store %arg9[%swap3A_991, %swap3A_992], %swap3A_995 {strides = array<i32>} : memref<32x1536xf32, #tpu.memory_space<vmem>>, vector<1x16xf32>,
      }
      %scan3A_361 = arith.constant 96 : i32
      %mul3A_362 = arith.constant 12 : i32
      %mul3A_363 = arith.muli %add3A_54, %mul3A_362 : i32
      %add3A_364 = arith.addi %add3A_8, %mul3A_363 : i32
      %mul3A_365 = arith.constant 128 : i32
      %mul3A_366 = arith.muli %add3A_364, %mul3A_365 : i32
      %dma_start3A_367 = arith.constant 0 : i32
      %dma_start3A_368 = tpu.memref_slice %arg6[%dma_start3A_367, %mul3A_366] : memref<32x1600000xf32, #tpu.memory_space<hbm>> -> memref<32x1536xf32, #tpu.memory_space<hbm>>
      %dma_start3A_369 = arith.constant 0 : i32
      %dma_start3A_370 = tpu.memref_slice %arg6[%dma_start3A_369, %mul3A_366] : memref<32x1600000xf32, #tpu.memory_space<hbm>> -> memref<32x1536xf32, #tpu.memory_space<hbm>>
      tpu.enqueue_dma source(%arg9 : memref<32x1536xf32, #tpu.memory_space<vmem>>) target(%dma_start3A_370 : memref<32x1536xf32, #tpu.memory_space<hbm>>) target_semaphore(%arg16 : memref<!tpu.dma_semaphore, #tpu.memory_space<semaphore_mem>>)
      %add3A_371 = arith.constant 2 : i32
      %add3A_372 = arith.addi %add3A_54, %add3A_371 : i32
      %lt3A_373 = arith.constant 32 : i32
      %lt3A_374 = arith.cmpi slt, %add3A_372, %lt3A_373 : i32
      %convert_element_type3A_375 = arith.extui %lt3A_374 : i1 to i32
      %cond3A_376 = arith.constant 0 : i32
      %cond3A_377 = arith.cmpi ne, %convert_element_type3A_375, %cond3A_376 : i32
      scf.if %cond3A_377 {
        %add3A_709 = arith.constant 2 : i32
        %add3A_710 = arith.addi %add3A_54, %add3A_709 : i32
        %mul3A_711 = arith.constant 12 : i32
        %mul3A_712 = arith.muli %add3A_710, %mul3A_711 : i32
        %add3A_713 = arith.addi %add3A_8, %mul3A_712 : i32
        %mul3A_714 = arith.constant 128 : i32
        %mul3A_715 = arith.muli %add3A_713, %mul3A_714 : i32
        %dma_start3A_716 = arith.constant 0 : i32
        %dma_start3A_717 = tpu.memref_slice %arg2[%dma_start3A_716, %mul3A_715] : memref<3x1600000xi32, #tpu.memory_space<hbm>> -> memref<3x1536xi32, #tpu.memory_space<hbm>>
        %dma_start3A_718 = arith.constant 0 : i32
        %dma_start3A_719 = tpu.memref_slice %arg2[%dma_start3A_718, %mul3A_715] : memref<3x1600000xi32, #tpu.memory_space<hbm>> -> memref<3x1536xi32, #tpu.memory_space<hbm>>
        tpu.enqueue_dma source(%dma_start3A_719 : memref<3x1536xi32, #tpu.memory_space<hbm>>) target(%arg7 : memref<3x1536xi32, #tpu.memory_space<vmem>>) target_semaphore(%arg14 : memref<!tpu.dma_semaphore, #tpu.memory_space<semaphore_mem>>)
      } else {
      }
      %mul3A_378 = arith.constant 2 : i32
      %mul3A_379 = arith.muli %mul3A_378, %scan3A_50 : i32
      %add3A_380 = arith.constant 1 : i32
      %add3A_381 = arith.addi %mul3A_379, %add3A_380 : i32
      %ge3A_382 = arith.constant 1 : i32
      %ge3A_383 = arith.cmpi sge, %scan3A_50, %ge3A_382 : i32
      %convert_element_type3A_384 = arith.extui %ge3A_383 : i1 to i32
      %cond3A_385 = arith.constant 0 : i32
      %cond3A_386 = arith.cmpi ne, %convert_element_type3A_384, %cond3A_385 : i32
      scf.if %cond3A_386 {
        %dma_wait3A_709 = arith.constant 0 : i32
        %dma_wait3A_710 = arith.constant 0 : i32
        %dma_wait3A_711 = tpu.memref_slice %arg6[%dma_wait3A_709, %dma_wait3A_710] : memref<32x1600000xf32, #tpu.memory_space<hbm>> -> memref<32x1536xf32, #tpu.memory_space<hbm>>
        %dma_wait3A_712 = arith.constant 0 : i32
        %dma_wait3A_713 = arith.constant 0 : i32
        %dma_wait3A_714 = tpu.memref_slice %arg6[%dma_wait3A_712, %dma_wait3A_713] : memref<32x1600000xf32, #tpu.memory_space<hbm>> -> memref<32x1536xf32, #tpu.memory_space<hbm>>
        tpu.wait_dma2 semaphore(%arg17 : memref<!tpu.dma_semaphore, #tpu.memory_space<semaphore_mem>>) src(%arg10 : memref<32x1536xf32, #tpu.memory_space<vmem>>) dst(%dma_wait3A_714 : memref<32x1536xf32, #tpu.memory_space<hbm>>)
      } else {
      }
      %dma_wait3A_387 = arith.constant 0 : i32
      %dma_wait3A_388 = arith.constant 0 : i32
      %dma_wait3A_389 = tpu.memref_slice %arg2[%dma_wait3A_387, %dma_wait3A_388] : memref<3x1600000xi32, #tpu.memory_space<hbm>> -> memref<3x1536xi32, #tpu.memory_space<hbm>>
      %dma_wait3A_390 = arith.constant 0 : i32
      %dma_wait3A_391 = arith.constant 0 : i32
      %dma_wait3A_392 = tpu.memref_slice %arg2[%dma_wait3A_390, %dma_wait3A_391] : memref<3x1600000xi32, #tpu.memory_space<hbm>> -> memref<3x1536xi32, #tpu.memory_space<hbm>>
      tpu.wait_dma2 semaphore(%arg15 : memref<!tpu.dma_semaphore, #tpu.memory_space<semaphore_mem>>) src(%dma_wait3A_392 : memref<3x1536xi32, #tpu.memory_space<hbm>>) dst(%arg8 : memref<3x1536xi32, #tpu.memory_space<vmem>>)
      %get3A_393 = arith.constant 0 : index
      %get3A_394 = tpu.vector_load %arg11[%get3A_393] {strides = array<i32>} : memref<512xf32, #tpu.memory_space<vmem>>, vector<16xf32>,
      %get3A_395 = vector.shape_cast %get3A_394 : vector<16xf32> to vector<16xf32>
      %get3A_396 = arith.constant 16 : index
      %get3A_397 = tpu.vector_load %arg11[%get3A_396] {strides = array<i32>} : memref<512xf32, #tpu.memory_space<vmem>>, vector<16xf32>,
      %get3A_398 = vector.shape_cast %get3A_397 : vector<16xf32> to vector<16xf32>
      %get3A_399 = arith.constant 32 : index
      %get3A_400 = tpu.vector_load %arg11[%get3A_399] {strides = array<i32>} : memref<512xf32, #tpu.memory_space<vmem>>, vector<16xf32>,
      %get3A_401 = vector.shape_cast %get3A_400 : vector<16xf32> to vector<16xf32>
      %get3A_402 = arith.constant 48 : index
      %get3A_403 = tpu.vector_load %arg11[%get3A_402] {strides = array<i32>} : memref<512xf32, #tpu.memory_space<vmem>>, vector<16xf32>,
      %get3A_404 = vector.shape_cast %get3A_403 : vector<16xf32> to vector<16xf32>
      %get3A_405 = arith.constant 64 : index
      %get3A_406 = tpu.vector_load %arg11[%get3A_405] {strides = array<i32>} : memref<512xf32, #tpu.memory_space<vmem>>, vector<16xf32>,
      %get3A_407 = vector.shape_cast %get3A_406 : vector<16xf32> to vector<16xf32>
      %get3A_408 = arith.constant 80 : index
      %get3A_409 = tpu.vector_load %arg11[%get3A_408] {strides = array<i32>} : memref<512xf32, #tpu.memory_space<vmem>>, vector<16xf32>,
      %get3A_410 = vector.shape_cast %get3A_409 : vector<16xf32> to vector<16xf32>
      %get3A_411 = arith.constant 96 : index
      %get3A_412 = tpu.vector_load %arg11[%get3A_411] {strides = array<i32>} : memref<512xf32, #tpu.memory_space<vmem>>, vector<16xf32>,
      %get3A_413 = vector.shape_cast %get3A_412 : vector<16xf32> to vector<16xf32>
      %get3A_414 = arith.constant 112 : index
      %get3A_415 = tpu.vector_load %arg11[%get3A_414] {strides = array<i32>} : memref<512xf32, #tpu.memory_space<vmem>>, vector<16xf32>,
      %get3A_416 = vector.shape_cast %get3A_415 : vector<16xf32> to vector<16xf32>
      %get3A_417 = arith.constant 128 : index
      %get3A_418 = tpu.vector_load %arg11[%get3A_417] {strides = array<i32>} : memref<512xf32, #tpu.memory_space<vmem>>, vector<16xf32>,
      %get3A_419 = vector.shape_cast %get3A_418 : vector<16xf32> to vector<16xf32>
      %get3A_420 = arith.constant 144 : index
      %get3A_421 = tpu.vector_load %arg11[%get3A_420] {strides = array<i32>} : memref<512xf32, #tpu.memory_space<vmem>>, vector<16xf32>,
      %get3A_422 = vector.shape_cast %get3A_421 : vector<16xf32> to vector<16xf32>
      %get3A_423 = arith.constant 160 : index
      %get3A_424 = tpu.vector_load %arg11[%get3A_423] {strides = array<i32>} : memref<512xf32, #tpu.memory_space<vmem>>, vector<16xf32>,
      %get3A_425 = vector.shape_cast %get3A_424 : vector<16xf32> to vector<16xf32>
      %get3A_426 = arith.constant 176 : index
      %get3A_427 = tpu.vector_load %arg11[%get3A_426] {strides = array<i32>} : memref<512xf32, #tpu.memory_space<vmem>>, vector<16xf32>,
      %get3A_428 = vector.shape_cast %get3A_427 : vector<16xf32> to vector<16xf32>
      %get3A_429 = arith.constant 192 : index
      %get3A_430 = tpu.vector_load %arg11[%get3A_429] {strides = array<i32>} : memref<512xf32, #tpu.memory_space<vmem>>, vector<16xf32>,
      %get3A_431 = vector.shape_cast %get3A_430 : vector<16xf32> to vector<16xf32>
      %get3A_432 = arith.constant 208 : index
      %get3A_433 = tpu.vector_load %arg11[%get3A_432] {strides = array<i32>} : memref<512xf32, #tpu.memory_space<vmem>>, vector<16xf32>,
      %get3A_434 = vector.shape_cast %get3A_433 : vector<16xf32> to vector<16xf32>
      %get3A_435 = arith.constant 224 : index
      %get3A_436 = tpu.vector_load %arg11[%get3A_435] {strides = array<i32>} : memref<512xf32, #tpu.memory_space<vmem>>, vector<16xf32>,
      %get3A_437 = vector.shape_cast %get3A_436 : vector<16xf32> to vector<16xf32>
      %get3A_438 = arith.constant 240 : index
      %get3A_439 = tpu.vector_load %arg11[%get3A_438] {strides = array<i32>} : memref<512xf32, #tpu.memory_space<vmem>>, vector<16xf32>,
      %get3A_440 = vector.shape_cast %get3A_439 : vector<16xf32> to vector<16xf32>
      %get3A_441 = arith.constant 0 : index
      %get3A_442 = tpu.vector_load %arg12[%get3A_441] {strides = array<i32>} : memref<512xf32, #tpu.memory_space<vmem>>, vector<16xf32>,
      %get3A_443 = vector.shape_cast %get3A_442 : vector<16xf32> to vector<16xf32>
      %get3A_444 = arith.constant 16 : index
      %get3A_445 = tpu.vector_load %arg12[%get3A_444] {strides = array<i32>} : memref<512xf32, #tpu.memory_space<vmem>>, vector<16xf32>,
      %get3A_446 = vector.shape_cast %get3A_445 : vector<16xf32> to vector<16xf32>
      %get3A_447 = arith.constant 32 : index
      %get3A_448 = tpu.vector_load %arg12[%get3A_447] {strides = array<i32>} : memref<512xf32, #tpu.memory_space<vmem>>, vector<16xf32>,
      %get3A_449 = vector.shape_cast %get3A_448 : vector<16xf32> to vector<16xf32>
      %get3A_450 = arith.constant 48 : index
      %get3A_451 = tpu.vector_load %arg12[%get3A_450] {strides = array<i32>} : memref<512xf32, #tpu.memory_space<vmem>>, vector<16xf32>,
      %get3A_452 = vector.shape_cast %get3A_451 : vector<16xf32> to vector<16xf32>
      %get3A_453 = arith.constant 64 : index
      %get3A_454 = tpu.vector_load %arg12[%get3A_453] {strides = array<i32>} : memref<512xf32, #tpu.memory_space<vmem>>, vector<16xf32>,
      %get3A_455 = vector.shape_cast %get3A_454 : vector<16xf32> to vector<16xf32>
      %get3A_456 = arith.constant 80 : index
      %get3A_457 = tpu.vector_load %arg12[%get3A_456] {strides = array<i32>} : memref<512xf32, #tpu.memory_space<vmem>>, vector<16xf32>,
      %get3A_458 = vector.shape_cast %get3A_457 : vector<16xf32> to vector<16xf32>
      %get3A_459 = arith.constant 96 : index
      %get3A_460 = tpu.vector_load %arg12[%get3A_459] {strides = array<i32>} : memref<512xf32, #tpu.memory_space<vmem>>, vector<16xf32>,
      %get3A_461 = vector.shape_cast %get3A_460 : vector<16xf32> to vector<16xf32>
      %get3A_462 = arith.constant 112 : index
      %get3A_463 = tpu.vector_load %arg12[%get3A_462] {strides = array<i32>} : memref<512xf32, #tpu.memory_space<vmem>>, vector<16xf32>,
      %get3A_464 = vector.shape_cast %get3A_463 : vector<16xf32> to vector<16xf32>
      %get3A_465 = arith.constant 128 : index
      %get3A_466 = tpu.vector_load %arg12[%get3A_465] {strides = array<i32>} : memref<512xf32, #tpu.memory_space<vmem>>, vector<16xf32>,
      %get3A_467 = vector.shape_cast %get3A_466 : vector<16xf32> to vector<16xf32>
      %get3A_468 = arith.constant 144 : index
      %get3A_469 = tpu.vector_load %arg12[%get3A_468] {strides = array<i32>} : memref<512xf32, #tpu.memory_space<vmem>>, vector<16xf32>,
      %get3A_470 = vector.shape_cast %get3A_469 : vector<16xf32> to vector<16xf32>
      %get3A_471 = arith.constant 160 : index
      %get3A_472 = tpu.vector_load %arg12[%get3A_471] {strides = array<i32>} : memref<512xf32, #tpu.memory_space<vmem>>, vector<16xf32>,
      %get3A_473 = vector.shape_cast %get3A_472 : vector<16xf32> to vector<16xf32>
      %get3A_474 = arith.constant 176 : index
      %get3A_475 = tpu.vector_load %arg12[%get3A_474] {strides = array<i32>} : memref<512xf32, #tpu.memory_space<vmem>>, vector<16xf32>,
      %get3A_476 = vector.shape_cast %get3A_475 : vector<16xf32> to vector<16xf32>
      %get3A_477 = arith.constant 192 : index
      %get3A_478 = tpu.vector_load %arg12[%get3A_477] {strides = array<i32>} : memref<512xf32, #tpu.memory_space<vmem>>, vector<16xf32>,
      %get3A_479 = vector.shape_cast %get3A_478 : vector<16xf32> to vector<16xf32>
      %get3A_480 = arith.constant 208 : index
      %get3A_481 = tpu.vector_load %arg12[%get3A_480] {strides = array<i32>} : memref<512xf32, #tpu.memory_space<vmem>>, vector<16xf32>,
      %get3A_482 = vector.shape_cast %get3A_481 : vector<16xf32> to vector<16xf32>
      %get3A_483 = arith.constant 224 : index
      %get3A_484 = tpu.vector_load %arg12[%get3A_483] {strides = array<i32>} : memref<512xf32, #tpu.memory_space<vmem>>, vector<16xf32>,
      %get3A_485 = vector.shape_cast %get3A_484 : vector<16xf32> to vector<16xf32>
      %get3A_486 = arith.constant 240 : index
      %get3A_487 = tpu.vector_load %arg12[%get3A_486] {strides = array<i32>} : memref<512xf32, #tpu.memory_space<vmem>>, vector<16xf32>,
      %get3A_488 = vector.shape_cast %get3A_487 : vector<16xf32> to vector<16xf32>
      %get3A_489 = arith.constant 0 : index
      %get3A_490 = tpu.vector_load %arg13[%get3A_489] {strides = array<i32>} : memref<512xf32, #tpu.memory_space<vmem>>, vector<16xf32>,
      %get3A_491 = vector.shape_cast %get3A_490 : vector<16xf32> to vector<16xf32>
      %get3A_492 = arith.constant 16 : index
      %get3A_493 = tpu.vector_load %arg13[%get3A_492] {strides = array<i32>} : memref<512xf32, #tpu.memory_space<vmem>>, vector<16xf32>,
      %get3A_494 = vector.shape_cast %get3A_493 : vector<16xf32> to vector<16xf32>
      %get3A_495 = arith.constant 32 : index
      %get3A_496 = tpu.vector_load %arg13[%get3A_495] {strides = array<i32>} : memref<512xf32, #tpu.memory_space<vmem>>, vector<16xf32>,
      %get3A_497 = vector.shape_cast %get3A_496 : vector<16xf32> to vector<16xf32>
      %get3A_498 = arith.constant 48 : index
      %get3A_499 = tpu.vector_load %arg13[%get3A_498] {strides = array<i32>} : memref<512xf32, #tpu.memory_space<vmem>>, vector<16xf32>,
      %get3A_500 = vector.shape_cast %get3A_499 : vector<16xf32> to vector<16xf32>
      %get3A_501 = arith.constant 64 : index
      %get3A_502 = tpu.vector_load %arg13[%get3A_501] {strides = array<i32>} : memref<512xf32, #tpu.memory_space<vmem>>, vector<16xf32>,
      %get3A_503 = vector.shape_cast %get3A_502 : vector<16xf32> to vector<16xf32>
      %get3A_504 = arith.constant 80 : index
      %get3A_505 = tpu.vector_load %arg13[%get3A_504] {strides = array<i32>} : memref<512xf32, #tpu.memory_space<vmem>>, vector<16xf32>,
      %get3A_506 = vector.shape_cast %get3A_505 : vector<16xf32> to vector<16xf32>
      %get3A_507 = arith.constant 96 : index
      %get3A_508 = tpu.vector_load %arg13[%get3A_507] {strides = array<i32>} : memref<512xf32, #tpu.memory_space<vmem>>, vector<16xf32>,
      %get3A_509 = vector.shape_cast %get3A_508 : vector<16xf32> to vector<16xf32>
      %get3A_510 = arith.constant 112 : index
      %get3A_511 = tpu.vector_load %arg13[%get3A_510] {strides = array<i32>} : memref<512xf32, #tpu.memory_space<vmem>>, vector<16xf32>,
      %get3A_512 = vector.shape_cast %get3A_511 : vector<16xf32> to vector<16xf32>
      %get3A_513 = arith.constant 128 : index
      %get3A_514 = tpu.vector_load %arg13[%get3A_513] {strides = array<i32>} : memref<512xf32, #tpu.memory_space<vmem>>, vector<16xf32>,
      %get3A_515 = vector.shape_cast %get3A_514 : vector<16xf32> to vector<16xf32>
      %get3A_516 = arith.constant 144 : index
      %get3A_517 = tpu.vector_load %arg13[%get3A_516] {strides = array<i32>} : memref<512xf32, #tpu.memory_space<vmem>>, vector<16xf32>,
      %get3A_518 = vector.shape_cast %get3A_517 : vector<16xf32> to vector<16xf32>
      %get3A_519 = arith.constant 160 : index
      %get3A_520 = tpu.vector_load %arg13[%get3A_519] {strides = array<i32>} : memref<512xf32, #tpu.memory_space<vmem>>, vector<16xf32>,
      %get3A_521 = vector.shape_cast %get3A_520 : vector<16xf32> to vector<16xf32>
      %get3A_522 = arith.constant 176 : index
      %get3A_523 = tpu.vector_load %arg13[%get3A_522] {strides = array<i32>} : memref<512xf32, #tpu.memory_space<vmem>>, vector<16xf32>,
      %get3A_524 = vector.shape_cast %get3A_523 : vector<16xf32> to vector<16xf32>
      %get3A_525 = arith.constant 192 : index
      %get3A_526 = tpu.vector_load %arg13[%get3A_525] {strides = array<i32>} : memref<512xf32, #tpu.memory_space<vmem>>, vector<16xf32>,
      %get3A_527 = vector.shape_cast %get3A_526 : vector<16xf32> to vector<16xf32>
      %get3A_528 = arith.constant 208 : index
      %get3A_529 = tpu.vector_load %arg13[%get3A_528] {strides = array<i32>} : memref<512xf32, #tpu.memory_space<vmem>>, vector<16xf32>,
      %get3A_530 = vector.shape_cast %get3A_529 : vector<16xf32> to vector<16xf32>
      %get3A_531 = arith.constant 224 : index
      %get3A_532 = tpu.vector_load %arg13[%get3A_531] {strides = array<i32>} : memref<512xf32, #tpu.memory_space<vmem>>, vector<16xf32>,
      %get3A_533 = vector.shape_cast %get3A_532 : vector<16xf32> to vector<16xf32>
      %get3A_534 = arith.constant 240 : index
      %get3A_535 = tpu.vector_load %arg13[%get3A_534] {strides = array<i32>} : memref<512xf32, #tpu.memory_space<vmem>>, vector<16xf32>,
      %get3A_536 = vector.shape_cast %get3A_535 : vector<16xf32> to vector<16xf32>
      %scan3A_537 = arith.constant 0 : i32
      %scan3A_538 = arith.constant 0 : i32
      %scan3A_539 = arith.constant 96 : i32
      %scan3A_540 = arith.addi %scan3A_538, %scan3A_539 : i32
      %scan3A_541 = arith.constant 1 : i32
      scf.for %scan3A_709 = %scan3A_538 to %scan3A_540 step %scan3A_541  : i32 {
        %mul3A_710 = arith.constant 16 : i32
        %mul3A_711 = arith.muli %scan3A_709, %mul3A_710 : i32
        %get3A_712 = arith.constant 0 : i32
        %get3A_713 = arith.index_cast %get3A_712 : i32 to index
        %get3A_714 = arith.index_cast %mul3A_711 : i32 to index
        %get3A_715 = tpu.vector_load %arg8[%get3A_713, %get3A_714] {strides = array<i32>} : memref<3x1536xi32, #tpu.memory_space<vmem>>, vector<1x16xi32>,
        %get3A_716 = vector.shape_cast %get3A_715 : vector<1x16xi32> to vector<16xi32>
        %get3A_717 = arith.constant 1 : i32
        %get3A_718 = arith.index_cast %get3A_717 : i32 to index
        %get3A_719 = arith.index_cast %mul3A_711 : i32 to index
        %get3A_720 = tpu.vector_load %arg8[%get3A_718, %get3A_719] {strides = array<i32>} : memref<3x1536xi32, #tpu.memory_space<vmem>>, vector<1x16xi32>,
        %get3A_721 = vector.shape_cast %get3A_720 : vector<1x16xi32> to vector<16xi32>
        %get3A_722 = arith.constant 2 : i32
        %get3A_723 = arith.index_cast %get3A_722 : i32 to index
        %get3A_724 = arith.index_cast %mul3A_711 : i32 to index
        %get3A_725 = tpu.vector_load %arg8[%get3A_723, %get3A_724] {strides = array<i32>} : memref<3x1536xi32, #tpu.memory_space<vmem>>, vector<1x16xi32>,
        %get3A_726 = vector.shape_cast %get3A_725 : vector<1x16xi32> to vector<16xi32>
        %broadcast_in_dim3A = vector.shape_cast %get3A_716 : vector<16xi32> to vector<16x1xi32>
        %gather3A = vector.shape_cast %broadcast_in_dim3A : vector<16x1xi32> to vector<16xi32>
        %gather3A_727 = tpu.dynamic_gather %get3A_395[%gather3A] in [0] : vector<16xf32>, vector<16xi32> -> vector<16xf32>
        %broadcast_in_dim3A_728 = vector.shape_cast %get3A_721 : vector<16xi32> to vector<16x1xi32>
        %gather3A_729 = vector.shape_cast %broadcast_in_dim3A_728 : vector<16x1xi32> to vector<16xi32>
        %gather3A_730 = tpu.dynamic_gather %get3A_443[%gather3A_729] in [0] : vector<16xf32>, vector<16xi32> -> vector<16xf32>
        %add3A_731 = arith.addf %gather3A_727, %gather3A_730 : vector<16xf32>
        %broadcast_in_dim3A_732 = vector.shape_cast %get3A_726 : vector<16xi32> to vector<16x1xi32>
        %gather3A_733 = vector.shape_cast %broadcast_in_dim3A_732 : vector<16x1xi32> to vector<16xi32>
        %gather3A_734 = tpu.dynamic_gather %get3A_491[%gather3A_733] in [0] : vector<16xf32>, vector<16xi32> -> vector<16xf32>
        %add3A_735 = arith.addf %add3A_731, %gather3A_734 : vector<16xf32>
        %swap3A = arith.constant 0 : i32
        %swap3A_736 = arith.index_cast %swap3A : i32 to index
        %swap3A_737 = arith.index_cast %mul3A_711 : i32 to index
        %swap3A_738 = tpu.vector_load %arg10[%swap3A_736, %swap3A_737] {strides = array<i32>} : memref<32x1536xf32, #tpu.memory_space<vmem>>, vector<1x16xf32>,
        %swap3A_739 = vector.shape_cast %swap3A_738 : vector<1x16xf32> to vector<16xf32>
        %swap3A_740 = vector.shape_cast %add3A_735 : vector<16xf32> to vector<1x16xf32>
        tpu.vector_store %arg10[%swap3A_736, %swap3A_737], %swap3A_740 {strides = array<i32>} : memref<32x1536xf32, #tpu.memory_space<vmem>>, vector<1x16xf32>,
        %broadcast_in_dim3A_741 = vector.shape_cast %get3A_716 : vector<16xi32> to vector<16x1xi32>
        %gather3A_742 = vector.shape_cast %broadcast_in_dim3A_741 : vector<16x1xi32> to vector<16xi32>
        %gather3A_743 = tpu.dynamic_gather %get3A_398[%gather3A_742] in [0] : vector<16xf32>, vector<16xi32> -> vector<16xf32>
        %broadcast_in_dim3A_744 = vector.shape_cast %get3A_721 : vector<16xi32> to vector<16x1xi32>
        %gather3A_745 = vector.shape_cast %broadcast_in_dim3A_744 : vector<16x1xi32> to vector<16xi32>
        %gather3A_746 = tpu.dynamic_gather %get3A_446[%gather3A_745] in [0] : vector<16xf32>, vector<16xi32> -> vector<16xf32>
        %add3A_747 = arith.addf %gather3A_743, %gather3A_746 : vector<16xf32>
        %broadcast_in_dim3A_748 = vector.shape_cast %get3A_726 : vector<16xi32> to vector<16x1xi32>
        %gather3A_749 = vector.shape_cast %broadcast_in_dim3A_748 : vector<16x1xi32> to vector<16xi32>
        %gather3A_750 = tpu.dynamic_gather %get3A_494[%gather3A_749] in [0] : vector<16xf32>, vector<16xi32> -> vector<16xf32>
        %add3A_751 = arith.addf %add3A_747, %gather3A_750 : vector<16xf32>
        %swap3A_752 = arith.constant 1 : i32
        %swap3A_753 = arith.index_cast %swap3A_752 : i32 to index
        %swap3A_754 = arith.index_cast %mul3A_711 : i32 to index
        %swap3A_755 = tpu.vector_load %arg10[%swap3A_753, %swap3A_754] {strides = array<i32>} : memref<32x1536xf32, #tpu.memory_space<vmem>>, vector<1x16xf32>,
        %swap3A_756 = vector.shape_cast %swap3A_755 : vector<1x16xf32> to vector<16xf32>
        %swap3A_757 = vector.shape_cast %add3A_751 : vector<16xf32> to vector<1x16xf32>
        tpu.vector_store %arg10[%swap3A_753, %swap3A_754], %swap3A_757 {strides = array<i32>} : memref<32x1536xf32, #tpu.memory_space<vmem>>, vector<1x16xf32>,
        %broadcast_in_dim3A_758 = vector.shape_cast %get3A_716 : vector<16xi32> to vector<16x1xi32>
        %gather3A_759 = vector.shape_cast %broadcast_in_dim3A_758 : vector<16x1xi32> to vector<16xi32>
        %gather3A_760 = tpu.dynamic_gather %get3A_401[%gather3A_759] in [0] : vector<16xf32>, vector<16xi32> -> vector<16xf32>
        %broadcast_in_dim3A_761 = vector.shape_cast %get3A_721 : vector<16xi32> to vector<16x1xi32>
        %gather3A_762 = vector.shape_cast %broadcast_in_dim3A_761 : vector<16x1xi32> to vector<16xi32>
        %gather3A_763 = tpu.dynamic_gather %get3A_449[%gather3A_762] in [0] : vector<16xf32>, vector<16xi32> -> vector<16xf32>
        %add3A_764 = arith.addf %gather3A_760, %gather3A_763 : vector<16xf32>
        %broadcast_in_dim3A_765 = vector.shape_cast %get3A_726 : vector<16xi32> to vector<16x1xi32>
        %gather3A_766 = vector.shape_cast %broadcast_in_dim3A_765 : vector<16x1xi32> to vector<16xi32>
        %gather3A_767 = tpu.dynamic_gather %get3A_497[%gather3A_766] in [0] : vector<16xf32>, vector<16xi32> -> vector<16xf32>
        %add3A_768 = arith.addf %add3A_764, %gather3A_767 : vector<16xf32>
        %swap3A_769 = arith.constant 2 : i32
        %swap3A_770 = arith.index_cast %swap3A_769 : i32 to index
        %swap3A_771 = arith.index_cast %mul3A_711 : i32 to index
        %swap3A_772 = tpu.vector_load %arg10[%swap3A_770, %swap3A_771] {strides = array<i32>} : memref<32x1536xf32, #tpu.memory_space<vmem>>, vector<1x16xf32>,
        %swap3A_773 = vector.shape_cast %swap3A_772 : vector<1x16xf32> to vector<16xf32>
        %swap3A_774 = vector.shape_cast %add3A_768 : vector<16xf32> to vector<1x16xf32>
        tpu.vector_store %arg10[%swap3A_770, %swap3A_771], %swap3A_774 {strides = array<i32>} : memref<32x1536xf32, #tpu.memory_space<vmem>>, vector<1x16xf32>,
        %broadcast_in_dim3A_775 = vector.shape_cast %get3A_716 : vector<16xi32> to vector<16x1xi32>
        %gather3A_776 = vector.shape_cast %broadcast_in_dim3A_775 : vector<16x1xi32> to vector<16xi32>
        %gather3A_777 = tpu.dynamic_gather %get3A_404[%gather3A_776] in [0] : vector<16xf32>, vector<16xi32> -> vector<16xf32>
        %broadcast_in_dim3A_778 = vector.shape_cast %get3A_721 : vector<16xi32> to vector<16x1xi32>
        %gather3A_779 = vector.shape_cast %broadcast_in_dim3A_778 : vector<16x1xi32> to vector<16xi32>
        %gather3A_780 = tpu.dynamic_gather %get3A_452[%gather3A_779] in [0] : vector<16xf32>, vector<16xi32> -> vector<16xf32>
        %add3A_781 = arith.addf %gather3A_777, %gather3A_780 : vector<16xf32>
        %broadcast_in_dim3A_782 = vector.shape_cast %get3A_726 : vector<16xi32> to vector<16x1xi32>
        %gather3A_783 = vector.shape_cast %broadcast_in_dim3A_782 : vector<16x1xi32> to vector<16xi32>
        %gather3A_784 = tpu.dynamic_gather %get3A_500[%gather3A_783] in [0] : vector<16xf32>, vector<16xi32> -> vector<16xf32>
        %add3A_785 = arith.addf %add3A_781, %gather3A_784 : vector<16xf32>
        %swap3A_786 = arith.constant 3 : i32
        %swap3A_787 = arith.index_cast %swap3A_786 : i32 to index
        %swap3A_788 = arith.index_cast %mul3A_711 : i32 to index
        %swap3A_789 = tpu.vector_load %arg10[%swap3A_787, %swap3A_788] {strides = array<i32>} : memref<32x1536xf32, #tpu.memory_space<vmem>>, vector<1x16xf32>,
        %swap3A_790 = vector.shape_cast %swap3A_789 : vector<1x16xf32> to vector<16xf32>
        %swap3A_791 = vector.shape_cast %add3A_785 : vector<16xf32> to vector<1x16xf32>
        tpu.vector_store %arg10[%swap3A_787, %swap3A_788], %swap3A_791 {strides = array<i32>} : memref<32x1536xf32, #tpu.memory_space<vmem>>, vector<1x16xf32>,
        %broadcast_in_dim3A_792 = vector.shape_cast %get3A_716 : vector<16xi32> to vector<16x1xi32>
        %gather3A_793 = vector.shape_cast %broadcast_in_dim3A_792 : vector<16x1xi32> to vector<16xi32>
        %gather3A_794 = tpu.dynamic_gather %get3A_407[%gather3A_793] in [0] : vector<16xf32>, vector<16xi32> -> vector<16xf32>
        %broadcast_in_dim3A_795 = vector.shape_cast %get3A_721 : vector<16xi32> to vector<16x1xi32>
        %gather3A_796 = vector.shape_cast %broadcast_in_dim3A_795 : vector<16x1xi32> to vector<16xi32>
        %gather3A_797 = tpu.dynamic_gather %get3A_455[%gather3A_796] in [0] : vector<16xf32>, vector<16xi32> -> vector<16xf32>
        %add3A_798 = arith.addf %gather3A_794, %gather3A_797 : vector<16xf32>
        %broadcast_in_dim3A_799 = vector.shape_cast %get3A_726 : vector<16xi32> to vector<16x1xi32>
        %gather3A_800 = vector.shape_cast %broadcast_in_dim3A_799 : vector<16x1xi32> to vector<16xi32>
        %gather3A_801 = tpu.dynamic_gather %get3A_503[%gather3A_800] in [0] : vector<16xf32>, vector<16xi32> -> vector<16xf32>
        %add3A_802 = arith.addf %add3A_798, %gather3A_801 : vector<16xf32>
        %swap3A_803 = arith.constant 4 : i32
        %swap3A_804 = arith.index_cast %swap3A_803 : i32 to index
        %swap3A_805 = arith.index_cast %mul3A_711 : i32 to index
        %swap3A_806 = tpu.vector_load %arg10[%swap3A_804, %swap3A_805] {strides = array<i32>} : memref<32x1536xf32, #tpu.memory_space<vmem>>, vector<1x16xf32>,
        %swap3A_807 = vector.shape_cast %swap3A_806 : vector<1x16xf32> to vector<16xf32>
        %swap3A_808 = vector.shape_cast %add3A_802 : vector<16xf32> to vector<1x16xf32>
        tpu.vector_store %arg10[%swap3A_804, %swap3A_805], %swap3A_808 {strides = array<i32>} : memref<32x1536xf32, #tpu.memory_space<vmem>>, vector<1x16xf32>,
        %broadcast_in_dim3A_809 = vector.shape_cast %get3A_716 : vector<16xi32> to vector<16x1xi32>
        %gather3A_810 = vector.shape_cast %broadcast_in_dim3A_809 : vector<16x1xi32> to vector<16xi32>
        %gather3A_811 = tpu.dynamic_gather %get3A_410[%gather3A_810] in [0] : vector<16xf32>, vector<16xi32> -> vector<16xf32>
        %broadcast_in_dim3A_812 = vector.shape_cast %get3A_721 : vector<16xi32> to vector<16x1xi32>
        %gather3A_813 = vector.shape_cast %broadcast_in_dim3A_812 : vector<16x1xi32> to vector<16xi32>
        %gather3A_814 = tpu.dynamic_gather %get3A_458[%gather3A_813] in [0] : vector<16xf32>, vector<16xi32> -> vector<16xf32>
        %add3A_815 = arith.addf %gather3A_811, %gather3A_814 : vector<16xf32>
        %broadcast_in_dim3A_816 = vector.shape_cast %get3A_726 : vector<16xi32> to vector<16x1xi32>
        %gather3A_817 = vector.shape_cast %broadcast_in_dim3A_816 : vector<16x1xi32> to vector<16xi32>
        %gather3A_818 = tpu.dynamic_gather %get3A_506[%gather3A_817] in [0] : vector<16xf32>, vector<16xi32> -> vector<16xf32>
        %add3A_819 = arith.addf %add3A_815, %gather3A_818 : vector<16xf32>
        %swap3A_820 = arith.constant 5 : i32
        %swap3A_821 = arith.index_cast %swap3A_820 : i32 to index
        %swap3A_822 = arith.index_cast %mul3A_711 : i32 to index
        %swap3A_823 = tpu.vector_load %arg10[%swap3A_821, %swap3A_822] {strides = array<i32>} : memref<32x1536xf32, #tpu.memory_space<vmem>>, vector<1x16xf32>,
        %swap3A_824 = vector.shape_cast %swap3A_823 : vector<1x16xf32> to vector<16xf32>
        %swap3A_825 = vector.shape_cast %add3A_819 : vector<16xf32> to vector<1x16xf32>
        tpu.vector_store %arg10[%swap3A_821, %swap3A_822], %swap3A_825 {strides = array<i32>} : memref<32x1536xf32, #tpu.memory_space<vmem>>, vector<1x16xf32>,
        %broadcast_in_dim3A_826 = vector.shape_cast %get3A_716 : vector<16xi32> to vector<16x1xi32>
        %gather3A_827 = vector.shape_cast %broadcast_in_dim3A_826 : vector<16x1xi32> to vector<16xi32>
        %gather3A_828 = tpu.dynamic_gather %get3A_413[%gather3A_827] in [0] : vector<16xf32>, vector<16xi32> -> vector<16xf32>
        %broadcast_in_dim3A_829 = vector.shape_cast %get3A_721 : vector<16xi32> to vector<16x1xi32>
        %gather3A_830 = vector.shape_cast %broadcast_in_dim3A_829 : vector<16x1xi32> to vector<16xi32>
        %gather3A_831 = tpu.dynamic_gather %get3A_461[%gather3A_830] in [0] : vector<16xf32>, vector<16xi32> -> vector<16xf32>
        %add3A_832 = arith.addf %gather3A_828, %gather3A_831 : vector<16xf32>
        %broadcast_in_dim3A_833 = vector.shape_cast %get3A_726 : vector<16xi32> to vector<16x1xi32>
        %gather3A_834 = vector.shape_cast %broadcast_in_dim3A_833 : vector<16x1xi32> to vector<16xi32>
        %gather3A_835 = tpu.dynamic_gather %get3A_509[%gather3A_834] in [0] : vector<16xf32>, vector<16xi32> -> vector<16xf32>
        %add3A_836 = arith.addf %add3A_832, %gather3A_835 : vector<16xf32>
        %swap3A_837 = arith.constant 6 : i32
        %swap3A_838 = arith.index_cast %swap3A_837 : i32 to index
        %swap3A_839 = arith.index_cast %mul3A_711 : i32 to index
        %swap3A_840 = tpu.vector_load %arg10[%swap3A_838, %swap3A_839] {strides = array<i32>} : memref<32x1536xf32, #tpu.memory_space<vmem>>, vector<1x16xf32>,
        %swap3A_841 = vector.shape_cast %swap3A_840 : vector<1x16xf32> to vector<16xf32>
        %swap3A_842 = vector.shape_cast %add3A_836 : vector<16xf32> to vector<1x16xf32>
        tpu.vector_store %arg10[%swap3A_838, %swap3A_839], %swap3A_842 {strides = array<i32>} : memref<32x1536xf32, #tpu.memory_space<vmem>>, vector<1x16xf32>,
        %broadcast_in_dim3A_843 = vector.shape_cast %get3A_716 : vector<16xi32> to vector<16x1xi32>
        %gather3A_844 = vector.shape_cast %broadcast_in_dim3A_843 : vector<16x1xi32> to vector<16xi32>
        %gather3A_845 = tpu.dynamic_gather %get3A_416[%gather3A_844] in [0] : vector<16xf32>, vector<16xi32> -> vector<16xf32>
        %broadcast_in_dim3A_846 = vector.shape_cast %get3A_721 : vector<16xi32> to vector<16x1xi32>
        %gather3A_847 = vector.shape_cast %broadcast_in_dim3A_846 : vector<16x1xi32> to vector<16xi32>
        %gather3A_848 = tpu.dynamic_gather %get3A_464[%gather3A_847] in [0] : vector<16xf32>, vector<16xi32> -> vector<16xf32>
        %add3A_849 = arith.addf %gather3A_845, %gather3A_848 : vector<16xf32>
        %broadcast_in_dim3A_850 = vector.shape_cast %get3A_726 : vector<16xi32> to vector<16x1xi32>
        %gather3A_851 = vector.shape_cast %broadcast_in_dim3A_850 : vector<16x1xi32> to vector<16xi32>
        %gather3A_852 = tpu.dynamic_gather %get3A_512[%gather3A_851] in [0] : vector<16xf32>, vector<16xi32> -> vector<16xf32>
        %add3A_853 = arith.addf %add3A_849, %gather3A_852 : vector<16xf32>
        %swap3A_854 = arith.constant 7 : i32
        %swap3A_855 = arith.index_cast %swap3A_854 : i32 to index
        %swap3A_856 = arith.index_cast %mul3A_711 : i32 to index
        %swap3A_857 = tpu.vector_load %arg10[%swap3A_855, %swap3A_856] {strides = array<i32>} : memref<32x1536xf32, #tpu.memory_space<vmem>>, vector<1x16xf32>,
        %swap3A_858 = vector.shape_cast %swap3A_857 : vector<1x16xf32> to vector<16xf32>
        %swap3A_859 = vector.shape_cast %add3A_853 : vector<16xf32> to vector<1x16xf32>
        tpu.vector_store %arg10[%swap3A_855, %swap3A_856], %swap3A_859 {strides = array<i32>} : memref<32x1536xf32, #tpu.memory_space<vmem>>, vector<1x16xf32>,
        %broadcast_in_dim3A_860 = vector.shape_cast %get3A_716 : vector<16xi32> to vector<16x1xi32>
        %gather3A_861 = vector.shape_cast %broadcast_in_dim3A_860 : vector<16x1xi32> to vector<16xi32>
        %gather3A_862 = tpu.dynamic_gather %get3A_419[%gather3A_861] in [0] : vector<16xf32>, vector<16xi32> -> vector<16xf32>
        %broadcast_in_dim3A_863 = vector.shape_cast %get3A_721 : vector<16xi32> to vector<16x1xi32>
        %gather3A_864 = vector.shape_cast %broadcast_in_dim3A_863 : vector<16x1xi32> to vector<16xi32>
        %gather3A_865 = tpu.dynamic_gather %get3A_467[%gather3A_864] in [0] : vector<16xf32>, vector<16xi32> -> vector<16xf32>
        %add3A_866 = arith.addf %gather3A_862, %gather3A_865 : vector<16xf32>
        %broadcast_in_dim3A_867 = vector.shape_cast %get3A_726 : vector<16xi32> to vector<16x1xi32>
        %gather3A_868 = vector.shape_cast %broadcast_in_dim3A_867 : vector<16x1xi32> to vector<16xi32>
        %gather3A_869 = tpu.dynamic_gather %get3A_515[%gather3A_868] in [0] : vector<16xf32>, vector<16xi32> -> vector<16xf32>
        %add3A_870 = arith.addf %add3A_866, %gather3A_869 : vector<16xf32>
        %swap3A_871 = arith.constant 8 : i32
        %swap3A_872 = arith.index_cast %swap3A_871 : i32 to index
        %swap3A_873 = arith.index_cast %mul3A_711 : i32 to index
        %swap3A_874 = tpu.vector_load %arg10[%swap3A_872, %swap3A_873] {strides = array<i32>} : memref<32x1536xf32, #tpu.memory_space<vmem>>, vector<1x16xf32>,
        %swap3A_875 = vector.shape_cast %swap3A_874 : vector<1x16xf32> to vector<16xf32>
        %swap3A_876 = vector.shape_cast %add3A_870 : vector<16xf32> to vector<1x16xf32>
        tpu.vector_store %arg10[%swap3A_872, %swap3A_873], %swap3A_876 {strides = array<i32>} : memref<32x1536xf32, #tpu.memory_space<vmem>>, vector<1x16xf32>,
        %broadcast_in_dim3A_877 = vector.shape_cast %get3A_716 : vector<16xi32> to vector<16x1xi32>
        %gather3A_878 = vector.shape_cast %broadcast_in_dim3A_877 : vector<16x1xi32> to vector<16xi32>
        %gather3A_879 = tpu.dynamic_gather %get3A_422[%gather3A_878] in [0] : vector<16xf32>, vector<16xi32> -> vector<16xf32>
        %broadcast_in_dim3A_880 = vector.shape_cast %get3A_721 : vector<16xi32> to vector<16x1xi32>
        %gather3A_881 = vector.shape_cast %broadcast_in_dim3A_880 : vector<16x1xi32> to vector<16xi32>
        %gather3A_882 = tpu.dynamic_gather %get3A_470[%gather3A_881] in [0] : vector<16xf32>, vector<16xi32> -> vector<16xf32>
        %add3A_883 = arith.addf %gather3A_879, %gather3A_882 : vector<16xf32>
        %broadcast_in_dim3A_884 = vector.shape_cast %get3A_726 : vector<16xi32> to vector<16x1xi32>
        %gather3A_885 = vector.shape_cast %broadcast_in_dim3A_884 : vector<16x1xi32> to vector<16xi32>
        %gather3A_886 = tpu.dynamic_gather %get3A_518[%gather3A_885] in [0] : vector<16xf32>, vector<16xi32> -> vector<16xf32>
        %add3A_887 = arith.addf %add3A_883, %gather3A_886 : vector<16xf32>
        %swap3A_888 = arith.constant 9 : i32
        %swap3A_889 = arith.index_cast %swap3A_888 : i32 to index
        %swap3A_890 = arith.index_cast %mul3A_711 : i32 to index
        %swap3A_891 = tpu.vector_load %arg10[%swap3A_889, %swap3A_890] {strides = array<i32>} : memref<32x1536xf32, #tpu.memory_space<vmem>>, vector<1x16xf32>,
        %swap3A_892 = vector.shape_cast %swap3A_891 : vector<1x16xf32> to vector<16xf32>
        %swap3A_893 = vector.shape_cast %add3A_887 : vector<16xf32> to vector<1x16xf32>
        tpu.vector_store %arg10[%swap3A_889, %swap3A_890], %swap3A_893 {strides = array<i32>} : memref<32x1536xf32, #tpu.memory_space<vmem>>, vector<1x16xf32>,
        %broadcast_in_dim3A_894 = vector.shape_cast %get3A_716 : vector<16xi32> to vector<16x1xi32>
        %gather3A_895 = vector.shape_cast %broadcast_in_dim3A_894 : vector<16x1xi32> to vector<16xi32>
        %gather3A_896 = tpu.dynamic_gather %get3A_425[%gather3A_895] in [0] : vector<16xf32>, vector<16xi32> -> vector<16xf32>
        %broadcast_in_dim3A_897 = vector.shape_cast %get3A_721 : vector<16xi32> to vector<16x1xi32>
        %gather3A_898 = vector.shape_cast %broadcast_in_dim3A_897 : vector<16x1xi32> to vector<16xi32>
        %gather3A_899 = tpu.dynamic_gather %get3A_473[%gather3A_898] in [0] : vector<16xf32>, vector<16xi32> -> vector<16xf32>
        %add3A_900 = arith.addf %gather3A_896, %gather3A_899 : vector<16xf32>
        %broadcast_in_dim3A_901 = vector.shape_cast %get3A_726 : vector<16xi32> to vector<16x1xi32>
        %gather3A_902 = vector.shape_cast %broadcast_in_dim3A_901 : vector<16x1xi32> to vector<16xi32>
        %gather3A_903 = tpu.dynamic_gather %get3A_521[%gather3A_902] in [0] : vector<16xf32>, vector<16xi32> -> vector<16xf32>
        %add3A_904 = arith.addf %add3A_900, %gather3A_903 : vector<16xf32>
        %swap3A_905 = arith.constant 10 : i32
        %swap3A_906 = arith.index_cast %swap3A_905 : i32 to index
        %swap3A_907 = arith.index_cast %mul3A_711 : i32 to index
        %swap3A_908 = tpu.vector_load %arg10[%swap3A_906, %swap3A_907] {strides = array<i32>} : memref<32x1536xf32, #tpu.memory_space<vmem>>, vector<1x16xf32>,
        %swap3A_909 = vector.shape_cast %swap3A_908 : vector<1x16xf32> to vector<16xf32>
        %swap3A_910 = vector.shape_cast %add3A_904 : vector<16xf32> to vector<1x16xf32>
        tpu.vector_store %arg10[%swap3A_906, %swap3A_907], %swap3A_910 {strides = array<i32>} : memref<32x1536xf32, #tpu.memory_space<vmem>>, vector<1x16xf32>,
        %broadcast_in_dim3A_911 = vector.shape_cast %get3A_716 : vector<16xi32> to vector<16x1xi32>
        %gather3A_912 = vector.shape_cast %broadcast_in_dim3A_911 : vector<16x1xi32> to vector<16xi32>
        %gather3A_913 = tpu.dynamic_gather %get3A_428[%gather3A_912] in [0] : vector<16xf32>, vector<16xi32> -> vector<16xf32>
        %broadcast_in_dim3A_914 = vector.shape_cast %get3A_721 : vector<16xi32> to vector<16x1xi32>
        %gather3A_915 = vector.shape_cast %broadcast_in_dim3A_914 : vector<16x1xi32> to vector<16xi32>
        %gather3A_916 = tpu.dynamic_gather %get3A_476[%gather3A_915] in [0] : vector<16xf32>, vector<16xi32> -> vector<16xf32>
        %add3A_917 = arith.addf %gather3A_913, %gather3A_916 : vector<16xf32>
        %broadcast_in_dim3A_918 = vector.shape_cast %get3A_726 : vector<16xi32> to vector<16x1xi32>
        %gather3A_919 = vector.shape_cast %broadcast_in_dim3A_918 : vector<16x1xi32> to vector<16xi32>
        %gather3A_920 = tpu.dynamic_gather %get3A_524[%gather3A_919] in [0] : vector<16xf32>, vector<16xi32> -> vector<16xf32>
        %add3A_921 = arith.addf %add3A_917, %gather3A_920 : vector<16xf32>
        %swap3A_922 = arith.constant 11 : i32
        %swap3A_923 = arith.index_cast %swap3A_922 : i32 to index
        %swap3A_924 = arith.index_cast %mul3A_711 : i32 to index
        %swap3A_925 = tpu.vector_load %arg10[%swap3A_923, %swap3A_924] {strides = array<i32>} : memref<32x1536xf32, #tpu.memory_space<vmem>>, vector<1x16xf32>,
        %swap3A_926 = vector.shape_cast %swap3A_925 : vector<1x16xf32> to vector<16xf32>
        %swap3A_927 = vector.shape_cast %add3A_921 : vector<16xf32> to vector<1x16xf32>
        tpu.vector_store %arg10[%swap3A_923, %swap3A_924], %swap3A_927 {strides = array<i32>} : memref<32x1536xf32, #tpu.memory_space<vmem>>, vector<1x16xf32>,
        %broadcast_in_dim3A_928 = vector.shape_cast %get3A_716 : vector<16xi32> to vector<16x1xi32>
        %gather3A_929 = vector.shape_cast %broadcast_in_dim3A_928 : vector<16x1xi32> to vector<16xi32>
        %gather3A_930 = tpu.dynamic_gather %get3A_431[%gather3A_929] in [0] : vector<16xf32>, vector<16xi32> -> vector<16xf32>
        %broadcast_in_dim3A_931 = vector.shape_cast %get3A_721 : vector<16xi32> to vector<16x1xi32>
        %gather3A_932 = vector.shape_cast %broadcast_in_dim3A_931 : vector<16x1xi32> to vector<16xi32>
        %gather3A_933 = tpu.dynamic_gather %get3A_479[%gather3A_932] in [0] : vector<16xf32>, vector<16xi32> -> vector<16xf32>
        %add3A_934 = arith.addf %gather3A_930, %gather3A_933 : vector<16xf32>
        %broadcast_in_dim3A_935 = vector.shape_cast %get3A_726 : vector<16xi32> to vector<16x1xi32>
        %gather3A_936 = vector.shape_cast %broadcast_in_dim3A_935 : vector<16x1xi32> to vector<16xi32>
        %gather3A_937 = tpu.dynamic_gather %get3A_527[%gather3A_936] in [0] : vector<16xf32>, vector<16xi32> -> vector<16xf32>
        %add3A_938 = arith.addf %add3A_934, %gather3A_937 : vector<16xf32>
        %swap3A_939 = arith.constant 12 : i32
        %swap3A_940 = arith.index_cast %swap3A_939 : i32 to index
        %swap3A_941 = arith.index_cast %mul3A_711 : i32 to index
        %swap3A_942 = tpu.vector_load %arg10[%swap3A_940, %swap3A_941] {strides = array<i32>} : memref<32x1536xf32, #tpu.memory_space<vmem>>, vector<1x16xf32>,
        %swap3A_943 = vector.shape_cast %swap3A_942 : vector<1x16xf32> to vector<16xf32>
        %swap3A_944 = vector.shape_cast %add3A_938 : vector<16xf32> to vector<1x16xf32>
        tpu.vector_store %arg10[%swap3A_940, %swap3A_941], %swap3A_944 {strides = array<i32>} : memref<32x1536xf32, #tpu.memory_space<vmem>>, vector<1x16xf32>,
        %broadcast_in_dim3A_945 = vector.shape_cast %get3A_716 : vector<16xi32> to vector<16x1xi32>
        %gather3A_946 = vector.shape_cast %broadcast_in_dim3A_945 : vector<16x1xi32> to vector<16xi32>
        %gather3A_947 = tpu.dynamic_gather %get3A_434[%gather3A_946] in [0] : vector<16xf32>, vector<16xi32> -> vector<16xf32>
        %broadcast_in_dim3A_948 = vector.shape_cast %get3A_721 : vector<16xi32> to vector<16x1xi32>
        %gather3A_949 = vector.shape_cast %broadcast_in_dim3A_948 : vector<16x1xi32> to vector<16xi32>
        %gather3A_950 = tpu.dynamic_gather %get3A_482[%gather3A_949] in [0] : vector<16xf32>, vector<16xi32> -> vector<16xf32>
        %add3A_951 = arith.addf %gather3A_947, %gather3A_950 : vector<16xf32>
        %broadcast_in_dim3A_952 = vector.shape_cast %get3A_726 : vector<16xi32> to vector<16x1xi32>
        %gather3A_953 = vector.shape_cast %broadcast_in_dim3A_952 : vector<16x1xi32> to vector<16xi32>
        %gather3A_954 = tpu.dynamic_gather %get3A_530[%gather3A_953] in [0] : vector<16xf32>, vector<16xi32> -> vector<16xf32>
        %add3A_955 = arith.addf %add3A_951, %gather3A_954 : vector<16xf32>
        %swap3A_956 = arith.constant 13 : i32
        %swap3A_957 = arith.index_cast %swap3A_956 : i32 to index
        %swap3A_958 = arith.index_cast %mul3A_711 : i32 to index
        %swap3A_959 = tpu.vector_load %arg10[%swap3A_957, %swap3A_958] {strides = array<i32>} : memref<32x1536xf32, #tpu.memory_space<vmem>>, vector<1x16xf32>,
        %swap3A_960 = vector.shape_cast %swap3A_959 : vector<1x16xf32> to vector<16xf32>
        %swap3A_961 = vector.shape_cast %add3A_955 : vector<16xf32> to vector<1x16xf32>
        tpu.vector_store %arg10[%swap3A_957, %swap3A_958], %swap3A_961 {strides = array<i32>} : memref<32x1536xf32, #tpu.memory_space<vmem>>, vector<1x16xf32>,
        %broadcast_in_dim3A_962 = vector.shape_cast %get3A_716 : vector<16xi32> to vector<16x1xi32>
        %gather3A_963 = vector.shape_cast %broadcast_in_dim3A_962 : vector<16x1xi32> to vector<16xi32>
        %gather3A_964 = tpu.dynamic_gather %get3A_437[%gather3A_963] in [0] : vector<16xf32>, vector<16xi32> -> vector<16xf32>
        %broadcast_in_dim3A_965 = vector.shape_cast %get3A_721 : vector<16xi32> to vector<16x1xi32>
        %gather3A_966 = vector.shape_cast %broadcast_in_dim3A_965 : vector<16x1xi32> to vector<16xi32>
        %gather3A_967 = tpu.dynamic_gather %get3A_485[%gather3A_966] in [0] : vector<16xf32>, vector<16xi32> -> vector<16xf32>
        %add3A_968 = arith.addf %gather3A_964, %gather3A_967 : vector<16xf32>
        %broadcast_in_dim3A_969 = vector.shape_cast %get3A_726 : vector<16xi32> to vector<16x1xi32>
        %gather3A_970 = vector.shape_cast %broadcast_in_dim3A_969 : vector<16x1xi32> to vector<16xi32>
        %gather3A_971 = tpu.dynamic_gather %get3A_533[%gather3A_970] in [0] : vector<16xf32>, vector<16xi32> -> vector<16xf32>
        %add3A_972 = arith.addf %add3A_968, %gather3A_971 : vector<16xf32>
        %swap3A_973 = arith.constant 14 : i32
        %swap3A_974 = arith.index_cast %swap3A_973 : i32 to index
        %swap3A_975 = arith.index_cast %mul3A_711 : i32 to index
        %swap3A_976 = tpu.vector_load %arg10[%swap3A_974, %swap3A_975] {strides = array<i32>} : memref<32x1536xf32, #tpu.memory_space<vmem>>, vector<1x16xf32>,
        %swap3A_977 = vector.shape_cast %swap3A_976 : vector<1x16xf32> to vector<16xf32>
        %swap3A_978 = vector.shape_cast %add3A_972 : vector<16xf32> to vector<1x16xf32>
        tpu.vector_store %arg10[%swap3A_974, %swap3A_975], %swap3A_978 {strides = array<i32>} : memref<32x1536xf32, #tpu.memory_space<vmem>>, vector<1x16xf32>,
        %broadcast_in_dim3A_979 = vector.shape_cast %get3A_716 : vector<16xi32> to vector<16x1xi32>
        %gather3A_980 = vector.shape_cast %broadcast_in_dim3A_979 : vector<16x1xi32> to vector<16xi32>
        %gather3A_981 = tpu.dynamic_gather %get3A_440[%gather3A_980] in [0] : vector<16xf32>, vector<16xi32> -> vector<16xf32>
        %broadcast_in_dim3A_982 = vector.shape_cast %get3A_721 : vector<16xi32> to vector<16x1xi32>
        %gather3A_983 = vector.shape_cast %broadcast_in_dim3A_982 : vector<16x1xi32> to vector<16xi32>
        %gather3A_984 = tpu.dynamic_gather %get3A_488[%gather3A_983] in [0] : vector<16xf32>, vector<16xi32> -> vector<16xf32>
        %add3A_985 = arith.addf %gather3A_981, %gather3A_984 : vector<16xf32>
        %broadcast_in_dim3A_986 = vector.shape_cast %get3A_726 : vector<16xi32> to vector<16x1xi32>
        %gather3A_987 = vector.shape_cast %broadcast_in_dim3A_986 : vector<16x1xi32> to vector<16xi32>
        %gather3A_988 = tpu.dynamic_gather %get3A_536[%gather3A_987] in [0] : vector<16xf32>, vector<16xi32> -> vector<16xf32>
        %add3A_989 = arith.addf %add3A_985, %gather3A_988 : vector<16xf32>
        %swap3A_990 = arith.constant 15 : i32
        %swap3A_991 = arith.index_cast %swap3A_990 : i32 to index
        %swap3A_992 = arith.index_cast %mul3A_711 : i32 to index
        %swap3A_993 = tpu.vector_load %arg10[%swap3A_991, %swap3A_992] {strides = array<i32>} : memref<32x1536xf32, #tpu.memory_space<vmem>>, vector<1x16xf32>,
        %swap3A_994 = vector.shape_cast %swap3A_993 : vector<1x16xf32> to vector<16xf32>
        %swap3A_995 = vector.shape_cast %add3A_989 : vector<16xf32> to vector<1x16xf32>
        tpu.vector_store %arg10[%swap3A_991, %swap3A_992], %swap3A_995 {strides = array<i32>} : memref<32x1536xf32, #tpu.memory_space<vmem>>, vector<1x16xf32>,
      }
      %scan3A_542 = arith.constant 96 : i32
      %get3A_543 = arith.constant 256 : index
      %get3A_544 = tpu.vector_load %arg11[%get3A_543] {strides = array<i32>} : memref<512xf32, #tpu.memory_space<vmem>>, vector<16xf32>,
      %get3A_545 = vector.shape_cast %get3A_544 : vector<16xf32> to vector<16xf32>
      %get3A_546 = arith.constant 272 : index
      %get3A_547 = tpu.vector_load %arg11[%get3A_546] {strides = array<i32>} : memref<512xf32, #tpu.memory_space<vmem>>, vector<16xf32>,
      %get3A_548 = vector.shape_cast %get3A_547 : vector<16xf32> to vector<16xf32>
      %get3A_549 = arith.constant 288 : index
      %get3A_550 = tpu.vector_load %arg11[%get3A_549] {strides = array<i32>} : memref<512xf32, #tpu.memory_space<vmem>>, vector<16xf32>,
      %get3A_551 = vector.shape_cast %get3A_550 : vector<16xf32> to vector<16xf32>
      %get3A_552 = arith.constant 304 : index
      %get3A_553 = tpu.vector_load %arg11[%get3A_552] {strides = array<i32>} : memref<512xf32, #tpu.memory_space<vmem>>, vector<16xf32>,
      %get3A_554 = vector.shape_cast %get3A_553 : vector<16xf32> to vector<16xf32>
      %get3A_555 = arith.constant 320 : index
      %get3A_556 = tpu.vector_load %arg11[%get3A_555] {strides = array<i32>} : memref<512xf32, #tpu.memory_space<vmem>>, vector<16xf32>,
      %get3A_557 = vector.shape_cast %get3A_556 : vector<16xf32> to vector<16xf32>
      %get3A_558 = arith.constant 336 : index
      %get3A_559 = tpu.vector_load %arg11[%get3A_558] {strides = array<i32>} : memref<512xf32, #tpu.memory_space<vmem>>, vector<16xf32>,
      %get3A_560 = vector.shape_cast %get3A_559 : vector<16xf32> to vector<16xf32>
      %get3A_561 = arith.constant 352 : index
      %get3A_562 = tpu.vector_load %arg11[%get3A_561] {strides = array<i32>} : memref<512xf32, #tpu.memory_space<vmem>>, vector<16xf32>,
      %get3A_563 = vector.shape_cast %get3A_562 : vector<16xf32> to vector<16xf32>
      %get3A_564 = arith.constant 368 : index
      %get3A_565 = tpu.vector_load %arg11[%get3A_564] {strides = array<i32>} : memref<512xf32, #tpu.memory_space<vmem>>, vector<16xf32>,
      %get3A_566 = vector.shape_cast %get3A_565 : vector<16xf32> to vector<16xf32>
      %get3A_567 = arith.constant 384 : index
      %get3A_568 = tpu.vector_load %arg11[%get3A_567] {strides = array<i32>} : memref<512xf32, #tpu.memory_space<vmem>>, vector<16xf32>,
      %get3A_569 = vector.shape_cast %get3A_568 : vector<16xf32> to vector<16xf32>
      %get3A_570 = arith.constant 400 : index
      %get3A_571 = tpu.vector_load %arg11[%get3A_570] {strides = array<i32>} : memref<512xf32, #tpu.memory_space<vmem>>, vector<16xf32>,
      %get3A_572 = vector.shape_cast %get3A_571 : vector<16xf32> to vector<16xf32>
      %get3A_573 = arith.constant 416 : index
      %get3A_574 = tpu.vector_load %arg11[%get3A_573] {strides = array<i32>} : memref<512xf32, #tpu.memory_space<vmem>>, vector<16xf32>,
      %get3A_575 = vector.shape_cast %get3A_574 : vector<16xf32> to vector<16xf32>
      %get3A_576 = arith.constant 432 : index
      %get3A_577 = tpu.vector_load %arg11[%get3A_576] {strides = array<i32>} : memref<512xf32, #tpu.memory_space<vmem>>, vector<16xf32>,
      %get3A_578 = vector.shape_cast %get3A_577 : vector<16xf32> to vector<16xf32>
      %get3A_579 = arith.constant 448 : index
      %get3A_580 = tpu.vector_load %arg11[%get3A_579] {strides = array<i32>} : memref<512xf32, #tpu.memory_space<vmem>>, vector<16xf32>,
      %get3A_581 = vector.shape_cast %get3A_580 : vector<16xf32> to vector<16xf32>
      %get3A_582 = arith.constant 464 : index
      %get3A_583 = tpu.vector_load %arg11[%get3A_582] {strides = array<i32>} : memref<512xf32, #tpu.memory_space<vmem>>, vector<16xf32>,
      %get3A_584 = vector.shape_cast %get3A_583 : vector<16xf32> to vector<16xf32>
      %get3A_585 = arith.constant 480 : index
      %get3A_586 = tpu.vector_load %arg11[%get3A_585] {strides = array<i32>} : memref<512xf32, #tpu.memory_space<vmem>>, vector<16xf32>,
      %get3A_587 = vector.shape_cast %get3A_586 : vector<16xf32> to vector<16xf32>
      %get3A_588 = arith.constant 496 : index
      %get3A_589 = tpu.vector_load %arg11[%get3A_588] {strides = array<i32>} : memref<512xf32, #tpu.memory_space<vmem>>, vector<16xf32>,
      %get3A_590 = vector.shape_cast %get3A_589 : vector<16xf32> to vector<16xf32>
      %get3A_591 = arith.constant 256 : index
      %get3A_592 = tpu.vector_load %arg12[%get3A_591] {strides = array<i32>} : memref<512xf32, #tpu.memory_space<vmem>>, vector<16xf32>,
      %get3A_593 = vector.shape_cast %get3A_592 : vector<16xf32> to vector<16xf32>
      %get3A_594 = arith.constant 272 : index
      %get3A_595 = tpu.vector_load %arg12[%get3A_594] {strides = array<i32>} : memref<512xf32, #tpu.memory_space<vmem>>, vector<16xf32>,
      %get3A_596 = vector.shape_cast %get3A_595 : vector<16xf32> to vector<16xf32>
      %get3A_597 = arith.constant 288 : index
      %get3A_598 = tpu.vector_load %arg12[%get3A_597] {strides = array<i32>} : memref<512xf32, #tpu.memory_space<vmem>>, vector<16xf32>,
      %get3A_599 = vector.shape_cast %get3A_598 : vector<16xf32> to vector<16xf32>
      %get3A_600 = arith.constant 304 : index
      %get3A_601 = tpu.vector_load %arg12[%get3A_600] {strides = array<i32>} : memref<512xf32, #tpu.memory_space<vmem>>, vector<16xf32>,
      %get3A_602 = vector.shape_cast %get3A_601 : vector<16xf32> to vector<16xf32>
      %get3A_603 = arith.constant 320 : index
      %get3A_604 = tpu.vector_load %arg12[%get3A_603] {strides = array<i32>} : memref<512xf32, #tpu.memory_space<vmem>>, vector<16xf32>,
      %get3A_605 = vector.shape_cast %get3A_604 : vector<16xf32> to vector<16xf32>
      %get3A_606 = arith.constant 336 : index
      %get3A_607 = tpu.vector_load %arg12[%get3A_606] {strides = array<i32>} : memref<512xf32, #tpu.memory_space<vmem>>, vector<16xf32>,
      %get3A_608 = vector.shape_cast %get3A_607 : vector<16xf32> to vector<16xf32>
      %get3A_609 = arith.constant 352 : index
      %get3A_610 = tpu.vector_load %arg12[%get3A_609] {strides = array<i32>} : memref<512xf32, #tpu.memory_space<vmem>>, vector<16xf32>,
      %get3A_611 = vector.shape_cast %get3A_610 : vector<16xf32> to vector<16xf32>
      %get3A_612 = arith.constant 368 : index
      %get3A_613 = tpu.vector_load %arg12[%get3A_612] {strides = array<i32>} : memref<512xf32, #tpu.memory_space<vmem>>, vector<16xf32>,
      %get3A_614 = vector.shape_cast %get3A_613 : vector<16xf32> to vector<16xf32>
      %get3A_615 = arith.constant 384 : index
      %get3A_616 = tpu.vector_load %arg12[%get3A_615] {strides = array<i32>} : memref<512xf32, #tpu.memory_space<vmem>>, vector<16xf32>,
      %get3A_617 = vector.shape_cast %get3A_616 : vector<16xf32> to vector<16xf32>
      %get3A_618 = arith.constant 400 : index
      %get3A_619 = tpu.vector_load %arg12[%get3A_618] {strides = array<i32>} : memref<512xf32, #tpu.memory_space<vmem>>, vector<16xf32>,
      %get3A_620 = vector.shape_cast %get3A_619 : vector<16xf32> to vector<16xf32>
      %get3A_621 = arith.constant 416 : index
      %get3A_622 = tpu.vector_load %arg12[%get3A_621] {strides = array<i32>} : memref<512xf32, #tpu.memory_space<vmem>>, vector<16xf32>,
      %get3A_623 = vector.shape_cast %get3A_622 : vector<16xf32> to vector<16xf32>
      %get3A_624 = arith.constant 432 : index
      %get3A_625 = tpu.vector_load %arg12[%get3A_624] {strides = array<i32>} : memref<512xf32, #tpu.memory_space<vmem>>, vector<16xf32>,
      %get3A_626 = vector.shape_cast %get3A_625 : vector<16xf32> to vector<16xf32>
      %get3A_627 = arith.constant 448 : index
      %get3A_628 = tpu.vector_load %arg12[%get3A_627] {strides = array<i32>} : memref<512xf32, #tpu.memory_space<vmem>>, vector<16xf32>,
      %get3A_629 = vector.shape_cast %get3A_628 : vector<16xf32> to vector<16xf32>
      %get3A_630 = arith.constant 464 : index
      %get3A_631 = tpu.vector_load %arg12[%get3A_630] {strides = array<i32>} : memref<512xf32, #tpu.memory_space<vmem>>, vector<16xf32>,
      %get3A_632 = vector.shape_cast %get3A_631 : vector<16xf32> to vector<16xf32>
      %get3A_633 = arith.constant 480 : index
      %get3A_634 = tpu.vector_load %arg12[%get3A_633] {strides = array<i32>} : memref<512xf32, #tpu.memory_space<vmem>>, vector<16xf32>,
      %get3A_635 = vector.shape_cast %get3A_634 : vector<16xf32> to vector<16xf32>
      %get3A_636 = arith.constant 496 : index
      %get3A_637 = tpu.vector_load %arg12[%get3A_636] {strides = array<i32>} : memref<512xf32, #tpu.memory_space<vmem>>, vector<16xf32>,
      %get3A_638 = vector.shape_cast %get3A_637 : vector<16xf32> to vector<16xf32>
      %get3A_639 = arith.constant 256 : index
      %get3A_640 = tpu.vector_load %arg13[%get3A_639] {strides = array<i32>} : memref<512xf32, #tpu.memory_space<vmem>>, vector<16xf32>,
      %get3A_641 = vector.shape_cast %get3A_640 : vector<16xf32> to vector<16xf32>
      %get3A_642 = arith.constant 272 : index
      %get3A_643 = tpu.vector_load %arg13[%get3A_642] {strides = array<i32>} : memref<512xf32, #tpu.memory_space<vmem>>, vector<16xf32>,
      %get3A_644 = vector.shape_cast %get3A_643 : vector<16xf32> to vector<16xf32>
      %get3A_645 = arith.constant 288 : index
      %get3A_646 = tpu.vector_load %arg13[%get3A_645] {strides = array<i32>} : memref<512xf32, #tpu.memory_space<vmem>>, vector<16xf32>,
      %get3A_647 = vector.shape_cast %get3A_646 : vector<16xf32> to vector<16xf32>
      %get3A_648 = arith.constant 304 : index
      %get3A_649 = tpu.vector_load %arg13[%get3A_648] {strides = array<i32>} : memref<512xf32, #tpu.memory_space<vmem>>, vector<16xf32>,
      %get3A_650 = vector.shape_cast %get3A_649 : vector<16xf32> to vector<16xf32>
      %get3A_651 = arith.constant 320 : index
      %get3A_652 = tpu.vector_load %arg13[%get3A_651] {strides = array<i32>} : memref<512xf32, #tpu.memory_space<vmem>>, vector<16xf32>,
      %get3A_653 = vector.shape_cast %get3A_652 : vector<16xf32> to vector<16xf32>
      %get3A_654 = arith.constant 336 : index
      %get3A_655 = tpu.vector_load %arg13[%get3A_654] {strides = array<i32>} : memref<512xf32, #tpu.memory_space<vmem>>, vector<16xf32>,
      %get3A_656 = vector.shape_cast %get3A_655 : vector<16xf32> to vector<16xf32>
      %get3A_657 = arith.constant 352 : index
      %get3A_658 = tpu.vector_load %arg13[%get3A_657] {strides = array<i32>} : memref<512xf32, #tpu.memory_space<vmem>>, vector<16xf32>,
      %get3A_659 = vector.shape_cast %get3A_658 : vector<16xf32> to vector<16xf32>
      %get3A_660 = arith.constant 368 : index
      %get3A_661 = tpu.vector_load %arg13[%get3A_660] {strides = array<i32>} : memref<512xf32, #tpu.memory_space<vmem>>, vector<16xf32>,
      %get3A_662 = vector.shape_cast %get3A_661 : vector<16xf32> to vector<16xf32>
      %get3A_663 = arith.constant 384 : index
      %get3A_664 = tpu.vector_load %arg13[%get3A_663] {strides = array<i32>} : memref<512xf32, #tpu.memory_space<vmem>>, vector<16xf32>,
      %get3A_665 = vector.shape_cast %get3A_664 : vector<16xf32> to vector<16xf32>
      %get3A_666 = arith.constant 400 : index
      %get3A_667 = tpu.vector_load %arg13[%get3A_666] {strides = array<i32>} : memref<512xf32, #tpu.memory_space<vmem>>, vector<16xf32>,
      %get3A_668 = vector.shape_cast %get3A_667 : vector<16xf32> to vector<16xf32>
      %get3A_669 = arith.constant 416 : index
      %get3A_670 = tpu.vector_load %arg13[%get3A_669] {strides = array<i32>} : memref<512xf32, #tpu.memory_space<vmem>>, vector<16xf32>,
      %get3A_671 = vector.shape_cast %get3A_670 : vector<16xf32> to vector<16xf32>
      %get3A_672 = arith.constant 432 : index
      %get3A_673 = tpu.vector_load %arg13[%get3A_672] {strides = array<i32>} : memref<512xf32, #tpu.memory_space<vmem>>, vector<16xf32>,
      %get3A_674 = vector.shape_cast %get3A_673 : vector<16xf32> to vector<16xf32>
      %get3A_675 = arith.constant 448 : index
      %get3A_676 = tpu.vector_load %arg13[%get3A_675] {strides = array<i32>} : memref<512xf32, #tpu.memory_space<vmem>>, vector<16xf32>,
      %get3A_677 = vector.shape_cast %get3A_676 : vector<16xf32> to vector<16xf32>
      %get3A_678 = arith.constant 464 : index
      %get3A_679 = tpu.vector_load %arg13[%get3A_678] {strides = array<i32>} : memref<512xf32, #tpu.memory_space<vmem>>, vector<16xf32>,
      %get3A_680 = vector.shape_cast %get3A_679 : vector<16xf32> to vector<16xf32>
      %get3A_681 = arith.constant 480 : index
      %get3A_682 = tpu.vector_load %arg13[%get3A_681] {strides = array<i32>} : memref<512xf32, #tpu.memory_space<vmem>>, vector<16xf32>,
      %get3A_683 = vector.shape_cast %get3A_682 : vector<16xf32> to vector<16xf32>
      %get3A_684 = arith.constant 496 : index
      %get3A_685 = tpu.vector_load %arg13[%get3A_684] {strides = array<i32>} : memref<512xf32, #tpu.memory_space<vmem>>, vector<16xf32>,
      %get3A_686 = vector.shape_cast %get3A_685 : vector<16xf32> to vector<16xf32>
      %scan3A_687 = arith.constant 0 : i32
      %scan3A_688 = arith.constant 0 : i32
      %scan3A_689 = arith.constant 96 : i32
      %scan3A_690 = arith.addi %scan3A_688, %scan3A_689 : i32
      %scan3A_691 = arith.constant 1 : i32
      scf.for %scan3A_709 = %scan3A_688 to %scan3A_690 step %scan3A_691  : i32 {
        %mul3A_710 = arith.constant 16 : i32
        %mul3A_711 = arith.muli %scan3A_709, %mul3A_710 : i32
        %get3A_712 = arith.constant 0 : i32
        %get3A_713 = arith.index_cast %get3A_712 : i32 to index
        %get3A_714 = arith.index_cast %mul3A_711 : i32 to index
        %get3A_715 = tpu.vector_load %arg8[%get3A_713, %get3A_714] {strides = array<i32>} : memref<3x1536xi32, #tpu.memory_space<vmem>>, vector<1x16xi32>,
        %get3A_716 = vector.shape_cast %get3A_715 : vector<1x16xi32> to vector<16xi32>
        %get3A_717 = arith.constant 1 : i32
        %get3A_718 = arith.index_cast %get3A_717 : i32 to index
        %get3A_719 = arith.index_cast %mul3A_711 : i32 to index
        %get3A_720 = tpu.vector_load %arg8[%get3A_718, %get3A_719] {strides = array<i32>} : memref<3x1536xi32, #tpu.memory_space<vmem>>, vector<1x16xi32>,
        %get3A_721 = vector.shape_cast %get3A_720 : vector<1x16xi32> to vector<16xi32>
        %get3A_722 = arith.constant 2 : i32
        %get3A_723 = arith.index_cast %get3A_722 : i32 to index
        %get3A_724 = arith.index_cast %mul3A_711 : i32 to index
        %get3A_725 = tpu.vector_load %arg8[%get3A_723, %get3A_724] {strides = array<i32>} : memref<3x1536xi32, #tpu.memory_space<vmem>>, vector<1x16xi32>,
        %get3A_726 = vector.shape_cast %get3A_725 : vector<1x16xi32> to vector<16xi32>
        %broadcast_in_dim3A = vector.shape_cast %get3A_716 : vector<16xi32> to vector<16x1xi32>
        %gather3A = vector.shape_cast %broadcast_in_dim3A : vector<16x1xi32> to vector<16xi32>
        %gather3A_727 = tpu.dynamic_gather %get3A_545[%gather3A] in [0] : vector<16xf32>, vector<16xi32> -> vector<16xf32>
        %broadcast_in_dim3A_728 = vector.shape_cast %get3A_721 : vector<16xi32> to vector<16x1xi32>
        %gather3A_729 = vector.shape_cast %broadcast_in_dim3A_728 : vector<16x1xi32> to vector<16xi32>
        %gather3A_730 = tpu.dynamic_gather %get3A_593[%gather3A_729] in [0] : vector<16xf32>, vector<16xi32> -> vector<16xf32>
        %add3A_731 = arith.addf %gather3A_727, %gather3A_730 : vector<16xf32>
        %broadcast_in_dim3A_732 = vector.shape_cast %get3A_726 : vector<16xi32> to vector<16x1xi32>
        %gather3A_733 = vector.shape_cast %broadcast_in_dim3A_732 : vector<16x1xi32> to vector<16xi32>
        %gather3A_734 = tpu.dynamic_gather %get3A_641[%gather3A_733] in [0] : vector<16xf32>, vector<16xi32> -> vector<16xf32>
        %add3A_735 = arith.addf %add3A_731, %gather3A_734 : vector<16xf32>
        %swap3A = arith.constant 16 : i32
        %swap3A_736 = arith.index_cast %swap3A : i32 to index
        %swap3A_737 = arith.index_cast %mul3A_711 : i32 to index
        %swap3A_738 = tpu.vector_load %arg10[%swap3A_736, %swap3A_737] {strides = array<i32>} : memref<32x1536xf32, #tpu.memory_space<vmem>>, vector<1x16xf32>,
        %swap3A_739 = vector.shape_cast %swap3A_738 : vector<1x16xf32> to vector<16xf32>
        %swap3A_740 = vector.shape_cast %add3A_735 : vector<16xf32> to vector<1x16xf32>
        tpu.vector_store %arg10[%swap3A_736, %swap3A_737], %swap3A_740 {strides = array<i32>} : memref<32x1536xf32, #tpu.memory_space<vmem>>, vector<1x16xf32>,
        %broadcast_in_dim3A_741 = vector.shape_cast %get3A_716 : vector<16xi32> to vector<16x1xi32>
        %gather3A_742 = vector.shape_cast %broadcast_in_dim3A_741 : vector<16x1xi32> to vector<16xi32>
        %gather3A_743 = tpu.dynamic_gather %get3A_548[%gather3A_742] in [0] : vector<16xf32>, vector<16xi32> -> vector<16xf32>
        %broadcast_in_dim3A_744 = vector.shape_cast %get3A_721 : vector<16xi32> to vector<16x1xi32>
        %gather3A_745 = vector.shape_cast %broadcast_in_dim3A_744 : vector<16x1xi32> to vector<16xi32>
        %gather3A_746 = tpu.dynamic_gather %get3A_596[%gather3A_745] in [0] : vector<16xf32>, vector<16xi32> -> vector<16xf32>
        %add3A_747 = arith.addf %gather3A_743, %gather3A_746 : vector<16xf32>
        %broadcast_in_dim3A_748 = vector.shape_cast %get3A_726 : vector<16xi32> to vector<16x1xi32>
        %gather3A_749 = vector.shape_cast %broadcast_in_dim3A_748 : vector<16x1xi32> to vector<16xi32>
        %gather3A_750 = tpu.dynamic_gather %get3A_644[%gather3A_749] in [0] : vector<16xf32>, vector<16xi32> -> vector<16xf32>
        %add3A_751 = arith.addf %add3A_747, %gather3A_750 : vector<16xf32>
        %swap3A_752 = arith.constant 17 : i32
        %swap3A_753 = arith.index_cast %swap3A_752 : i32 to index
        %swap3A_754 = arith.index_cast %mul3A_711 : i32 to index
        %swap3A_755 = tpu.vector_load %arg10[%swap3A_753, %swap3A_754] {strides = array<i32>} : memref<32x1536xf32, #tpu.memory_space<vmem>>, vector<1x16xf32>,
        %swap3A_756 = vector.shape_cast %swap3A_755 : vector<1x16xf32> to vector<16xf32>
        %swap3A_757 = vector.shape_cast %add3A_751 : vector<16xf32> to vector<1x16xf32>
        tpu.vector_store %arg10[%swap3A_753, %swap3A_754], %swap3A_757 {strides = array<i32>} : memref<32x1536xf32, #tpu.memory_space<vmem>>, vector<1x16xf32>,
        %broadcast_in_dim3A_758 = vector.shape_cast %get3A_716 : vector<16xi32> to vector<16x1xi32>
        %gather3A_759 = vector.shape_cast %broadcast_in_dim3A_758 : vector<16x1xi32> to vector<16xi32>
        %gather3A_760 = tpu.dynamic_gather %get3A_551[%gather3A_759] in [0] : vector<16xf32>, vector<16xi32> -> vector<16xf32>
        %broadcast_in_dim3A_761 = vector.shape_cast %get3A_721 : vector<16xi32> to vector<16x1xi32>
        %gather3A_762 = vector.shape_cast %broadcast_in_dim3A_761 : vector<16x1xi32> to vector<16xi32>
        %gather3A_763 = tpu.dynamic_gather %get3A_599[%gather3A_762] in [0] : vector<16xf32>, vector<16xi32> -> vector<16xf32>
        %add3A_764 = arith.addf %gather3A_760, %gather3A_763 : vector<16xf32>
        %broadcast_in_dim3A_765 = vector.shape_cast %get3A_726 : vector<16xi32> to vector<16x1xi32>
        %gather3A_766 = vector.shape_cast %broadcast_in_dim3A_765 : vector<16x1xi32> to vector<16xi32>
        %gather3A_767 = tpu.dynamic_gather %get3A_647[%gather3A_766] in [0] : vector<16xf32>, vector<16xi32> -> vector<16xf32>
        %add3A_768 = arith.addf %add3A_764, %gather3A_767 : vector<16xf32>
        %swap3A_769 = arith.constant 18 : i32
        %swap3A_770 = arith.index_cast %swap3A_769 : i32 to index
        %swap3A_771 = arith.index_cast %mul3A_711 : i32 to index
        %swap3A_772 = tpu.vector_load %arg10[%swap3A_770, %swap3A_771] {strides = array<i32>} : memref<32x1536xf32, #tpu.memory_space<vmem>>, vector<1x16xf32>,
        %swap3A_773 = vector.shape_cast %swap3A_772 : vector<1x16xf32> to vector<16xf32>
        %swap3A_774 = vector.shape_cast %add3A_768 : vector<16xf32> to vector<1x16xf32>
        tpu.vector_store %arg10[%swap3A_770, %swap3A_771], %swap3A_774 {strides = array<i32>} : memref<32x1536xf32, #tpu.memory_space<vmem>>, vector<1x16xf32>,
        %broadcast_in_dim3A_775 = vector.shape_cast %get3A_716 : vector<16xi32> to vector<16x1xi32>
        %gather3A_776 = vector.shape_cast %broadcast_in_dim3A_775 : vector<16x1xi32> to vector<16xi32>
        %gather3A_777 = tpu.dynamic_gather %get3A_554[%gather3A_776] in [0] : vector<16xf32>, vector<16xi32> -> vector<16xf32>
        %broadcast_in_dim3A_778 = vector.shape_cast %get3A_721 : vector<16xi32> to vector<16x1xi32>
        %gather3A_779 = vector.shape_cast %broadcast_in_dim3A_778 : vector<16x1xi32> to vector<16xi32>
        %gather3A_780 = tpu.dynamic_gather %get3A_602[%gather3A_779] in [0] : vector<16xf32>, vector<16xi32> -> vector<16xf32>
        %add3A_781 = arith.addf %gather3A_777, %gather3A_780 : vector<16xf32>
        %broadcast_in_dim3A_782 = vector.shape_cast %get3A_726 : vector<16xi32> to vector<16x1xi32>
        %gather3A_783 = vector.shape_cast %broadcast_in_dim3A_782 : vector<16x1xi32> to vector<16xi32>
        %gather3A_784 = tpu.dynamic_gather %get3A_650[%gather3A_783] in [0] : vector<16xf32>, vector<16xi32> -> vector<16xf32>
        %add3A_785 = arith.addf %add3A_781, %gather3A_784 : vector<16xf32>
        %swap3A_786 = arith.constant 19 : i32
        %swap3A_787 = arith.index_cast %swap3A_786 : i32 to index
        %swap3A_788 = arith.index_cast %mul3A_711 : i32 to index
        %swap3A_789 = tpu.vector_load %arg10[%swap3A_787, %swap3A_788] {strides = array<i32>} : memref<32x1536xf32, #tpu.memory_space<vmem>>, vector<1x16xf32>,
        %swap3A_790 = vector.shape_cast %swap3A_789 : vector<1x16xf32> to vector<16xf32>
        %swap3A_791 = vector.shape_cast %add3A_785 : vector<16xf32> to vector<1x16xf32>
        tpu.vector_store %arg10[%swap3A_787, %swap3A_788], %swap3A_791 {strides = array<i32>} : memref<32x1536xf32, #tpu.memory_space<vmem>>, vector<1x16xf32>,
        %broadcast_in_dim3A_792 = vector.shape_cast %get3A_716 : vector<16xi32> to vector<16x1xi32>
        %gather3A_793 = vector.shape_cast %broadcast_in_dim3A_792 : vector<16x1xi32> to vector<16xi32>
        %gather3A_794 = tpu.dynamic_gather %get3A_557[%gather3A_793] in [0] : vector<16xf32>, vector<16xi32> -> vector<16xf32>
        %broadcast_in_dim3A_795 = vector.shape_cast %get3A_721 : vector<16xi32> to vector<16x1xi32>
        %gather3A_796 = vector.shape_cast %broadcast_in_dim3A_795 : vector<16x1xi32> to vector<16xi32>
        %gather3A_797 = tpu.dynamic_gather %get3A_605[%gather3A_796] in [0] : vector<16xf32>, vector<16xi32> -> vector<16xf32>
        %add3A_798 = arith.addf %gather3A_794, %gather3A_797 : vector<16xf32>
        %broadcast_in_dim3A_799 = vector.shape_cast %get3A_726 : vector<16xi32> to vector<16x1xi32>
        %gather3A_800 = vector.shape_cast %broadcast_in_dim3A_799 : vector<16x1xi32> to vector<16xi32>
        %gather3A_801 = tpu.dynamic_gather %get3A_653[%gather3A_800] in [0] : vector<16xf32>, vector<16xi32> -> vector<16xf32>
        %add3A_802 = arith.addf %add3A_798, %gather3A_801 : vector<16xf32>
        %swap3A_803 = arith.constant 20 : i32
        %swap3A_804 = arith.index_cast %swap3A_803 : i32 to index
        %swap3A_805 = arith.index_cast %mul3A_711 : i32 to index
        %swap3A_806 = tpu.vector_load %arg10[%swap3A_804, %swap3A_805] {strides = array<i32>} : memref<32x1536xf32, #tpu.memory_space<vmem>>, vector<1x16xf32>,
        %swap3A_807 = vector.shape_cast %swap3A_806 : vector<1x16xf32> to vector<16xf32>
        %swap3A_808 = vector.shape_cast %add3A_802 : vector<16xf32> to vector<1x16xf32>
        tpu.vector_store %arg10[%swap3A_804, %swap3A_805], %swap3A_808 {strides = array<i32>} : memref<32x1536xf32, #tpu.memory_space<vmem>>, vector<1x16xf32>,
        %broadcast_in_dim3A_809 = vector.shape_cast %get3A_716 : vector<16xi32> to vector<16x1xi32>
        %gather3A_810 = vector.shape_cast %broadcast_in_dim3A_809 : vector<16x1xi32> to vector<16xi32>
        %gather3A_811 = tpu.dynamic_gather %get3A_560[%gather3A_810] in [0] : vector<16xf32>, vector<16xi32> -> vector<16xf32>
        %broadcast_in_dim3A_812 = vector.shape_cast %get3A_721 : vector<16xi32> to vector<16x1xi32>
        %gather3A_813 = vector.shape_cast %broadcast_in_dim3A_812 : vector<16x1xi32> to vector<16xi32>
        %gather3A_814 = tpu.dynamic_gather %get3A_608[%gather3A_813] in [0] : vector<16xf32>, vector<16xi32> -> vector<16xf32>
        %add3A_815 = arith.addf %gather3A_811, %gather3A_814 : vector<16xf32>
        %broadcast_in_dim3A_816 = vector.shape_cast %get3A_726 : vector<16xi32> to vector<16x1xi32>
        %gather3A_817 = vector.shape_cast %broadcast_in_dim3A_816 : vector<16x1xi32> to vector<16xi32>
        %gather3A_818 = tpu.dynamic_gather %get3A_656[%gather3A_817] in [0] : vector<16xf32>, vector<16xi32> -> vector<16xf32>
        %add3A_819 = arith.addf %add3A_815, %gather3A_818 : vector<16xf32>
        %swap3A_820 = arith.constant 21 : i32
        %swap3A_821 = arith.index_cast %swap3A_820 : i32 to index
        %swap3A_822 = arith.index_cast %mul3A_711 : i32 to index
        %swap3A_823 = tpu.vector_load %arg10[%swap3A_821, %swap3A_822] {strides = array<i32>} : memref<32x1536xf32, #tpu.memory_space<vmem>>, vector<1x16xf32>,
        %swap3A_824 = vector.shape_cast %swap3A_823 : vector<1x16xf32> to vector<16xf32>
        %swap3A_825 = vector.shape_cast %add3A_819 : vector<16xf32> to vector<1x16xf32>
        tpu.vector_store %arg10[%swap3A_821, %swap3A_822], %swap3A_825 {strides = array<i32>} : memref<32x1536xf32, #tpu.memory_space<vmem>>, vector<1x16xf32>,
        %broadcast_in_dim3A_826 = vector.shape_cast %get3A_716 : vector<16xi32> to vector<16x1xi32>
        %gather3A_827 = vector.shape_cast %broadcast_in_dim3A_826 : vector<16x1xi32> to vector<16xi32>
        %gather3A_828 = tpu.dynamic_gather %get3A_563[%gather3A_827] in [0] : vector<16xf32>, vector<16xi32> -> vector<16xf32>
        %broadcast_in_dim3A_829 = vector.shape_cast %get3A_721 : vector<16xi32> to vector<16x1xi32>
        %gather3A_830 = vector.shape_cast %broadcast_in_dim3A_829 : vector<16x1xi32> to vector<16xi32>
        %gather3A_831 = tpu.dynamic_gather %get3A_611[%gather3A_830] in [0] : vector<16xf32>, vector<16xi32> -> vector<16xf32>
        %add3A_832 = arith.addf %gather3A_828, %gather3A_831 : vector<16xf32>
        %broadcast_in_dim3A_833 = vector.shape_cast %get3A_726 : vector<16xi32> to vector<16x1xi32>
        %gather3A_834 = vector.shape_cast %broadcast_in_dim3A_833 : vector<16x1xi32> to vector<16xi32>
        %gather3A_835 = tpu.dynamic_gather %get3A_659[%gather3A_834] in [0] : vector<16xf32>, vector<16xi32> -> vector<16xf32>
        %add3A_836 = arith.addf %add3A_832, %gather3A_835 : vector<16xf32>
        %swap3A_837 = arith.constant 22 : i32
        %swap3A_838 = arith.index_cast %swap3A_837 : i32 to index
        %swap3A_839 = arith.index_cast %mul3A_711 : i32 to index
        %swap3A_840 = tpu.vector_load %arg10[%swap3A_838, %swap3A_839] {strides = array<i32>} : memref<32x1536xf32, #tpu.memory_space<vmem>>, vector<1x16xf32>,
        %swap3A_841 = vector.shape_cast %swap3A_840 : vector<1x16xf32> to vector<16xf32>
        %swap3A_842 = vector.shape_cast %add3A_836 : vector<16xf32> to vector<1x16xf32>
        tpu.vector_store %arg10[%swap3A_838, %swap3A_839], %swap3A_842 {strides = array<i32>} : memref<32x1536xf32, #tpu.memory_space<vmem>>, vector<1x16xf32>,
        %broadcast_in_dim3A_843 = vector.shape_cast %get3A_716 : vector<16xi32> to vector<16x1xi32>
        %gather3A_844 = vector.shape_cast %broadcast_in_dim3A_843 : vector<16x1xi32> to vector<16xi32>
        %gather3A_845 = tpu.dynamic_gather %get3A_566[%gather3A_844] in [0] : vector<16xf32>, vector<16xi32> -> vector<16xf32>
        %broadcast_in_dim3A_846 = vector.shape_cast %get3A_721 : vector<16xi32> to vector<16x1xi32>
        %gather3A_847 = vector.shape_cast %broadcast_in_dim3A_846 : vector<16x1xi32> to vector<16xi32>
        %gather3A_848 = tpu.dynamic_gather %get3A_614[%gather3A_847] in [0] : vector<16xf32>, vector<16xi32> -> vector<16xf32>
        %add3A_849 = arith.addf %gather3A_845, %gather3A_848 : vector<16xf32>
        %broadcast_in_dim3A_850 = vector.shape_cast %get3A_726 : vector<16xi32> to vector<16x1xi32>
        %gather3A_851 = vector.shape_cast %broadcast_in_dim3A_850 : vector<16x1xi32> to vector<16xi32>
        %gather3A_852 = tpu.dynamic_gather %get3A_662[%gather3A_851] in [0] : vector<16xf32>, vector<16xi32> -> vector<16xf32>
        %add3A_853 = arith.addf %add3A_849, %gather3A_852 : vector<16xf32>
        %swap3A_854 = arith.constant 23 : i32
        %swap3A_855 = arith.index_cast %swap3A_854 : i32 to index
        %swap3A_856 = arith.index_cast %mul3A_711 : i32 to index
        %swap3A_857 = tpu.vector_load %arg10[%swap3A_855, %swap3A_856] {strides = array<i32>} : memref<32x1536xf32, #tpu.memory_space<vmem>>, vector<1x16xf32>,
        %swap3A_858 = vector.shape_cast %swap3A_857 : vector<1x16xf32> to vector<16xf32>
        %swap3A_859 = vector.shape_cast %add3A_853 : vector<16xf32> to vector<1x16xf32>
        tpu.vector_store %arg10[%swap3A_855, %swap3A_856], %swap3A_859 {strides = array<i32>} : memref<32x1536xf32, #tpu.memory_space<vmem>>, vector<1x16xf32>,
        %broadcast_in_dim3A_860 = vector.shape_cast %get3A_716 : vector<16xi32> to vector<16x1xi32>
        %gather3A_861 = vector.shape_cast %broadcast_in_dim3A_860 : vector<16x1xi32> to vector<16xi32>
        %gather3A_862 = tpu.dynamic_gather %get3A_569[%gather3A_861] in [0] : vector<16xf32>, vector<16xi32> -> vector<16xf32>
        %broadcast_in_dim3A_863 = vector.shape_cast %get3A_721 : vector<16xi32> to vector<16x1xi32>
        %gather3A_864 = vector.shape_cast %broadcast_in_dim3A_863 : vector<16x1xi32> to vector<16xi32>
        %gather3A_865 = tpu.dynamic_gather %get3A_617[%gather3A_864] in [0] : vector<16xf32>, vector<16xi32> -> vector<16xf32>
        %add3A_866 = arith.addf %gather3A_862, %gather3A_865 : vector<16xf32>
        %broadcast_in_dim3A_867 = vector.shape_cast %get3A_726 : vector<16xi32> to vector<16x1xi32>
        %gather3A_868 = vector.shape_cast %broadcast_in_dim3A_867 : vector<16x1xi32> to vector<16xi32>
        %gather3A_869 = tpu.dynamic_gather %get3A_665[%gather3A_868] in [0] : vector<16xf32>, vector<16xi32> -> vector<16xf32>
        %add3A_870 = arith.addf %add3A_866, %gather3A_869 : vector<16xf32>
        %swap3A_871 = arith.constant 24 : i32
        %swap3A_872 = arith.index_cast %swap3A_871 : i32 to index
        %swap3A_873 = arith.index_cast %mul3A_711 : i32 to index
        %swap3A_874 = tpu.vector_load %arg10[%swap3A_872, %swap3A_873] {strides = array<i32>} : memref<32x1536xf32, #tpu.memory_space<vmem>>, vector<1x16xf32>,
        %swap3A_875 = vector.shape_cast %swap3A_874 : vector<1x16xf32> to vector<16xf32>
        %swap3A_876 = vector.shape_cast %add3A_870 : vector<16xf32> to vector<1x16xf32>
        tpu.vector_store %arg10[%swap3A_872, %swap3A_873], %swap3A_876 {strides = array<i32>} : memref<32x1536xf32, #tpu.memory_space<vmem>>, vector<1x16xf32>,
        %broadcast_in_dim3A_877 = vector.shape_cast %get3A_716 : vector<16xi32> to vector<16x1xi32>
        %gather3A_878 = vector.shape_cast %broadcast_in_dim3A_877 : vector<16x1xi32> to vector<16xi32>
        %gather3A_879 = tpu.dynamic_gather %get3A_572[%gather3A_878] in [0] : vector<16xf32>, vector<16xi32> -> vector<16xf32>
        %broadcast_in_dim3A_880 = vector.shape_cast %get3A_721 : vector<16xi32> to vector<16x1xi32>
        %gather3A_881 = vector.shape_cast %broadcast_in_dim3A_880 : vector<16x1xi32> to vector<16xi32>
        %gather3A_882 = tpu.dynamic_gather %get3A_620[%gather3A_881] in [0] : vector<16xf32>, vector<16xi32> -> vector<16xf32>
        %add3A_883 = arith.addf %gather3A_879, %gather3A_882 : vector<16xf32>
        %broadcast_in_dim3A_884 = vector.shape_cast %get3A_726 : vector<16xi32> to vector<16x1xi32>
        %gather3A_885 = vector.shape_cast %broadcast_in_dim3A_884 : vector<16x1xi32> to vector<16xi32>
        %gather3A_886 = tpu.dynamic_gather %get3A_668[%gather3A_885] in [0] : vector<16xf32>, vector<16xi32> -> vector<16xf32>
        %add3A_887 = arith.addf %add3A_883, %gather3A_886 : vector<16xf32>
        %swap3A_888 = arith.constant 25 : i32
        %swap3A_889 = arith.index_cast %swap3A_888 : i32 to index
        %swap3A_890 = arith.index_cast %mul3A_711 : i32 to index
        %swap3A_891 = tpu.vector_load %arg10[%swap3A_889, %swap3A_890] {strides = array<i32>} : memref<32x1536xf32, #tpu.memory_space<vmem>>, vector<1x16xf32>,
        %swap3A_892 = vector.shape_cast %swap3A_891 : vector<1x16xf32> to vector<16xf32>
        %swap3A_893 = vector.shape_cast %add3A_887 : vector<16xf32> to vector<1x16xf32>
        tpu.vector_store %arg10[%swap3A_889, %swap3A_890], %swap3A_893 {strides = array<i32>} : memref<32x1536xf32, #tpu.memory_space<vmem>>, vector<1x16xf32>,
        %broadcast_in_dim3A_894 = vector.shape_cast %get3A_716 : vector<16xi32> to vector<16x1xi32>
        %gather3A_895 = vector.shape_cast %broadcast_in_dim3A_894 : vector<16x1xi32> to vector<16xi32>
        %gather3A_896 = tpu.dynamic_gather %get3A_575[%gather3A_895] in [0] : vector<16xf32>, vector<16xi32> -> vector<16xf32>
        %broadcast_in_dim3A_897 = vector.shape_cast %get3A_721 : vector<16xi32> to vector<16x1xi32>
        %gather3A_898 = vector.shape_cast %broadcast_in_dim3A_897 : vector<16x1xi32> to vector<16xi32>
        %gather3A_899 = tpu.dynamic_gather %get3A_623[%gather3A_898] in [0] : vector<16xf32>, vector<16xi32> -> vector<16xf32>
        %add3A_900 = arith.addf %gather3A_896, %gather3A_899 : vector<16xf32>
        %broadcast_in_dim3A_901 = vector.shape_cast %get3A_726 : vector<16xi32> to vector<16x1xi32>
        %gather3A_902 = vector.shape_cast %broadcast_in_dim3A_901 : vector<16x1xi32> to vector<16xi32>
        %gather3A_903 = tpu.dynamic_gather %get3A_671[%gather3A_902] in [0] : vector<16xf32>, vector<16xi32> -> vector<16xf32>
        %add3A_904 = arith.addf %add3A_900, %gather3A_903 : vector<16xf32>
        %swap3A_905 = arith.constant 26 : i32
        %swap3A_906 = arith.index_cast %swap3A_905 : i32 to index
        %swap3A_907 = arith.index_cast %mul3A_711 : i32 to index
        %swap3A_908 = tpu.vector_load %arg10[%swap3A_906, %swap3A_907] {strides = array<i32>} : memref<32x1536xf32, #tpu.memory_space<vmem>>, vector<1x16xf32>,
        %swap3A_909 = vector.shape_cast %swap3A_908 : vector<1x16xf32> to vector<16xf32>
        %swap3A_910 = vector.shape_cast %add3A_904 : vector<16xf32> to vector<1x16xf32>
        tpu.vector_store %arg10[%swap3A_906, %swap3A_907], %swap3A_910 {strides = array<i32>} : memref<32x1536xf32, #tpu.memory_space<vmem>>, vector<1x16xf32>,
        %broadcast_in_dim3A_911 = vector.shape_cast %get3A_716 : vector<16xi32> to vector<16x1xi32>
        %gather3A_912 = vector.shape_cast %broadcast_in_dim3A_911 : vector<16x1xi32> to vector<16xi32>
        %gather3A_913 = tpu.dynamic_gather %get3A_578[%gather3A_912] in [0] : vector<16xf32>, vector<16xi32> -> vector<16xf32>
        %broadcast_in_dim3A_914 = vector.shape_cast %get3A_721 : vector<16xi32> to vector<16x1xi32>
        %gather3A_915 = vector.shape_cast %broadcast_in_dim3A_914 : vector<16x1xi32> to vector<16xi32>
        %gather3A_916 = tpu.dynamic_gather %get3A_626[%gather3A_915] in [0] : vector<16xf32>, vector<16xi32> -> vector<16xf32>
        %add3A_917 = arith.addf %gather3A_913, %gather3A_916 : vector<16xf32>
        %broadcast_in_dim3A_918 = vector.shape_cast %get3A_726 : vector<16xi32> to vector<16x1xi32>
        %gather3A_919 = vector.shape_cast %broadcast_in_dim3A_918 : vector<16x1xi32> to vector<16xi32>
        %gather3A_920 = tpu.dynamic_gather %get3A_674[%gather3A_919] in [0] : vector<16xf32>, vector<16xi32> -> vector<16xf32>
        %add3A_921 = arith.addf %add3A_917, %gather3A_920 : vector<16xf32>
        %swap3A_922 = arith.constant 27 : i32
        %swap3A_923 = arith.index_cast %swap3A_922 : i32 to index
        %swap3A_924 = arith.index_cast %mul3A_711 : i32 to index
        %swap3A_925 = tpu.vector_load %arg10[%swap3A_923, %swap3A_924] {strides = array<i32>} : memref<32x1536xf32, #tpu.memory_space<vmem>>, vector<1x16xf32>,
        %swap3A_926 = vector.shape_cast %swap3A_925 : vector<1x16xf32> to vector<16xf32>
        %swap3A_927 = vector.shape_cast %add3A_921 : vector<16xf32> to vector<1x16xf32>
        tpu.vector_store %arg10[%swap3A_923, %swap3A_924], %swap3A_927 {strides = array<i32>} : memref<32x1536xf32, #tpu.memory_space<vmem>>, vector<1x16xf32>,
        %broadcast_in_dim3A_928 = vector.shape_cast %get3A_716 : vector<16xi32> to vector<16x1xi32>
        %gather3A_929 = vector.shape_cast %broadcast_in_dim3A_928 : vector<16x1xi32> to vector<16xi32>
        %gather3A_930 = tpu.dynamic_gather %get3A_581[%gather3A_929] in [0] : vector<16xf32>, vector<16xi32> -> vector<16xf32>
        %broadcast_in_dim3A_931 = vector.shape_cast %get3A_721 : vector<16xi32> to vector<16x1xi32>
        %gather3A_932 = vector.shape_cast %broadcast_in_dim3A_931 : vector<16x1xi32> to vector<16xi32>
        %gather3A_933 = tpu.dynamic_gather %get3A_629[%gather3A_932] in [0] : vector<16xf32>, vector<16xi32> -> vector<16xf32>
        %add3A_934 = arith.addf %gather3A_930, %gather3A_933 : vector<16xf32>
        %broadcast_in_dim3A_935 = vector.shape_cast %get3A_726 : vector<16xi32> to vector<16x1xi32>
        %gather3A_936 = vector.shape_cast %broadcast_in_dim3A_935 : vector<16x1xi32> to vector<16xi32>
        %gather3A_937 = tpu.dynamic_gather %get3A_677[%gather3A_936] in [0] : vector<16xf32>, vector<16xi32> -> vector<16xf32>
        %add3A_938 = arith.addf %add3A_934, %gather3A_937 : vector<16xf32>
        %swap3A_939 = arith.constant 28 : i32
        %swap3A_940 = arith.index_cast %swap3A_939 : i32 to index
        %swap3A_941 = arith.index_cast %mul3A_711 : i32 to index
        %swap3A_942 = tpu.vector_load %arg10[%swap3A_940, %swap3A_941] {strides = array<i32>} : memref<32x1536xf32, #tpu.memory_space<vmem>>, vector<1x16xf32>,
        %swap3A_943 = vector.shape_cast %swap3A_942 : vector<1x16xf32> to vector<16xf32>
        %swap3A_944 = vector.shape_cast %add3A_938 : vector<16xf32> to vector<1x16xf32>
        tpu.vector_store %arg10[%swap3A_940, %swap3A_941], %swap3A_944 {strides = array<i32>} : memref<32x1536xf32, #tpu.memory_space<vmem>>, vector<1x16xf32>,
        %broadcast_in_dim3A_945 = vector.shape_cast %get3A_716 : vector<16xi32> to vector<16x1xi32>
        %gather3A_946 = vector.shape_cast %broadcast_in_dim3A_945 : vector<16x1xi32> to vector<16xi32>
        %gather3A_947 = tpu.dynamic_gather %get3A_584[%gather3A_946] in [0] : vector<16xf32>, vector<16xi32> -> vector<16xf32>
        %broadcast_in_dim3A_948 = vector.shape_cast %get3A_721 : vector<16xi32> to vector<16x1xi32>
        %gather3A_949 = vector.shape_cast %broadcast_in_dim3A_948 : vector<16x1xi32> to vector<16xi32>
        %gather3A_950 = tpu.dynamic_gather %get3A_632[%gather3A_949] in [0] : vector<16xf32>, vector<16xi32> -> vector<16xf32>
        %add3A_951 = arith.addf %gather3A_947, %gather3A_950 : vector<16xf32>
        %broadcast_in_dim3A_952 = vector.shape_cast %get3A_726 : vector<16xi32> to vector<16x1xi32>
        %gather3A_953 = vector.shape_cast %broadcast_in_dim3A_952 : vector<16x1xi32> to vector<16xi32>
        %gather3A_954 = tpu.dynamic_gather %get3A_680[%gather3A_953] in [0] : vector<16xf32>, vector<16xi32> -> vector<16xf32>
        %add3A_955 = arith.addf %add3A_951, %gather3A_954 : vector<16xf32>
        %swap3A_956 = arith.constant 29 : i32
        %swap3A_957 = arith.index_cast %swap3A_956 : i32 to index
        %swap3A_958 = arith.index_cast %mul3A_711 : i32 to index
        %swap3A_959 = tpu.vector_load %arg10[%swap3A_957, %swap3A_958] {strides = array<i32>} : memref<32x1536xf32, #tpu.memory_space<vmem>>, vector<1x16xf32>,
        %swap3A_960 = vector.shape_cast %swap3A_959 : vector<1x16xf32> to vector<16xf32>
        %swap3A_961 = vector.shape_cast %add3A_955 : vector<16xf32> to vector<1x16xf32>
        tpu.vector_store %arg10[%swap3A_957, %swap3A_958], %swap3A_961 {strides = array<i32>} : memref<32x1536xf32, #tpu.memory_space<vmem>>, vector<1x16xf32>,
        %broadcast_in_dim3A_962 = vector.shape_cast %get3A_716 : vector<16xi32> to vector<16x1xi32>
        %gather3A_963 = vector.shape_cast %broadcast_in_dim3A_962 : vector<16x1xi32> to vector<16xi32>
        %gather3A_964 = tpu.dynamic_gather %get3A_587[%gather3A_963] in [0] : vector<16xf32>, vector<16xi32> -> vector<16xf32>
        %broadcast_in_dim3A_965 = vector.shape_cast %get3A_721 : vector<16xi32> to vector<16x1xi32>
        %gather3A_966 = vector.shape_cast %broadcast_in_dim3A_965 : vector<16x1xi32> to vector<16xi32>
        %gather3A_967 = tpu.dynamic_gather %get3A_635[%gather3A_966] in [0] : vector<16xf32>, vector<16xi32> -> vector<16xf32>
        %add3A_968 = arith.addf %gather3A_964, %gather3A_967 : vector<16xf32>
        %broadcast_in_dim3A_969 = vector.shape_cast %get3A_726 : vector<16xi32> to vector<16x1xi32>
        %gather3A_970 = vector.shape_cast %broadcast_in_dim3A_969 : vector<16x1xi32> to vector<16xi32>
        %gather3A_971 = tpu.dynamic_gather %get3A_683[%gather3A_970] in [0] : vector<16xf32>, vector<16xi32> -> vector<16xf32>
        %add3A_972 = arith.addf %add3A_968, %gather3A_971 : vector<16xf32>
        %swap3A_973 = arith.constant 30 : i32
        %swap3A_974 = arith.index_cast %swap3A_973 : i32 to index
        %swap3A_975 = arith.index_cast %mul3A_711 : i32 to index
        %swap3A_976 = tpu.vector_load %arg10[%swap3A_974, %swap3A_975] {strides = array<i32>} : memref<32x1536xf32, #tpu.memory_space<vmem>>, vector<1x16xf32>,
        %swap3A_977 = vector.shape_cast %swap3A_976 : vector<1x16xf32> to vector<16xf32>
        %swap3A_978 = vector.shape_cast %add3A_972 : vector<16xf32> to vector<1x16xf32>
        tpu.vector_store %arg10[%swap3A_974, %swap3A_975], %swap3A_978 {strides = array<i32>} : memref<32x1536xf32, #tpu.memory_space<vmem>>, vector<1x16xf32>,
        %broadcast_in_dim3A_979 = vector.shape_cast %get3A_716 : vector<16xi32> to vector<16x1xi32>
        %gather3A_980 = vector.shape_cast %broadcast_in_dim3A_979 : vector<16x1xi32> to vector<16xi32>
        %gather3A_981 = tpu.dynamic_gather %get3A_590[%gather3A_980] in [0] : vector<16xf32>, vector<16xi32> -> vector<16xf32>
        %broadcast_in_dim3A_982 = vector.shape_cast %get3A_721 : vector<16xi32> to vector<16x1xi32>
        %gather3A_983 = vector.shape_cast %broadcast_in_dim3A_982 : vector<16x1xi32> to vector<16xi32>
        %gather3A_984 = tpu.dynamic_gather %get3A_638[%gather3A_983] in [0] : vector<16xf32>, vector<16xi32> -> vector<16xf32>
        %add3A_985 = arith.addf %gather3A_981, %gather3A_984 : vector<16xf32>
        %broadcast_in_dim3A_986 = vector.shape_cast %get3A_726 : vector<16xi32> to vector<16x1xi32>
        %gather3A_987 = vector.shape_cast %broadcast_in_dim3A_986 : vector<16x1xi32> to vector<16xi32>
        %gather3A_988 = tpu.dynamic_gather %get3A_686[%gather3A_987] in [0] : vector<16xf32>, vector<16xi32> -> vector<16xf32>
        %add3A_989 = arith.addf %add3A_985, %gather3A_988 : vector<16xf32>
        %swap3A_990 = arith.constant 31 : i32
        %swap3A_991 = arith.index_cast %swap3A_990 : i32 to index
        %swap3A_992 = arith.index_cast %mul3A_711 : i32 to index
        %swap3A_993 = tpu.vector_load %arg10[%swap3A_991, %swap3A_992] {strides = array<i32>} : memref<32x1536xf32, #tpu.memory_space<vmem>>, vector<1x16xf32>,
        %swap3A_994 = vector.shape_cast %swap3A_993 : vector<1x16xf32> to vector<16xf32>
        %swap3A_995 = vector.shape_cast %add3A_989 : vector<16xf32> to vector<1x16xf32>
        tpu.vector_store %arg10[%swap3A_991, %swap3A_992], %swap3A_995 {strides = array<i32>} : memref<32x1536xf32, #tpu.memory_space<vmem>>, vector<1x16xf32>,
      }
      %scan3A_692 = arith.constant 96 : i32
      %mul3A_693 = arith.constant 12 : i32
      %mul3A_694 = arith.muli %add3A_381, %mul3A_693 : i32
      %add3A_695 = arith.addi %add3A_8, %mul3A_694 : i32
      %mul3A_696 = arith.constant 128 : i32
      %mul3A_697 = arith.muli %add3A_695, %mul3A_696 : i32
      %dma_start3A_698 = arith.constant 0 : i32
      %dma_start3A_699 = tpu.memref_slice %arg6[%dma_start3A_698, %mul3A_697] : memref<32x1600000xf32, #tpu.memory_space<hbm>> -> memref<32x1536xf32, #tpu.memory_space<hbm>>
      %dma_start3A_700 = arith.constant 0 : i32
      %dma_start3A_701 = tpu.memref_slice %arg6[%dma_start3A_700, %mul3A_697] : memref<32x1600000xf32, #tpu.memory_space<hbm>> -> memref<32x1536xf32, #tpu.memory_space<hbm>>
      tpu.enqueue_dma source(%arg10 : memref<32x1536xf32, #tpu.memory_space<vmem>>) target(%dma_start3A_701 : memref<32x1536xf32, #tpu.memory_space<hbm>>) target_semaphore(%arg17 : memref<!tpu.dma_semaphore, #tpu.memory_space<semaphore_mem>>)
      %add3A_702 = arith.constant 2 : i32
      %add3A_703 = arith.addi %add3A_381, %add3A_702 : i32
      %lt3A_704 = arith.constant 32 : i32
      %lt3A_705 = arith.cmpi slt, %add3A_703, %lt3A_704 : i32
      %convert_element_type3A_706 = arith.extui %lt3A_705 : i1 to i32
      %cond3A_707 = arith.constant 0 : i32
      %cond3A_708 = arith.cmpi ne, %convert_element_type3A_706, %cond3A_707 : i32
      scf.if %cond3A_708 {
        %add3A_709 = arith.constant 2 : i32
        %add3A_710 = arith.addi %add3A_381, %add3A_709 : i32
        %mul3A_711 = arith.constant 12 : i32
        %mul3A_712 = arith.muli %add3A_710, %mul3A_711 : i32
        %add3A_713 = arith.addi %add3A_8, %mul3A_712 : i32
        %mul3A_714 = arith.constant 128 : i32
        %mul3A_715 = arith.muli %add3A_713, %mul3A_714 : i32
        %dma_start3A_716 = arith.constant 0 : i32
        %dma_start3A_717 = tpu.memref_slice %arg2[%dma_start3A_716, %mul3A_715] : memref<3x1600000xi32, #tpu.memory_space<hbm>> -> memref<3x1536xi32, #tpu.memory_space<hbm>>
        %dma_start3A_718 = arith.constant 0 : i32
        %dma_start3A_719 = tpu.memref_slice %arg2[%dma_start3A_718, %mul3A_715] : memref<3x1600000xi32, #tpu.memory_space<hbm>> -> memref<3x1536xi32, #tpu.memory_space<hbm>>
        tpu.enqueue_dma source(%dma_start3A_719 : memref<3x1536xi32, #tpu.memory_space<hbm>>) target(%arg8 : memref<3x1536xi32, #tpu.memory_space<vmem>>) target_semaphore(%arg15 : memref<!tpu.dma_semaphore, #tpu.memory_space<semaphore_mem>>)
      } else {
      }
    }
    %scan3A_28 = arith.constant 16 : i32
    %dma_wait3A = arith.constant 0 : i32
    %dma_wait3A_29 = arith.constant 0 : i32
    %dma_wait3A_30 = tpu.memref_slice %arg6[%dma_wait3A, %dma_wait3A_29] : memref<32x1600000xf32, #tpu.memory_space<hbm>> -> memref<32x1536xf32, #tpu.memory_space<hbm>>
    %dma_wait3A_31 = arith.constant 0 : i32
    %dma_wait3A_32 = arith.constant 0 : i32
    %dma_wait3A_33 = tpu.memref_slice %arg6[%dma_wait3A_31, %dma_wait3A_32] : memref<32x1600000xf32, #tpu.memory_space<hbm>> -> memref<32x1536xf32, #tpu.memory_space<hbm>>
    tpu.wait_dma2 semaphore(%arg16 : memref<!tpu.dma_semaphore, #tpu.memory_space<semaphore_mem>>) src(%arg9 : memref<32x1536xf32, #tpu.memory_space<vmem>>) dst(%dma_wait3A_33 : memref<32x1536xf32, #tpu.memory_space<hbm>>)
    %dma_wait3A_34 = arith.constant 0 : i32
    %dma_wait3A_35 = arith.constant 0 : i32
    %dma_wait3A_36 = tpu.memref_slice %arg6[%dma_wait3A_34, %dma_wait3A_35] : memref<32x1600000xf32, #tpu.memory_space<hbm>> -> memref<32x1536xf32, #tpu.memory_space<hbm>>
    %dma_wait3A_37 = arith.constant 0 : i32
    %dma_wait3A_38 = arith.constant 0 : i32
    %dma_wait3A_39 = tpu.memref_slice %arg6[%dma_wait3A_37, %dma_wait3A_38] : memref<32x1600000xf32, #tpu.memory_space<hbm>> -> memref<32x1536xf32, #tpu.memory_space<hbm>>
    tpu.wait_dma2 semaphore(%arg17 : memref<!tpu.dma_semaphore, #tpu.memory_space<semaphore_mem>>) src(%arg10 : memref<32x1536xf32, #tpu.memory_space<vmem>>) dst(%dma_wait3A_39 : memref<32x1536xf32, #tpu.memory_space<hbm>>)
    %sub3A = arith.constant 384 : i32
    %sub3A_40 = arith.subi %add3A_4, %sub3A : i32
    %while3A = arith.constant 0 : i32
    %while3A_41 = arith.constant 0 : i32
    %while3A_42 = arith.subi %sub3A_40, %while3A_41 : i32
    %while3A_43 = arith.addi %while3A_41, %while3A_42 : i32
    %while3A_44 = arith.constant 1 : i32
    %while3A_45 = arith.divsi %while3A_42, %while3A_44 : i32
    %while3A_46 = arith.muli %while3A_45, %while3A_44 : i32
    %while3A_47 = arith.addi %while3A_41, %while3A_46 : i32
    %while3A_48 = arith.constant 1 : i32
    scf.for %while3A_50 = %while3A_41 to %while3A_47 step %while3A_48  : i32 {
      %add3A_51 = arith.constant 384 : i32
      %add3A_52 = arith.addi %add3A_8, %add3A_51 : i32
      %add3A_53 = arith.addi %add3A_52, %while3A_50 : i32
      %mul3A_54 = arith.constant 128 : i32
      %mul3A_55 = arith.muli %add3A_53, %mul3A_54 : i32
      "tpu.region"() ({
        %run_scoped3A = tpu.sem_alloc : memref<!tpu.dma_semaphore, #tpu.memory_space<semaphore_mem>>
        %dma_start3A_355 = arith.constant 0 : i32
        %dma_start3A_356 = arith.constant 0 : i32
        %dma_start3A_357 = tpu.memref_slice %arg7[%dma_start3A_355, %dma_start3A_356] : memref<3x1536xi32, #tpu.memory_space<vmem>> -> memref<3x128xi32, #tpu.memory_space<vmem>>
        %dma_start3A_358 = arith.constant 0 : i32
        %dma_start3A_359 = tpu.memref_slice %arg2[%dma_start3A_358, %mul3A_55] : memref<3x1600000xi32, #tpu.memory_space<hbm>> -> memref<3x128xi32, #tpu.memory_space<hbm>>
        %dma_start3A_360 = arith.constant 0 : i32
        %dma_start3A_361 = arith.constant 0 : i32
        %dma_start3A_362 = tpu.memref_slice %arg7[%dma_start3A_360, %dma_start3A_361] : memref<3x1536xi32, #tpu.memory_space<vmem>> -> memref<3x128xi32, #tpu.memory_space<vmem>>
        %dma_start3A_363 = arith.constant 0 : i32
        %dma_start3A_364 = tpu.memref_slice %arg2[%dma_start3A_363, %mul3A_55] : memref<3x1600000xi32, #tpu.memory_space<hbm>> -> memref<3x128xi32, #tpu.memory_space<hbm>>
        tpu.enqueue_dma source(%dma_start3A_364 : memref<3x128xi32, #tpu.memory_space<hbm>>) target(%dma_start3A_362 : memref<3x128xi32, #tpu.memory_space<vmem>>) target_semaphore(%run_scoped3A : memref<!tpu.dma_semaphore, #tpu.memory_space<semaphore_mem>>)
        %dma_wait3A_365 = arith.constant 0 : i32
        %dma_wait3A_366 = arith.constant 0 : i32
        %dma_wait3A_367 = tpu.memref_slice %arg7[%dma_wait3A_365, %dma_wait3A_366] : memref<3x1536xi32, #tpu.memory_space<vmem>> -> memref<3x128xi32, #tpu.memory_space<vmem>>
        %dma_wait3A_368 = arith.constant 0 : i32
        %dma_wait3A_369 = tpu.memref_slice %arg2[%dma_wait3A_368, %mul3A_55] : memref<3x1600000xi32, #tpu.memory_space<hbm>> -> memref<3x128xi32, #tpu.memory_space<hbm>>
        %dma_wait3A_370 = arith.constant 0 : i32
        %dma_wait3A_371 = arith.constant 0 : i32
        %dma_wait3A_372 = tpu.memref_slice %arg7[%dma_wait3A_370, %dma_wait3A_371] : memref<3x1536xi32, #tpu.memory_space<vmem>> -> memref<3x128xi32, #tpu.memory_space<vmem>>
        %dma_wait3A_373 = arith.constant 0 : i32
        %dma_wait3A_374 = tpu.memref_slice %arg2[%dma_wait3A_373, %mul3A_55] : memref<3x1600000xi32, #tpu.memory_space<hbm>> -> memref<3x128xi32, #tpu.memory_space<hbm>>
        tpu.wait_dma2 semaphore(%run_scoped3A : memref<!tpu.dma_semaphore, #tpu.memory_space<semaphore_mem>>) src(%dma_wait3A_374 : memref<3x128xi32, #tpu.memory_space<hbm>>) dst(%dma_wait3A_372 : memref<3x128xi32, #tpu.memory_space<vmem>>)
        tpu.yield
      }) : () -> ()
      %get3A = arith.constant 0 : index
      %get3A_56 = tpu.vector_load %arg11[%get3A] {strides = array<i32>} : memref<512xf32, #tpu.memory_space<vmem>>, vector<16xf32>,
      %get3A_57 = vector.shape_cast %get3A_56 : vector<16xf32> to vector<16xf32>
      %get3A_58 = arith.constant 16 : index
      %get3A_59 = tpu.vector_load %arg11[%get3A_58] {strides = array<i32>} : memref<512xf32, #tpu.memory_space<vmem>>, vector<16xf32>,
      %get3A_60 = vector.shape_cast %get3A_59 : vector<16xf32> to vector<16xf32>
      %get3A_61 = arith.constant 32 : index
      %get3A_62 = tpu.vector_load %arg11[%get3A_61] {strides = array<i32>} : memref<512xf32, #tpu.memory_space<vmem>>, vector<16xf32>,
      %get3A_63 = vector.shape_cast %get3A_62 : vector<16xf32> to vector<16xf32>
      %get3A_64 = arith.constant 48 : index
      %get3A_65 = tpu.vector_load %arg11[%get3A_64] {strides = array<i32>} : memref<512xf32, #tpu.memory_space<vmem>>, vector<16xf32>,
      %get3A_66 = vector.shape_cast %get3A_65 : vector<16xf32> to vector<16xf32>
      %get3A_67 = arith.constant 64 : index
      %get3A_68 = tpu.vector_load %arg11[%get3A_67] {strides = array<i32>} : memref<512xf32, #tpu.memory_space<vmem>>, vector<16xf32>,
      %get3A_69 = vector.shape_cast %get3A_68 : vector<16xf32> to vector<16xf32>
      %get3A_70 = arith.constant 80 : index
      %get3A_71 = tpu.vector_load %arg11[%get3A_70] {strides = array<i32>} : memref<512xf32, #tpu.memory_space<vmem>>, vector<16xf32>,
      %get3A_72 = vector.shape_cast %get3A_71 : vector<16xf32> to vector<16xf32>
      %get3A_73 = arith.constant 96 : index
      %get3A_74 = tpu.vector_load %arg11[%get3A_73] {strides = array<i32>} : memref<512xf32, #tpu.memory_space<vmem>>, vector<16xf32>,
      %get3A_75 = vector.shape_cast %get3A_74 : vector<16xf32> to vector<16xf32>
      %get3A_76 = arith.constant 112 : index
      %get3A_77 = tpu.vector_load %arg11[%get3A_76] {strides = array<i32>} : memref<512xf32, #tpu.memory_space<vmem>>, vector<16xf32>,
      %get3A_78 = vector.shape_cast %get3A_77 : vector<16xf32> to vector<16xf32>
      %get3A_79 = arith.constant 128 : index
      %get3A_80 = tpu.vector_load %arg11[%get3A_79] {strides = array<i32>} : memref<512xf32, #tpu.memory_space<vmem>>, vector<16xf32>,
      %get3A_81 = vector.shape_cast %get3A_80 : vector<16xf32> to vector<16xf32>
      %get3A_82 = arith.constant 144 : index
      %get3A_83 = tpu.vector_load %arg11[%get3A_82] {strides = array<i32>} : memref<512xf32, #tpu.memory_space<vmem>>, vector<16xf32>,
      %get3A_84 = vector.shape_cast %get3A_83 : vector<16xf32> to vector<16xf32>
      %get3A_85 = arith.constant 160 : index
      %get3A_86 = tpu.vector_load %arg11[%get3A_85] {strides = array<i32>} : memref<512xf32, #tpu.memory_space<vmem>>, vector<16xf32>,
      %get3A_87 = vector.shape_cast %get3A_86 : vector<16xf32> to vector<16xf32>
      %get3A_88 = arith.constant 176 : index
      %get3A_89 = tpu.vector_load %arg11[%get3A_88] {strides = array<i32>} : memref<512xf32, #tpu.memory_space<vmem>>, vector<16xf32>,
      %get3A_90 = vector.shape_cast %get3A_89 : vector<16xf32> to vector<16xf32>
      %get3A_91 = arith.constant 192 : index
      %get3A_92 = tpu.vector_load %arg11[%get3A_91] {strides = array<i32>} : memref<512xf32, #tpu.memory_space<vmem>>, vector<16xf32>,
      %get3A_93 = vector.shape_cast %get3A_92 : vector<16xf32> to vector<16xf32>
      %get3A_94 = arith.constant 208 : index
      %get3A_95 = tpu.vector_load %arg11[%get3A_94] {strides = array<i32>} : memref<512xf32, #tpu.memory_space<vmem>>, vector<16xf32>,
      %get3A_96 = vector.shape_cast %get3A_95 : vector<16xf32> to vector<16xf32>
      %get3A_97 = arith.constant 224 : index
      %get3A_98 = tpu.vector_load %arg11[%get3A_97] {strides = array<i32>} : memref<512xf32, #tpu.memory_space<vmem>>, vector<16xf32>,
      %get3A_99 = vector.shape_cast %get3A_98 : vector<16xf32> to vector<16xf32>
      %get3A_100 = arith.constant 240 : index
      %get3A_101 = tpu.vector_load %arg11[%get3A_100] {strides = array<i32>} : memref<512xf32, #tpu.memory_space<vmem>>, vector<16xf32>,
      %get3A_102 = vector.shape_cast %get3A_101 : vector<16xf32> to vector<16xf32>
      %get3A_103 = arith.constant 0 : index
      %get3A_104 = tpu.vector_load %arg12[%get3A_103] {strides = array<i32>} : memref<512xf32, #tpu.memory_space<vmem>>, vector<16xf32>,
      %get3A_105 = vector.shape_cast %get3A_104 : vector<16xf32> to vector<16xf32>
      %get3A_106 = arith.constant 16 : index
      %get3A_107 = tpu.vector_load %arg12[%get3A_106] {strides = array<i32>} : memref<512xf32, #tpu.memory_space<vmem>>, vector<16xf32>,
      %get3A_108 = vector.shape_cast %get3A_107 : vector<16xf32> to vector<16xf32>
      %get3A_109 = arith.constant 32 : index
      %get3A_110 = tpu.vector_load %arg12[%get3A_109] {strides = array<i32>} : memref<512xf32, #tpu.memory_space<vmem>>, vector<16xf32>,
      %get3A_111 = vector.shape_cast %get3A_110 : vector<16xf32> to vector<16xf32>
      %get3A_112 = arith.constant 48 : index
      %get3A_113 = tpu.vector_load %arg12[%get3A_112] {strides = array<i32>} : memref<512xf32, #tpu.memory_space<vmem>>, vector<16xf32>,
      %get3A_114 = vector.shape_cast %get3A_113 : vector<16xf32> to vector<16xf32>
      %get3A_115 = arith.constant 64 : index
      %get3A_116 = tpu.vector_load %arg12[%get3A_115] {strides = array<i32>} : memref<512xf32, #tpu.memory_space<vmem>>, vector<16xf32>,
      %get3A_117 = vector.shape_cast %get3A_116 : vector<16xf32> to vector<16xf32>
      %get3A_118 = arith.constant 80 : index
      %get3A_119 = tpu.vector_load %arg12[%get3A_118] {strides = array<i32>} : memref<512xf32, #tpu.memory_space<vmem>>, vector<16xf32>,
      %get3A_120 = vector.shape_cast %get3A_119 : vector<16xf32> to vector<16xf32>
      %get3A_121 = arith.constant 96 : index
      %get3A_122 = tpu.vector_load %arg12[%get3A_121] {strides = array<i32>} : memref<512xf32, #tpu.memory_space<vmem>>, vector<16xf32>,
      %get3A_123 = vector.shape_cast %get3A_122 : vector<16xf32> to vector<16xf32>
      %get3A_124 = arith.constant 112 : index
      %get3A_125 = tpu.vector_load %arg12[%get3A_124] {strides = array<i32>} : memref<512xf32, #tpu.memory_space<vmem>>, vector<16xf32>,
      %get3A_126 = vector.shape_cast %get3A_125 : vector<16xf32> to vector<16xf32>
      %get3A_127 = arith.constant 128 : index
      %get3A_128 = tpu.vector_load %arg12[%get3A_127] {strides = array<i32>} : memref<512xf32, #tpu.memory_space<vmem>>, vector<16xf32>,
      %get3A_129 = vector.shape_cast %get3A_128 : vector<16xf32> to vector<16xf32>
      %get3A_130 = arith.constant 144 : index
      %get3A_131 = tpu.vector_load %arg12[%get3A_130] {strides = array<i32>} : memref<512xf32, #tpu.memory_space<vmem>>, vector<16xf32>,
      %get3A_132 = vector.shape_cast %get3A_131 : vector<16xf32> to vector<16xf32>
      %get3A_133 = arith.constant 160 : index
      %get3A_134 = tpu.vector_load %arg12[%get3A_133] {strides = array<i32>} : memref<512xf32, #tpu.memory_space<vmem>>, vector<16xf32>,
      %get3A_135 = vector.shape_cast %get3A_134 : vector<16xf32> to vector<16xf32>
      %get3A_136 = arith.constant 176 : index
      %get3A_137 = tpu.vector_load %arg12[%get3A_136] {strides = array<i32>} : memref<512xf32, #tpu.memory_space<vmem>>, vector<16xf32>,
      %get3A_138 = vector.shape_cast %get3A_137 : vector<16xf32> to vector<16xf32>
      %get3A_139 = arith.constant 192 : index
      %get3A_140 = tpu.vector_load %arg12[%get3A_139] {strides = array<i32>} : memref<512xf32, #tpu.memory_space<vmem>>, vector<16xf32>,
      %get3A_141 = vector.shape_cast %get3A_140 : vector<16xf32> to vector<16xf32>
      %get3A_142 = arith.constant 208 : index
      %get3A_143 = tpu.vector_load %arg12[%get3A_142] {strides = array<i32>} : memref<512xf32, #tpu.memory_space<vmem>>, vector<16xf32>,
      %get3A_144 = vector.shape_cast %get3A_143 : vector<16xf32> to vector<16xf32>
      %get3A_145 = arith.constant 224 : index
      %get3A_146 = tpu.vector_load %arg12[%get3A_145] {strides = array<i32>} : memref<512xf32, #tpu.memory_space<vmem>>, vector<16xf32>,
      %get3A_147 = vector.shape_cast %get3A_146 : vector<16xf32> to vector<16xf32>
      %get3A_148 = arith.constant 240 : index
      %get3A_149 = tpu.vector_load %arg12[%get3A_148] {strides = array<i32>} : memref<512xf32, #tpu.memory_space<vmem>>, vector<16xf32>,
      %get3A_150 = vector.shape_cast %get3A_149 : vector<16xf32> to vector<16xf32>
      %get3A_151 = arith.constant 0 : index
      %get3A_152 = tpu.vector_load %arg13[%get3A_151] {strides = array<i32>} : memref<512xf32, #tpu.memory_space<vmem>>, vector<16xf32>,
      %get3A_153 = vector.shape_cast %get3A_152 : vector<16xf32> to vector<16xf32>
      %get3A_154 = arith.constant 16 : index
      %get3A_155 = tpu.vector_load %arg13[%get3A_154] {strides = array<i32>} : memref<512xf32, #tpu.memory_space<vmem>>, vector<16xf32>,
      %get3A_156 = vector.shape_cast %get3A_155 : vector<16xf32> to vector<16xf32>
      %get3A_157 = arith.constant 32 : index
      %get3A_158 = tpu.vector_load %arg13[%get3A_157] {strides = array<i32>} : memref<512xf32, #tpu.memory_space<vmem>>, vector<16xf32>,
      %get3A_159 = vector.shape_cast %get3A_158 : vector<16xf32> to vector<16xf32>
      %get3A_160 = arith.constant 48 : index
      %get3A_161 = tpu.vector_load %arg13[%get3A_160] {strides = array<i32>} : memref<512xf32, #tpu.memory_space<vmem>>, vector<16xf32>,
      %get3A_162 = vector.shape_cast %get3A_161 : vector<16xf32> to vector<16xf32>
      %get3A_163 = arith.constant 64 : index
      %get3A_164 = tpu.vector_load %arg13[%get3A_163] {strides = array<i32>} : memref<512xf32, #tpu.memory_space<vmem>>, vector<16xf32>,
      %get3A_165 = vector.shape_cast %get3A_164 : vector<16xf32> to vector<16xf32>
      %get3A_166 = arith.constant 80 : index
      %get3A_167 = tpu.vector_load %arg13[%get3A_166] {strides = array<i32>} : memref<512xf32, #tpu.memory_space<vmem>>, vector<16xf32>,
      %get3A_168 = vector.shape_cast %get3A_167 : vector<16xf32> to vector<16xf32>
      %get3A_169 = arith.constant 96 : index
      %get3A_170 = tpu.vector_load %arg13[%get3A_169] {strides = array<i32>} : memref<512xf32, #tpu.memory_space<vmem>>, vector<16xf32>,
      %get3A_171 = vector.shape_cast %get3A_170 : vector<16xf32> to vector<16xf32>
      %get3A_172 = arith.constant 112 : index
      %get3A_173 = tpu.vector_load %arg13[%get3A_172] {strides = array<i32>} : memref<512xf32, #tpu.memory_space<vmem>>, vector<16xf32>,
      %get3A_174 = vector.shape_cast %get3A_173 : vector<16xf32> to vector<16xf32>
      %get3A_175 = arith.constant 128 : index
      %get3A_176 = tpu.vector_load %arg13[%get3A_175] {strides = array<i32>} : memref<512xf32, #tpu.memory_space<vmem>>, vector<16xf32>,
      %get3A_177 = vector.shape_cast %get3A_176 : vector<16xf32> to vector<16xf32>
      %get3A_178 = arith.constant 144 : index
      %get3A_179 = tpu.vector_load %arg13[%get3A_178] {strides = array<i32>} : memref<512xf32, #tpu.memory_space<vmem>>, vector<16xf32>,
      %get3A_180 = vector.shape_cast %get3A_179 : vector<16xf32> to vector<16xf32>
      %get3A_181 = arith.constant 160 : index
      %get3A_182 = tpu.vector_load %arg13[%get3A_181] {strides = array<i32>} : memref<512xf32, #tpu.memory_space<vmem>>, vector<16xf32>,
      %get3A_183 = vector.shape_cast %get3A_182 : vector<16xf32> to vector<16xf32>
      %get3A_184 = arith.constant 176 : index
      %get3A_185 = tpu.vector_load %arg13[%get3A_184] {strides = array<i32>} : memref<512xf32, #tpu.memory_space<vmem>>, vector<16xf32>,
      %get3A_186 = vector.shape_cast %get3A_185 : vector<16xf32> to vector<16xf32>
      %get3A_187 = arith.constant 192 : index
      %get3A_188 = tpu.vector_load %arg13[%get3A_187] {strides = array<i32>} : memref<512xf32, #tpu.memory_space<vmem>>, vector<16xf32>,
      %get3A_189 = vector.shape_cast %get3A_188 : vector<16xf32> to vector<16xf32>
      %get3A_190 = arith.constant 208 : index
      %get3A_191 = tpu.vector_load %arg13[%get3A_190] {strides = array<i32>} : memref<512xf32, #tpu.memory_space<vmem>>, vector<16xf32>,
      %get3A_192 = vector.shape_cast %get3A_191 : vector<16xf32> to vector<16xf32>
      %get3A_193 = arith.constant 224 : index
      %get3A_194 = tpu.vector_load %arg13[%get3A_193] {strides = array<i32>} : memref<512xf32, #tpu.memory_space<vmem>>, vector<16xf32>,
      %get3A_195 = vector.shape_cast %get3A_194 : vector<16xf32> to vector<16xf32>
      %get3A_196 = arith.constant 240 : index
      %get3A_197 = tpu.vector_load %arg13[%get3A_196] {strides = array<i32>} : memref<512xf32, #tpu.memory_space<vmem>>, vector<16xf32>,
      %get3A_198 = vector.shape_cast %get3A_197 : vector<16xf32> to vector<16xf32>
      %scan3A_199 = arith.constant 0 : i32
      %scan3A_200 = arith.constant 0 : i32
      %scan3A_201 = arith.constant 8 : i32
      %scan3A_202 = arith.addi %scan3A_200, %scan3A_201 : i32
      %scan3A_203 = arith.constant 1 : i32
      scf.for %scan3A_355 = %scan3A_200 to %scan3A_202 step %scan3A_203  : i32 {
        %mul3A_356 = arith.constant 16 : i32
        %mul3A_357 = arith.muli %scan3A_355, %mul3A_356 : i32
        %get3A_358 = arith.constant 0 : i32
        %get3A_359 = arith.index_cast %get3A_358 : i32 to index
        %get3A_360 = arith.index_cast %mul3A_357 : i32 to index
        %get3A_361 = tpu.vector_load %arg7[%get3A_359, %get3A_360] {strides = array<i32>} : memref<3x1536xi32, #tpu.memory_space<vmem>>, vector<1x16xi32>,
        %get3A_362 = vector.shape_cast %get3A_361 : vector<1x16xi32> to vector<16xi32>
        %get3A_363 = arith.constant 1 : i32
        %get3A_364 = arith.index_cast %get3A_363 : i32 to index
        %get3A_365 = arith.index_cast %mul3A_357 : i32 to index
        %get3A_366 = tpu.vector_load %arg7[%get3A_364, %get3A_365] {strides = array<i32>} : memref<3x1536xi32, #tpu.memory_space<vmem>>, vector<1x16xi32>,
        %get3A_367 = vector.shape_cast %get3A_366 : vector<1x16xi32> to vector<16xi32>
        %get3A_368 = arith.constant 2 : i32
        %get3A_369 = arith.index_cast %get3A_368 : i32 to index
        %get3A_370 = arith.index_cast %mul3A_357 : i32 to index
        %get3A_371 = tpu.vector_load %arg7[%get3A_369, %get3A_370] {strides = array<i32>} : memref<3x1536xi32, #tpu.memory_space<vmem>>, vector<1x16xi32>,
        %get3A_372 = vector.shape_cast %get3A_371 : vector<1x16xi32> to vector<16xi32>
        %broadcast_in_dim3A = vector.shape_cast %get3A_362 : vector<16xi32> to vector<16x1xi32>
        %gather3A = vector.shape_cast %broadcast_in_dim3A : vector<16x1xi32> to vector<16xi32>
        %gather3A_373 = tpu.dynamic_gather %get3A_57[%gather3A] in [0] : vector<16xf32>, vector<16xi32> -> vector<16xf32>
        %broadcast_in_dim3A_374 = vector.shape_cast %get3A_367 : vector<16xi32> to vector<16x1xi32>
        %gather3A_375 = vector.shape_cast %broadcast_in_dim3A_374 : vector<16x1xi32> to vector<16xi32>
        %gather3A_376 = tpu.dynamic_gather %get3A_105[%gather3A_375] in [0] : vector<16xf32>, vector<16xi32> -> vector<16xf32>
        %add3A_377 = arith.addf %gather3A_373, %gather3A_376 : vector<16xf32>
        %broadcast_in_dim3A_378 = vector.shape_cast %get3A_372 : vector<16xi32> to vector<16x1xi32>
        %gather3A_379 = vector.shape_cast %broadcast_in_dim3A_378 : vector<16x1xi32> to vector<16xi32>
        %gather3A_380 = tpu.dynamic_gather %get3A_153[%gather3A_379] in [0] : vector<16xf32>, vector<16xi32> -> vector<16xf32>
        %add3A_381 = arith.addf %add3A_377, %gather3A_380 : vector<16xf32>
        %swap3A = arith.constant 0 : i32
        %swap3A_382 = arith.index_cast %swap3A : i32 to index
        %swap3A_383 = arith.index_cast %mul3A_357 : i32 to index
        %swap3A_384 = tpu.vector_load %arg9[%swap3A_382, %swap3A_383] {strides = array<i32>} : memref<32x1536xf32, #tpu.memory_space<vmem>>, vector<1x16xf32>,
        %swap3A_385 = vector.shape_cast %swap3A_384 : vector<1x16xf32> to vector<16xf32>
        %swap3A_386 = vector.shape_cast %add3A_381 : vector<16xf32> to vector<1x16xf32>
        tpu.vector_store %arg9[%swap3A_382, %swap3A_383], %swap3A_386 {strides = array<i32>} : memref<32x1536xf32, #tpu.memory_space<vmem>>, vector<1x16xf32>,
        %broadcast_in_dim3A_387 = vector.shape_cast %get3A_362 : vector<16xi32> to vector<16x1xi32>
        %gather3A_388 = vector.shape_cast %broadcast_in_dim3A_387 : vector<16x1xi32> to vector<16xi32>
        %gather3A_389 = tpu.dynamic_gather %get3A_60[%gather3A_388] in [0] : vector<16xf32>, vector<16xi32> -> vector<16xf32>
        %broadcast_in_dim3A_390 = vector.shape_cast %get3A_367 : vector<16xi32> to vector<16x1xi32>
        %gather3A_391 = vector.shape_cast %broadcast_in_dim3A_390 : vector<16x1xi32> to vector<16xi32>
        %gather3A_392 = tpu.dynamic_gather %get3A_108[%gather3A_391] in [0] : vector<16xf32>, vector<16xi32> -> vector<16xf32>
        %add3A_393 = arith.addf %gather3A_389, %gather3A_392 : vector<16xf32>
        %broadcast_in_dim3A_394 = vector.shape_cast %get3A_372 : vector<16xi32> to vector<16x1xi32>
        %gather3A_395 = vector.shape_cast %broadcast_in_dim3A_394 : vector<16x1xi32> to vector<16xi32>
        %gather3A_396 = tpu.dynamic_gather %get3A_156[%gather3A_395] in [0] : vector<16xf32>, vector<16xi32> -> vector<16xf32>
        %add3A_397 = arith.addf %add3A_393, %gather3A_396 : vector<16xf32>
        %swap3A_398 = arith.constant 1 : i32
        %swap3A_399 = arith.index_cast %swap3A_398 : i32 to index
        %swap3A_400 = arith.index_cast %mul3A_357 : i32 to index
        %swap3A_401 = tpu.vector_load %arg9[%swap3A_399, %swap3A_400] {strides = array<i32>} : memref<32x1536xf32, #tpu.memory_space<vmem>>, vector<1x16xf32>,
        %swap3A_402 = vector.shape_cast %swap3A_401 : vector<1x16xf32> to vector<16xf32>
        %swap3A_403 = vector.shape_cast %add3A_397 : vector<16xf32> to vector<1x16xf32>
        tpu.vector_store %arg9[%swap3A_399, %swap3A_400], %swap3A_403 {strides = array<i32>} : memref<32x1536xf32, #tpu.memory_space<vmem>>, vector<1x16xf32>,
        %broadcast_in_dim3A_404 = vector.shape_cast %get3A_362 : vector<16xi32> to vector<16x1xi32>
        %gather3A_405 = vector.shape_cast %broadcast_in_dim3A_404 : vector<16x1xi32> to vector<16xi32>
        %gather3A_406 = tpu.dynamic_gather %get3A_63[%gather3A_405] in [0] : vector<16xf32>, vector<16xi32> -> vector<16xf32>
        %broadcast_in_dim3A_407 = vector.shape_cast %get3A_367 : vector<16xi32> to vector<16x1xi32>
        %gather3A_408 = vector.shape_cast %broadcast_in_dim3A_407 : vector<16x1xi32> to vector<16xi32>
        %gather3A_409 = tpu.dynamic_gather %get3A_111[%gather3A_408] in [0] : vector<16xf32>, vector<16xi32> -> vector<16xf32>
        %add3A_410 = arith.addf %gather3A_406, %gather3A_409 : vector<16xf32>
        %broadcast_in_dim3A_411 = vector.shape_cast %get3A_372 : vector<16xi32> to vector<16x1xi32>
        %gather3A_412 = vector.shape_cast %broadcast_in_dim3A_411 : vector<16x1xi32> to vector<16xi32>
        %gather3A_413 = tpu.dynamic_gather %get3A_159[%gather3A_412] in [0] : vector<16xf32>, vector<16xi32> -> vector<16xf32>
        %add3A_414 = arith.addf %add3A_410, %gather3A_413 : vector<16xf32>
        %swap3A_415 = arith.constant 2 : i32
        %swap3A_416 = arith.index_cast %swap3A_415 : i32 to index
        %swap3A_417 = arith.index_cast %mul3A_357 : i32 to index
        %swap3A_418 = tpu.vector_load %arg9[%swap3A_416, %swap3A_417] {strides = array<i32>} : memref<32x1536xf32, #tpu.memory_space<vmem>>, vector<1x16xf32>,
        %swap3A_419 = vector.shape_cast %swap3A_418 : vector<1x16xf32> to vector<16xf32>
        %swap3A_420 = vector.shape_cast %add3A_414 : vector<16xf32> to vector<1x16xf32>
        tpu.vector_store %arg9[%swap3A_416, %swap3A_417], %swap3A_420 {strides = array<i32>} : memref<32x1536xf32, #tpu.memory_space<vmem>>, vector<1x16xf32>,
        %broadcast_in_dim3A_421 = vector.shape_cast %get3A_362 : vector<16xi32> to vector<16x1xi32>
        %gather3A_422 = vector.shape_cast %broadcast_in_dim3A_421 : vector<16x1xi32> to vector<16xi32>
        %gather3A_423 = tpu.dynamic_gather %get3A_66[%gather3A_422] in [0] : vector<16xf32>, vector<16xi32> -> vector<16xf32>
        %broadcast_in_dim3A_424 = vector.shape_cast %get3A_367 : vector<16xi32> to vector<16x1xi32>
        %gather3A_425 = vector.shape_cast %broadcast_in_dim3A_424 : vector<16x1xi32> to vector<16xi32>
        %gather3A_426 = tpu.dynamic_gather %get3A_114[%gather3A_425] in [0] : vector<16xf32>, vector<16xi32> -> vector<16xf32>
        %add3A_427 = arith.addf %gather3A_423, %gather3A_426 : vector<16xf32>
        %broadcast_in_dim3A_428 = vector.shape_cast %get3A_372 : vector<16xi32> to vector<16x1xi32>
        %gather3A_429 = vector.shape_cast %broadcast_in_dim3A_428 : vector<16x1xi32> to vector<16xi32>
        %gather3A_430 = tpu.dynamic_gather %get3A_162[%gather3A_429] in [0] : vector<16xf32>, vector<16xi32> -> vector<16xf32>
        %add3A_431 = arith.addf %add3A_427, %gather3A_430 : vector<16xf32>
        %swap3A_432 = arith.constant 3 : i32
        %swap3A_433 = arith.index_cast %swap3A_432 : i32 to index
        %swap3A_434 = arith.index_cast %mul3A_357 : i32 to index
        %swap3A_435 = tpu.vector_load %arg9[%swap3A_433, %swap3A_434] {strides = array<i32>} : memref<32x1536xf32, #tpu.memory_space<vmem>>, vector<1x16xf32>,
        %swap3A_436 = vector.shape_cast %swap3A_435 : vector<1x16xf32> to vector<16xf32>
        %swap3A_437 = vector.shape_cast %add3A_431 : vector<16xf32> to vector<1x16xf32>
        tpu.vector_store %arg9[%swap3A_433, %swap3A_434], %swap3A_437 {strides = array<i32>} : memref<32x1536xf32, #tpu.memory_space<vmem>>, vector<1x16xf32>,
        %broadcast_in_dim3A_438 = vector.shape_cast %get3A_362 : vector<16xi32> to vector<16x1xi32>
        %gather3A_439 = vector.shape_cast %broadcast_in_dim3A_438 : vector<16x1xi32> to vector<16xi32>
        %gather3A_440 = tpu.dynamic_gather %get3A_69[%gather3A_439] in [0] : vector<16xf32>, vector<16xi32> -> vector<16xf32>
        %broadcast_in_dim3A_441 = vector.shape_cast %get3A_367 : vector<16xi32> to vector<16x1xi32>
        %gather3A_442 = vector.shape_cast %broadcast_in_dim3A_441 : vector<16x1xi32> to vector<16xi32>
        %gather3A_443 = tpu.dynamic_gather %get3A_117[%gather3A_442] in [0] : vector<16xf32>, vector<16xi32> -> vector<16xf32>
        %add3A_444 = arith.addf %gather3A_440, %gather3A_443 : vector<16xf32>
        %broadcast_in_dim3A_445 = vector.shape_cast %get3A_372 : vector<16xi32> to vector<16x1xi32>
        %gather3A_446 = vector.shape_cast %broadcast_in_dim3A_445 : vector<16x1xi32> to vector<16xi32>
        %gather3A_447 = tpu.dynamic_gather %get3A_165[%gather3A_446] in [0] : vector<16xf32>, vector<16xi32> -> vector<16xf32>
        %add3A_448 = arith.addf %add3A_444, %gather3A_447 : vector<16xf32>
        %swap3A_449 = arith.constant 4 : i32
        %swap3A_450 = arith.index_cast %swap3A_449 : i32 to index
        %swap3A_451 = arith.index_cast %mul3A_357 : i32 to index
        %swap3A_452 = tpu.vector_load %arg9[%swap3A_450, %swap3A_451] {strides = array<i32>} : memref<32x1536xf32, #tpu.memory_space<vmem>>, vector<1x16xf32>,
        %swap3A_453 = vector.shape_cast %swap3A_452 : vector<1x16xf32> to vector<16xf32>
        %swap3A_454 = vector.shape_cast %add3A_448 : vector<16xf32> to vector<1x16xf32>
        tpu.vector_store %arg9[%swap3A_450, %swap3A_451], %swap3A_454 {strides = array<i32>} : memref<32x1536xf32, #tpu.memory_space<vmem>>, vector<1x16xf32>,
        %broadcast_in_dim3A_455 = vector.shape_cast %get3A_362 : vector<16xi32> to vector<16x1xi32>
        %gather3A_456 = vector.shape_cast %broadcast_in_dim3A_455 : vector<16x1xi32> to vector<16xi32>
        %gather3A_457 = tpu.dynamic_gather %get3A_72[%gather3A_456] in [0] : vector<16xf32>, vector<16xi32> -> vector<16xf32>
        %broadcast_in_dim3A_458 = vector.shape_cast %get3A_367 : vector<16xi32> to vector<16x1xi32>
        %gather3A_459 = vector.shape_cast %broadcast_in_dim3A_458 : vector<16x1xi32> to vector<16xi32>
        %gather3A_460 = tpu.dynamic_gather %get3A_120[%gather3A_459] in [0] : vector<16xf32>, vector<16xi32> -> vector<16xf32>
        %add3A_461 = arith.addf %gather3A_457, %gather3A_460 : vector<16xf32>
        %broadcast_in_dim3A_462 = vector.shape_cast %get3A_372 : vector<16xi32> to vector<16x1xi32>
        %gather3A_463 = vector.shape_cast %broadcast_in_dim3A_462 : vector<16x1xi32> to vector<16xi32>
        %gather3A_464 = tpu.dynamic_gather %get3A_168[%gather3A_463] in [0] : vector<16xf32>, vector<16xi32> -> vector<16xf32>
        %add3A_465 = arith.addf %add3A_461, %gather3A_464 : vector<16xf32>
        %swap3A_466 = arith.constant 5 : i32
        %swap3A_467 = arith.index_cast %swap3A_466 : i32 to index
        %swap3A_468 = arith.index_cast %mul3A_357 : i32 to index
        %swap3A_469 = tpu.vector_load %arg9[%swap3A_467, %swap3A_468] {strides = array<i32>} : memref<32x1536xf32, #tpu.memory_space<vmem>>, vector<1x16xf32>,
        %swap3A_470 = vector.shape_cast %swap3A_469 : vector<1x16xf32> to vector<16xf32>
        %swap3A_471 = vector.shape_cast %add3A_465 : vector<16xf32> to vector<1x16xf32>
        tpu.vector_store %arg9[%swap3A_467, %swap3A_468], %swap3A_471 {strides = array<i32>} : memref<32x1536xf32, #tpu.memory_space<vmem>>, vector<1x16xf32>,
        %broadcast_in_dim3A_472 = vector.shape_cast %get3A_362 : vector<16xi32> to vector<16x1xi32>
        %gather3A_473 = vector.shape_cast %broadcast_in_dim3A_472 : vector<16x1xi32> to vector<16xi32>
        %gather3A_474 = tpu.dynamic_gather %get3A_75[%gather3A_473] in [0] : vector<16xf32>, vector<16xi32> -> vector<16xf32>
        %broadcast_in_dim3A_475 = vector.shape_cast %get3A_367 : vector<16xi32> to vector<16x1xi32>
        %gather3A_476 = vector.shape_cast %broadcast_in_dim3A_475 : vector<16x1xi32> to vector<16xi32>
        %gather3A_477 = tpu.dynamic_gather %get3A_123[%gather3A_476] in [0] : vector<16xf32>, vector<16xi32> -> vector<16xf32>
        %add3A_478 = arith.addf %gather3A_474, %gather3A_477 : vector<16xf32>
        %broadcast_in_dim3A_479 = vector.shape_cast %get3A_372 : vector<16xi32> to vector<16x1xi32>
        %gather3A_480 = vector.shape_cast %broadcast_in_dim3A_479 : vector<16x1xi32> to vector<16xi32>
        %gather3A_481 = tpu.dynamic_gather %get3A_171[%gather3A_480] in [0] : vector<16xf32>, vector<16xi32> -> vector<16xf32>
        %add3A_482 = arith.addf %add3A_478, %gather3A_481 : vector<16xf32>
        %swap3A_483 = arith.constant 6 : i32
        %swap3A_484 = arith.index_cast %swap3A_483 : i32 to index
        %swap3A_485 = arith.index_cast %mul3A_357 : i32 to index
        %swap3A_486 = tpu.vector_load %arg9[%swap3A_484, %swap3A_485] {strides = array<i32>} : memref<32x1536xf32, #tpu.memory_space<vmem>>, vector<1x16xf32>,
        %swap3A_487 = vector.shape_cast %swap3A_486 : vector<1x16xf32> to vector<16xf32>
        %swap3A_488 = vector.shape_cast %add3A_482 : vector<16xf32> to vector<1x16xf32>
        tpu.vector_store %arg9[%swap3A_484, %swap3A_485], %swap3A_488 {strides = array<i32>} : memref<32x1536xf32, #tpu.memory_space<vmem>>, vector<1x16xf32>,
        %broadcast_in_dim3A_489 = vector.shape_cast %get3A_362 : vector<16xi32> to vector<16x1xi32>
        %gather3A_490 = vector.shape_cast %broadcast_in_dim3A_489 : vector<16x1xi32> to vector<16xi32>
        %gather3A_491 = tpu.dynamic_gather %get3A_78[%gather3A_490] in [0] : vector<16xf32>, vector<16xi32> -> vector<16xf32>
        %broadcast_in_dim3A_492 = vector.shape_cast %get3A_367 : vector<16xi32> to vector<16x1xi32>
        %gather3A_493 = vector.shape_cast %broadcast_in_dim3A_492 : vector<16x1xi32> to vector<16xi32>
        %gather3A_494 = tpu.dynamic_gather %get3A_126[%gather3A_493] in [0] : vector<16xf32>, vector<16xi32> -> vector<16xf32>
        %add3A_495 = arith.addf %gather3A_491, %gather3A_494 : vector<16xf32>
        %broadcast_in_dim3A_496 = vector.shape_cast %get3A_372 : vector<16xi32> to vector<16x1xi32>
        %gather3A_497 = vector.shape_cast %broadcast_in_dim3A_496 : vector<16x1xi32> to vector<16xi32>
        %gather3A_498 = tpu.dynamic_gather %get3A_174[%gather3A_497] in [0] : vector<16xf32>, vector<16xi32> -> vector<16xf32>
        %add3A_499 = arith.addf %add3A_495, %gather3A_498 : vector<16xf32>
        %swap3A_500 = arith.constant 7 : i32
        %swap3A_501 = arith.index_cast %swap3A_500 : i32 to index
        %swap3A_502 = arith.index_cast %mul3A_357 : i32 to index
        %swap3A_503 = tpu.vector_load %arg9[%swap3A_501, %swap3A_502] {strides = array<i32>} : memref<32x1536xf32, #tpu.memory_space<vmem>>, vector<1x16xf32>,
        %swap3A_504 = vector.shape_cast %swap3A_503 : vector<1x16xf32> to vector<16xf32>
        %swap3A_505 = vector.shape_cast %add3A_499 : vector<16xf32> to vector<1x16xf32>
        tpu.vector_store %arg9[%swap3A_501, %swap3A_502], %swap3A_505 {strides = array<i32>} : memref<32x1536xf32, #tpu.memory_space<vmem>>, vector<1x16xf32>,
        %broadcast_in_dim3A_506 = vector.shape_cast %get3A_362 : vector<16xi32> to vector<16x1xi32>
        %gather3A_507 = vector.shape_cast %broadcast_in_dim3A_506 : vector<16x1xi32> to vector<16xi32>
        %gather3A_508 = tpu.dynamic_gather %get3A_81[%gather3A_507] in [0] : vector<16xf32>, vector<16xi32> -> vector<16xf32>
        %broadcast_in_dim3A_509 = vector.shape_cast %get3A_367 : vector<16xi32> to vector<16x1xi32>
        %gather3A_510 = vector.shape_cast %broadcast_in_dim3A_509 : vector<16x1xi32> to vector<16xi32>
        %gather3A_511 = tpu.dynamic_gather %get3A_129[%gather3A_510] in [0] : vector<16xf32>, vector<16xi32> -> vector<16xf32>
        %add3A_512 = arith.addf %gather3A_508, %gather3A_511 : vector<16xf32>
        %broadcast_in_dim3A_513 = vector.shape_cast %get3A_372 : vector<16xi32> to vector<16x1xi32>
        %gather3A_514 = vector.shape_cast %broadcast_in_dim3A_513 : vector<16x1xi32> to vector<16xi32>
        %gather3A_515 = tpu.dynamic_gather %get3A_177[%gather3A_514] in [0] : vector<16xf32>, vector<16xi32> -> vector<16xf32>
        %add3A_516 = arith.addf %add3A_512, %gather3A_515 : vector<16xf32>
        %swap3A_517 = arith.constant 8 : i32
        %swap3A_518 = arith.index_cast %swap3A_517 : i32 to index
        %swap3A_519 = arith.index_cast %mul3A_357 : i32 to index
        %swap3A_520 = tpu.vector_load %arg9[%swap3A_518, %swap3A_519] {strides = array<i32>} : memref<32x1536xf32, #tpu.memory_space<vmem>>, vector<1x16xf32>,
        %swap3A_521 = vector.shape_cast %swap3A_520 : vector<1x16xf32> to vector<16xf32>
        %swap3A_522 = vector.shape_cast %add3A_516 : vector<16xf32> to vector<1x16xf32>
        tpu.vector_store %arg9[%swap3A_518, %swap3A_519], %swap3A_522 {strides = array<i32>} : memref<32x1536xf32, #tpu.memory_space<vmem>>, vector<1x16xf32>,
        %broadcast_in_dim3A_523 = vector.shape_cast %get3A_362 : vector<16xi32> to vector<16x1xi32>
        %gather3A_524 = vector.shape_cast %broadcast_in_dim3A_523 : vector<16x1xi32> to vector<16xi32>
        %gather3A_525 = tpu.dynamic_gather %get3A_84[%gather3A_524] in [0] : vector<16xf32>, vector<16xi32> -> vector<16xf32>
        %broadcast_in_dim3A_526 = vector.shape_cast %get3A_367 : vector<16xi32> to vector<16x1xi32>
        %gather3A_527 = vector.shape_cast %broadcast_in_dim3A_526 : vector<16x1xi32> to vector<16xi32>
        %gather3A_528 = tpu.dynamic_gather %get3A_132[%gather3A_527] in [0] : vector<16xf32>, vector<16xi32> -> vector<16xf32>
        %add3A_529 = arith.addf %gather3A_525, %gather3A_528 : vector<16xf32>
        %broadcast_in_dim3A_530 = vector.shape_cast %get3A_372 : vector<16xi32> to vector<16x1xi32>
        %gather3A_531 = vector.shape_cast %broadcast_in_dim3A_530 : vector<16x1xi32> to vector<16xi32>
        %gather3A_532 = tpu.dynamic_gather %get3A_180[%gather3A_531] in [0] : vector<16xf32>, vector<16xi32> -> vector<16xf32>
        %add3A_533 = arith.addf %add3A_529, %gather3A_532 : vector<16xf32>
        %swap3A_534 = arith.constant 9 : i32
        %swap3A_535 = arith.index_cast %swap3A_534 : i32 to index
        %swap3A_536 = arith.index_cast %mul3A_357 : i32 to index
        %swap3A_537 = tpu.vector_load %arg9[%swap3A_535, %swap3A_536] {strides = array<i32>} : memref<32x1536xf32, #tpu.memory_space<vmem>>, vector<1x16xf32>,
        %swap3A_538 = vector.shape_cast %swap3A_537 : vector<1x16xf32> to vector<16xf32>
        %swap3A_539 = vector.shape_cast %add3A_533 : vector<16xf32> to vector<1x16xf32>
        tpu.vector_store %arg9[%swap3A_535, %swap3A_536], %swap3A_539 {strides = array<i32>} : memref<32x1536xf32, #tpu.memory_space<vmem>>, vector<1x16xf32>,
        %broadcast_in_dim3A_540 = vector.shape_cast %get3A_362 : vector<16xi32> to vector<16x1xi32>
        %gather3A_541 = vector.shape_cast %broadcast_in_dim3A_540 : vector<16x1xi32> to vector<16xi32>
        %gather3A_542 = tpu.dynamic_gather %get3A_87[%gather3A_541] in [0] : vector<16xf32>, vector<16xi32> -> vector<16xf32>
        %broadcast_in_dim3A_543 = vector.shape_cast %get3A_367 : vector<16xi32> to vector<16x1xi32>
        %gather3A_544 = vector.shape_cast %broadcast_in_dim3A_543 : vector<16x1xi32> to vector<16xi32>
        %gather3A_545 = tpu.dynamic_gather %get3A_135[%gather3A_544] in [0] : vector<16xf32>, vector<16xi32> -> vector<16xf32>
        %add3A_546 = arith.addf %gather3A_542, %gather3A_545 : vector<16xf32>
        %broadcast_in_dim3A_547 = vector.shape_cast %get3A_372 : vector<16xi32> to vector<16x1xi32>
        %gather3A_548 = vector.shape_cast %broadcast_in_dim3A_547 : vector<16x1xi32> to vector<16xi32>
        %gather3A_549 = tpu.dynamic_gather %get3A_183[%gather3A_548] in [0] : vector<16xf32>, vector<16xi32> -> vector<16xf32>
        %add3A_550 = arith.addf %add3A_546, %gather3A_549 : vector<16xf32>
        %swap3A_551 = arith.constant 10 : i32
        %swap3A_552 = arith.index_cast %swap3A_551 : i32 to index
        %swap3A_553 = arith.index_cast %mul3A_357 : i32 to index
        %swap3A_554 = tpu.vector_load %arg9[%swap3A_552, %swap3A_553] {strides = array<i32>} : memref<32x1536xf32, #tpu.memory_space<vmem>>, vector<1x16xf32>,
        %swap3A_555 = vector.shape_cast %swap3A_554 : vector<1x16xf32> to vector<16xf32>
        %swap3A_556 = vector.shape_cast %add3A_550 : vector<16xf32> to vector<1x16xf32>
        tpu.vector_store %arg9[%swap3A_552, %swap3A_553], %swap3A_556 {strides = array<i32>} : memref<32x1536xf32, #tpu.memory_space<vmem>>, vector<1x16xf32>,
        %broadcast_in_dim3A_557 = vector.shape_cast %get3A_362 : vector<16xi32> to vector<16x1xi32>
        %gather3A_558 = vector.shape_cast %broadcast_in_dim3A_557 : vector<16x1xi32> to vector<16xi32>
        %gather3A_559 = tpu.dynamic_gather %get3A_90[%gather3A_558] in [0] : vector<16xf32>, vector<16xi32> -> vector<16xf32>
        %broadcast_in_dim3A_560 = vector.shape_cast %get3A_367 : vector<16xi32> to vector<16x1xi32>
        %gather3A_561 = vector.shape_cast %broadcast_in_dim3A_560 : vector<16x1xi32> to vector<16xi32>
        %gather3A_562 = tpu.dynamic_gather %get3A_138[%gather3A_561] in [0] : vector<16xf32>, vector<16xi32> -> vector<16xf32>
        %add3A_563 = arith.addf %gather3A_559, %gather3A_562 : vector<16xf32>
        %broadcast_in_dim3A_564 = vector.shape_cast %get3A_372 : vector<16xi32> to vector<16x1xi32>
        %gather3A_565 = vector.shape_cast %broadcast_in_dim3A_564 : vector<16x1xi32> to vector<16xi32>
        %gather3A_566 = tpu.dynamic_gather %get3A_186[%gather3A_565] in [0] : vector<16xf32>, vector<16xi32> -> vector<16xf32>
        %add3A_567 = arith.addf %add3A_563, %gather3A_566 : vector<16xf32>
        %swap3A_568 = arith.constant 11 : i32
        %swap3A_569 = arith.index_cast %swap3A_568 : i32 to index
        %swap3A_570 = arith.index_cast %mul3A_357 : i32 to index
        %swap3A_571 = tpu.vector_load %arg9[%swap3A_569, %swap3A_570] {strides = array<i32>} : memref<32x1536xf32, #tpu.memory_space<vmem>>, vector<1x16xf32>,
        %swap3A_572 = vector.shape_cast %swap3A_571 : vector<1x16xf32> to vector<16xf32>
        %swap3A_573 = vector.shape_cast %add3A_567 : vector<16xf32> to vector<1x16xf32>
        tpu.vector_store %arg9[%swap3A_569, %swap3A_570], %swap3A_573 {strides = array<i32>} : memref<32x1536xf32, #tpu.memory_space<vmem>>, vector<1x16xf32>,
        %broadcast_in_dim3A_574 = vector.shape_cast %get3A_362 : vector<16xi32> to vector<16x1xi32>
        %gather3A_575 = vector.shape_cast %broadcast_in_dim3A_574 : vector<16x1xi32> to vector<16xi32>
        %gather3A_576 = tpu.dynamic_gather %get3A_93[%gather3A_575] in [0] : vector<16xf32>, vector<16xi32> -> vector<16xf32>
        %broadcast_in_dim3A_577 = vector.shape_cast %get3A_367 : vector<16xi32> to vector<16x1xi32>
        %gather3A_578 = vector.shape_cast %broadcast_in_dim3A_577 : vector<16x1xi32> to vector<16xi32>
        %gather3A_579 = tpu.dynamic_gather %get3A_141[%gather3A_578] in [0] : vector<16xf32>, vector<16xi32> -> vector<16xf32>
        %add3A_580 = arith.addf %gather3A_576, %gather3A_579 : vector<16xf32>
        %broadcast_in_dim3A_581 = vector.shape_cast %get3A_372 : vector<16xi32> to vector<16x1xi32>
        %gather3A_582 = vector.shape_cast %broadcast_in_dim3A_581 : vector<16x1xi32> to vector<16xi32>
        %gather3A_583 = tpu.dynamic_gather %get3A_189[%gather3A_582] in [0] : vector<16xf32>, vector<16xi32> -> vector<16xf32>
        %add3A_584 = arith.addf %add3A_580, %gather3A_583 : vector<16xf32>
        %swap3A_585 = arith.constant 12 : i32
        %swap3A_586 = arith.index_cast %swap3A_585 : i32 to index
        %swap3A_587 = arith.index_cast %mul3A_357 : i32 to index
        %swap3A_588 = tpu.vector_load %arg9[%swap3A_586, %swap3A_587] {strides = array<i32>} : memref<32x1536xf32, #tpu.memory_space<vmem>>, vector<1x16xf32>,
        %swap3A_589 = vector.shape_cast %swap3A_588 : vector<1x16xf32> to vector<16xf32>
        %swap3A_590 = vector.shape_cast %add3A_584 : vector<16xf32> to vector<1x16xf32>
        tpu.vector_store %arg9[%swap3A_586, %swap3A_587], %swap3A_590 {strides = array<i32>} : memref<32x1536xf32, #tpu.memory_space<vmem>>, vector<1x16xf32>,
        %broadcast_in_dim3A_591 = vector.shape_cast %get3A_362 : vector<16xi32> to vector<16x1xi32>
        %gather3A_592 = vector.shape_cast %broadcast_in_dim3A_591 : vector<16x1xi32> to vector<16xi32>
        %gather3A_593 = tpu.dynamic_gather %get3A_96[%gather3A_592] in [0] : vector<16xf32>, vector<16xi32> -> vector<16xf32>
        %broadcast_in_dim3A_594 = vector.shape_cast %get3A_367 : vector<16xi32> to vector<16x1xi32>
        %gather3A_595 = vector.shape_cast %broadcast_in_dim3A_594 : vector<16x1xi32> to vector<16xi32>
        %gather3A_596 = tpu.dynamic_gather %get3A_144[%gather3A_595] in [0] : vector<16xf32>, vector<16xi32> -> vector<16xf32>
        %add3A_597 = arith.addf %gather3A_593, %gather3A_596 : vector<16xf32>
        %broadcast_in_dim3A_598 = vector.shape_cast %get3A_372 : vector<16xi32> to vector<16x1xi32>
        %gather3A_599 = vector.shape_cast %broadcast_in_dim3A_598 : vector<16x1xi32> to vector<16xi32>
        %gather3A_600 = tpu.dynamic_gather %get3A_192[%gather3A_599] in [0] : vector<16xf32>, vector<16xi32> -> vector<16xf32>
        %add3A_601 = arith.addf %add3A_597, %gather3A_600 : vector<16xf32>
        %swap3A_602 = arith.constant 13 : i32
        %swap3A_603 = arith.index_cast %swap3A_602 : i32 to index
        %swap3A_604 = arith.index_cast %mul3A_357 : i32 to index
        %swap3A_605 = tpu.vector_load %arg9[%swap3A_603, %swap3A_604] {strides = array<i32>} : memref<32x1536xf32, #tpu.memory_space<vmem>>, vector<1x16xf32>,
        %swap3A_606 = vector.shape_cast %swap3A_605 : vector<1x16xf32> to vector<16xf32>
        %swap3A_607 = vector.shape_cast %add3A_601 : vector<16xf32> to vector<1x16xf32>
        tpu.vector_store %arg9[%swap3A_603, %swap3A_604], %swap3A_607 {strides = array<i32>} : memref<32x1536xf32, #tpu.memory_space<vmem>>, vector<1x16xf32>,
        %broadcast_in_dim3A_608 = vector.shape_cast %get3A_362 : vector<16xi32> to vector<16x1xi32>
        %gather3A_609 = vector.shape_cast %broadcast_in_dim3A_608 : vector<16x1xi32> to vector<16xi32>
        %gather3A_610 = tpu.dynamic_gather %get3A_99[%gather3A_609] in [0] : vector<16xf32>, vector<16xi32> -> vector<16xf32>
        %broadcast_in_dim3A_611 = vector.shape_cast %get3A_367 : vector<16xi32> to vector<16x1xi32>
        %gather3A_612 = vector.shape_cast %broadcast_in_dim3A_611 : vector<16x1xi32> to vector<16xi32>
        %gather3A_613 = tpu.dynamic_gather %get3A_147[%gather3A_612] in [0] : vector<16xf32>, vector<16xi32> -> vector<16xf32>
        %add3A_614 = arith.addf %gather3A_610, %gather3A_613 : vector<16xf32>
        %broadcast_in_dim3A_615 = vector.shape_cast %get3A_372 : vector<16xi32> to vector<16x1xi32>
        %gather3A_616 = vector.shape_cast %broadcast_in_dim3A_615 : vector<16x1xi32> to vector<16xi32>
        %gather3A_617 = tpu.dynamic_gather %get3A_195[%gather3A_616] in [0] : vector<16xf32>, vector<16xi32> -> vector<16xf32>
        %add3A_618 = arith.addf %add3A_614, %gather3A_617 : vector<16xf32>
        %swap3A_619 = arith.constant 14 : i32
        %swap3A_620 = arith.index_cast %swap3A_619 : i32 to index
        %swap3A_621 = arith.index_cast %mul3A_357 : i32 to index
        %swap3A_622 = tpu.vector_load %arg9[%swap3A_620, %swap3A_621] {strides = array<i32>} : memref<32x1536xf32, #tpu.memory_space<vmem>>, vector<1x16xf32>,
        %swap3A_623 = vector.shape_cast %swap3A_622 : vector<1x16xf32> to vector<16xf32>
        %swap3A_624 = vector.shape_cast %add3A_618 : vector<16xf32> to vector<1x16xf32>
        tpu.vector_store %arg9[%swap3A_620, %swap3A_621], %swap3A_624 {strides = array<i32>} : memref<32x1536xf32, #tpu.memory_space<vmem>>, vector<1x16xf32>,
        %broadcast_in_dim3A_625 = vector.shape_cast %get3A_362 : vector<16xi32> to vector<16x1xi32>
        %gather3A_626 = vector.shape_cast %broadcast_in_dim3A_625 : vector<16x1xi32> to vector<16xi32>
        %gather3A_627 = tpu.dynamic_gather %get3A_102[%gather3A_626] in [0] : vector<16xf32>, vector<16xi32> -> vector<16xf32>
        %broadcast_in_dim3A_628 = vector.shape_cast %get3A_367 : vector<16xi32> to vector<16x1xi32>
        %gather3A_629 = vector.shape_cast %broadcast_in_dim3A_628 : vector<16x1xi32> to vector<16xi32>
        %gather3A_630 = tpu.dynamic_gather %get3A_150[%gather3A_629] in [0] : vector<16xf32>, vector<16xi32> -> vector<16xf32>
        %add3A_631 = arith.addf %gather3A_627, %gather3A_630 : vector<16xf32>
        %broadcast_in_dim3A_632 = vector.shape_cast %get3A_372 : vector<16xi32> to vector<16x1xi32>
        %gather3A_633 = vector.shape_cast %broadcast_in_dim3A_632 : vector<16x1xi32> to vector<16xi32>
        %gather3A_634 = tpu.dynamic_gather %get3A_198[%gather3A_633] in [0] : vector<16xf32>, vector<16xi32> -> vector<16xf32>
        %add3A_635 = arith.addf %add3A_631, %gather3A_634 : vector<16xf32>
        %swap3A_636 = arith.constant 15 : i32
        %swap3A_637 = arith.index_cast %swap3A_636 : i32 to index
        %swap3A_638 = arith.index_cast %mul3A_357 : i32 to index
        %swap3A_639 = tpu.vector_load %arg9[%swap3A_637, %swap3A_638] {strides = array<i32>} : memref<32x1536xf32, #tpu.memory_space<vmem>>, vector<1x16xf32>,
        %swap3A_640 = vector.shape_cast %swap3A_639 : vector<1x16xf32> to vector<16xf32>
        %swap3A_641 = vector.shape_cast %add3A_635 : vector<16xf32> to vector<1x16xf32>
        tpu.vector_store %arg9[%swap3A_637, %swap3A_638], %swap3A_641 {strides = array<i32>} : memref<32x1536xf32, #tpu.memory_space<vmem>>, vector<1x16xf32>,
      }
      %scan3A_204 = arith.constant 8 : i32
      %get3A_205 = arith.constant 256 : index
      %get3A_206 = tpu.vector_load %arg11[%get3A_205] {strides = array<i32>} : memref<512xf32, #tpu.memory_space<vmem>>, vector<16xf32>,
      %get3A_207 = vector.shape_cast %get3A_206 : vector<16xf32> to vector<16xf32>
      %get3A_208 = arith.constant 272 : index
      %get3A_209 = tpu.vector_load %arg11[%get3A_208] {strides = array<i32>} : memref<512xf32, #tpu.memory_space<vmem>>, vector<16xf32>,
      %get3A_210 = vector.shape_cast %get3A_209 : vector<16xf32> to vector<16xf32>
      %get3A_211 = arith.constant 288 : index
      %get3A_212 = tpu.vector_load %arg11[%get3A_211] {strides = array<i32>} : memref<512xf32, #tpu.memory_space<vmem>>, vector<16xf32>,
      %get3A_213 = vector.shape_cast %get3A_212 : vector<16xf32> to vector<16xf32>
      %get3A_214 = arith.constant 304 : index
      %get3A_215 = tpu.vector_load %arg11[%get3A_214] {strides = array<i32>} : memref<512xf32, #tpu.memory_space<vmem>>, vector<16xf32>,
      %get3A_216 = vector.shape_cast %get3A_215 : vector<16xf32> to vector<16xf32>
      %get3A_217 = arith.constant 320 : index
      %get3A_218 = tpu.vector_load %arg11[%get3A_217] {strides = array<i32>} : memref<512xf32, #tpu.memory_space<vmem>>, vector<16xf32>,
      %get3A_219 = vector.shape_cast %get3A_218 : vector<16xf32> to vector<16xf32>
      %get3A_220 = arith.constant 336 : index
      %get3A_221 = tpu.vector_load %arg11[%get3A_220] {strides = array<i32>} : memref<512xf32, #tpu.memory_space<vmem>>, vector<16xf32>,
      %get3A_222 = vector.shape_cast %get3A_221 : vector<16xf32> to vector<16xf32>
      %get3A_223 = arith.constant 352 : index
      %get3A_224 = tpu.vector_load %arg11[%get3A_223] {strides = array<i32>} : memref<512xf32, #tpu.memory_space<vmem>>, vector<16xf32>,
      %get3A_225 = vector.shape_cast %get3A_224 : vector<16xf32> to vector<16xf32>
      %get3A_226 = arith.constant 368 : index
      %get3A_227 = tpu.vector_load %arg11[%get3A_226] {strides = array<i32>} : memref<512xf32, #tpu.memory_space<vmem>>, vector<16xf32>,
      %get3A_228 = vector.shape_cast %get3A_227 : vector<16xf32> to vector<16xf32>
      %get3A_229 = arith.constant 384 : index
      %get3A_230 = tpu.vector_load %arg11[%get3A_229] {strides = array<i32>} : memref<512xf32, #tpu.memory_space<vmem>>, vector<16xf32>,
      %get3A_231 = vector.shape_cast %get3A_230 : vector<16xf32> to vector<16xf32>
      %get3A_232 = arith.constant 400 : index
      %get3A_233 = tpu.vector_load %arg11[%get3A_232] {strides = array<i32>} : memref<512xf32, #tpu.memory_space<vmem>>, vector<16xf32>,
      %get3A_234 = vector.shape_cast %get3A_233 : vector<16xf32> to vector<16xf32>
      %get3A_235 = arith.constant 416 : index
      %get3A_236 = tpu.vector_load %arg11[%get3A_235] {strides = array<i32>} : memref<512xf32, #tpu.memory_space<vmem>>, vector<16xf32>,
      %get3A_237 = vector.shape_cast %get3A_236 : vector<16xf32> to vector<16xf32>
      %get3A_238 = arith.constant 432 : index
      %get3A_239 = tpu.vector_load %arg11[%get3A_238] {strides = array<i32>} : memref<512xf32, #tpu.memory_space<vmem>>, vector<16xf32>,
      %get3A_240 = vector.shape_cast %get3A_239 : vector<16xf32> to vector<16xf32>
      %get3A_241 = arith.constant 448 : index
      %get3A_242 = tpu.vector_load %arg11[%get3A_241] {strides = array<i32>} : memref<512xf32, #tpu.memory_space<vmem>>, vector<16xf32>,
      %get3A_243 = vector.shape_cast %get3A_242 : vector<16xf32> to vector<16xf32>
      %get3A_244 = arith.constant 464 : index
      %get3A_245 = tpu.vector_load %arg11[%get3A_244] {strides = array<i32>} : memref<512xf32, #tpu.memory_space<vmem>>, vector<16xf32>,
      %get3A_246 = vector.shape_cast %get3A_245 : vector<16xf32> to vector<16xf32>
      %get3A_247 = arith.constant 480 : index
      %get3A_248 = tpu.vector_load %arg11[%get3A_247] {strides = array<i32>} : memref<512xf32, #tpu.memory_space<vmem>>, vector<16xf32>,
      %get3A_249 = vector.shape_cast %get3A_248 : vector<16xf32> to vector<16xf32>
      %get3A_250 = arith.constant 496 : index
      %get3A_251 = tpu.vector_load %arg11[%get3A_250] {strides = array<i32>} : memref<512xf32, #tpu.memory_space<vmem>>, vector<16xf32>,
      %get3A_252 = vector.shape_cast %get3A_251 : vector<16xf32> to vector<16xf32>
      %get3A_253 = arith.constant 256 : index
      %get3A_254 = tpu.vector_load %arg12[%get3A_253] {strides = array<i32>} : memref<512xf32, #tpu.memory_space<vmem>>, vector<16xf32>,
      %get3A_255 = vector.shape_cast %get3A_254 : vector<16xf32> to vector<16xf32>
      %get3A_256 = arith.constant 272 : index
      %get3A_257 = tpu.vector_load %arg12[%get3A_256] {strides = array<i32>} : memref<512xf32, #tpu.memory_space<vmem>>, vector<16xf32>,
      %get3A_258 = vector.shape_cast %get3A_257 : vector<16xf32> to vector<16xf32>
      %get3A_259 = arith.constant 288 : index
      %get3A_260 = tpu.vector_load %arg12[%get3A_259] {strides = array<i32>} : memref<512xf32, #tpu.memory_space<vmem>>, vector<16xf32>,
      %get3A_261 = vector.shape_cast %get3A_260 : vector<16xf32> to vector<16xf32>
      %get3A_262 = arith.constant 304 : index
      %get3A_263 = tpu.vector_load %arg12[%get3A_262] {strides = array<i32>} : memref<512xf32, #tpu.memory_space<vmem>>, vector<16xf32>,
      %get3A_264 = vector.shape_cast %get3A_263 : vector<16xf32> to vector<16xf32>
      %get3A_265 = arith.constant 320 : index
      %get3A_266 = tpu.vector_load %arg12[%get3A_265] {strides = array<i32>} : memref<512xf32, #tpu.memory_space<vmem>>, vector<16xf32>,
      %get3A_267 = vector.shape_cast %get3A_266 : vector<16xf32> to vector<16xf32>
      %get3A_268 = arith.constant 336 : index
      %get3A_269 = tpu.vector_load %arg12[%get3A_268] {strides = array<i32>} : memref<512xf32, #tpu.memory_space<vmem>>, vector<16xf32>,
      %get3A_270 = vector.shape_cast %get3A_269 : vector<16xf32> to vector<16xf32>
      %get3A_271 = arith.constant 352 : index
      %get3A_272 = tpu.vector_load %arg12[%get3A_271] {strides = array<i32>} : memref<512xf32, #tpu.memory_space<vmem>>, vector<16xf32>,
      %get3A_273 = vector.shape_cast %get3A_272 : vector<16xf32> to vector<16xf32>
      %get3A_274 = arith.constant 368 : index
      %get3A_275 = tpu.vector_load %arg12[%get3A_274] {strides = array<i32>} : memref<512xf32, #tpu.memory_space<vmem>>, vector<16xf32>,
      %get3A_276 = vector.shape_cast %get3A_275 : vector<16xf32> to vector<16xf32>
      %get3A_277 = arith.constant 384 : index
      %get3A_278 = tpu.vector_load %arg12[%get3A_277] {strides = array<i32>} : memref<512xf32, #tpu.memory_space<vmem>>, vector<16xf32>,
      %get3A_279 = vector.shape_cast %get3A_278 : vector<16xf32> to vector<16xf32>
      %get3A_280 = arith.constant 400 : index
      %get3A_281 = tpu.vector_load %arg12[%get3A_280] {strides = array<i32>} : memref<512xf32, #tpu.memory_space<vmem>>, vector<16xf32>,
      %get3A_282 = vector.shape_cast %get3A_281 : vector<16xf32> to vector<16xf32>
      %get3A_283 = arith.constant 416 : index
      %get3A_284 = tpu.vector_load %arg12[%get3A_283] {strides = array<i32>} : memref<512xf32, #tpu.memory_space<vmem>>, vector<16xf32>,
      %get3A_285 = vector.shape_cast %get3A_284 : vector<16xf32> to vector<16xf32>
      %get3A_286 = arith.constant 432 : index
      %get3A_287 = tpu.vector_load %arg12[%get3A_286] {strides = array<i32>} : memref<512xf32, #tpu.memory_space<vmem>>, vector<16xf32>,
      %get3A_288 = vector.shape_cast %get3A_287 : vector<16xf32> to vector<16xf32>
      %get3A_289 = arith.constant 448 : index
      %get3A_290 = tpu.vector_load %arg12[%get3A_289] {strides = array<i32>} : memref<512xf32, #tpu.memory_space<vmem>>, vector<16xf32>,
      %get3A_291 = vector.shape_cast %get3A_290 : vector<16xf32> to vector<16xf32>
      %get3A_292 = arith.constant 464 : index
      %get3A_293 = tpu.vector_load %arg12[%get3A_292] {strides = array<i32>} : memref<512xf32, #tpu.memory_space<vmem>>, vector<16xf32>,
      %get3A_294 = vector.shape_cast %get3A_293 : vector<16xf32> to vector<16xf32>
      %get3A_295 = arith.constant 480 : index
      %get3A_296 = tpu.vector_load %arg12[%get3A_295] {strides = array<i32>} : memref<512xf32, #tpu.memory_space<vmem>>, vector<16xf32>,
      %get3A_297 = vector.shape_cast %get3A_296 : vector<16xf32> to vector<16xf32>
      %get3A_298 = arith.constant 496 : index
      %get3A_299 = tpu.vector_load %arg12[%get3A_298] {strides = array<i32>} : memref<512xf32, #tpu.memory_space<vmem>>, vector<16xf32>,
      %get3A_300 = vector.shape_cast %get3A_299 : vector<16xf32> to vector<16xf32>
      %get3A_301 = arith.constant 256 : index
      %get3A_302 = tpu.vector_load %arg13[%get3A_301] {strides = array<i32>} : memref<512xf32, #tpu.memory_space<vmem>>, vector<16xf32>,
      %get3A_303 = vector.shape_cast %get3A_302 : vector<16xf32> to vector<16xf32>
      %get3A_304 = arith.constant 272 : index
      %get3A_305 = tpu.vector_load %arg13[%get3A_304] {strides = array<i32>} : memref<512xf32, #tpu.memory_space<vmem>>, vector<16xf32>,
      %get3A_306 = vector.shape_cast %get3A_305 : vector<16xf32> to vector<16xf32>
      %get3A_307 = arith.constant 288 : index
      %get3A_308 = tpu.vector_load %arg13[%get3A_307] {strides = array<i32>} : memref<512xf32, #tpu.memory_space<vmem>>, vector<16xf32>,
      %get3A_309 = vector.shape_cast %get3A_308 : vector<16xf32> to vector<16xf32>
      %get3A_310 = arith.constant 304 : index
      %get3A_311 = tpu.vector_load %arg13[%get3A_310] {strides = array<i32>} : memref<512xf32, #tpu.memory_space<vmem>>, vector<16xf32>,
      %get3A_312 = vector.shape_cast %get3A_311 : vector<16xf32> to vector<16xf32>
      %get3A_313 = arith.constant 320 : index
      %get3A_314 = tpu.vector_load %arg13[%get3A_313] {strides = array<i32>} : memref<512xf32, #tpu.memory_space<vmem>>, vector<16xf32>,
      %get3A_315 = vector.shape_cast %get3A_314 : vector<16xf32> to vector<16xf32>
      %get3A_316 = arith.constant 336 : index
      %get3A_317 = tpu.vector_load %arg13[%get3A_316] {strides = array<i32>} : memref<512xf32, #tpu.memory_space<vmem>>, vector<16xf32>,
      %get3A_318 = vector.shape_cast %get3A_317 : vector<16xf32> to vector<16xf32>
      %get3A_319 = arith.constant 352 : index
      %get3A_320 = tpu.vector_load %arg13[%get3A_319] {strides = array<i32>} : memref<512xf32, #tpu.memory_space<vmem>>, vector<16xf32>,
      %get3A_321 = vector.shape_cast %get3A_320 : vector<16xf32> to vector<16xf32>
      %get3A_322 = arith.constant 368 : index
      %get3A_323 = tpu.vector_load %arg13[%get3A_322] {strides = array<i32>} : memref<512xf32, #tpu.memory_space<vmem>>, vector<16xf32>,
      %get3A_324 = vector.shape_cast %get3A_323 : vector<16xf32> to vector<16xf32>
      %get3A_325 = arith.constant 384 : index
      %get3A_326 = tpu.vector_load %arg13[%get3A_325] {strides = array<i32>} : memref<512xf32, #tpu.memory_space<vmem>>, vector<16xf32>,
      %get3A_327 = vector.shape_cast %get3A_326 : vector<16xf32> to vector<16xf32>
      %get3A_328 = arith.constant 400 : index
      %get3A_329 = tpu.vector_load %arg13[%get3A_328] {strides = array<i32>} : memref<512xf32, #tpu.memory_space<vmem>>, vector<16xf32>,
      %get3A_330 = vector.shape_cast %get3A_329 : vector<16xf32> to vector<16xf32>
      %get3A_331 = arith.constant 416 : index
      %get3A_332 = tpu.vector_load %arg13[%get3A_331] {strides = array<i32>} : memref<512xf32, #tpu.memory_space<vmem>>, vector<16xf32>,
      %get3A_333 = vector.shape_cast %get3A_332 : vector<16xf32> to vector<16xf32>
      %get3A_334 = arith.constant 432 : index
      %get3A_335 = tpu.vector_load %arg13[%get3A_334] {strides = array<i32>} : memref<512xf32, #tpu.memory_space<vmem>>, vector<16xf32>,
      %get3A_336 = vector.shape_cast %get3A_335 : vector<16xf32> to vector<16xf32>
      %get3A_337 = arith.constant 448 : index
      %get3A_338 = tpu.vector_load %arg13[%get3A_337] {strides = array<i32>} : memref<512xf32, #tpu.memory_space<vmem>>, vector<16xf32>,
      %get3A_339 = vector.shape_cast %get3A_338 : vector<16xf32> to vector<16xf32>
      %get3A_340 = arith.constant 464 : index
      %get3A_341 = tpu.vector_load %arg13[%get3A_340] {strides = array<i32>} : memref<512xf32, #tpu.memory_space<vmem>>, vector<16xf32>,
      %get3A_342 = vector.shape_cast %get3A_341 : vector<16xf32> to vector<16xf32>
      %get3A_343 = arith.constant 480 : index
      %get3A_344 = tpu.vector_load %arg13[%get3A_343] {strides = array<i32>} : memref<512xf32, #tpu.memory_space<vmem>>, vector<16xf32>,
      %get3A_345 = vector.shape_cast %get3A_344 : vector<16xf32> to vector<16xf32>
      %get3A_346 = arith.constant 496 : index
      %get3A_347 = tpu.vector_load %arg13[%get3A_346] {strides = array<i32>} : memref<512xf32, #tpu.memory_space<vmem>>, vector<16xf32>,
      %get3A_348 = vector.shape_cast %get3A_347 : vector<16xf32> to vector<16xf32>
      %scan3A_349 = arith.constant 0 : i32
      %scan3A_350 = arith.constant 0 : i32
      %scan3A_351 = arith.constant 8 : i32
      %scan3A_352 = arith.addi %scan3A_350, %scan3A_351 : i32
      %scan3A_353 = arith.constant 1 : i32
      scf.for %scan3A_355 = %scan3A_350 to %scan3A_352 step %scan3A_353  : i32 {
        %mul3A_356 = arith.constant 16 : i32
        %mul3A_357 = arith.muli %scan3A_355, %mul3A_356 : i32
        %get3A_358 = arith.constant 0 : i32
        %get3A_359 = arith.index_cast %get3A_358 : i32 to index
        %get3A_360 = arith.index_cast %mul3A_357 : i32 to index
        %get3A_361 = tpu.vector_load %arg7[%get3A_359, %get3A_360] {strides = array<i32>} : memref<3x1536xi32, #tpu.memory_space<vmem>>, vector<1x16xi32>,
        %get3A_362 = vector.shape_cast %get3A_361 : vector<1x16xi32> to vector<16xi32>
        %get3A_363 = arith.constant 1 : i32
        %get3A_364 = arith.index_cast %get3A_363 : i32 to index
        %get3A_365 = arith.index_cast %mul3A_357 : i32 to index
        %get3A_366 = tpu.vector_load %arg7[%get3A_364, %get3A_365] {strides = array<i32>} : memref<3x1536xi32, #tpu.memory_space<vmem>>, vector<1x16xi32>,
        %get3A_367 = vector.shape_cast %get3A_366 : vector<1x16xi32> to vector<16xi32>
        %get3A_368 = arith.constant 2 : i32
        %get3A_369 = arith.index_cast %get3A_368 : i32 to index
        %get3A_370 = arith.index_cast %mul3A_357 : i32 to index
        %get3A_371 = tpu.vector_load %arg7[%get3A_369, %get3A_370] {strides = array<i32>} : memref<3x1536xi32, #tpu.memory_space<vmem>>, vector<1x16xi32>,
        %get3A_372 = vector.shape_cast %get3A_371 : vector<1x16xi32> to vector<16xi32>
        %broadcast_in_dim3A = vector.shape_cast %get3A_362 : vector<16xi32> to vector<16x1xi32>
        %gather3A = vector.shape_cast %broadcast_in_dim3A : vector<16x1xi32> to vector<16xi32>
        %gather3A_373 = tpu.dynamic_gather %get3A_207[%gather3A] in [0] : vector<16xf32>, vector<16xi32> -> vector<16xf32>
        %broadcast_in_dim3A_374 = vector.shape_cast %get3A_367 : vector<16xi32> to vector<16x1xi32>
        %gather3A_375 = vector.shape_cast %broadcast_in_dim3A_374 : vector<16x1xi32> to vector<16xi32>
        %gather3A_376 = tpu.dynamic_gather %get3A_255[%gather3A_375] in [0] : vector<16xf32>, vector<16xi32> -> vector<16xf32>
        %add3A_377 = arith.addf %gather3A_373, %gather3A_376 : vector<16xf32>
        %broadcast_in_dim3A_378 = vector.shape_cast %get3A_372 : vector<16xi32> to vector<16x1xi32>
        %gather3A_379 = vector.shape_cast %broadcast_in_dim3A_378 : vector<16x1xi32> to vector<16xi32>
        %gather3A_380 = tpu.dynamic_gather %get3A_303[%gather3A_379] in [0] : vector<16xf32>, vector<16xi32> -> vector<16xf32>
        %add3A_381 = arith.addf %add3A_377, %gather3A_380 : vector<16xf32>
        %swap3A = arith.constant 16 : i32
        %swap3A_382 = arith.index_cast %swap3A : i32 to index
        %swap3A_383 = arith.index_cast %mul3A_357 : i32 to index
        %swap3A_384 = tpu.vector_load %arg9[%swap3A_382, %swap3A_383] {strides = array<i32>} : memref<32x1536xf32, #tpu.memory_space<vmem>>, vector<1x16xf32>,
        %swap3A_385 = vector.shape_cast %swap3A_384 : vector<1x16xf32> to vector<16xf32>
        %swap3A_386 = vector.shape_cast %add3A_381 : vector<16xf32> to vector<1x16xf32>
        tpu.vector_store %arg9[%swap3A_382, %swap3A_383], %swap3A_386 {strides = array<i32>} : memref<32x1536xf32, #tpu.memory_space<vmem>>, vector<1x16xf32>,
        %broadcast_in_dim3A_387 = vector.shape_cast %get3A_362 : vector<16xi32> to vector<16x1xi32>
        %gather3A_388 = vector.shape_cast %broadcast_in_dim3A_387 : vector<16x1xi32> to vector<16xi32>
        %gather3A_389 = tpu.dynamic_gather %get3A_210[%gather3A_388] in [0] : vector<16xf32>, vector<16xi32> -> vector<16xf32>
        %broadcast_in_dim3A_390 = vector.shape_cast %get3A_367 : vector<16xi32> to vector<16x1xi32>
        %gather3A_391 = vector.shape_cast %broadcast_in_dim3A_390 : vector<16x1xi32> to vector<16xi32>
        %gather3A_392 = tpu.dynamic_gather %get3A_258[%gather3A_391] in [0] : vector<16xf32>, vector<16xi32> -> vector<16xf32>
        %add3A_393 = arith.addf %gather3A_389, %gather3A_392 : vector<16xf32>
        %broadcast_in_dim3A_394 = vector.shape_cast %get3A_372 : vector<16xi32> to vector<16x1xi32>
        %gather3A_395 = vector.shape_cast %broadcast_in_dim3A_394 : vector<16x1xi32> to vector<16xi32>
        %gather3A_396 = tpu.dynamic_gather %get3A_306[%gather3A_395] in [0] : vector<16xf32>, vector<16xi32> -> vector<16xf32>
        %add3A_397 = arith.addf %add3A_393, %gather3A_396 : vector<16xf32>
        %swap3A_398 = arith.constant 17 : i32
        %swap3A_399 = arith.index_cast %swap3A_398 : i32 to index
        %swap3A_400 = arith.index_cast %mul3A_357 : i32 to index
        %swap3A_401 = tpu.vector_load %arg9[%swap3A_399, %swap3A_400] {strides = array<i32>} : memref<32x1536xf32, #tpu.memory_space<vmem>>, vector<1x16xf32>,
        %swap3A_402 = vector.shape_cast %swap3A_401 : vector<1x16xf32> to vector<16xf32>
        %swap3A_403 = vector.shape_cast %add3A_397 : vector<16xf32> to vector<1x16xf32>
        tpu.vector_store %arg9[%swap3A_399, %swap3A_400], %swap3A_403 {strides = array<i32>} : memref<32x1536xf32, #tpu.memory_space<vmem>>, vector<1x16xf32>,
        %broadcast_in_dim3A_404 = vector.shape_cast %get3A_362 : vector<16xi32> to vector<16x1xi32>
        %gather3A_405 = vector.shape_cast %broadcast_in_dim3A_404 : vector<16x1xi32> to vector<16xi32>
        %gather3A_406 = tpu.dynamic_gather %get3A_213[%gather3A_405] in [0] : vector<16xf32>, vector<16xi32> -> vector<16xf32>
        %broadcast_in_dim3A_407 = vector.shape_cast %get3A_367 : vector<16xi32> to vector<16x1xi32>
        %gather3A_408 = vector.shape_cast %broadcast_in_dim3A_407 : vector<16x1xi32> to vector<16xi32>
        %gather3A_409 = tpu.dynamic_gather %get3A_261[%gather3A_408] in [0] : vector<16xf32>, vector<16xi32> -> vector<16xf32>
        %add3A_410 = arith.addf %gather3A_406, %gather3A_409 : vector<16xf32>
        %broadcast_in_dim3A_411 = vector.shape_cast %get3A_372 : vector<16xi32> to vector<16x1xi32>
        %gather3A_412 = vector.shape_cast %broadcast_in_dim3A_411 : vector<16x1xi32> to vector<16xi32>
        %gather3A_413 = tpu.dynamic_gather %get3A_309[%gather3A_412] in [0] : vector<16xf32>, vector<16xi32> -> vector<16xf32>
        %add3A_414 = arith.addf %add3A_410, %gather3A_413 : vector<16xf32>
        %swap3A_415 = arith.constant 18 : i32
        %swap3A_416 = arith.index_cast %swap3A_415 : i32 to index
        %swap3A_417 = arith.index_cast %mul3A_357 : i32 to index
        %swap3A_418 = tpu.vector_load %arg9[%swap3A_416, %swap3A_417] {strides = array<i32>} : memref<32x1536xf32, #tpu.memory_space<vmem>>, vector<1x16xf32>,
        %swap3A_419 = vector.shape_cast %swap3A_418 : vector<1x16xf32> to vector<16xf32>
        %swap3A_420 = vector.shape_cast %add3A_414 : vector<16xf32> to vector<1x16xf32>
        tpu.vector_store %arg9[%swap3A_416, %swap3A_417], %swap3A_420 {strides = array<i32>} : memref<32x1536xf32, #tpu.memory_space<vmem>>, vector<1x16xf32>,
        %broadcast_in_dim3A_421 = vector.shape_cast %get3A_362 : vector<16xi32> to vector<16x1xi32>
        %gather3A_422 = vector.shape_cast %broadcast_in_dim3A_421 : vector<16x1xi32> to vector<16xi32>
        %gather3A_423 = tpu.dynamic_gather %get3A_216[%gather3A_422] in [0] : vector<16xf32>, vector<16xi32> -> vector<16xf32>
        %broadcast_in_dim3A_424 = vector.shape_cast %get3A_367 : vector<16xi32> to vector<16x1xi32>
        %gather3A_425 = vector.shape_cast %broadcast_in_dim3A_424 : vector<16x1xi32> to vector<16xi32>
        %gather3A_426 = tpu.dynamic_gather %get3A_264[%gather3A_425] in [0] : vector<16xf32>, vector<16xi32> -> vector<16xf32>
        %add3A_427 = arith.addf %gather3A_423, %gather3A_426 : vector<16xf32>
        %broadcast_in_dim3A_428 = vector.shape_cast %get3A_372 : vector<16xi32> to vector<16x1xi32>
        %gather3A_429 = vector.shape_cast %broadcast_in_dim3A_428 : vector<16x1xi32> to vector<16xi32>
        %gather3A_430 = tpu.dynamic_gather %get3A_312[%gather3A_429] in [0] : vector<16xf32>, vector<16xi32> -> vector<16xf32>
        %add3A_431 = arith.addf %add3A_427, %gather3A_430 : vector<16xf32>
        %swap3A_432 = arith.constant 19 : i32
        %swap3A_433 = arith.index_cast %swap3A_432 : i32 to index
        %swap3A_434 = arith.index_cast %mul3A_357 : i32 to index
        %swap3A_435 = tpu.vector_load %arg9[%swap3A_433, %swap3A_434] {strides = array<i32>} : memref<32x1536xf32, #tpu.memory_space<vmem>>, vector<1x16xf32>,
        %swap3A_436 = vector.shape_cast %swap3A_435 : vector<1x16xf32> to vector<16xf32>
        %swap3A_437 = vector.shape_cast %add3A_431 : vector<16xf32> to vector<1x16xf32>
        tpu.vector_store %arg9[%swap3A_433, %swap3A_434], %swap3A_437 {strides = array<i32>} : memref<32x1536xf32, #tpu.memory_space<vmem>>, vector<1x16xf32>,
        %broadcast_in_dim3A_438 = vector.shape_cast %get3A_362 : vector<16xi32> to vector<16x1xi32>
        %gather3A_439 = vector.shape_cast %broadcast_in_dim3A_438 : vector<16x1xi32> to vector<16xi32>
        %gather3A_440 = tpu.dynamic_gather %get3A_219[%gather3A_439] in [0] : vector<16xf32>, vector<16xi32> -> vector<16xf32>
        %broadcast_in_dim3A_441 = vector.shape_cast %get3A_367 : vector<16xi32> to vector<16x1xi32>
        %gather3A_442 = vector.shape_cast %broadcast_in_dim3A_441 : vector<16x1xi32> to vector<16xi32>
        %gather3A_443 = tpu.dynamic_gather %get3A_267[%gather3A_442] in [0] : vector<16xf32>, vector<16xi32> -> vector<16xf32>
        %add3A_444 = arith.addf %gather3A_440, %gather3A_443 : vector<16xf32>
        %broadcast_in_dim3A_445 = vector.shape_cast %get3A_372 : vector<16xi32> to vector<16x1xi32>
        %gather3A_446 = vector.shape_cast %broadcast_in_dim3A_445 : vector<16x1xi32> to vector<16xi32>
        %gather3A_447 = tpu.dynamic_gather %get3A_315[%gather3A_446] in [0] : vector<16xf32>, vector<16xi32> -> vector<16xf32>
        %add3A_448 = arith.addf %add3A_444, %gather3A_447 : vector<16xf32>
        %swap3A_449 = arith.constant 20 : i32
        %swap3A_450 = arith.index_cast %swap3A_449 : i32 to index
        %swap3A_451 = arith.index_cast %mul3A_357 : i32 to index
        %swap3A_452 = tpu.vector_load %arg9[%swap3A_450, %swap3A_451] {strides = array<i32>} : memref<32x1536xf32, #tpu.memory_space<vmem>>, vector<1x16xf32>,
        %swap3A_453 = vector.shape_cast %swap3A_452 : vector<1x16xf32> to vector<16xf32>
        %swap3A_454 = vector.shape_cast %add3A_448 : vector<16xf32> to vector<1x16xf32>
        tpu.vector_store %arg9[%swap3A_450, %swap3A_451], %swap3A_454 {strides = array<i32>} : memref<32x1536xf32, #tpu.memory_space<vmem>>, vector<1x16xf32>,
        %broadcast_in_dim3A_455 = vector.shape_cast %get3A_362 : vector<16xi32> to vector<16x1xi32>
        %gather3A_456 = vector.shape_cast %broadcast_in_dim3A_455 : vector<16x1xi32> to vector<16xi32>
        %gather3A_457 = tpu.dynamic_gather %get3A_222[%gather3A_456] in [0] : vector<16xf32>, vector<16xi32> -> vector<16xf32>
        %broadcast_in_dim3A_458 = vector.shape_cast %get3A_367 : vector<16xi32> to vector<16x1xi32>
        %gather3A_459 = vector.shape_cast %broadcast_in_dim3A_458 : vector<16x1xi32> to vector<16xi32>
        %gather3A_460 = tpu.dynamic_gather %get3A_270[%gather3A_459] in [0] : vector<16xf32>, vector<16xi32> -> vector<16xf32>
        %add3A_461 = arith.addf %gather3A_457, %gather3A_460 : vector<16xf32>
        %broadcast_in_dim3A_462 = vector.shape_cast %get3A_372 : vector<16xi32> to vector<16x1xi32>
        %gather3A_463 = vector.shape_cast %broadcast_in_dim3A_462 : vector<16x1xi32> to vector<16xi32>
        %gather3A_464 = tpu.dynamic_gather %get3A_318[%gather3A_463] in [0] : vector<16xf32>, vector<16xi32> -> vector<16xf32>
        %add3A_465 = arith.addf %add3A_461, %gather3A_464 : vector<16xf32>
        %swap3A_466 = arith.constant 21 : i32
        %swap3A_467 = arith.index_cast %swap3A_466 : i32 to index
        %swap3A_468 = arith.index_cast %mul3A_357 : i32 to index
        %swap3A_469 = tpu.vector_load %arg9[%swap3A_467, %swap3A_468] {strides = array<i32>} : memref<32x1536xf32, #tpu.memory_space<vmem>>, vector<1x16xf32>,
        %swap3A_470 = vector.shape_cast %swap3A_469 : vector<1x16xf32> to vector<16xf32>
        %swap3A_471 = vector.shape_cast %add3A_465 : vector<16xf32> to vector<1x16xf32>
        tpu.vector_store %arg9[%swap3A_467, %swap3A_468], %swap3A_471 {strides = array<i32>} : memref<32x1536xf32, #tpu.memory_space<vmem>>, vector<1x16xf32>,
        %broadcast_in_dim3A_472 = vector.shape_cast %get3A_362 : vector<16xi32> to vector<16x1xi32>
        %gather3A_473 = vector.shape_cast %broadcast_in_dim3A_472 : vector<16x1xi32> to vector<16xi32>
        %gather3A_474 = tpu.dynamic_gather %get3A_225[%gather3A_473] in [0] : vector<16xf32>, vector<16xi32> -> vector<16xf32>
        %broadcast_in_dim3A_475 = vector.shape_cast %get3A_367 : vector<16xi32> to vector<16x1xi32>
        %gather3A_476 = vector.shape_cast %broadcast_in_dim3A_475 : vector<16x1xi32> to vector<16xi32>
        %gather3A_477 = tpu.dynamic_gather %get3A_273[%gather3A_476] in [0] : vector<16xf32>, vector<16xi32> -> vector<16xf32>
        %add3A_478 = arith.addf %gather3A_474, %gather3A_477 : vector<16xf32>
        %broadcast_in_dim3A_479 = vector.shape_cast %get3A_372 : vector<16xi32> to vector<16x1xi32>
        %gather3A_480 = vector.shape_cast %broadcast_in_dim3A_479 : vector<16x1xi32> to vector<16xi32>
        %gather3A_481 = tpu.dynamic_gather %get3A_321[%gather3A_480] in [0] : vector<16xf32>, vector<16xi32> -> vector<16xf32>
        %add3A_482 = arith.addf %add3A_478, %gather3A_481 : vector<16xf32>
        %swap3A_483 = arith.constant 22 : i32
        %swap3A_484 = arith.index_cast %swap3A_483 : i32 to index
        %swap3A_485 = arith.index_cast %mul3A_357 : i32 to index
        %swap3A_486 = tpu.vector_load %arg9[%swap3A_484, %swap3A_485] {strides = array<i32>} : memref<32x1536xf32, #tpu.memory_space<vmem>>, vector<1x16xf32>,
        %swap3A_487 = vector.shape_cast %swap3A_486 : vector<1x16xf32> to vector<16xf32>
        %swap3A_488 = vector.shape_cast %add3A_482 : vector<16xf32> to vector<1x16xf32>
        tpu.vector_store %arg9[%swap3A_484, %swap3A_485], %swap3A_488 {strides = array<i32>} : memref<32x1536xf32, #tpu.memory_space<vmem>>, vector<1x16xf32>,
        %broadcast_in_dim3A_489 = vector.shape_cast %get3A_362 : vector<16xi32> to vector<16x1xi32>
        %gather3A_490 = vector.shape_cast %broadcast_in_dim3A_489 : vector<16x1xi32> to vector<16xi32>
        %gather3A_491 = tpu.dynamic_gather %get3A_228[%gather3A_490] in [0] : vector<16xf32>, vector<16xi32> -> vector<16xf32>
        %broadcast_in_dim3A_492 = vector.shape_cast %get3A_367 : vector<16xi32> to vector<16x1xi32>
        %gather3A_493 = vector.shape_cast %broadcast_in_dim3A_492 : vector<16x1xi32> to vector<16xi32>
        %gather3A_494 = tpu.dynamic_gather %get3A_276[%gather3A_493] in [0] : vector<16xf32>, vector<16xi32> -> vector<16xf32>
        %add3A_495 = arith.addf %gather3A_491, %gather3A_494 : vector<16xf32>
        %broadcast_in_dim3A_496 = vector.shape_cast %get3A_372 : vector<16xi32> to vector<16x1xi32>
        %gather3A_497 = vector.shape_cast %broadcast_in_dim3A_496 : vector<16x1xi32> to vector<16xi32>
        %gather3A_498 = tpu.dynamic_gather %get3A_324[%gather3A_497] in [0] : vector<16xf32>, vector<16xi32> -> vector<16xf32>
        %add3A_499 = arith.addf %add3A_495, %gather3A_498 : vector<16xf32>
        %swap3A_500 = arith.constant 23 : i32
        %swap3A_501 = arith.index_cast %swap3A_500 : i32 to index
        %swap3A_502 = arith.index_cast %mul3A_357 : i32 to index
        %swap3A_503 = tpu.vector_load %arg9[%swap3A_501, %swap3A_502] {strides = array<i32>} : memref<32x1536xf32, #tpu.memory_space<vmem>>, vector<1x16xf32>,
        %swap3A_504 = vector.shape_cast %swap3A_503 : vector<1x16xf32> to vector<16xf32>
        %swap3A_505 = vector.shape_cast %add3A_499 : vector<16xf32> to vector<1x16xf32>
        tpu.vector_store %arg9[%swap3A_501, %swap3A_502], %swap3A_505 {strides = array<i32>} : memref<32x1536xf32, #tpu.memory_space<vmem>>, vector<1x16xf32>,
        %broadcast_in_dim3A_506 = vector.shape_cast %get3A_362 : vector<16xi32> to vector<16x1xi32>
        %gather3A_507 = vector.shape_cast %broadcast_in_dim3A_506 : vector<16x1xi32> to vector<16xi32>
        %gather3A_508 = tpu.dynamic_gather %get3A_231[%gather3A_507] in [0] : vector<16xf32>, vector<16xi32> -> vector<16xf32>
        %broadcast_in_dim3A_509 = vector.shape_cast %get3A_367 : vector<16xi32> to vector<16x1xi32>
        %gather3A_510 = vector.shape_cast %broadcast_in_dim3A_509 : vector<16x1xi32> to vector<16xi32>
        %gather3A_511 = tpu.dynamic_gather %get3A_279[%gather3A_510] in [0] : vector<16xf32>, vector<16xi32> -> vector<16xf32>
        %add3A_512 = arith.addf %gather3A_508, %gather3A_511 : vector<16xf32>
        %broadcast_in_dim3A_513 = vector.shape_cast %get3A_372 : vector<16xi32> to vector<16x1xi32>
        %gather3A_514 = vector.shape_cast %broadcast_in_dim3A_513 : vector<16x1xi32> to vector<16xi32>
        %gather3A_515 = tpu.dynamic_gather %get3A_327[%gather3A_514] in [0] : vector<16xf32>, vector<16xi32> -> vector<16xf32>
        %add3A_516 = arith.addf %add3A_512, %gather3A_515 : vector<16xf32>
        %swap3A_517 = arith.constant 24 : i32
        %swap3A_518 = arith.index_cast %swap3A_517 : i32 to index
        %swap3A_519 = arith.index_cast %mul3A_357 : i32 to index
        %swap3A_520 = tpu.vector_load %arg9[%swap3A_518, %swap3A_519] {strides = array<i32>} : memref<32x1536xf32, #tpu.memory_space<vmem>>, vector<1x16xf32>,
        %swap3A_521 = vector.shape_cast %swap3A_520 : vector<1x16xf32> to vector<16xf32>
        %swap3A_522 = vector.shape_cast %add3A_516 : vector<16xf32> to vector<1x16xf32>
        tpu.vector_store %arg9[%swap3A_518, %swap3A_519], %swap3A_522 {strides = array<i32>} : memref<32x1536xf32, #tpu.memory_space<vmem>>, vector<1x16xf32>,
        %broadcast_in_dim3A_523 = vector.shape_cast %get3A_362 : vector<16xi32> to vector<16x1xi32>
        %gather3A_524 = vector.shape_cast %broadcast_in_dim3A_523 : vector<16x1xi32> to vector<16xi32>
        %gather3A_525 = tpu.dynamic_gather %get3A_234[%gather3A_524] in [0] : vector<16xf32>, vector<16xi32> -> vector<16xf32>
        %broadcast_in_dim3A_526 = vector.shape_cast %get3A_367 : vector<16xi32> to vector<16x1xi32>
        %gather3A_527 = vector.shape_cast %broadcast_in_dim3A_526 : vector<16x1xi32> to vector<16xi32>
        %gather3A_528 = tpu.dynamic_gather %get3A_282[%gather3A_527] in [0] : vector<16xf32>, vector<16xi32> -> vector<16xf32>
        %add3A_529 = arith.addf %gather3A_525, %gather3A_528 : vector<16xf32>
        %broadcast_in_dim3A_530 = vector.shape_cast %get3A_372 : vector<16xi32> to vector<16x1xi32>
        %gather3A_531 = vector.shape_cast %broadcast_in_dim3A_530 : vector<16x1xi32> to vector<16xi32>
        %gather3A_532 = tpu.dynamic_gather %get3A_330[%gather3A_531] in [0] : vector<16xf32>, vector<16xi32> -> vector<16xf32>
        %add3A_533 = arith.addf %add3A_529, %gather3A_532 : vector<16xf32>
        %swap3A_534 = arith.constant 25 : i32
        %swap3A_535 = arith.index_cast %swap3A_534 : i32 to index
        %swap3A_536 = arith.index_cast %mul3A_357 : i32 to index
        %swap3A_537 = tpu.vector_load %arg9[%swap3A_535, %swap3A_536] {strides = array<i32>} : memref<32x1536xf32, #tpu.memory_space<vmem>>, vector<1x16xf32>,
        %swap3A_538 = vector.shape_cast %swap3A_537 : vector<1x16xf32> to vector<16xf32>
        %swap3A_539 = vector.shape_cast %add3A_533 : vector<16xf32> to vector<1x16xf32>
        tpu.vector_store %arg9[%swap3A_535, %swap3A_536], %swap3A_539 {strides = array<i32>} : memref<32x1536xf32, #tpu.memory_space<vmem>>, vector<1x16xf32>,
        %broadcast_in_dim3A_540 = vector.shape_cast %get3A_362 : vector<16xi32> to vector<16x1xi32>
        %gather3A_541 = vector.shape_cast %broadcast_in_dim3A_540 : vector<16x1xi32> to vector<16xi32>
        %gather3A_542 = tpu.dynamic_gather %get3A_237[%gather3A_541] in [0] : vector<16xf32>, vector<16xi32> -> vector<16xf32>
        %broadcast_in_dim3A_543 = vector.shape_cast %get3A_367 : vector<16xi32> to vector<16x1xi32>
        %gather3A_544 = vector.shape_cast %broadcast_in_dim3A_543 : vector<16x1xi32> to vector<16xi32>
        %gather3A_545 = tpu.dynamic_gather %get3A_285[%gather3A_544] in [0] : vector<16xf32>, vector<16xi32> -> vector<16xf32>
        %add3A_546 = arith.addf %gather3A_542, %gather3A_545 : vector<16xf32>
        %broadcast_in_dim3A_547 = vector.shape_cast %get3A_372 : vector<16xi32> to vector<16x1xi32>
        %gather3A_548 = vector.shape_cast %broadcast_in_dim3A_547 : vector<16x1xi32> to vector<16xi32>
        %gather3A_549 = tpu.dynamic_gather %get3A_333[%gather3A_548] in [0] : vector<16xf32>, vector<16xi32> -> vector<16xf32>
        %add3A_550 = arith.addf %add3A_546, %gather3A_549 : vector<16xf32>
        %swap3A_551 = arith.constant 26 : i32
        %swap3A_552 = arith.index_cast %swap3A_551 : i32 to index
        %swap3A_553 = arith.index_cast %mul3A_357 : i32 to index
        %swap3A_554 = tpu.vector_load %arg9[%swap3A_552, %swap3A_553] {strides = array<i32>} : memref<32x1536xf32, #tpu.memory_space<vmem>>, vector<1x16xf32>,
        %swap3A_555 = vector.shape_cast %swap3A_554 : vector<1x16xf32> to vector<16xf32>
        %swap3A_556 = vector.shape_cast %add3A_550 : vector<16xf32> to vector<1x16xf32>
        tpu.vector_store %arg9[%swap3A_552, %swap3A_553], %swap3A_556 {strides = array<i32>} : memref<32x1536xf32, #tpu.memory_space<vmem>>, vector<1x16xf32>,
        %broadcast_in_dim3A_557 = vector.shape_cast %get3A_362 : vector<16xi32> to vector<16x1xi32>
        %gather3A_558 = vector.shape_cast %broadcast_in_dim3A_557 : vector<16x1xi32> to vector<16xi32>
        %gather3A_559 = tpu.dynamic_gather %get3A_240[%gather3A_558] in [0] : vector<16xf32>, vector<16xi32> -> vector<16xf32>
        %broadcast_in_dim3A_560 = vector.shape_cast %get3A_367 : vector<16xi32> to vector<16x1xi32>
        %gather3A_561 = vector.shape_cast %broadcast_in_dim3A_560 : vector<16x1xi32> to vector<16xi32>
        %gather3A_562 = tpu.dynamic_gather %get3A_288[%gather3A_561] in [0] : vector<16xf32>, vector<16xi32> -> vector<16xf32>
        %add3A_563 = arith.addf %gather3A_559, %gather3A_562 : vector<16xf32>
        %broadcast_in_dim3A_564 = vector.shape_cast %get3A_372 : vector<16xi32> to vector<16x1xi32>
        %gather3A_565 = vector.shape_cast %broadcast_in_dim3A_564 : vector<16x1xi32> to vector<16xi32>
        %gather3A_566 = tpu.dynamic_gather %get3A_336[%gather3A_565] in [0] : vector<16xf32>, vector<16xi32> -> vector<16xf32>
        %add3A_567 = arith.addf %add3A_563, %gather3A_566 : vector<16xf32>
        %swap3A_568 = arith.constant 27 : i32
        %swap3A_569 = arith.index_cast %swap3A_568 : i32 to index
        %swap3A_570 = arith.index_cast %mul3A_357 : i32 to index
        %swap3A_571 = tpu.vector_load %arg9[%swap3A_569, %swap3A_570] {strides = array<i32>} : memref<32x1536xf32, #tpu.memory_space<vmem>>, vector<1x16xf32>,
        %swap3A_572 = vector.shape_cast %swap3A_571 : vector<1x16xf32> to vector<16xf32>
        %swap3A_573 = vector.shape_cast %add3A_567 : vector<16xf32> to vector<1x16xf32>
        tpu.vector_store %arg9[%swap3A_569, %swap3A_570], %swap3A_573 {strides = array<i32>} : memref<32x1536xf32, #tpu.memory_space<vmem>>, vector<1x16xf32>,
        %broadcast_in_dim3A_574 = vector.shape_cast %get3A_362 : vector<16xi32> to vector<16x1xi32>
        %gather3A_575 = vector.shape_cast %broadcast_in_dim3A_574 : vector<16x1xi32> to vector<16xi32>
        %gather3A_576 = tpu.dynamic_gather %get3A_243[%gather3A_575] in [0] : vector<16xf32>, vector<16xi32> -> vector<16xf32>
        %broadcast_in_dim3A_577 = vector.shape_cast %get3A_367 : vector<16xi32> to vector<16x1xi32>
        %gather3A_578 = vector.shape_cast %broadcast_in_dim3A_577 : vector<16x1xi32> to vector<16xi32>
        %gather3A_579 = tpu.dynamic_gather %get3A_291[%gather3A_578] in [0] : vector<16xf32>, vector<16xi32> -> vector<16xf32>
        %add3A_580 = arith.addf %gather3A_576, %gather3A_579 : vector<16xf32>
        %broadcast_in_dim3A_581 = vector.shape_cast %get3A_372 : vector<16xi32> to vector<16x1xi32>
        %gather3A_582 = vector.shape_cast %broadcast_in_dim3A_581 : vector<16x1xi32> to vector<16xi32>
        %gather3A_583 = tpu.dynamic_gather %get3A_339[%gather3A_582] in [0] : vector<16xf32>, vector<16xi32> -> vector<16xf32>
        %add3A_584 = arith.addf %add3A_580, %gather3A_583 : vector<16xf32>
        %swap3A_585 = arith.constant 28 : i32
        %swap3A_586 = arith.index_cast %swap3A_585 : i32 to index
        %swap3A_587 = arith.index_cast %mul3A_357 : i32 to index
        %swap3A_588 = tpu.vector_load %arg9[%swap3A_586, %swap3A_587] {strides = array<i32>} : memref<32x1536xf32, #tpu.memory_space<vmem>>, vector<1x16xf32>,
        %swap3A_589 = vector.shape_cast %swap3A_588 : vector<1x16xf32> to vector<16xf32>
        %swap3A_590 = vector.shape_cast %add3A_584 : vector<16xf32> to vector<1x16xf32>
        tpu.vector_store %arg9[%swap3A_586, %swap3A_587], %swap3A_590 {strides = array<i32>} : memref<32x1536xf32, #tpu.memory_space<vmem>>, vector<1x16xf32>,
        %broadcast_in_dim3A_591 = vector.shape_cast %get3A_362 : vector<16xi32> to vector<16x1xi32>
        %gather3A_592 = vector.shape_cast %broadcast_in_dim3A_591 : vector<16x1xi32> to vector<16xi32>
        %gather3A_593 = tpu.dynamic_gather %get3A_246[%gather3A_592] in [0] : vector<16xf32>, vector<16xi32> -> vector<16xf32>
        %broadcast_in_dim3A_594 = vector.shape_cast %get3A_367 : vector<16xi32> to vector<16x1xi32>
        %gather3A_595 = vector.shape_cast %broadcast_in_dim3A_594 : vector<16x1xi32> to vector<16xi32>
        %gather3A_596 = tpu.dynamic_gather %get3A_294[%gather3A_595] in [0] : vector<16xf32>, vector<16xi32> -> vector<16xf32>
        %add3A_597 = arith.addf %gather3A_593, %gather3A_596 : vector<16xf32>
        %broadcast_in_dim3A_598 = vector.shape_cast %get3A_372 : vector<16xi32> to vector<16x1xi32>
        %gather3A_599 = vector.shape_cast %broadcast_in_dim3A_598 : vector<16x1xi32> to vector<16xi32>
        %gather3A_600 = tpu.dynamic_gather %get3A_342[%gather3A_599] in [0] : vector<16xf32>, vector<16xi32> -> vector<16xf32>
        %add3A_601 = arith.addf %add3A_597, %gather3A_600 : vector<16xf32>
        %swap3A_602 = arith.constant 29 : i32
        %swap3A_603 = arith.index_cast %swap3A_602 : i32 to index
        %swap3A_604 = arith.index_cast %mul3A_357 : i32 to index
        %swap3A_605 = tpu.vector_load %arg9[%swap3A_603, %swap3A_604] {strides = array<i32>} : memref<32x1536xf32, #tpu.memory_space<vmem>>, vector<1x16xf32>,
        %swap3A_606 = vector.shape_cast %swap3A_605 : vector<1x16xf32> to vector<16xf32>
        %swap3A_607 = vector.shape_cast %add3A_601 : vector<16xf32> to vector<1x16xf32>
        tpu.vector_store %arg9[%swap3A_603, %swap3A_604], %swap3A_607 {strides = array<i32>} : memref<32x1536xf32, #tpu.memory_space<vmem>>, vector<1x16xf32>,
        %broadcast_in_dim3A_608 = vector.shape_cast %get3A_362 : vector<16xi32> to vector<16x1xi32>
        %gather3A_609 = vector.shape_cast %broadcast_in_dim3A_608 : vector<16x1xi32> to vector<16xi32>
        %gather3A_610 = tpu.dynamic_gather %get3A_249[%gather3A_609] in [0] : vector<16xf32>, vector<16xi32> -> vector<16xf32>
        %broadcast_in_dim3A_611 = vector.shape_cast %get3A_367 : vector<16xi32> to vector<16x1xi32>
        %gather3A_612 = vector.shape_cast %broadcast_in_dim3A_611 : vector<16x1xi32> to vector<16xi32>
        %gather3A_613 = tpu.dynamic_gather %get3A_297[%gather3A_612] in [0] : vector<16xf32>, vector<16xi32> -> vector<16xf32>
        %add3A_614 = arith.addf %gather3A_610, %gather3A_613 : vector<16xf32>
        %broadcast_in_dim3A_615 = vector.shape_cast %get3A_372 : vector<16xi32> to vector<16x1xi32>
        %gather3A_616 = vector.shape_cast %broadcast_in_dim3A_615 : vector<16x1xi32> to vector<16xi32>
        %gather3A_617 = tpu.dynamic_gather %get3A_345[%gather3A_616] in [0] : vector<16xf32>, vector<16xi32> -> vector<16xf32>
        %add3A_618 = arith.addf %add3A_614, %gather3A_617 : vector<16xf32>
        %swap3A_619 = arith.constant 30 : i32
        %swap3A_620 = arith.index_cast %swap3A_619 : i32 to index
        %swap3A_621 = arith.index_cast %mul3A_357 : i32 to index
        %swap3A_622 = tpu.vector_load %arg9[%swap3A_620, %swap3A_621] {strides = array<i32>} : memref<32x1536xf32, #tpu.memory_space<vmem>>, vector<1x16xf32>,
        %swap3A_623 = vector.shape_cast %swap3A_622 : vector<1x16xf32> to vector<16xf32>
        %swap3A_624 = vector.shape_cast %add3A_618 : vector<16xf32> to vector<1x16xf32>
        tpu.vector_store %arg9[%swap3A_620, %swap3A_621], %swap3A_624 {strides = array<i32>} : memref<32x1536xf32, #tpu.memory_space<vmem>>, vector<1x16xf32>,
        %broadcast_in_dim3A_625 = vector.shape_cast %get3A_362 : vector<16xi32> to vector<16x1xi32>
        %gather3A_626 = vector.shape_cast %broadcast_in_dim3A_625 : vector<16x1xi32> to vector<16xi32>
        %gather3A_627 = tpu.dynamic_gather %get3A_252[%gather3A_626] in [0] : vector<16xf32>, vector<16xi32> -> vector<16xf32>
        %broadcast_in_dim3A_628 = vector.shape_cast %get3A_367 : vector<16xi32> to vector<16x1xi32>
        %gather3A_629 = vector.shape_cast %broadcast_in_dim3A_628 : vector<16x1xi32> to vector<16xi32>
        %gather3A_630 = tpu.dynamic_gather %get3A_300[%gather3A_629] in [0] : vector<16xf32>, vector<16xi32> -> vector<16xf32>
        %add3A_631 = arith.addf %gather3A_627, %gather3A_630 : vector<16xf32>
        %broadcast_in_dim3A_632 = vector.shape_cast %get3A_372 : vector<16xi32> to vector<16x1xi32>
        %gather3A_633 = vector.shape_cast %broadcast_in_dim3A_632 : vector<16x1xi32> to vector<16xi32>
        %gather3A_634 = tpu.dynamic_gather %get3A_348[%gather3A_633] in [0] : vector<16xf32>, vector<16xi32> -> vector<16xf32>
        %add3A_635 = arith.addf %add3A_631, %gather3A_634 : vector<16xf32>
        %swap3A_636 = arith.constant 31 : i32
        %swap3A_637 = arith.index_cast %swap3A_636 : i32 to index
        %swap3A_638 = arith.index_cast %mul3A_357 : i32 to index
        %swap3A_639 = tpu.vector_load %arg9[%swap3A_637, %swap3A_638] {strides = array<i32>} : memref<32x1536xf32, #tpu.memory_space<vmem>>, vector<1x16xf32>,
        %swap3A_640 = vector.shape_cast %swap3A_639 : vector<1x16xf32> to vector<16xf32>
        %swap3A_641 = vector.shape_cast %add3A_635 : vector<16xf32> to vector<1x16xf32>
        tpu.vector_store %arg9[%swap3A_637, %swap3A_638], %swap3A_641 {strides = array<i32>} : memref<32x1536xf32, #tpu.memory_space<vmem>>, vector<1x16xf32>,
      }
      %scan3A_354 = arith.constant 8 : i32
      "tpu.region"() ({
        %run_scoped3A = tpu.sem_alloc : memref<!tpu.dma_semaphore, #tpu.memory_space<semaphore_mem>>
        %dma_start3A_355 = arith.constant 0 : i32
        %dma_start3A_356 = arith.constant 0 : i32
        %dma_start3A_357 = tpu.memref_slice %arg9[%dma_start3A_355, %dma_start3A_356] : memref<32x1536xf32, #tpu.memory_space<vmem>> -> memref<32x128xf32, #tpu.memory_space<vmem>>
        %dma_start3A_358 = arith.constant 0 : i32
        %dma_start3A_359 = tpu.memref_slice %arg6[%dma_start3A_358, %mul3A_55] : memref<32x1600000xf32, #tpu.memory_space<hbm>> -> memref<32x128xf32, #tpu.memory_space<hbm>>
        %dma_start3A_360 = arith.constant 0 : i32
        %dma_start3A_361 = tpu.memref_slice %arg6[%dma_start3A_360, %mul3A_55] : memref<32x1600000xf32, #tpu.memory_space<hbm>> -> memref<32x128xf32, #tpu.memory_space<hbm>>
        %dma_start3A_362 = arith.constant 0 : i32
        %dma_start3A_363 = arith.constant 0 : i32
        %dma_start3A_364 = tpu.memref_slice %arg9[%dma_start3A_362, %dma_start3A_363] : memref<32x1536xf32, #tpu.memory_space<vmem>> -> memref<32x128xf32, #tpu.memory_space<vmem>>
        tpu.enqueue_dma source(%dma_start3A_364 : memref<32x128xf32, #tpu.memory_space<vmem>>) target(%dma_start3A_361 : memref<32x128xf32, #tpu.memory_space<hbm>>) target_semaphore(%run_scoped3A : memref<!tpu.dma_semaphore, #tpu.memory_space<semaphore_mem>>)
        %dma_wait3A_365 = arith.constant 0 : i32
        %dma_wait3A_366 = arith.constant 0 : i32
        %dma_wait3A_367 = tpu.memref_slice %arg9[%dma_wait3A_365, %dma_wait3A_366] : memref<32x1536xf32, #tpu.memory_space<vmem>> -> memref<32x128xf32, #tpu.memory_space<vmem>>
        %dma_wait3A_368 = arith.constant 0 : i32
        %dma_wait3A_369 = tpu.memref_slice %arg6[%dma_wait3A_368, %mul3A_55] : memref<32x1600000xf32, #tpu.memory_space<hbm>> -> memref<32x128xf32, #tpu.memory_space<hbm>>
        %dma_wait3A_370 = arith.constant 0 : i32
        %dma_wait3A_371 = tpu.memref_slice %arg6[%dma_wait3A_370, %mul3A_55] : memref<32x1600000xf32, #tpu.memory_space<hbm>> -> memref<32x128xf32, #tpu.memory_space<hbm>>
        %dma_wait3A_372 = arith.constant 0 : i32
        %dma_wait3A_373 = arith.constant 0 : i32
        %dma_wait3A_374 = tpu.memref_slice %arg9[%dma_wait3A_372, %dma_wait3A_373] : memref<32x1536xf32, #tpu.memory_space<vmem>> -> memref<32x128xf32, #tpu.memory_space<vmem>>
        tpu.wait_dma2 semaphore(%run_scoped3A : memref<!tpu.dma_semaphore, #tpu.memory_space<semaphore_mem>>) src(%dma_wait3A_374 : memref<32x128xf32, #tpu.memory_space<vmem>>) dst(%dma_wait3A_371 : memref<32x128xf32, #tpu.memory_space<hbm>>)
        tpu.yield
      }) : () -> ()
    }
    %while3A_49 = arith.constant 1 : i32
    scf.for %while3A_50 = %while3A_47 to %while3A_43 step %while3A_49  : i32 {
      %add3A_51 = arith.constant 384 : i32
      %add3A_52 = arith.addi %add3A_8, %add3A_51 : i32
      %add3A_53 = arith.addi %add3A_52, %while3A_50 : i32
      %mul3A_54 = arith.constant 128 : i32
      %mul3A_55 = arith.muli %add3A_53, %mul3A_54 : i32
      "tpu.region"() ({
        %run_scoped3A = tpu.sem_alloc : memref<!tpu.dma_semaphore, #tpu.memory_space<semaphore_mem>>
        %dma_start3A_355 = arith.constant 0 : i32
        %dma_start3A_356 = arith.constant 0 : i32
        %dma_start3A_357 = tpu.memref_slice %arg7[%dma_start3A_355, %dma_start3A_356] : memref<3x1536xi32, #tpu.memory_space<vmem>> -> memref<3x128xi32, #tpu.memory_space<vmem>>
        %dma_start3A_358 = arith.constant 0 : i32
        %dma_start3A_359 = tpu.memref_slice %arg2[%dma_start3A_358, %mul3A_55] : memref<3x1600000xi32, #tpu.memory_space<hbm>> -> memref<3x128xi32, #tpu.memory_space<hbm>>
        %dma_start3A_360 = arith.constant 0 : i32
        %dma_start3A_361 = arith.constant 0 : i32
        %dma_start3A_362 = tpu.memref_slice %arg7[%dma_start3A_360, %dma_start3A_361] : memref<3x1536xi32, #tpu.memory_space<vmem>> -> memref<3x128xi32, #tpu.memory_space<vmem>>
        %dma_start3A_363 = arith.constant 0 : i32
        %dma_start3A_364 = tpu.memref_slice %arg2[%dma_start3A_363, %mul3A_55] : memref<3x1600000xi32, #tpu.memory_space<hbm>> -> memref<3x128xi32, #tpu.memory_space<hbm>>
        tpu.enqueue_dma source(%dma_start3A_364 : memref<3x128xi32, #tpu.memory_space<hbm>>) target(%dma_start3A_362 : memref<3x128xi32, #tpu.memory_space<vmem>>) target_semaphore(%run_scoped3A : memref<!tpu.dma_semaphore, #tpu.memory_space<semaphore_mem>>)
        %dma_wait3A_365 = arith.constant 0 : i32
        %dma_wait3A_366 = arith.constant 0 : i32
        %dma_wait3A_367 = tpu.memref_slice %arg7[%dma_wait3A_365, %dma_wait3A_366] : memref<3x1536xi32, #tpu.memory_space<vmem>> -> memref<3x128xi32, #tpu.memory_space<vmem>>
        %dma_wait3A_368 = arith.constant 0 : i32
        %dma_wait3A_369 = tpu.memref_slice %arg2[%dma_wait3A_368, %mul3A_55] : memref<3x1600000xi32, #tpu.memory_space<hbm>> -> memref<3x128xi32, #tpu.memory_space<hbm>>
        %dma_wait3A_370 = arith.constant 0 : i32
        %dma_wait3A_371 = arith.constant 0 : i32
        %dma_wait3A_372 = tpu.memref_slice %arg7[%dma_wait3A_370, %dma_wait3A_371] : memref<3x1536xi32, #tpu.memory_space<vmem>> -> memref<3x128xi32, #tpu.memory_space<vmem>>
        %dma_wait3A_373 = arith.constant 0 : i32
        %dma_wait3A_374 = tpu.memref_slice %arg2[%dma_wait3A_373, %mul3A_55] : memref<3x1600000xi32, #tpu.memory_space<hbm>> -> memref<3x128xi32, #tpu.memory_space<hbm>>
        tpu.wait_dma2 semaphore(%run_scoped3A : memref<!tpu.dma_semaphore, #tpu.memory_space<semaphore_mem>>) src(%dma_wait3A_374 : memref<3x128xi32, #tpu.memory_space<hbm>>) dst(%dma_wait3A_372 : memref<3x128xi32, #tpu.memory_space<vmem>>)
        tpu.yield
      }) : () -> ()
      %get3A = arith.constant 0 : index
      %get3A_56 = tpu.vector_load %arg11[%get3A] {strides = array<i32>} : memref<512xf32, #tpu.memory_space<vmem>>, vector<16xf32>,
      %get3A_57 = vector.shape_cast %get3A_56 : vector<16xf32> to vector<16xf32>
      %get3A_58 = arith.constant 16 : index
      %get3A_59 = tpu.vector_load %arg11[%get3A_58] {strides = array<i32>} : memref<512xf32, #tpu.memory_space<vmem>>, vector<16xf32>,
      %get3A_60 = vector.shape_cast %get3A_59 : vector<16xf32> to vector<16xf32>
      %get3A_61 = arith.constant 32 : index
      %get3A_62 = tpu.vector_load %arg11[%get3A_61] {strides = array<i32>} : memref<512xf32, #tpu.memory_space<vmem>>, vector<16xf32>,
      %get3A_63 = vector.shape_cast %get3A_62 : vector<16xf32> to vector<16xf32>
      %get3A_64 = arith.constant 48 : index
      %get3A_65 = tpu.vector_load %arg11[%get3A_64] {strides = array<i32>} : memref<512xf32, #tpu.memory_space<vmem>>, vector<16xf32>,
      %get3A_66 = vector.shape_cast %get3A_65 : vector<16xf32> to vector<16xf32>
      %get3A_67 = arith.constant 64 : index
      %get3A_68 = tpu.vector_load %arg11[%get3A_67] {strides = array<i32>} : memref<512xf32, #tpu.memory_space<vmem>>, vector<16xf32>,
      %get3A_69 = vector.shape_cast %get3A_68 : vector<16xf32> to vector<16xf32>
      %get3A_70 = arith.constant 80 : index
      %get3A_71 = tpu.vector_load %arg11[%get3A_70] {strides = array<i32>} : memref<512xf32, #tpu.memory_space<vmem>>, vector<16xf32>,
      %get3A_72 = vector.shape_cast %get3A_71 : vector<16xf32> to vector<16xf32>
      %get3A_73 = arith.constant 96 : index
      %get3A_74 = tpu.vector_load %arg11[%get3A_73] {strides = array<i32>} : memref<512xf32, #tpu.memory_space<vmem>>, vector<16xf32>,
      %get3A_75 = vector.shape_cast %get3A_74 : vector<16xf32> to vector<16xf32>
      %get3A_76 = arith.constant 112 : index
      %get3A_77 = tpu.vector_load %arg11[%get3A_76] {strides = array<i32>} : memref<512xf32, #tpu.memory_space<vmem>>, vector<16xf32>,
      %get3A_78 = vector.shape_cast %get3A_77 : vector<16xf32> to vector<16xf32>
      %get3A_79 = arith.constant 128 : index
      %get3A_80 = tpu.vector_load %arg11[%get3A_79] {strides = array<i32>} : memref<512xf32, #tpu.memory_space<vmem>>, vector<16xf32>,
      %get3A_81 = vector.shape_cast %get3A_80 : vector<16xf32> to vector<16xf32>
      %get3A_82 = arith.constant 144 : index
      %get3A_83 = tpu.vector_load %arg11[%get3A_82] {strides = array<i32>} : memref<512xf32, #tpu.memory_space<vmem>>, vector<16xf32>,
      %get3A_84 = vector.shape_cast %get3A_83 : vector<16xf32> to vector<16xf32>
      %get3A_85 = arith.constant 160 : index
      %get3A_86 = tpu.vector_load %arg11[%get3A_85] {strides = array<i32>} : memref<512xf32, #tpu.memory_space<vmem>>, vector<16xf32>,
      %get3A_87 = vector.shape_cast %get3A_86 : vector<16xf32> to vector<16xf32>
      %get3A_88 = arith.constant 176 : index
      %get3A_89 = tpu.vector_load %arg11[%get3A_88] {strides = array<i32>} : memref<512xf32, #tpu.memory_space<vmem>>, vector<16xf32>,
      %get3A_90 = vector.shape_cast %get3A_89 : vector<16xf32> to vector<16xf32>
      %get3A_91 = arith.constant 192 : index
      %get3A_92 = tpu.vector_load %arg11[%get3A_91] {strides = array<i32>} : memref<512xf32, #tpu.memory_space<vmem>>, vector<16xf32>,
      %get3A_93 = vector.shape_cast %get3A_92 : vector<16xf32> to vector<16xf32>
      %get3A_94 = arith.constant 208 : index
      %get3A_95 = tpu.vector_load %arg11[%get3A_94] {strides = array<i32>} : memref<512xf32, #tpu.memory_space<vmem>>, vector<16xf32>,
      %get3A_96 = vector.shape_cast %get3A_95 : vector<16xf32> to vector<16xf32>
      %get3A_97 = arith.constant 224 : index
      %get3A_98 = tpu.vector_load %arg11[%get3A_97] {strides = array<i32>} : memref<512xf32, #tpu.memory_space<vmem>>, vector<16xf32>,
      %get3A_99 = vector.shape_cast %get3A_98 : vector<16xf32> to vector<16xf32>
      %get3A_100 = arith.constant 240 : index
      %get3A_101 = tpu.vector_load %arg11[%get3A_100] {strides = array<i32>} : memref<512xf32, #tpu.memory_space<vmem>>, vector<16xf32>,
      %get3A_102 = vector.shape_cast %get3A_101 : vector<16xf32> to vector<16xf32>
      %get3A_103 = arith.constant 0 : index
      %get3A_104 = tpu.vector_load %arg12[%get3A_103] {strides = array<i32>} : memref<512xf32, #tpu.memory_space<vmem>>, vector<16xf32>,
      %get3A_105 = vector.shape_cast %get3A_104 : vector<16xf32> to vector<16xf32>
      %get3A_106 = arith.constant 16 : index
      %get3A_107 = tpu.vector_load %arg12[%get3A_106] {strides = array<i32>} : memref<512xf32, #tpu.memory_space<vmem>>, vector<16xf32>,
      %get3A_108 = vector.shape_cast %get3A_107 : vector<16xf32> to vector<16xf32>
      %get3A_109 = arith.constant 32 : index
      %get3A_110 = tpu.vector_load %arg12[%get3A_109] {strides = array<i32>} : memref<512xf32, #tpu.memory_space<vmem>>, vector<16xf32>,
      %get3A_111 = vector.shape_cast %get3A_110 : vector<16xf32> to vector<16xf32>
      %get3A_112 = arith.constant 48 : index
      %get3A_113 = tpu.vector_load %arg12[%get3A_112] {strides = array<i32>} : memref<512xf32, #tpu.memory_space<vmem>>, vector<16xf32>,
      %get3A_114 = vector.shape_cast %get3A_113 : vector<16xf32> to vector<16xf32>
      %get3A_115 = arith.constant 64 : index
      %get3A_116 = tpu.vector_load %arg12[%get3A_115] {strides = array<i32>} : memref<512xf32, #tpu.memory_space<vmem>>, vector<16xf32>,
      %get3A_117 = vector.shape_cast %get3A_116 : vector<16xf32> to vector<16xf32>
      %get3A_118 = arith.constant 80 : index
      %get3A_119 = tpu.vector_load %arg12[%get3A_118] {strides = array<i32>} : memref<512xf32, #tpu.memory_space<vmem>>, vector<16xf32>,
      %get3A_120 = vector.shape_cast %get3A_119 : vector<16xf32> to vector<16xf32>
      %get3A_121 = arith.constant 96 : index
      %get3A_122 = tpu.vector_load %arg12[%get3A_121] {strides = array<i32>} : memref<512xf32, #tpu.memory_space<vmem>>, vector<16xf32>,
      %get3A_123 = vector.shape_cast %get3A_122 : vector<16xf32> to vector<16xf32>
      %get3A_124 = arith.constant 112 : index
      %get3A_125 = tpu.vector_load %arg12[%get3A_124] {strides = array<i32>} : memref<512xf32, #tpu.memory_space<vmem>>, vector<16xf32>,
      %get3A_126 = vector.shape_cast %get3A_125 : vector<16xf32> to vector<16xf32>
      %get3A_127 = arith.constant 128 : index
      %get3A_128 = tpu.vector_load %arg12[%get3A_127] {strides = array<i32>} : memref<512xf32, #tpu.memory_space<vmem>>, vector<16xf32>,
      %get3A_129 = vector.shape_cast %get3A_128 : vector<16xf32> to vector<16xf32>
      %get3A_130 = arith.constant 144 : index
      %get3A_131 = tpu.vector_load %arg12[%get3A_130] {strides = array<i32>} : memref<512xf32, #tpu.memory_space<vmem>>, vector<16xf32>,
      %get3A_132 = vector.shape_cast %get3A_131 : vector<16xf32> to vector<16xf32>
      %get3A_133 = arith.constant 160 : index
      %get3A_134 = tpu.vector_load %arg12[%get3A_133] {strides = array<i32>} : memref<512xf32, #tpu.memory_space<vmem>>, vector<16xf32>,
      %get3A_135 = vector.shape_cast %get3A_134 : vector<16xf32> to vector<16xf32>
      %get3A_136 = arith.constant 176 : index
      %get3A_137 = tpu.vector_load %arg12[%get3A_136] {strides = array<i32>} : memref<512xf32, #tpu.memory_space<vmem>>, vector<16xf32>,
      %get3A_138 = vector.shape_cast %get3A_137 : vector<16xf32> to vector<16xf32>
      %get3A_139 = arith.constant 192 : index
      %get3A_140 = tpu.vector_load %arg12[%get3A_139] {strides = array<i32>} : memref<512xf32, #tpu.memory_space<vmem>>, vector<16xf32>,
      %get3A_141 = vector.shape_cast %get3A_140 : vector<16xf32> to vector<16xf32>
      %get3A_142 = arith.constant 208 : index
      %get3A_143 = tpu.vector_load %arg12[%get3A_142] {strides = array<i32>} : memref<512xf32, #tpu.memory_space<vmem>>, vector<16xf32>,
      %get3A_144 = vector.shape_cast %get3A_143 : vector<16xf32> to vector<16xf32>
      %get3A_145 = arith.constant 224 : index
      %get3A_146 = tpu.vector_load %arg12[%get3A_145] {strides = array<i32>} : memref<512xf32, #tpu.memory_space<vmem>>, vector<16xf32>,
      %get3A_147 = vector.shape_cast %get3A_146 : vector<16xf32> to vector<16xf32>
      %get3A_148 = arith.constant 240 : index
      %get3A_149 = tpu.vector_load %arg12[%get3A_148] {strides = array<i32>} : memref<512xf32, #tpu.memory_space<vmem>>, vector<16xf32>,
      %get3A_150 = vector.shape_cast %get3A_149 : vector<16xf32> to vector<16xf32>
      %get3A_151 = arith.constant 0 : index
      %get3A_152 = tpu.vector_load %arg13[%get3A_151] {strides = array<i32>} : memref<512xf32, #tpu.memory_space<vmem>>, vector<16xf32>,
      %get3A_153 = vector.shape_cast %get3A_152 : vector<16xf32> to vector<16xf32>
      %get3A_154 = arith.constant 16 : index
      %get3A_155 = tpu.vector_load %arg13[%get3A_154] {strides = array<i32>} : memref<512xf32, #tpu.memory_space<vmem>>, vector<16xf32>,
      %get3A_156 = vector.shape_cast %get3A_155 : vector<16xf32> to vector<16xf32>
      %get3A_157 = arith.constant 32 : index
      %get3A_158 = tpu.vector_load %arg13[%get3A_157] {strides = array<i32>} : memref<512xf32, #tpu.memory_space<vmem>>, vector<16xf32>,
      %get3A_159 = vector.shape_cast %get3A_158 : vector<16xf32> to vector<16xf32>
      %get3A_160 = arith.constant 48 : index
      %get3A_161 = tpu.vector_load %arg13[%get3A_160] {strides = array<i32>} : memref<512xf32, #tpu.memory_space<vmem>>, vector<16xf32>,
      %get3A_162 = vector.shape_cast %get3A_161 : vector<16xf32> to vector<16xf32>
      %get3A_163 = arith.constant 64 : index
      %get3A_164 = tpu.vector_load %arg13[%get3A_163] {strides = array<i32>} : memref<512xf32, #tpu.memory_space<vmem>>, vector<16xf32>,
      %get3A_165 = vector.shape_cast %get3A_164 : vector<16xf32> to vector<16xf32>
      %get3A_166 = arith.constant 80 : index
      %get3A_167 = tpu.vector_load %arg13[%get3A_166] {strides = array<i32>} : memref<512xf32, #tpu.memory_space<vmem>>, vector<16xf32>,
      %get3A_168 = vector.shape_cast %get3A_167 : vector<16xf32> to vector<16xf32>
      %get3A_169 = arith.constant 96 : index
      %get3A_170 = tpu.vector_load %arg13[%get3A_169] {strides = array<i32>} : memref<512xf32, #tpu.memory_space<vmem>>, vector<16xf32>,
      %get3A_171 = vector.shape_cast %get3A_170 : vector<16xf32> to vector<16xf32>
      %get3A_172 = arith.constant 112 : index
      %get3A_173 = tpu.vector_load %arg13[%get3A_172] {strides = array<i32>} : memref<512xf32, #tpu.memory_space<vmem>>, vector<16xf32>,
      %get3A_174 = vector.shape_cast %get3A_173 : vector<16xf32> to vector<16xf32>
      %get3A_175 = arith.constant 128 : index
      %get3A_176 = tpu.vector_load %arg13[%get3A_175] {strides = array<i32>} : memref<512xf32, #tpu.memory_space<vmem>>, vector<16xf32>,
      %get3A_177 = vector.shape_cast %get3A_176 : vector<16xf32> to vector<16xf32>
      %get3A_178 = arith.constant 144 : index
      %get3A_179 = tpu.vector_load %arg13[%get3A_178] {strides = array<i32>} : memref<512xf32, #tpu.memory_space<vmem>>, vector<16xf32>,
      %get3A_180 = vector.shape_cast %get3A_179 : vector<16xf32> to vector<16xf32>
      %get3A_181 = arith.constant 160 : index
      %get3A_182 = tpu.vector_load %arg13[%get3A_181] {strides = array<i32>} : memref<512xf32, #tpu.memory_space<vmem>>, vector<16xf32>,
      %get3A_183 = vector.shape_cast %get3A_182 : vector<16xf32> to vector<16xf32>
      %get3A_184 = arith.constant 176 : index
      %get3A_185 = tpu.vector_load %arg13[%get3A_184] {strides = array<i32>} : memref<512xf32, #tpu.memory_space<vmem>>, vector<16xf32>,
      %get3A_186 = vector.shape_cast %get3A_185 : vector<16xf32> to vector<16xf32>
      %get3A_187 = arith.constant 192 : index
      %get3A_188 = tpu.vector_load %arg13[%get3A_187] {strides = array<i32>} : memref<512xf32, #tpu.memory_space<vmem>>, vector<16xf32>,
      %get3A_189 = vector.shape_cast %get3A_188 : vector<16xf32> to vector<16xf32>
      %get3A_190 = arith.constant 208 : index
      %get3A_191 = tpu.vector_load %arg13[%get3A_190] {strides = array<i32>} : memref<512xf32, #tpu.memory_space<vmem>>, vector<16xf32>,
      %get3A_192 = vector.shape_cast %get3A_191 : vector<16xf32> to vector<16xf32>
      %get3A_193 = arith.constant 224 : index
      %get3A_194 = tpu.vector_load %arg13[%get3A_193] {strides = array<i32>} : memref<512xf32, #tpu.memory_space<vmem>>, vector<16xf32>,
      %get3A_195 = vector.shape_cast %get3A_194 : vector<16xf32> to vector<16xf32>
      %get3A_196 = arith.constant 240 : index
      %get3A_197 = tpu.vector_load %arg13[%get3A_196] {strides = array<i32>} : memref<512xf32, #tpu.memory_space<vmem>>, vector<16xf32>,
      %get3A_198 = vector.shape_cast %get3A_197 : vector<16xf32> to vector<16xf32>
      %scan3A_199 = arith.constant 0 : i32
      %scan3A_200 = arith.constant 0 : i32
      %scan3A_201 = arith.constant 8 : i32
      %scan3A_202 = arith.addi %scan3A_200, %scan3A_201 : i32
      %scan3A_203 = arith.constant 1 : i32
      scf.for %scan3A_355 = %scan3A_200 to %scan3A_202 step %scan3A_203  : i32 {
        %mul3A_356 = arith.constant 16 : i32
        %mul3A_357 = arith.muli %scan3A_355, %mul3A_356 : i32
        %get3A_358 = arith.constant 0 : i32
        %get3A_359 = arith.index_cast %get3A_358 : i32 to index
        %get3A_360 = arith.index_cast %mul3A_357 : i32 to index
        %get3A_361 = tpu.vector_load %arg7[%get3A_359, %get3A_360] {strides = array<i32>} : memref<3x1536xi32, #tpu.memory_space<vmem>>, vector<1x16xi32>,
        %get3A_362 = vector.shape_cast %get3A_361 : vector<1x16xi32> to vector<16xi32>
        %get3A_363 = arith.constant 1 : i32
        %get3A_364 = arith.index_cast %get3A_363 : i32 to index
        %get3A_365 = arith.index_cast %mul3A_357 : i32 to index
        %get3A_366 = tpu.vector_load %arg7[%get3A_364, %get3A_365] {strides = array<i32>} : memref<3x1536xi32, #tpu.memory_space<vmem>>, vector<1x16xi32>,
        %get3A_367 = vector.shape_cast %get3A_366 : vector<1x16xi32> to vector<16xi32>
        %get3A_368 = arith.constant 2 : i32
        %get3A_369 = arith.index_cast %get3A_368 : i32 to index
        %get3A_370 = arith.index_cast %mul3A_357 : i32 to index
        %get3A_371 = tpu.vector_load %arg7[%get3A_369, %get3A_370] {strides = array<i32>} : memref<3x1536xi32, #tpu.memory_space<vmem>>, vector<1x16xi32>,
        %get3A_372 = vector.shape_cast %get3A_371 : vector<1x16xi32> to vector<16xi32>
        %broadcast_in_dim3A = vector.shape_cast %get3A_362 : vector<16xi32> to vector<16x1xi32>
        %gather3A = vector.shape_cast %broadcast_in_dim3A : vector<16x1xi32> to vector<16xi32>
        %gather3A_373 = tpu.dynamic_gather %get3A_57[%gather3A] in [0] : vector<16xf32>, vector<16xi32> -> vector<16xf32>
        %broadcast_in_dim3A_374 = vector.shape_cast %get3A_367 : vector<16xi32> to vector<16x1xi32>
        %gather3A_375 = vector.shape_cast %broadcast_in_dim3A_374 : vector<16x1xi32> to vector<16xi32>
        %gather3A_376 = tpu.dynamic_gather %get3A_105[%gather3A_375] in [0] : vector<16xf32>, vector<16xi32> -> vector<16xf32>
        %add3A_377 = arith.addf %gather3A_373, %gather3A_376 : vector<16xf32>
        %broadcast_in_dim3A_378 = vector.shape_cast %get3A_372 : vector<16xi32> to vector<16x1xi32>
        %gather3A_379 = vector.shape_cast %broadcast_in_dim3A_378 : vector<16x1xi32> to vector<16xi32>
        %gather3A_380 = tpu.dynamic_gather %get3A_153[%gather3A_379] in [0] : vector<16xf32>, vector<16xi32> -> vector<16xf32>
        %add3A_381 = arith.addf %add3A_377, %gather3A_380 : vector<16xf32>
        %swap3A = arith.constant 0 : i32
        %swap3A_382 = arith.index_cast %swap3A : i32 to index
        %swap3A_383 = arith.index_cast %mul3A_357 : i32 to index
        %swap3A_384 = tpu.vector_load %arg9[%swap3A_382, %swap3A_383] {strides = array<i32>} : memref<32x1536xf32, #tpu.memory_space<vmem>>, vector<1x16xf32>,
        %swap3A_385 = vector.shape_cast %swap3A_384 : vector<1x16xf32> to vector<16xf32>
        %swap3A_386 = vector.shape_cast %add3A_381 : vector<16xf32> to vector<1x16xf32>
        tpu.vector_store %arg9[%swap3A_382, %swap3A_383], %swap3A_386 {strides = array<i32>} : memref<32x1536xf32, #tpu.memory_space<vmem>>, vector<1x16xf32>,
        %broadcast_in_dim3A_387 = vector.shape_cast %get3A_362 : vector<16xi32> to vector<16x1xi32>
        %gather3A_388 = vector.shape_cast %broadcast_in_dim3A_387 : vector<16x1xi32> to vector<16xi32>
        %gather3A_389 = tpu.dynamic_gather %get3A_60[%gather3A_388] in [0] : vector<16xf32>, vector<16xi32> -> vector<16xf32>
        %broadcast_in_dim3A_390 = vector.shape_cast %get3A_367 : vector<16xi32> to vector<16x1xi32>
        %gather3A_391 = vector.shape_cast %broadcast_in_dim3A_390 : vector<16x1xi32> to vector<16xi32>
        %gather3A_392 = tpu.dynamic_gather %get3A_108[%gather3A_391] in [0] : vector<16xf32>, vector<16xi32> -> vector<16xf32>
        %add3A_393 = arith.addf %gather3A_389, %gather3A_392 : vector<16xf32>
        %broadcast_in_dim3A_394 = vector.shape_cast %get3A_372 : vector<16xi32> to vector<16x1xi32>
        %gather3A_395 = vector.shape_cast %broadcast_in_dim3A_394 : vector<16x1xi32> to vector<16xi32>
        %gather3A_396 = tpu.dynamic_gather %get3A_156[%gather3A_395] in [0] : vector<16xf32>, vector<16xi32> -> vector<16xf32>
        %add3A_397 = arith.addf %add3A_393, %gather3A_396 : vector<16xf32>
        %swap3A_398 = arith.constant 1 : i32
        %swap3A_399 = arith.index_cast %swap3A_398 : i32 to index
        %swap3A_400 = arith.index_cast %mul3A_357 : i32 to index
        %swap3A_401 = tpu.vector_load %arg9[%swap3A_399, %swap3A_400] {strides = array<i32>} : memref<32x1536xf32, #tpu.memory_space<vmem>>, vector<1x16xf32>,
        %swap3A_402 = vector.shape_cast %swap3A_401 : vector<1x16xf32> to vector<16xf32>
        %swap3A_403 = vector.shape_cast %add3A_397 : vector<16xf32> to vector<1x16xf32>
        tpu.vector_store %arg9[%swap3A_399, %swap3A_400], %swap3A_403 {strides = array<i32>} : memref<32x1536xf32, #tpu.memory_space<vmem>>, vector<1x16xf32>,
        %broadcast_in_dim3A_404 = vector.shape_cast %get3A_362 : vector<16xi32> to vector<16x1xi32>
        %gather3A_405 = vector.shape_cast %broadcast_in_dim3A_404 : vector<16x1xi32> to vector<16xi32>
        %gather3A_406 = tpu.dynamic_gather %get3A_63[%gather3A_405] in [0] : vector<16xf32>, vector<16xi32> -> vector<16xf32>
        %broadcast_in_dim3A_407 = vector.shape_cast %get3A_367 : vector<16xi32> to vector<16x1xi32>
        %gather3A_408 = vector.shape_cast %broadcast_in_dim3A_407 : vector<16x1xi32> to vector<16xi32>
        %gather3A_409 = tpu.dynamic_gather %get3A_111[%gather3A_408] in [0] : vector<16xf32>, vector<16xi32> -> vector<16xf32>
        %add3A_410 = arith.addf %gather3A_406, %gather3A_409 : vector<16xf32>
        %broadcast_in_dim3A_411 = vector.shape_cast %get3A_372 : vector<16xi32> to vector<16x1xi32>
        %gather3A_412 = vector.shape_cast %broadcast_in_dim3A_411 : vector<16x1xi32> to vector<16xi32>
        %gather3A_413 = tpu.dynamic_gather %get3A_159[%gather3A_412] in [0] : vector<16xf32>, vector<16xi32> -> vector<16xf32>
        %add3A_414 = arith.addf %add3A_410, %gather3A_413 : vector<16xf32>
        %swap3A_415 = arith.constant 2 : i32
        %swap3A_416 = arith.index_cast %swap3A_415 : i32 to index
        %swap3A_417 = arith.index_cast %mul3A_357 : i32 to index
        %swap3A_418 = tpu.vector_load %arg9[%swap3A_416, %swap3A_417] {strides = array<i32>} : memref<32x1536xf32, #tpu.memory_space<vmem>>, vector<1x16xf32>,
        %swap3A_419 = vector.shape_cast %swap3A_418 : vector<1x16xf32> to vector<16xf32>
        %swap3A_420 = vector.shape_cast %add3A_414 : vector<16xf32> to vector<1x16xf32>
        tpu.vector_store %arg9[%swap3A_416, %swap3A_417], %swap3A_420 {strides = array<i32>} : memref<32x1536xf32, #tpu.memory_space<vmem>>, vector<1x16xf32>,
        %broadcast_in_dim3A_421 = vector.shape_cast %get3A_362 : vector<16xi32> to vector<16x1xi32>
        %gather3A_422 = vector.shape_cast %broadcast_in_dim3A_421 : vector<16x1xi32> to vector<16xi32>
        %gather3A_423 = tpu.dynamic_gather %get3A_66[%gather3A_422] in [0] : vector<16xf32>, vector<16xi32> -> vector<16xf32>
        %broadcast_in_dim3A_424 = vector.shape_cast %get3A_367 : vector<16xi32> to vector<16x1xi32>
        %gather3A_425 = vector.shape_cast %broadcast_in_dim3A_424 : vector<16x1xi32> to vector<16xi32>
        %gather3A_426 = tpu.dynamic_gather %get3A_114[%gather3A_425] in [0] : vector<16xf32>, vector<16xi32> -> vector<16xf32>
        %add3A_427 = arith.addf %gather3A_423, %gather3A_426 : vector<16xf32>
        %broadcast_in_dim3A_428 = vector.shape_cast %get3A_372 : vector<16xi32> to vector<16x1xi32>
        %gather3A_429 = vector.shape_cast %broadcast_in_dim3A_428 : vector<16x1xi32> to vector<16xi32>
        %gather3A_430 = tpu.dynamic_gather %get3A_162[%gather3A_429] in [0] : vector<16xf32>, vector<16xi32> -> vector<16xf32>
        %add3A_431 = arith.addf %add3A_427, %gather3A_430 : vector<16xf32>
        %swap3A_432 = arith.constant 3 : i32
        %swap3A_433 = arith.index_cast %swap3A_432 : i32 to index
        %swap3A_434 = arith.index_cast %mul3A_357 : i32 to index
        %swap3A_435 = tpu.vector_load %arg9[%swap3A_433, %swap3A_434] {strides = array<i32>} : memref<32x1536xf32, #tpu.memory_space<vmem>>, vector<1x16xf32>,
        %swap3A_436 = vector.shape_cast %swap3A_435 : vector<1x16xf32> to vector<16xf32>
        %swap3A_437 = vector.shape_cast %add3A_431 : vector<16xf32> to vector<1x16xf32>
        tpu.vector_store %arg9[%swap3A_433, %swap3A_434], %swap3A_437 {strides = array<i32>} : memref<32x1536xf32, #tpu.memory_space<vmem>>, vector<1x16xf32>,
        %broadcast_in_dim3A_438 = vector.shape_cast %get3A_362 : vector<16xi32> to vector<16x1xi32>
        %gather3A_439 = vector.shape_cast %broadcast_in_dim3A_438 : vector<16x1xi32> to vector<16xi32>
        %gather3A_440 = tpu.dynamic_gather %get3A_69[%gather3A_439] in [0] : vector<16xf32>, vector<16xi32> -> vector<16xf32>
        %broadcast_in_dim3A_441 = vector.shape_cast %get3A_367 : vector<16xi32> to vector<16x1xi32>
        %gather3A_442 = vector.shape_cast %broadcast_in_dim3A_441 : vector<16x1xi32> to vector<16xi32>
        %gather3A_443 = tpu.dynamic_gather %get3A_117[%gather3A_442] in [0] : vector<16xf32>, vector<16xi32> -> vector<16xf32>
        %add3A_444 = arith.addf %gather3A_440, %gather3A_443 : vector<16xf32>
        %broadcast_in_dim3A_445 = vector.shape_cast %get3A_372 : vector<16xi32> to vector<16x1xi32>
        %gather3A_446 = vector.shape_cast %broadcast_in_dim3A_445 : vector<16x1xi32> to vector<16xi32>
        %gather3A_447 = tpu.dynamic_gather %get3A_165[%gather3A_446] in [0] : vector<16xf32>, vector<16xi32> -> vector<16xf32>
        %add3A_448 = arith.addf %add3A_444, %gather3A_447 : vector<16xf32>
        %swap3A_449 = arith.constant 4 : i32
        %swap3A_450 = arith.index_cast %swap3A_449 : i32 to index
        %swap3A_451 = arith.index_cast %mul3A_357 : i32 to index
        %swap3A_452 = tpu.vector_load %arg9[%swap3A_450, %swap3A_451] {strides = array<i32>} : memref<32x1536xf32, #tpu.memory_space<vmem>>, vector<1x16xf32>,
        %swap3A_453 = vector.shape_cast %swap3A_452 : vector<1x16xf32> to vector<16xf32>
        %swap3A_454 = vector.shape_cast %add3A_448 : vector<16xf32> to vector<1x16xf32>
        tpu.vector_store %arg9[%swap3A_450, %swap3A_451], %swap3A_454 {strides = array<i32>} : memref<32x1536xf32, #tpu.memory_space<vmem>>, vector<1x16xf32>,
        %broadcast_in_dim3A_455 = vector.shape_cast %get3A_362 : vector<16xi32> to vector<16x1xi32>
        %gather3A_456 = vector.shape_cast %broadcast_in_dim3A_455 : vector<16x1xi32> to vector<16xi32>
        %gather3A_457 = tpu.dynamic_gather %get3A_72[%gather3A_456] in [0] : vector<16xf32>, vector<16xi32> -> vector<16xf32>
        %broadcast_in_dim3A_458 = vector.shape_cast %get3A_367 : vector<16xi32> to vector<16x1xi32>
        %gather3A_459 = vector.shape_cast %broadcast_in_dim3A_458 : vector<16x1xi32> to vector<16xi32>
        %gather3A_460 = tpu.dynamic_gather %get3A_120[%gather3A_459] in [0] : vector<16xf32>, vector<16xi32> -> vector<16xf32>
        %add3A_461 = arith.addf %gather3A_457, %gather3A_460 : vector<16xf32>
        %broadcast_in_dim3A_462 = vector.shape_cast %get3A_372 : vector<16xi32> to vector<16x1xi32>
        %gather3A_463 = vector.shape_cast %broadcast_in_dim3A_462 : vector<16x1xi32> to vector<16xi32>
        %gather3A_464 = tpu.dynamic_gather %get3A_168[%gather3A_463] in [0] : vector<16xf32>, vector<16xi32> -> vector<16xf32>
        %add3A_465 = arith.addf %add3A_461, %gather3A_464 : vector<16xf32>
        %swap3A_466 = arith.constant 5 : i32
        %swap3A_467 = arith.index_cast %swap3A_466 : i32 to index
        %swap3A_468 = arith.index_cast %mul3A_357 : i32 to index
        %swap3A_469 = tpu.vector_load %arg9[%swap3A_467, %swap3A_468] {strides = array<i32>} : memref<32x1536xf32, #tpu.memory_space<vmem>>, vector<1x16xf32>,
        %swap3A_470 = vector.shape_cast %swap3A_469 : vector<1x16xf32> to vector<16xf32>
        %swap3A_471 = vector.shape_cast %add3A_465 : vector<16xf32> to vector<1x16xf32>
        tpu.vector_store %arg9[%swap3A_467, %swap3A_468], %swap3A_471 {strides = array<i32>} : memref<32x1536xf32, #tpu.memory_space<vmem>>, vector<1x16xf32>,
        %broadcast_in_dim3A_472 = vector.shape_cast %get3A_362 : vector<16xi32> to vector<16x1xi32>
        %gather3A_473 = vector.shape_cast %broadcast_in_dim3A_472 : vector<16x1xi32> to vector<16xi32>
        %gather3A_474 = tpu.dynamic_gather %get3A_75[%gather3A_473] in [0] : vector<16xf32>, vector<16xi32> -> vector<16xf32>
        %broadcast_in_dim3A_475 = vector.shape_cast %get3A_367 : vector<16xi32> to vector<16x1xi32>
        %gather3A_476 = vector.shape_cast %broadcast_in_dim3A_475 : vector<16x1xi32> to vector<16xi32>
        %gather3A_477 = tpu.dynamic_gather %get3A_123[%gather3A_476] in [0] : vector<16xf32>, vector<16xi32> -> vector<16xf32>
        %add3A_478 = arith.addf %gather3A_474, %gather3A_477 : vector<16xf32>
        %broadcast_in_dim3A_479 = vector.shape_cast %get3A_372 : vector<16xi32> to vector<16x1xi32>
        %gather3A_480 = vector.shape_cast %broadcast_in_dim3A_479 : vector<16x1xi32> to vector<16xi32>
        %gather3A_481 = tpu.dynamic_gather %get3A_171[%gather3A_480] in [0] : vector<16xf32>, vector<16xi32> -> vector<16xf32>
        %add3A_482 = arith.addf %add3A_478, %gather3A_481 : vector<16xf32>
        %swap3A_483 = arith.constant 6 : i32
        %swap3A_484 = arith.index_cast %swap3A_483 : i32 to index
        %swap3A_485 = arith.index_cast %mul3A_357 : i32 to index
        %swap3A_486 = tpu.vector_load %arg9[%swap3A_484, %swap3A_485] {strides = array<i32>} : memref<32x1536xf32, #tpu.memory_space<vmem>>, vector<1x16xf32>,
        %swap3A_487 = vector.shape_cast %swap3A_486 : vector<1x16xf32> to vector<16xf32>
        %swap3A_488 = vector.shape_cast %add3A_482 : vector<16xf32> to vector<1x16xf32>
        tpu.vector_store %arg9[%swap3A_484, %swap3A_485], %swap3A_488 {strides = array<i32>} : memref<32x1536xf32, #tpu.memory_space<vmem>>, vector<1x16xf32>,
        %broadcast_in_dim3A_489 = vector.shape_cast %get3A_362 : vector<16xi32> to vector<16x1xi32>
        %gather3A_490 = vector.shape_cast %broadcast_in_dim3A_489 : vector<16x1xi32> to vector<16xi32>
        %gather3A_491 = tpu.dynamic_gather %get3A_78[%gather3A_490] in [0] : vector<16xf32>, vector<16xi32> -> vector<16xf32>
        %broadcast_in_dim3A_492 = vector.shape_cast %get3A_367 : vector<16xi32> to vector<16x1xi32>
        %gather3A_493 = vector.shape_cast %broadcast_in_dim3A_492 : vector<16x1xi32> to vector<16xi32>
        %gather3A_494 = tpu.dynamic_gather %get3A_126[%gather3A_493] in [0] : vector<16xf32>, vector<16xi32> -> vector<16xf32>
        %add3A_495 = arith.addf %gather3A_491, %gather3A_494 : vector<16xf32>
        %broadcast_in_dim3A_496 = vector.shape_cast %get3A_372 : vector<16xi32> to vector<16x1xi32>
        %gather3A_497 = vector.shape_cast %broadcast_in_dim3A_496 : vector<16x1xi32> to vector<16xi32>
        %gather3A_498 = tpu.dynamic_gather %get3A_174[%gather3A_497] in [0] : vector<16xf32>, vector<16xi32> -> vector<16xf32>
        %add3A_499 = arith.addf %add3A_495, %gather3A_498 : vector<16xf32>
        %swap3A_500 = arith.constant 7 : i32
        %swap3A_501 = arith.index_cast %swap3A_500 : i32 to index
        %swap3A_502 = arith.index_cast %mul3A_357 : i32 to index
        %swap3A_503 = tpu.vector_load %arg9[%swap3A_501, %swap3A_502] {strides = array<i32>} : memref<32x1536xf32, #tpu.memory_space<vmem>>, vector<1x16xf32>,
        %swap3A_504 = vector.shape_cast %swap3A_503 : vector<1x16xf32> to vector<16xf32>
        %swap3A_505 = vector.shape_cast %add3A_499 : vector<16xf32> to vector<1x16xf32>
        tpu.vector_store %arg9[%swap3A_501, %swap3A_502], %swap3A_505 {strides = array<i32>} : memref<32x1536xf32, #tpu.memory_space<vmem>>, vector<1x16xf32>,
        %broadcast_in_dim3A_506 = vector.shape_cast %get3A_362 : vector<16xi32> to vector<16x1xi32>
        %gather3A_507 = vector.shape_cast %broadcast_in_dim3A_506 : vector<16x1xi32> to vector<16xi32>
        %gather3A_508 = tpu.dynamic_gather %get3A_81[%gather3A_507] in [0] : vector<16xf32>, vector<16xi32> -> vector<16xf32>
        %broadcast_in_dim3A_509 = vector.shape_cast %get3A_367 : vector<16xi32> to vector<16x1xi32>
        %gather3A_510 = vector.shape_cast %broadcast_in_dim3A_509 : vector<16x1xi32> to vector<16xi32>
        %gather3A_511 = tpu.dynamic_gather %get3A_129[%gather3A_510] in [0] : vector<16xf32>, vector<16xi32> -> vector<16xf32>
        %add3A_512 = arith.addf %gather3A_508, %gather3A_511 : vector<16xf32>
        %broadcast_in_dim3A_513 = vector.shape_cast %get3A_372 : vector<16xi32> to vector<16x1xi32>
        %gather3A_514 = vector.shape_cast %broadcast_in_dim3A_513 : vector<16x1xi32> to vector<16xi32>
        %gather3A_515 = tpu.dynamic_gather %get3A_177[%gather3A_514] in [0] : vector<16xf32>, vector<16xi32> -> vector<16xf32>
        %add3A_516 = arith.addf %add3A_512, %gather3A_515 : vector<16xf32>
        %swap3A_517 = arith.constant 8 : i32
        %swap3A_518 = arith.index_cast %swap3A_517 : i32 to index
        %swap3A_519 = arith.index_cast %mul3A_357 : i32 to index
        %swap3A_520 = tpu.vector_load %arg9[%swap3A_518, %swap3A_519] {strides = array<i32>} : memref<32x1536xf32, #tpu.memory_space<vmem>>, vector<1x16xf32>,
        %swap3A_521 = vector.shape_cast %swap3A_520 : vector<1x16xf32> to vector<16xf32>
        %swap3A_522 = vector.shape_cast %add3A_516 : vector<16xf32> to vector<1x16xf32>
        tpu.vector_store %arg9[%swap3A_518, %swap3A_519], %swap3A_522 {strides = array<i32>} : memref<32x1536xf32, #tpu.memory_space<vmem>>, vector<1x16xf32>,
        %broadcast_in_dim3A_523 = vector.shape_cast %get3A_362 : vector<16xi32> to vector<16x1xi32>
        %gather3A_524 = vector.shape_cast %broadcast_in_dim3A_523 : vector<16x1xi32> to vector<16xi32>
        %gather3A_525 = tpu.dynamic_gather %get3A_84[%gather3A_524] in [0] : vector<16xf32>, vector<16xi32> -> vector<16xf32>
        %broadcast_in_dim3A_526 = vector.shape_cast %get3A_367 : vector<16xi32> to vector<16x1xi32>
        %gather3A_527 = vector.shape_cast %broadcast_in_dim3A_526 : vector<16x1xi32> to vector<16xi32>
        %gather3A_528 = tpu.dynamic_gather %get3A_132[%gather3A_527] in [0] : vector<16xf32>, vector<16xi32> -> vector<16xf32>
        %add3A_529 = arith.addf %gather3A_525, %gather3A_528 : vector<16xf32>
        %broadcast_in_dim3A_530 = vector.shape_cast %get3A_372 : vector<16xi32> to vector<16x1xi32>
        %gather3A_531 = vector.shape_cast %broadcast_in_dim3A_530 : vector<16x1xi32> to vector<16xi32>
        %gather3A_532 = tpu.dynamic_gather %get3A_180[%gather3A_531] in [0] : vector<16xf32>, vector<16xi32> -> vector<16xf32>
        %add3A_533 = arith.addf %add3A_529, %gather3A_532 : vector<16xf32>
        %swap3A_534 = arith.constant 9 : i32
        %swap3A_535 = arith.index_cast %swap3A_534 : i32 to index
        %swap3A_536 = arith.index_cast %mul3A_357 : i32 to index
        %swap3A_537 = tpu.vector_load %arg9[%swap3A_535, %swap3A_536] {strides = array<i32>} : memref<32x1536xf32, #tpu.memory_space<vmem>>, vector<1x16xf32>,
        %swap3A_538 = vector.shape_cast %swap3A_537 : vector<1x16xf32> to vector<16xf32>
        %swap3A_539 = vector.shape_cast %add3A_533 : vector<16xf32> to vector<1x16xf32>
        tpu.vector_store %arg9[%swap3A_535, %swap3A_536], %swap3A_539 {strides = array<i32>} : memref<32x1536xf32, #tpu.memory_space<vmem>>, vector<1x16xf32>,
        %broadcast_in_dim3A_540 = vector.shape_cast %get3A_362 : vector<16xi32> to vector<16x1xi32>
        %gather3A_541 = vector.shape_cast %broadcast_in_dim3A_540 : vector<16x1xi32> to vector<16xi32>
        %gather3A_542 = tpu.dynamic_gather %get3A_87[%gather3A_541] in [0] : vector<16xf32>, vector<16xi32> -> vector<16xf32>
        %broadcast_in_dim3A_543 = vector.shape_cast %get3A_367 : vector<16xi32> to vector<16x1xi32>
        %gather3A_544 = vector.shape_cast %broadcast_in_dim3A_543 : vector<16x1xi32> to vector<16xi32>
        %gather3A_545 = tpu.dynamic_gather %get3A_135[%gather3A_544] in [0] : vector<16xf32>, vector<16xi32> -> vector<16xf32>
        %add3A_546 = arith.addf %gather3A_542, %gather3A_545 : vector<16xf32>
        %broadcast_in_dim3A_547 = vector.shape_cast %get3A_372 : vector<16xi32> to vector<16x1xi32>
        %gather3A_548 = vector.shape_cast %broadcast_in_dim3A_547 : vector<16x1xi32> to vector<16xi32>
        %gather3A_549 = tpu.dynamic_gather %get3A_183[%gather3A_548] in [0] : vector<16xf32>, vector<16xi32> -> vector<16xf32>
        %add3A_550 = arith.addf %add3A_546, %gather3A_549 : vector<16xf32>
        %swap3A_551 = arith.constant 10 : i32
        %swap3A_552 = arith.index_cast %swap3A_551 : i32 to index
        %swap3A_553 = arith.index_cast %mul3A_357 : i32 to index
        %swap3A_554 = tpu.vector_load %arg9[%swap3A_552, %swap3A_553] {strides = array<i32>} : memref<32x1536xf32, #tpu.memory_space<vmem>>, vector<1x16xf32>,
        %swap3A_555 = vector.shape_cast %swap3A_554 : vector<1x16xf32> to vector<16xf32>
        %swap3A_556 = vector.shape_cast %add3A_550 : vector<16xf32> to vector<1x16xf32>
        tpu.vector_store %arg9[%swap3A_552, %swap3A_553], %swap3A_556 {strides = array<i32>} : memref<32x1536xf32, #tpu.memory_space<vmem>>, vector<1x16xf32>,
        %broadcast_in_dim3A_557 = vector.shape_cast %get3A_362 : vector<16xi32> to vector<16x1xi32>
        %gather3A_558 = vector.shape_cast %broadcast_in_dim3A_557 : vector<16x1xi32> to vector<16xi32>
        %gather3A_559 = tpu.dynamic_gather %get3A_90[%gather3A_558] in [0] : vector<16xf32>, vector<16xi32> -> vector<16xf32>
        %broadcast_in_dim3A_560 = vector.shape_cast %get3A_367 : vector<16xi32> to vector<16x1xi32>
        %gather3A_561 = vector.shape_cast %broadcast_in_dim3A_560 : vector<16x1xi32> to vector<16xi32>
        %gather3A_562 = tpu.dynamic_gather %get3A_138[%gather3A_561] in [0] : vector<16xf32>, vector<16xi32> -> vector<16xf32>
        %add3A_563 = arith.addf %gather3A_559, %gather3A_562 : vector<16xf32>
        %broadcast_in_dim3A_564 = vector.shape_cast %get3A_372 : vector<16xi32> to vector<16x1xi32>
        %gather3A_565 = vector.shape_cast %broadcast_in_dim3A_564 : vector<16x1xi32> to vector<16xi32>
        %gather3A_566 = tpu.dynamic_gather %get3A_186[%gather3A_565] in [0] : vector<16xf32>, vector<16xi32> -> vector<16xf32>
        %add3A_567 = arith.addf %add3A_563, %gather3A_566 : vector<16xf32>
        %swap3A_568 = arith.constant 11 : i32
        %swap3A_569 = arith.index_cast %swap3A_568 : i32 to index
        %swap3A_570 = arith.index_cast %mul3A_357 : i32 to index
        %swap3A_571 = tpu.vector_load %arg9[%swap3A_569, %swap3A_570] {strides = array<i32>} : memref<32x1536xf32, #tpu.memory_space<vmem>>, vector<1x16xf32>,
        %swap3A_572 = vector.shape_cast %swap3A_571 : vector<1x16xf32> to vector<16xf32>
        %swap3A_573 = vector.shape_cast %add3A_567 : vector<16xf32> to vector<1x16xf32>
        tpu.vector_store %arg9[%swap3A_569, %swap3A_570], %swap3A_573 {strides = array<i32>} : memref<32x1536xf32, #tpu.memory_space<vmem>>, vector<1x16xf32>,
        %broadcast_in_dim3A_574 = vector.shape_cast %get3A_362 : vector<16xi32> to vector<16x1xi32>
        %gather3A_575 = vector.shape_cast %broadcast_in_dim3A_574 : vector<16x1xi32> to vector<16xi32>
        %gather3A_576 = tpu.dynamic_gather %get3A_93[%gather3A_575] in [0] : vector<16xf32>, vector<16xi32> -> vector<16xf32>
        %broadcast_in_dim3A_577 = vector.shape_cast %get3A_367 : vector<16xi32> to vector<16x1xi32>
        %gather3A_578 = vector.shape_cast %broadcast_in_dim3A_577 : vector<16x1xi32> to vector<16xi32>
        %gather3A_579 = tpu.dynamic_gather %get3A_141[%gather3A_578] in [0] : vector<16xf32>, vector<16xi32> -> vector<16xf32>
        %add3A_580 = arith.addf %gather3A_576, %gather3A_579 : vector<16xf32>
        %broadcast_in_dim3A_581 = vector.shape_cast %get3A_372 : vector<16xi32> to vector<16x1xi32>
        %gather3A_582 = vector.shape_cast %broadcast_in_dim3A_581 : vector<16x1xi32> to vector<16xi32>
        %gather3A_583 = tpu.dynamic_gather %get3A_189[%gather3A_582] in [0] : vector<16xf32>, vector<16xi32> -> vector<16xf32>
        %add3A_584 = arith.addf %add3A_580, %gather3A_583 : vector<16xf32>
        %swap3A_585 = arith.constant 12 : i32
        %swap3A_586 = arith.index_cast %swap3A_585 : i32 to index
        %swap3A_587 = arith.index_cast %mul3A_357 : i32 to index
        %swap3A_588 = tpu.vector_load %arg9[%swap3A_586, %swap3A_587] {strides = array<i32>} : memref<32x1536xf32, #tpu.memory_space<vmem>>, vector<1x16xf32>,
        %swap3A_589 = vector.shape_cast %swap3A_588 : vector<1x16xf32> to vector<16xf32>
        %swap3A_590 = vector.shape_cast %add3A_584 : vector<16xf32> to vector<1x16xf32>
        tpu.vector_store %arg9[%swap3A_586, %swap3A_587], %swap3A_590 {strides = array<i32>} : memref<32x1536xf32, #tpu.memory_space<vmem>>, vector<1x16xf32>,
        %broadcast_in_dim3A_591 = vector.shape_cast %get3A_362 : vector<16xi32> to vector<16x1xi32>
        %gather3A_592 = vector.shape_cast %broadcast_in_dim3A_591 : vector<16x1xi32> to vector<16xi32>
        %gather3A_593 = tpu.dynamic_gather %get3A_96[%gather3A_592] in [0] : vector<16xf32>, vector<16xi32> -> vector<16xf32>
        %broadcast_in_dim3A_594 = vector.shape_cast %get3A_367 : vector<16xi32> to vector<16x1xi32>
        %gather3A_595 = vector.shape_cast %broadcast_in_dim3A_594 : vector<16x1xi32> to vector<16xi32>
        %gather3A_596 = tpu.dynamic_gather %get3A_144[%gather3A_595] in [0] : vector<16xf32>, vector<16xi32> -> vector<16xf32>
        %add3A_597 = arith.addf %gather3A_593, %gather3A_596 : vector<16xf32>
        %broadcast_in_dim3A_598 = vector.shape_cast %get3A_372 : vector<16xi32> to vector<16x1xi32>
        %gather3A_599 = vector.shape_cast %broadcast_in_dim3A_598 : vector<16x1xi32> to vector<16xi32>
        %gather3A_600 = tpu.dynamic_gather %get3A_192[%gather3A_599] in [0] : vector<16xf32>, vector<16xi32> -> vector<16xf32>
        %add3A_601 = arith.addf %add3A_597, %gather3A_600 : vector<16xf32>
        %swap3A_602 = arith.constant 13 : i32
        %swap3A_603 = arith.index_cast %swap3A_602 : i32 to index
        %swap3A_604 = arith.index_cast %mul3A_357 : i32 to index
        %swap3A_605 = tpu.vector_load %arg9[%swap3A_603, %swap3A_604] {strides = array<i32>} : memref<32x1536xf32, #tpu.memory_space<vmem>>, vector<1x16xf32>,
        %swap3A_606 = vector.shape_cast %swap3A_605 : vector<1x16xf32> to vector<16xf32>
        %swap3A_607 = vector.shape_cast %add3A_601 : vector<16xf32> to vector<1x16xf32>
        tpu.vector_store %arg9[%swap3A_603, %swap3A_604], %swap3A_607 {strides = array<i32>} : memref<32x1536xf32, #tpu.memory_space<vmem>>, vector<1x16xf32>,
        %broadcast_in_dim3A_608 = vector.shape_cast %get3A_362 : vector<16xi32> to vector<16x1xi32>
        %gather3A_609 = vector.shape_cast %broadcast_in_dim3A_608 : vector<16x1xi32> to vector<16xi32>
        %gather3A_610 = tpu.dynamic_gather %get3A_99[%gather3A_609] in [0] : vector<16xf32>, vector<16xi32> -> vector<16xf32>
        %broadcast_in_dim3A_611 = vector.shape_cast %get3A_367 : vector<16xi32> to vector<16x1xi32>
        %gather3A_612 = vector.shape_cast %broadcast_in_dim3A_611 : vector<16x1xi32> to vector<16xi32>
        %gather3A_613 = tpu.dynamic_gather %get3A_147[%gather3A_612] in [0] : vector<16xf32>, vector<16xi32> -> vector<16xf32>
        %add3A_614 = arith.addf %gather3A_610, %gather3A_613 : vector<16xf32>
        %broadcast_in_dim3A_615 = vector.shape_cast %get3A_372 : vector<16xi32> to vector<16x1xi32>
        %gather3A_616 = vector.shape_cast %broadcast_in_dim3A_615 : vector<16x1xi32> to vector<16xi32>
        %gather3A_617 = tpu.dynamic_gather %get3A_195[%gather3A_616] in [0] : vector<16xf32>, vector<16xi32> -> vector<16xf32>
        %add3A_618 = arith.addf %add3A_614, %gather3A_617 : vector<16xf32>
        %swap3A_619 = arith.constant 14 : i32
        %swap3A_620 = arith.index_cast %swap3A_619 : i32 to index
        %swap3A_621 = arith.index_cast %mul3A_357 : i32 to index
        %swap3A_622 = tpu.vector_load %arg9[%swap3A_620, %swap3A_621] {strides = array<i32>} : memref<32x1536xf32, #tpu.memory_space<vmem>>, vector<1x16xf32>,
        %swap3A_623 = vector.shape_cast %swap3A_622 : vector<1x16xf32> to vector<16xf32>
        %swap3A_624 = vector.shape_cast %add3A_618 : vector<16xf32> to vector<1x16xf32>
        tpu.vector_store %arg9[%swap3A_620, %swap3A_621], %swap3A_624 {strides = array<i32>} : memref<32x1536xf32, #tpu.memory_space<vmem>>, vector<1x16xf32>,
        %broadcast_in_dim3A_625 = vector.shape_cast %get3A_362 : vector<16xi32> to vector<16x1xi32>
        %gather3A_626 = vector.shape_cast %broadcast_in_dim3A_625 : vector<16x1xi32> to vector<16xi32>
        %gather3A_627 = tpu.dynamic_gather %get3A_102[%gather3A_626] in [0] : vector<16xf32>, vector<16xi32> -> vector<16xf32>
        %broadcast_in_dim3A_628 = vector.shape_cast %get3A_367 : vector<16xi32> to vector<16x1xi32>
        %gather3A_629 = vector.shape_cast %broadcast_in_dim3A_628 : vector<16x1xi32> to vector<16xi32>
        %gather3A_630 = tpu.dynamic_gather %get3A_150[%gather3A_629] in [0] : vector<16xf32>, vector<16xi32> -> vector<16xf32>
        %add3A_631 = arith.addf %gather3A_627, %gather3A_630 : vector<16xf32>
        %broadcast_in_dim3A_632 = vector.shape_cast %get3A_372 : vector<16xi32> to vector<16x1xi32>
        %gather3A_633 = vector.shape_cast %broadcast_in_dim3A_632 : vector<16x1xi32> to vector<16xi32>
        %gather3A_634 = tpu.dynamic_gather %get3A_198[%gather3A_633] in [0] : vector<16xf32>, vector<16xi32> -> vector<16xf32>
        %add3A_635 = arith.addf %add3A_631, %gather3A_634 : vector<16xf32>
        %swap3A_636 = arith.constant 15 : i32
        %swap3A_637 = arith.index_cast %swap3A_636 : i32 to index
        %swap3A_638 = arith.index_cast %mul3A_357 : i32 to index
        %swap3A_639 = tpu.vector_load %arg9[%swap3A_637, %swap3A_638] {strides = array<i32>} : memref<32x1536xf32, #tpu.memory_space<vmem>>, vector<1x16xf32>,
        %swap3A_640 = vector.shape_cast %swap3A_639 : vector<1x16xf32> to vector<16xf32>
        %swap3A_641 = vector.shape_cast %add3A_635 : vector<16xf32> to vector<1x16xf32>
        tpu.vector_store %arg9[%swap3A_637, %swap3A_638], %swap3A_641 {strides = array<i32>} : memref<32x1536xf32, #tpu.memory_space<vmem>>, vector<1x16xf32>,
      }
      %scan3A_204 = arith.constant 8 : i32
      %get3A_205 = arith.constant 256 : index
      %get3A_206 = tpu.vector_load %arg11[%get3A_205] {strides = array<i32>} : memref<512xf32, #tpu.memory_space<vmem>>, vector<16xf32>,
      %get3A_207 = vector.shape_cast %get3A_206 : vector<16xf32> to vector<16xf32>
      %get3A_208 = arith.constant 272 : index
      %get3A_209 = tpu.vector_load %arg11[%get3A_208] {strides = array<i32>} : memref<512xf32, #tpu.memory_space<vmem>>, vector<16xf32>,
      %get3A_210 = vector.shape_cast %get3A_209 : vector<16xf32> to vector<16xf32>
      %get3A_211 = arith.constant 288 : index
      %get3A_212 = tpu.vector_load %arg11[%get3A_211] {strides = array<i32>} : memref<512xf32, #tpu.memory_space<vmem>>, vector<16xf32>,
      %get3A_213 = vector.shape_cast %get3A_212 : vector<16xf32> to vector<16xf32>
      %get3A_214 = arith.constant 304 : index
      %get3A_215 = tpu.vector_load %arg11[%get3A_214] {strides = array<i32>} : memref<512xf32, #tpu.memory_space<vmem>>, vector<16xf32>,
      %get3A_216 = vector.shape_cast %get3A_215 : vector<16xf32> to vector<16xf32>
      %get3A_217 = arith.constant 320 : index
      %get3A_218 = tpu.vector_load %arg11[%get3A_217] {strides = array<i32>} : memref<512xf32, #tpu.memory_space<vmem>>, vector<16xf32>,
      %get3A_219 = vector.shape_cast %get3A_218 : vector<16xf32> to vector<16xf32>
      %get3A_220 = arith.constant 336 : index
      %get3A_221 = tpu.vector_load %arg11[%get3A_220] {strides = array<i32>} : memref<512xf32, #tpu.memory_space<vmem>>, vector<16xf32>,
      %get3A_222 = vector.shape_cast %get3A_221 : vector<16xf32> to vector<16xf32>
      %get3A_223 = arith.constant 352 : index
      %get3A_224 = tpu.vector_load %arg11[%get3A_223] {strides = array<i32>} : memref<512xf32, #tpu.memory_space<vmem>>, vector<16xf32>,
      %get3A_225 = vector.shape_cast %get3A_224 : vector<16xf32> to vector<16xf32>
      %get3A_226 = arith.constant 368 : index
      %get3A_227 = tpu.vector_load %arg11[%get3A_226] {strides = array<i32>} : memref<512xf32, #tpu.memory_space<vmem>>, vector<16xf32>,
      %get3A_228 = vector.shape_cast %get3A_227 : vector<16xf32> to vector<16xf32>
      %get3A_229 = arith.constant 384 : index
      %get3A_230 = tpu.vector_load %arg11[%get3A_229] {strides = array<i32>} : memref<512xf32, #tpu.memory_space<vmem>>, vector<16xf32>,
      %get3A_231 = vector.shape_cast %get3A_230 : vector<16xf32> to vector<16xf32>
      %get3A_232 = arith.constant 400 : index
      %get3A_233 = tpu.vector_load %arg11[%get3A_232] {strides = array<i32>} : memref<512xf32, #tpu.memory_space<vmem>>, vector<16xf32>,
      %get3A_234 = vector.shape_cast %get3A_233 : vector<16xf32> to vector<16xf32>
      %get3A_235 = arith.constant 416 : index
      %get3A_236 = tpu.vector_load %arg11[%get3A_235] {strides = array<i32>} : memref<512xf32, #tpu.memory_space<vmem>>, vector<16xf32>,
      %get3A_237 = vector.shape_cast %get3A_236 : vector<16xf32> to vector<16xf32>
      %get3A_238 = arith.constant 432 : index
      %get3A_239 = tpu.vector_load %arg11[%get3A_238] {strides = array<i32>} : memref<512xf32, #tpu.memory_space<vmem>>, vector<16xf32>,
      %get3A_240 = vector.shape_cast %get3A_239 : vector<16xf32> to vector<16xf32>
      %get3A_241 = arith.constant 448 : index
      %get3A_242 = tpu.vector_load %arg11[%get3A_241] {strides = array<i32>} : memref<512xf32, #tpu.memory_space<vmem>>, vector<16xf32>,
      %get3A_243 = vector.shape_cast %get3A_242 : vector<16xf32> to vector<16xf32>
      %get3A_244 = arith.constant 464 : index
      %get3A_245 = tpu.vector_load %arg11[%get3A_244] {strides = array<i32>} : memref<512xf32, #tpu.memory_space<vmem>>, vector<16xf32>,
      %get3A_246 = vector.shape_cast %get3A_245 : vector<16xf32> to vector<16xf32>
      %get3A_247 = arith.constant 480 : index
      %get3A_248 = tpu.vector_load %arg11[%get3A_247] {strides = array<i32>} : memref<512xf32, #tpu.memory_space<vmem>>, vector<16xf32>,
      %get3A_249 = vector.shape_cast %get3A_248 : vector<16xf32> to vector<16xf32>
      %get3A_250 = arith.constant 496 : index
      %get3A_251 = tpu.vector_load %arg11[%get3A_250] {strides = array<i32>} : memref<512xf32, #tpu.memory_space<vmem>>, vector<16xf32>,
      %get3A_252 = vector.shape_cast %get3A_251 : vector<16xf32> to vector<16xf32>
      %get3A_253 = arith.constant 256 : index
      %get3A_254 = tpu.vector_load %arg12[%get3A_253] {strides = array<i32>} : memref<512xf32, #tpu.memory_space<vmem>>, vector<16xf32>,
      %get3A_255 = vector.shape_cast %get3A_254 : vector<16xf32> to vector<16xf32>
      %get3A_256 = arith.constant 272 : index
      %get3A_257 = tpu.vector_load %arg12[%get3A_256] {strides = array<i32>} : memref<512xf32, #tpu.memory_space<vmem>>, vector<16xf32>,
      %get3A_258 = vector.shape_cast %get3A_257 : vector<16xf32> to vector<16xf32>
      %get3A_259 = arith.constant 288 : index
      %get3A_260 = tpu.vector_load %arg12[%get3A_259] {strides = array<i32>} : memref<512xf32, #tpu.memory_space<vmem>>, vector<16xf32>,
      %get3A_261 = vector.shape_cast %get3A_260 : vector<16xf32> to vector<16xf32>
      %get3A_262 = arith.constant 304 : index
      %get3A_263 = tpu.vector_load %arg12[%get3A_262] {strides = array<i32>} : memref<512xf32, #tpu.memory_space<vmem>>, vector<16xf32>,
      %get3A_264 = vector.shape_cast %get3A_263 : vector<16xf32> to vector<16xf32>
      %get3A_265 = arith.constant 320 : index
      %get3A_266 = tpu.vector_load %arg12[%get3A_265] {strides = array<i32>} : memref<512xf32, #tpu.memory_space<vmem>>, vector<16xf32>,
      %get3A_267 = vector.shape_cast %get3A_266 : vector<16xf32> to vector<16xf32>
      %get3A_268 = arith.constant 336 : index
      %get3A_269 = tpu.vector_load %arg12[%get3A_268] {strides = array<i32>} : memref<512xf32, #tpu.memory_space<vmem>>, vector<16xf32>,
      %get3A_270 = vector.shape_cast %get3A_269 : vector<16xf32> to vector<16xf32>
      %get3A_271 = arith.constant 352 : index
      %get3A_272 = tpu.vector_load %arg12[%get3A_271] {strides = array<i32>} : memref<512xf32, #tpu.memory_space<vmem>>, vector<16xf32>,
      %get3A_273 = vector.shape_cast %get3A_272 : vector<16xf32> to vector<16xf32>
      %get3A_274 = arith.constant 368 : index
      %get3A_275 = tpu.vector_load %arg12[%get3A_274] {strides = array<i32>} : memref<512xf32, #tpu.memory_space<vmem>>, vector<16xf32>,
      %get3A_276 = vector.shape_cast %get3A_275 : vector<16xf32> to vector<16xf32>
      %get3A_277 = arith.constant 384 : index
      %get3A_278 = tpu.vector_load %arg12[%get3A_277] {strides = array<i32>} : memref<512xf32, #tpu.memory_space<vmem>>, vector<16xf32>,
      %get3A_279 = vector.shape_cast %get3A_278 : vector<16xf32> to vector<16xf32>
      %get3A_280 = arith.constant 400 : index
      %get3A_281 = tpu.vector_load %arg12[%get3A_280] {strides = array<i32>} : memref<512xf32, #tpu.memory_space<vmem>>, vector<16xf32>,
      %get3A_282 = vector.shape_cast %get3A_281 : vector<16xf32> to vector<16xf32>
      %get3A_283 = arith.constant 416 : index
      %get3A_284 = tpu.vector_load %arg12[%get3A_283] {strides = array<i32>} : memref<512xf32, #tpu.memory_space<vmem>>, vector<16xf32>,
      %get3A_285 = vector.shape_cast %get3A_284 : vector<16xf32> to vector<16xf32>
      %get3A_286 = arith.constant 432 : index
      %get3A_287 = tpu.vector_load %arg12[%get3A_286] {strides = array<i32>} : memref<512xf32, #tpu.memory_space<vmem>>, vector<16xf32>,
      %get3A_288 = vector.shape_cast %get3A_287 : vector<16xf32> to vector<16xf32>
      %get3A_289 = arith.constant 448 : index
      %get3A_290 = tpu.vector_load %arg12[%get3A_289] {strides = array<i32>} : memref<512xf32, #tpu.memory_space<vmem>>, vector<16xf32>,
      %get3A_291 = vector.shape_cast %get3A_290 : vector<16xf32> to vector<16xf32>
      %get3A_292 = arith.constant 464 : index
      %get3A_293 = tpu.vector_load %arg12[%get3A_292] {strides = array<i32>} : memref<512xf32, #tpu.memory_space<vmem>>, vector<16xf32>,
      %get3A_294 = vector.shape_cast %get3A_293 : vector<16xf32> to vector<16xf32>
      %get3A_295 = arith.constant 480 : index
      %get3A_296 = tpu.vector_load %arg12[%get3A_295] {strides = array<i32>} : memref<512xf32, #tpu.memory_space<vmem>>, vector<16xf32>,
      %get3A_297 = vector.shape_cast %get3A_296 : vector<16xf32> to vector<16xf32>
      %get3A_298 = arith.constant 496 : index
      %get3A_299 = tpu.vector_load %arg12[%get3A_298] {strides = array<i32>} : memref<512xf32, #tpu.memory_space<vmem>>, vector<16xf32>,
      %get3A_300 = vector.shape_cast %get3A_299 : vector<16xf32> to vector<16xf32>
      %get3A_301 = arith.constant 256 : index
      %get3A_302 = tpu.vector_load %arg13[%get3A_301] {strides = array<i32>} : memref<512xf32, #tpu.memory_space<vmem>>, vector<16xf32>,
      %get3A_303 = vector.shape_cast %get3A_302 : vector<16xf32> to vector<16xf32>
      %get3A_304 = arith.constant 272 : index
      %get3A_305 = tpu.vector_load %arg13[%get3A_304] {strides = array<i32>} : memref<512xf32, #tpu.memory_space<vmem>>, vector<16xf32>,
      %get3A_306 = vector.shape_cast %get3A_305 : vector<16xf32> to vector<16xf32>
      %get3A_307 = arith.constant 288 : index
      %get3A_308 = tpu.vector_load %arg13[%get3A_307] {strides = array<i32>} : memref<512xf32, #tpu.memory_space<vmem>>, vector<16xf32>,
      %get3A_309 = vector.shape_cast %get3A_308 : vector<16xf32> to vector<16xf32>
      %get3A_310 = arith.constant 304 : index
      %get3A_311 = tpu.vector_load %arg13[%get3A_310] {strides = array<i32>} : memref<512xf32, #tpu.memory_space<vmem>>, vector<16xf32>,
      %get3A_312 = vector.shape_cast %get3A_311 : vector<16xf32> to vector<16xf32>
      %get3A_313 = arith.constant 320 : index
      %get3A_314 = tpu.vector_load %arg13[%get3A_313] {strides = array<i32>} : memref<512xf32, #tpu.memory_space<vmem>>, vector<16xf32>,
      %get3A_315 = vector.shape_cast %get3A_314 : vector<16xf32> to vector<16xf32>
      %get3A_316 = arith.constant 336 : index
      %get3A_317 = tpu.vector_load %arg13[%get3A_316] {strides = array<i32>} : memref<512xf32, #tpu.memory_space<vmem>>, vector<16xf32>,
      %get3A_318 = vector.shape_cast %get3A_317 : vector<16xf32> to vector<16xf32>
      %get3A_319 = arith.constant 352 : index
      %get3A_320 = tpu.vector_load %arg13[%get3A_319] {strides = array<i32>} : memref<512xf32, #tpu.memory_space<vmem>>, vector<16xf32>,
      %get3A_321 = vector.shape_cast %get3A_320 : vector<16xf32> to vector<16xf32>
      %get3A_322 = arith.constant 368 : index
      %get3A_323 = tpu.vector_load %arg13[%get3A_322] {strides = array<i32>} : memref<512xf32, #tpu.memory_space<vmem>>, vector<16xf32>,
      %get3A_324 = vector.shape_cast %get3A_323 : vector<16xf32> to vector<16xf32>
      %get3A_325 = arith.constant 384 : index
      %get3A_326 = tpu.vector_load %arg13[%get3A_325] {strides = array<i32>} : memref<512xf32, #tpu.memory_space<vmem>>, vector<16xf32>,
      %get3A_327 = vector.shape_cast %get3A_326 : vector<16xf32> to vector<16xf32>
      %get3A_328 = arith.constant 400 : index
      %get3A_329 = tpu.vector_load %arg13[%get3A_328] {strides = array<i32>} : memref<512xf32, #tpu.memory_space<vmem>>, vector<16xf32>,
      %get3A_330 = vector.shape_cast %get3A_329 : vector<16xf32> to vector<16xf32>
      %get3A_331 = arith.constant 416 : index
      %get3A_332 = tpu.vector_load %arg13[%get3A_331] {strides = array<i32>} : memref<512xf32, #tpu.memory_space<vmem>>, vector<16xf32>,
      %get3A_333 = vector.shape_cast %get3A_332 : vector<16xf32> to vector<16xf32>
      %get3A_334 = arith.constant 432 : index
      %get3A_335 = tpu.vector_load %arg13[%get3A_334] {strides = array<i32>} : memref<512xf32, #tpu.memory_space<vmem>>, vector<16xf32>,
      %get3A_336 = vector.shape_cast %get3A_335 : vector<16xf32> to vector<16xf32>
      %get3A_337 = arith.constant 448 : index
      %get3A_338 = tpu.vector_load %arg13[%get3A_337] {strides = array<i32>} : memref<512xf32, #tpu.memory_space<vmem>>, vector<16xf32>,
      %get3A_339 = vector.shape_cast %get3A_338 : vector<16xf32> to vector<16xf32>
      %get3A_340 = arith.constant 464 : index
      %get3A_341 = tpu.vector_load %arg13[%get3A_340] {strides = array<i32>} : memref<512xf32, #tpu.memory_space<vmem>>, vector<16xf32>,
      %get3A_342 = vector.shape_cast %get3A_341 : vector<16xf32> to vector<16xf32>
      %get3A_343 = arith.constant 480 : index
      %get3A_344 = tpu.vector_load %arg13[%get3A_343] {strides = array<i32>} : memref<512xf32, #tpu.memory_space<vmem>>, vector<16xf32>,
      %get3A_345 = vector.shape_cast %get3A_344 : vector<16xf32> to vector<16xf32>
      %get3A_346 = arith.constant 496 : index
      %get3A_347 = tpu.vector_load %arg13[%get3A_346] {strides = array<i32>} : memref<512xf32, #tpu.memory_space<vmem>>, vector<16xf32>,
      %get3A_348 = vector.shape_cast %get3A_347 : vector<16xf32> to vector<16xf32>
      %scan3A_349 = arith.constant 0 : i32
      %scan3A_350 = arith.constant 0 : i32
      %scan3A_351 = arith.constant 8 : i32
      %scan3A_352 = arith.addi %scan3A_350, %scan3A_351 : i32
      %scan3A_353 = arith.constant 1 : i32
      scf.for %scan3A_355 = %scan3A_350 to %scan3A_352 step %scan3A_353  : i32 {
        %mul3A_356 = arith.constant 16 : i32
        %mul3A_357 = arith.muli %scan3A_355, %mul3A_356 : i32
        %get3A_358 = arith.constant 0 : i32
        %get3A_359 = arith.index_cast %get3A_358 : i32 to index
        %get3A_360 = arith.index_cast %mul3A_357 : i32 to index
        %get3A_361 = tpu.vector_load %arg7[%get3A_359, %get3A_360] {strides = array<i32>} : memref<3x1536xi32, #tpu.memory_space<vmem>>, vector<1x16xi32>,
        %get3A_362 = vector.shape_cast %get3A_361 : vector<1x16xi32> to vector<16xi32>
        %get3A_363 = arith.constant 1 : i32
        %get3A_364 = arith.index_cast %get3A_363 : i32 to index
        %get3A_365 = arith.index_cast %mul3A_357 : i32 to index
        %get3A_366 = tpu.vector_load %arg7[%get3A_364, %get3A_365] {strides = array<i32>} : memref<3x1536xi32, #tpu.memory_space<vmem>>, vector<1x16xi32>,
        %get3A_367 = vector.shape_cast %get3A_366 : vector<1x16xi32> to vector<16xi32>
        %get3A_368 = arith.constant 2 : i32
        %get3A_369 = arith.index_cast %get3A_368 : i32 to index
        %get3A_370 = arith.index_cast %mul3A_357 : i32 to index
        %get3A_371 = tpu.vector_load %arg7[%get3A_369, %get3A_370] {strides = array<i32>} : memref<3x1536xi32, #tpu.memory_space<vmem>>, vector<1x16xi32>,
        %get3A_372 = vector.shape_cast %get3A_371 : vector<1x16xi32> to vector<16xi32>
        %broadcast_in_dim3A = vector.shape_cast %get3A_362 : vector<16xi32> to vector<16x1xi32>
        %gather3A = vector.shape_cast %broadcast_in_dim3A : vector<16x1xi32> to vector<16xi32>
        %gather3A_373 = tpu.dynamic_gather %get3A_207[%gather3A] in [0] : vector<16xf32>, vector<16xi32> -> vector<16xf32>
        %broadcast_in_dim3A_374 = vector.shape_cast %get3A_367 : vector<16xi32> to vector<16x1xi32>
        %gather3A_375 = vector.shape_cast %broadcast_in_dim3A_374 : vector<16x1xi32> to vector<16xi32>
        %gather3A_376 = tpu.dynamic_gather %get3A_255[%gather3A_375] in [0] : vector<16xf32>, vector<16xi32> -> vector<16xf32>
        %add3A_377 = arith.addf %gather3A_373, %gather3A_376 : vector<16xf32>
        %broadcast_in_dim3A_378 = vector.shape_cast %get3A_372 : vector<16xi32> to vector<16x1xi32>
        %gather3A_379 = vector.shape_cast %broadcast_in_dim3A_378 : vector<16x1xi32> to vector<16xi32>
        %gather3A_380 = tpu.dynamic_gather %get3A_303[%gather3A_379] in [0] : vector<16xf32>, vector<16xi32> -> vector<16xf32>
        %add3A_381 = arith.addf %add3A_377, %gather3A_380 : vector<16xf32>
        %swap3A = arith.constant 16 : i32
        %swap3A_382 = arith.index_cast %swap3A : i32 to index
        %swap3A_383 = arith.index_cast %mul3A_357 : i32 to index
        %swap3A_384 = tpu.vector_load %arg9[%swap3A_382, %swap3A_383] {strides = array<i32>} : memref<32x1536xf32, #tpu.memory_space<vmem>>, vector<1x16xf32>,
        %swap3A_385 = vector.shape_cast %swap3A_384 : vector<1x16xf32> to vector<16xf32>
        %swap3A_386 = vector.shape_cast %add3A_381 : vector<16xf32> to vector<1x16xf32>
        tpu.vector_store %arg9[%swap3A_382, %swap3A_383], %swap3A_386 {strides = array<i32>} : memref<32x1536xf32, #tpu.memory_space<vmem>>, vector<1x16xf32>,
        %broadcast_in_dim3A_387 = vector.shape_cast %get3A_362 : vector<16xi32> to vector<16x1xi32>
        %gather3A_388 = vector.shape_cast %broadcast_in_dim3A_387 : vector<16x1xi32> to vector<16xi32>
        %gather3A_389 = tpu.dynamic_gather %get3A_210[%gather3A_388] in [0] : vector<16xf32>, vector<16xi32> -> vector<16xf32>
        %broadcast_in_dim3A_390 = vector.shape_cast %get3A_367 : vector<16xi32> to vector<16x1xi32>
        %gather3A_391 = vector.shape_cast %broadcast_in_dim3A_390 : vector<16x1xi32> to vector<16xi32>
        %gather3A_392 = tpu.dynamic_gather %get3A_258[%gather3A_391] in [0] : vector<16xf32>, vector<16xi32> -> vector<16xf32>
        %add3A_393 = arith.addf %gather3A_389, %gather3A_392 : vector<16xf32>
        %broadcast_in_dim3A_394 = vector.shape_cast %get3A_372 : vector<16xi32> to vector<16x1xi32>
        %gather3A_395 = vector.shape_cast %broadcast_in_dim3A_394 : vector<16x1xi32> to vector<16xi32>
        %gather3A_396 = tpu.dynamic_gather %get3A_306[%gather3A_395] in [0] : vector<16xf32>, vector<16xi32> -> vector<16xf32>
        %add3A_397 = arith.addf %add3A_393, %gather3A_396 : vector<16xf32>
        %swap3A_398 = arith.constant 17 : i32
        %swap3A_399 = arith.index_cast %swap3A_398 : i32 to index
        %swap3A_400 = arith.index_cast %mul3A_357 : i32 to index
        %swap3A_401 = tpu.vector_load %arg9[%swap3A_399, %swap3A_400] {strides = array<i32>} : memref<32x1536xf32, #tpu.memory_space<vmem>>, vector<1x16xf32>,
        %swap3A_402 = vector.shape_cast %swap3A_401 : vector<1x16xf32> to vector<16xf32>
        %swap3A_403 = vector.shape_cast %add3A_397 : vector<16xf32> to vector<1x16xf32>
        tpu.vector_store %arg9[%swap3A_399, %swap3A_400], %swap3A_403 {strides = array<i32>} : memref<32x1536xf32, #tpu.memory_space<vmem>>, vector<1x16xf32>,
        %broadcast_in_dim3A_404 = vector.shape_cast %get3A_362 : vector<16xi32> to vector<16x1xi32>
        %gather3A_405 = vector.shape_cast %broadcast_in_dim3A_404 : vector<16x1xi32> to vector<16xi32>
        %gather3A_406 = tpu.dynamic_gather %get3A_213[%gather3A_405] in [0] : vector<16xf32>, vector<16xi32> -> vector<16xf32>
        %broadcast_in_dim3A_407 = vector.shape_cast %get3A_367 : vector<16xi32> to vector<16x1xi32>
        %gather3A_408 = vector.shape_cast %broadcast_in_dim3A_407 : vector<16x1xi32> to vector<16xi32>
        %gather3A_409 = tpu.dynamic_gather %get3A_261[%gather3A_408] in [0] : vector<16xf32>, vector<16xi32> -> vector<16xf32>
        %add3A_410 = arith.addf %gather3A_406, %gather3A_409 : vector<16xf32>
        %broadcast_in_dim3A_411 = vector.shape_cast %get3A_372 : vector<16xi32> to vector<16x1xi32>
        %gather3A_412 = vector.shape_cast %broadcast_in_dim3A_411 : vector<16x1xi32> to vector<16xi32>
        %gather3A_413 = tpu.dynamic_gather %get3A_309[%gather3A_412] in [0] : vector<16xf32>, vector<16xi32> -> vector<16xf32>
        %add3A_414 = arith.addf %add3A_410, %gather3A_413 : vector<16xf32>
        %swap3A_415 = arith.constant 18 : i32
        %swap3A_416 = arith.index_cast %swap3A_415 : i32 to index
        %swap3A_417 = arith.index_cast %mul3A_357 : i32 to index
        %swap3A_418 = tpu.vector_load %arg9[%swap3A_416, %swap3A_417] {strides = array<i32>} : memref<32x1536xf32, #tpu.memory_space<vmem>>, vector<1x16xf32>,
        %swap3A_419 = vector.shape_cast %swap3A_418 : vector<1x16xf32> to vector<16xf32>
        %swap3A_420 = vector.shape_cast %add3A_414 : vector<16xf32> to vector<1x16xf32>
        tpu.vector_store %arg9[%swap3A_416, %swap3A_417], %swap3A_420 {strides = array<i32>} : memref<32x1536xf32, #tpu.memory_space<vmem>>, vector<1x16xf32>,
        %broadcast_in_dim3A_421 = vector.shape_cast %get3A_362 : vector<16xi32> to vector<16x1xi32>
        %gather3A_422 = vector.shape_cast %broadcast_in_dim3A_421 : vector<16x1xi32> to vector<16xi32>
        %gather3A_423 = tpu.dynamic_gather %get3A_216[%gather3A_422] in [0] : vector<16xf32>, vector<16xi32> -> vector<16xf32>
        %broadcast_in_dim3A_424 = vector.shape_cast %get3A_367 : vector<16xi32> to vector<16x1xi32>
        %gather3A_425 = vector.shape_cast %broadcast_in_dim3A_424 : vector<16x1xi32> to vector<16xi32>
        %gather3A_426 = tpu.dynamic_gather %get3A_264[%gather3A_425] in [0] : vector<16xf32>, vector<16xi32> -> vector<16xf32>
        %add3A_427 = arith.addf %gather3A_423, %gather3A_426 : vector<16xf32>
        %broadcast_in_dim3A_428 = vector.shape_cast %get3A_372 : vector<16xi32> to vector<16x1xi32>
        %gather3A_429 = vector.shape_cast %broadcast_in_dim3A_428 : vector<16x1xi32> to vector<16xi32>
        %gather3A_430 = tpu.dynamic_gather %get3A_312[%gather3A_429] in [0] : vector<16xf32>, vector<16xi32> -> vector<16xf32>
        %add3A_431 = arith.addf %add3A_427, %gather3A_430 : vector<16xf32>
        %swap3A_432 = arith.constant 19 : i32
        %swap3A_433 = arith.index_cast %swap3A_432 : i32 to index
        %swap3A_434 = arith.index_cast %mul3A_357 : i32 to index
        %swap3A_435 = tpu.vector_load %arg9[%swap3A_433, %swap3A_434] {strides = array<i32>} : memref<32x1536xf32, #tpu.memory_space<vmem>>, vector<1x16xf32>,
        %swap3A_436 = vector.shape_cast %swap3A_435 : vector<1x16xf32> to vector<16xf32>
        %swap3A_437 = vector.shape_cast %add3A_431 : vector<16xf32> to vector<1x16xf32>
        tpu.vector_store %arg9[%swap3A_433, %swap3A_434], %swap3A_437 {strides = array<i32>} : memref<32x1536xf32, #tpu.memory_space<vmem>>, vector<1x16xf32>,
        %broadcast_in_dim3A_438 = vector.shape_cast %get3A_362 : vector<16xi32> to vector<16x1xi32>
        %gather3A_439 = vector.shape_cast %broadcast_in_dim3A_438 : vector<16x1xi32> to vector<16xi32>
        %gather3A_440 = tpu.dynamic_gather %get3A_219[%gather3A_439] in [0] : vector<16xf32>, vector<16xi32> -> vector<16xf32>
        %broadcast_in_dim3A_441 = vector.shape_cast %get3A_367 : vector<16xi32> to vector<16x1xi32>
        %gather3A_442 = vector.shape_cast %broadcast_in_dim3A_441 : vector<16x1xi32> to vector<16xi32>
        %gather3A_443 = tpu.dynamic_gather %get3A_267[%gather3A_442] in [0] : vector<16xf32>, vector<16xi32> -> vector<16xf32>
        %add3A_444 = arith.addf %gather3A_440, %gather3A_443 : vector<16xf32>
        %broadcast_in_dim3A_445 = vector.shape_cast %get3A_372 : vector<16xi32> to vector<16x1xi32>
        %gather3A_446 = vector.shape_cast %broadcast_in_dim3A_445 : vector<16x1xi32> to vector<16xi32>
        %gather3A_447 = tpu.dynamic_gather %get3A_315[%gather3A_446] in [0] : vector<16xf32>, vector<16xi32> -> vector<16xf32>
        %add3A_448 = arith.addf %add3A_444, %gather3A_447 : vector<16xf32>
        %swap3A_449 = arith.constant 20 : i32
        %swap3A_450 = arith.index_cast %swap3A_449 : i32 to index
        %swap3A_451 = arith.index_cast %mul3A_357 : i32 to index
        %swap3A_452 = tpu.vector_load %arg9[%swap3A_450, %swap3A_451] {strides = array<i32>} : memref<32x1536xf32, #tpu.memory_space<vmem>>, vector<1x16xf32>,
        %swap3A_453 = vector.shape_cast %swap3A_452 : vector<1x16xf32> to vector<16xf32>
        %swap3A_454 = vector.shape_cast %add3A_448 : vector<16xf32> to vector<1x16xf32>
        tpu.vector_store %arg9[%swap3A_450, %swap3A_451], %swap3A_454 {strides = array<i32>} : memref<32x1536xf32, #tpu.memory_space<vmem>>, vector<1x16xf32>,
        %broadcast_in_dim3A_455 = vector.shape_cast %get3A_362 : vector<16xi32> to vector<16x1xi32>
        %gather3A_456 = vector.shape_cast %broadcast_in_dim3A_455 : vector<16x1xi32> to vector<16xi32>
        %gather3A_457 = tpu.dynamic_gather %get3A_222[%gather3A_456] in [0] : vector<16xf32>, vector<16xi32> -> vector<16xf32>
        %broadcast_in_dim3A_458 = vector.shape_cast %get3A_367 : vector<16xi32> to vector<16x1xi32>
        %gather3A_459 = vector.shape_cast %broadcast_in_dim3A_458 : vector<16x1xi32> to vector<16xi32>
        %gather3A_460 = tpu.dynamic_gather %get3A_270[%gather3A_459] in [0] : vector<16xf32>, vector<16xi32> -> vector<16xf32>
        %add3A_461 = arith.addf %gather3A_457, %gather3A_460 : vector<16xf32>
        %broadcast_in_dim3A_462 = vector.shape_cast %get3A_372 : vector<16xi32> to vector<16x1xi32>
        %gather3A_463 = vector.shape_cast %broadcast_in_dim3A_462 : vector<16x1xi32> to vector<16xi32>
        %gather3A_464 = tpu.dynamic_gather %get3A_318[%gather3A_463] in [0] : vector<16xf32>, vector<16xi32> -> vector<16xf32>
        %add3A_465 = arith.addf %add3A_461, %gather3A_464 : vector<16xf32>
        %swap3A_466 = arith.constant 21 : i32
        %swap3A_467 = arith.index_cast %swap3A_466 : i32 to index
        %swap3A_468 = arith.index_cast %mul3A_357 : i32 to index
        %swap3A_469 = tpu.vector_load %arg9[%swap3A_467, %swap3A_468] {strides = array<i32>} : memref<32x1536xf32, #tpu.memory_space<vmem>>, vector<1x16xf32>,
        %swap3A_470 = vector.shape_cast %swap3A_469 : vector<1x16xf32> to vector<16xf32>
        %swap3A_471 = vector.shape_cast %add3A_465 : vector<16xf32> to vector<1x16xf32>
        tpu.vector_store %arg9[%swap3A_467, %swap3A_468], %swap3A_471 {strides = array<i32>} : memref<32x1536xf32, #tpu.memory_space<vmem>>, vector<1x16xf32>,
        %broadcast_in_dim3A_472 = vector.shape_cast %get3A_362 : vector<16xi32> to vector<16x1xi32>
        %gather3A_473 = vector.shape_cast %broadcast_in_dim3A_472 : vector<16x1xi32> to vector<16xi32>
        %gather3A_474 = tpu.dynamic_gather %get3A_225[%gather3A_473] in [0] : vector<16xf32>, vector<16xi32> -> vector<16xf32>
        %broadcast_in_dim3A_475 = vector.shape_cast %get3A_367 : vector<16xi32> to vector<16x1xi32>
        %gather3A_476 = vector.shape_cast %broadcast_in_dim3A_475 : vector<16x1xi32> to vector<16xi32>
        %gather3A_477 = tpu.dynamic_gather %get3A_273[%gather3A_476] in [0] : vector<16xf32>, vector<16xi32> -> vector<16xf32>
        %add3A_478 = arith.addf %gather3A_474, %gather3A_477 : vector<16xf32>
        %broadcast_in_dim3A_479 = vector.shape_cast %get3A_372 : vector<16xi32> to vector<16x1xi32>
        %gather3A_480 = vector.shape_cast %broadcast_in_dim3A_479 : vector<16x1xi32> to vector<16xi32>
        %gather3A_481 = tpu.dynamic_gather %get3A_321[%gather3A_480] in [0] : vector<16xf32>, vector<16xi32> -> vector<16xf32>
        %add3A_482 = arith.addf %add3A_478, %gather3A_481 : vector<16xf32>
        %swap3A_483 = arith.constant 22 : i32
        %swap3A_484 = arith.index_cast %swap3A_483 : i32 to index
        %swap3A_485 = arith.index_cast %mul3A_357 : i32 to index
        %swap3A_486 = tpu.vector_load %arg9[%swap3A_484, %swap3A_485] {strides = array<i32>} : memref<32x1536xf32, #tpu.memory_space<vmem>>, vector<1x16xf32>,
        %swap3A_487 = vector.shape_cast %swap3A_486 : vector<1x16xf32> to vector<16xf32>
        %swap3A_488 = vector.shape_cast %add3A_482 : vector<16xf32> to vector<1x16xf32>
        tpu.vector_store %arg9[%swap3A_484, %swap3A_485], %swap3A_488 {strides = array<i32>} : memref<32x1536xf32, #tpu.memory_space<vmem>>, vector<1x16xf32>,
        %broadcast_in_dim3A_489 = vector.shape_cast %get3A_362 : vector<16xi32> to vector<16x1xi32>
        %gather3A_490 = vector.shape_cast %broadcast_in_dim3A_489 : vector<16x1xi32> to vector<16xi32>
        %gather3A_491 = tpu.dynamic_gather %get3A_228[%gather3A_490] in [0] : vector<16xf32>, vector<16xi32> -> vector<16xf32>
        %broadcast_in_dim3A_492 = vector.shape_cast %get3A_367 : vector<16xi32> to vector<16x1xi32>
        %gather3A_493 = vector.shape_cast %broadcast_in_dim3A_492 : vector<16x1xi32> to vector<16xi32>
        %gather3A_494 = tpu.dynamic_gather %get3A_276[%gather3A_493] in [0] : vector<16xf32>, vector<16xi32> -> vector<16xf32>
        %add3A_495 = arith.addf %gather3A_491, %gather3A_494 : vector<16xf32>
        %broadcast_in_dim3A_496 = vector.shape_cast %get3A_372 : vector<16xi32> to vector<16x1xi32>
        %gather3A_497 = vector.shape_cast %broadcast_in_dim3A_496 : vector<16x1xi32> to vector<16xi32>
        %gather3A_498 = tpu.dynamic_gather %get3A_324[%gather3A_497] in [0] : vector<16xf32>, vector<16xi32> -> vector<16xf32>
        %add3A_499 = arith.addf %add3A_495, %gather3A_498 : vector<16xf32>
        %swap3A_500 = arith.constant 23 : i32
        %swap3A_501 = arith.index_cast %swap3A_500 : i32 to index
        %swap3A_502 = arith.index_cast %mul3A_357 : i32 to index
        %swap3A_503 = tpu.vector_load %arg9[%swap3A_501, %swap3A_502] {strides = array<i32>} : memref<32x1536xf32, #tpu.memory_space<vmem>>, vector<1x16xf32>,
        %swap3A_504 = vector.shape_cast %swap3A_503 : vector<1x16xf32> to vector<16xf32>
        %swap3A_505 = vector.shape_cast %add3A_499 : vector<16xf32> to vector<1x16xf32>
        tpu.vector_store %arg9[%swap3A_501, %swap3A_502], %swap3A_505 {strides = array<i32>} : memref<32x1536xf32, #tpu.memory_space<vmem>>, vector<1x16xf32>,
        %broadcast_in_dim3A_506 = vector.shape_cast %get3A_362 : vector<16xi32> to vector<16x1xi32>
        %gather3A_507 = vector.shape_cast %broadcast_in_dim3A_506 : vector<16x1xi32> to vector<16xi32>
        %gather3A_508 = tpu.dynamic_gather %get3A_231[%gather3A_507] in [0] : vector<16xf32>, vector<16xi32> -> vector<16xf32>
        %broadcast_in_dim3A_509 = vector.shape_cast %get3A_367 : vector<16xi32> to vector<16x1xi32>
        %gather3A_510 = vector.shape_cast %broadcast_in_dim3A_509 : vector<16x1xi32> to vector<16xi32>
        %gather3A_511 = tpu.dynamic_gather %get3A_279[%gather3A_510] in [0] : vector<16xf32>, vector<16xi32> -> vector<16xf32>
        %add3A_512 = arith.addf %gather3A_508, %gather3A_511 : vector<16xf32>
        %broadcast_in_dim3A_513 = vector.shape_cast %get3A_372 : vector<16xi32> to vector<16x1xi32>
        %gather3A_514 = vector.shape_cast %broadcast_in_dim3A_513 : vector<16x1xi32> to vector<16xi32>
        %gather3A_515 = tpu.dynamic_gather %get3A_327[%gather3A_514] in [0] : vector<16xf32>, vector<16xi32> -> vector<16xf32>
        %add3A_516 = arith.addf %add3A_512, %gather3A_515 : vector<16xf32>
        %swap3A_517 = arith.constant 24 : i32
        %swap3A_518 = arith.index_cast %swap3A_517 : i32 to index
        %swap3A_519 = arith.index_cast %mul3A_357 : i32 to index
        %swap3A_520 = tpu.vector_load %arg9[%swap3A_518, %swap3A_519] {strides = array<i32>} : memref<32x1536xf32, #tpu.memory_space<vmem>>, vector<1x16xf32>,
        %swap3A_521 = vector.shape_cast %swap3A_520 : vector<1x16xf32> to vector<16xf32>
        %swap3A_522 = vector.shape_cast %add3A_516 : vector<16xf32> to vector<1x16xf32>
        tpu.vector_store %arg9[%swap3A_518, %swap3A_519], %swap3A_522 {strides = array<i32>} : memref<32x1536xf32, #tpu.memory_space<vmem>>, vector<1x16xf32>,
        %broadcast_in_dim3A_523 = vector.shape_cast %get3A_362 : vector<16xi32> to vector<16x1xi32>
        %gather3A_524 = vector.shape_cast %broadcast_in_dim3A_523 : vector<16x1xi32> to vector<16xi32>
        %gather3A_525 = tpu.dynamic_gather %get3A_234[%gather3A_524] in [0] : vector<16xf32>, vector<16xi32> -> vector<16xf32>
        %broadcast_in_dim3A_526 = vector.shape_cast %get3A_367 : vector<16xi32> to vector<16x1xi32>
        %gather3A_527 = vector.shape_cast %broadcast_in_dim3A_526 : vector<16x1xi32> to vector<16xi32>
        %gather3A_528 = tpu.dynamic_gather %get3A_282[%gather3A_527] in [0] : vector<16xf32>, vector<16xi32> -> vector<16xf32>
        %add3A_529 = arith.addf %gather3A_525, %gather3A_528 : vector<16xf32>
        %broadcast_in_dim3A_530 = vector.shape_cast %get3A_372 : vector<16xi32> to vector<16x1xi32>
        %gather3A_531 = vector.shape_cast %broadcast_in_dim3A_530 : vector<16x1xi32> to vector<16xi32>
        %gather3A_532 = tpu.dynamic_gather %get3A_330[%gather3A_531] in [0] : vector<16xf32>, vector<16xi32> -> vector<16xf32>
        %add3A_533 = arith.addf %add3A_529, %gather3A_532 : vector<16xf32>
        %swap3A_534 = arith.constant 25 : i32
        %swap3A_535 = arith.index_cast %swap3A_534 : i32 to index
        %swap3A_536 = arith.index_cast %mul3A_357 : i32 to index
        %swap3A_537 = tpu.vector_load %arg9[%swap3A_535, %swap3A_536] {strides = array<i32>} : memref<32x1536xf32, #tpu.memory_space<vmem>>, vector<1x16xf32>,
        %swap3A_538 = vector.shape_cast %swap3A_537 : vector<1x16xf32> to vector<16xf32>
        %swap3A_539 = vector.shape_cast %add3A_533 : vector<16xf32> to vector<1x16xf32>
        tpu.vector_store %arg9[%swap3A_535, %swap3A_536], %swap3A_539 {strides = array<i32>} : memref<32x1536xf32, #tpu.memory_space<vmem>>, vector<1x16xf32>,
        %broadcast_in_dim3A_540 = vector.shape_cast %get3A_362 : vector<16xi32> to vector<16x1xi32>
        %gather3A_541 = vector.shape_cast %broadcast_in_dim3A_540 : vector<16x1xi32> to vector<16xi32>
        %gather3A_542 = tpu.dynamic_gather %get3A_237[%gather3A_541] in [0] : vector<16xf32>, vector<16xi32> -> vector<16xf32>
        %broadcast_in_dim3A_543 = vector.shape_cast %get3A_367 : vector<16xi32> to vector<16x1xi32>
        %gather3A_544 = vector.shape_cast %broadcast_in_dim3A_543 : vector<16x1xi32> to vector<16xi32>
        %gather3A_545 = tpu.dynamic_gather %get3A_285[%gather3A_544] in [0] : vector<16xf32>, vector<16xi32> -> vector<16xf32>
        %add3A_546 = arith.addf %gather3A_542, %gather3A_545 : vector<16xf32>
        %broadcast_in_dim3A_547 = vector.shape_cast %get3A_372 : vector<16xi32> to vector<16x1xi32>
        %gather3A_548 = vector.shape_cast %broadcast_in_dim3A_547 : vector<16x1xi32> to vector<16xi32>
        %gather3A_549 = tpu.dynamic_gather %get3A_333[%gather3A_548] in [0] : vector<16xf32>, vector<16xi32> -> vector<16xf32>
        %add3A_550 = arith.addf %add3A_546, %gather3A_549 : vector<16xf32>
        %swap3A_551 = arith.constant 26 : i32
        %swap3A_552 = arith.index_cast %swap3A_551 : i32 to index
        %swap3A_553 = arith.index_cast %mul3A_357 : i32 to index
        %swap3A_554 = tpu.vector_load %arg9[%swap3A_552, %swap3A_553] {strides = array<i32>} : memref<32x1536xf32, #tpu.memory_space<vmem>>, vector<1x16xf32>,
        %swap3A_555 = vector.shape_cast %swap3A_554 : vector<1x16xf32> to vector<16xf32>
        %swap3A_556 = vector.shape_cast %add3A_550 : vector<16xf32> to vector<1x16xf32>
        tpu.vector_store %arg9[%swap3A_552, %swap3A_553], %swap3A_556 {strides = array<i32>} : memref<32x1536xf32, #tpu.memory_space<vmem>>, vector<1x16xf32>,
        %broadcast_in_dim3A_557 = vector.shape_cast %get3A_362 : vector<16xi32> to vector<16x1xi32>
        %gather3A_558 = vector.shape_cast %broadcast_in_dim3A_557 : vector<16x1xi32> to vector<16xi32>
        %gather3A_559 = tpu.dynamic_gather %get3A_240[%gather3A_558] in [0] : vector<16xf32>, vector<16xi32> -> vector<16xf32>
        %broadcast_in_dim3A_560 = vector.shape_cast %get3A_367 : vector<16xi32> to vector<16x1xi32>
        %gather3A_561 = vector.shape_cast %broadcast_in_dim3A_560 : vector<16x1xi32> to vector<16xi32>
        %gather3A_562 = tpu.dynamic_gather %get3A_288[%gather3A_561] in [0] : vector<16xf32>, vector<16xi32> -> vector<16xf32>
        %add3A_563 = arith.addf %gather3A_559, %gather3A_562 : vector<16xf32>
        %broadcast_in_dim3A_564 = vector.shape_cast %get3A_372 : vector<16xi32> to vector<16x1xi32>
        %gather3A_565 = vector.shape_cast %broadcast_in_dim3A_564 : vector<16x1xi32> to vector<16xi32>
        %gather3A_566 = tpu.dynamic_gather %get3A_336[%gather3A_565] in [0] : vector<16xf32>, vector<16xi32> -> vector<16xf32>
        %add3A_567 = arith.addf %add3A_563, %gather3A_566 : vector<16xf32>
        %swap3A_568 = arith.constant 27 : i32
        %swap3A_569 = arith.index_cast %swap3A_568 : i32 to index
        %swap3A_570 = arith.index_cast %mul3A_357 : i32 to index
        %swap3A_571 = tpu.vector_load %arg9[%swap3A_569, %swap3A_570] {strides = array<i32>} : memref<32x1536xf32, #tpu.memory_space<vmem>>, vector<1x16xf32>,
        %swap3A_572 = vector.shape_cast %swap3A_571 : vector<1x16xf32> to vector<16xf32>
        %swap3A_573 = vector.shape_cast %add3A_567 : vector<16xf32> to vector<1x16xf32>
        tpu.vector_store %arg9[%swap3A_569, %swap3A_570], %swap3A_573 {strides = array<i32>} : memref<32x1536xf32, #tpu.memory_space<vmem>>, vector<1x16xf32>,
        %broadcast_in_dim3A_574 = vector.shape_cast %get3A_362 : vector<16xi32> to vector<16x1xi32>
        %gather3A_575 = vector.shape_cast %broadcast_in_dim3A_574 : vector<16x1xi32> to vector<16xi32>
        %gather3A_576 = tpu.dynamic_gather %get3A_243[%gather3A_575] in [0] : vector<16xf32>, vector<16xi32> -> vector<16xf32>
        %broadcast_in_dim3A_577 = vector.shape_cast %get3A_367 : vector<16xi32> to vector<16x1xi32>
        %gather3A_578 = vector.shape_cast %broadcast_in_dim3A_577 : vector<16x1xi32> to vector<16xi32>
        %gather3A_579 = tpu.dynamic_gather %get3A_291[%gather3A_578] in [0] : vector<16xf32>, vector<16xi32> -> vector<16xf32>
        %add3A_580 = arith.addf %gather3A_576, %gather3A_579 : vector<16xf32>
        %broadcast_in_dim3A_581 = vector.shape_cast %get3A_372 : vector<16xi32> to vector<16x1xi32>
        %gather3A_582 = vector.shape_cast %broadcast_in_dim3A_581 : vector<16x1xi32> to vector<16xi32>
        %gather3A_583 = tpu.dynamic_gather %get3A_339[%gather3A_582] in [0] : vector<16xf32>, vector<16xi32> -> vector<16xf32>
        %add3A_584 = arith.addf %add3A_580, %gather3A_583 : vector<16xf32>
        %swap3A_585 = arith.constant 28 : i32
        %swap3A_586 = arith.index_cast %swap3A_585 : i32 to index
        %swap3A_587 = arith.index_cast %mul3A_357 : i32 to index
        %swap3A_588 = tpu.vector_load %arg9[%swap3A_586, %swap3A_587] {strides = array<i32>} : memref<32x1536xf32, #tpu.memory_space<vmem>>, vector<1x16xf32>,
        %swap3A_589 = vector.shape_cast %swap3A_588 : vector<1x16xf32> to vector<16xf32>
        %swap3A_590 = vector.shape_cast %add3A_584 : vector<16xf32> to vector<1x16xf32>
        tpu.vector_store %arg9[%swap3A_586, %swap3A_587], %swap3A_590 {strides = array<i32>} : memref<32x1536xf32, #tpu.memory_space<vmem>>, vector<1x16xf32>,
        %broadcast_in_dim3A_591 = vector.shape_cast %get3A_362 : vector<16xi32> to vector<16x1xi32>
        %gather3A_592 = vector.shape_cast %broadcast_in_dim3A_591 : vector<16x1xi32> to vector<16xi32>
        %gather3A_593 = tpu.dynamic_gather %get3A_246[%gather3A_592] in [0] : vector<16xf32>, vector<16xi32> -> vector<16xf32>
        %broadcast_in_dim3A_594 = vector.shape_cast %get3A_367 : vector<16xi32> to vector<16x1xi32>
        %gather3A_595 = vector.shape_cast %broadcast_in_dim3A_594 : vector<16x1xi32> to vector<16xi32>
        %gather3A_596 = tpu.dynamic_gather %get3A_294[%gather3A_595] in [0] : vector<16xf32>, vector<16xi32> -> vector<16xf32>
        %add3A_597 = arith.addf %gather3A_593, %gather3A_596 : vector<16xf32>
        %broadcast_in_dim3A_598 = vector.shape_cast %get3A_372 : vector<16xi32> to vector<16x1xi32>
        %gather3A_599 = vector.shape_cast %broadcast_in_dim3A_598 : vector<16x1xi32> to vector<16xi32>
        %gather3A_600 = tpu.dynamic_gather %get3A_342[%gather3A_599] in [0] : vector<16xf32>, vector<16xi32> -> vector<16xf32>
        %add3A_601 = arith.addf %add3A_597, %gather3A_600 : vector<16xf32>
        %swap3A_602 = arith.constant 29 : i32
        %swap3A_603 = arith.index_cast %swap3A_602 : i32 to index
        %swap3A_604 = arith.index_cast %mul3A_357 : i32 to index
        %swap3A_605 = tpu.vector_load %arg9[%swap3A_603, %swap3A_604] {strides = array<i32>} : memref<32x1536xf32, #tpu.memory_space<vmem>>, vector<1x16xf32>,
        %swap3A_606 = vector.shape_cast %swap3A_605 : vector<1x16xf32> to vector<16xf32>
        %swap3A_607 = vector.shape_cast %add3A_601 : vector<16xf32> to vector<1x16xf32>
        tpu.vector_store %arg9[%swap3A_603, %swap3A_604], %swap3A_607 {strides = array<i32>} : memref<32x1536xf32, #tpu.memory_space<vmem>>, vector<1x16xf32>,
        %broadcast_in_dim3A_608 = vector.shape_cast %get3A_362 : vector<16xi32> to vector<16x1xi32>
        %gather3A_609 = vector.shape_cast %broadcast_in_dim3A_608 : vector<16x1xi32> to vector<16xi32>
        %gather3A_610 = tpu.dynamic_gather %get3A_249[%gather3A_609] in [0] : vector<16xf32>, vector<16xi32> -> vector<16xf32>
        %broadcast_in_dim3A_611 = vector.shape_cast %get3A_367 : vector<16xi32> to vector<16x1xi32>
        %gather3A_612 = vector.shape_cast %broadcast_in_dim3A_611 : vector<16x1xi32> to vector<16xi32>
        %gather3A_613 = tpu.dynamic_gather %get3A_297[%gather3A_612] in [0] : vector<16xf32>, vector<16xi32> -> vector<16xf32>
        %add3A_614 = arith.addf %gather3A_610, %gather3A_613 : vector<16xf32>
        %broadcast_in_dim3A_615 = vector.shape_cast %get3A_372 : vector<16xi32> to vector<16x1xi32>
        %gather3A_616 = vector.shape_cast %broadcast_in_dim3A_615 : vector<16x1xi32> to vector<16xi32>
        %gather3A_617 = tpu.dynamic_gather %get3A_345[%gather3A_616] in [0] : vector<16xf32>, vector<16xi32> -> vector<16xf32>
        %add3A_618 = arith.addf %add3A_614, %gather3A_617 : vector<16xf32>
        %swap3A_619 = arith.constant 30 : i32
        %swap3A_620 = arith.index_cast %swap3A_619 : i32 to index
        %swap3A_621 = arith.index_cast %mul3A_357 : i32 to index
        %swap3A_622 = tpu.vector_load %arg9[%swap3A_620, %swap3A_621] {strides = array<i32>} : memref<32x1536xf32, #tpu.memory_space<vmem>>, vector<1x16xf32>,
        %swap3A_623 = vector.shape_cast %swap3A_622 : vector<1x16xf32> to vector<16xf32>
        %swap3A_624 = vector.shape_cast %add3A_618 : vector<16xf32> to vector<1x16xf32>
        tpu.vector_store %arg9[%swap3A_620, %swap3A_621], %swap3A_624 {strides = array<i32>} : memref<32x1536xf32, #tpu.memory_space<vmem>>, vector<1x16xf32>,
        %broadcast_in_dim3A_625 = vector.shape_cast %get3A_362 : vector<16xi32> to vector<16x1xi32>
        %gather3A_626 = vector.shape_cast %broadcast_in_dim3A_625 : vector<16x1xi32> to vector<16xi32>
        %gather3A_627 = tpu.dynamic_gather %get3A_252[%gather3A_626] in [0] : vector<16xf32>, vector<16xi32> -> vector<16xf32>
        %broadcast_in_dim3A_628 = vector.shape_cast %get3A_367 : vector<16xi32> to vector<16x1xi32>
        %gather3A_629 = vector.shape_cast %broadcast_in_dim3A_628 : vector<16x1xi32> to vector<16xi32>
        %gather3A_630 = tpu.dynamic_gather %get3A_300[%gather3A_629] in [0] : vector<16xf32>, vector<16xi32> -> vector<16xf32>
        %add3A_631 = arith.addf %gather3A_627, %gather3A_630 : vector<16xf32>
        %broadcast_in_dim3A_632 = vector.shape_cast %get3A_372 : vector<16xi32> to vector<16x1xi32>
        %gather3A_633 = vector.shape_cast %broadcast_in_dim3A_632 : vector<16x1xi32> to vector<16xi32>
        %gather3A_634 = tpu.dynamic_gather %get3A_348[%gather3A_633] in [0] : vector<16xf32>, vector<16xi32> -> vector<16xf32>
        %add3A_635 = arith.addf %add3A_631, %gather3A_634 : vector<16xf32>
        %swap3A_636 = arith.constant 31 : i32
        %swap3A_637 = arith.index_cast %swap3A_636 : i32 to index
        %swap3A_638 = arith.index_cast %mul3A_357 : i32 to index
        %swap3A_639 = tpu.vector_load %arg9[%swap3A_637, %swap3A_638] {strides = array<i32>} : memref<32x1536xf32, #tpu.memory_space<vmem>>, vector<1x16xf32>,
        %swap3A_640 = vector.shape_cast %swap3A_639 : vector<1x16xf32> to vector<16xf32>
        %swap3A_641 = vector.shape_cast %add3A_635 : vector<16xf32> to vector<1x16xf32>
        tpu.vector_store %arg9[%swap3A_637, %swap3A_638], %swap3A_641 {strides = array<i32>} : memref<32x1536xf32, #tpu.memory_space<vmem>>, vector<1x16xf32>,
      }
      %scan3A_354 = arith.constant 8 : i32
      "tpu.region"() ({
        %run_scoped3A = tpu.sem_alloc : memref<!tpu.dma_semaphore, #tpu.memory_space<semaphore_mem>>
        %dma_start3A_355 = arith.constant 0 : i32
        %dma_start3A_356 = arith.constant 0 : i32
        %dma_start3A_357 = tpu.memref_slice %arg9[%dma_start3A_355, %dma_start3A_356] : memref<32x1536xf32, #tpu.memory_space<vmem>> -> memref<32x128xf32, #tpu.memory_space<vmem>>
        %dma_start3A_358 = arith.constant 0 : i32
        %dma_start3A_359 = tpu.memref_slice %arg6[%dma_start3A_358, %mul3A_55] : memref<32x1600000xf32, #tpu.memory_space<hbm>> -> memref<32x128xf32, #tpu.memory_space<hbm>>
        %dma_start3A_360 = arith.constant 0 : i32
        %dma_start3A_361 = tpu.memref_slice %arg6[%dma_start3A_360, %mul3A_55] : memref<32x1600000xf32, #tpu.memory_space<hbm>> -> memref<32x128xf32, #tpu.memory_space<hbm>>
        %dma_start3A_362 = arith.constant 0 : i32
        %dma_start3A_363 = arith.constant 0 : i32
        %dma_start3A_364 = tpu.memref_slice %arg9[%dma_start3A_362, %dma_start3A_363] : memref<32x1536xf32, #tpu.memory_space<vmem>> -> memref<32x128xf32, #tpu.memory_space<vmem>>
        tpu.enqueue_dma source(%dma_start3A_364 : memref<32x128xf32, #tpu.memory_space<vmem>>) target(%dma_start3A_361 : memref<32x128xf32, #tpu.memory_space<hbm>>) target_semaphore(%run_scoped3A : memref<!tpu.dma_semaphore, #tpu.memory_space<semaphore_mem>>)
        %dma_wait3A_365 = arith.constant 0 : i32
        %dma_wait3A_366 = arith.constant 0 : i32
        %dma_wait3A_367 = tpu.memref_slice %arg9[%dma_wait3A_365, %dma_wait3A_366] : memref<32x1536xf32, #tpu.memory_space<vmem>> -> memref<32x128xf32, #tpu.memory_space<vmem>>
        %dma_wait3A_368 = arith.constant 0 : i32
        %dma_wait3A_369 = tpu.memref_slice %arg6[%dma_wait3A_368, %mul3A_55] : memref<32x1600000xf32, #tpu.memory_space<hbm>> -> memref<32x128xf32, #tpu.memory_space<hbm>>
        %dma_wait3A_370 = arith.constant 0 : i32
        %dma_wait3A_371 = tpu.memref_slice %arg6[%dma_wait3A_370, %mul3A_55] : memref<32x1600000xf32, #tpu.memory_space<hbm>> -> memref<32x128xf32, #tpu.memory_space<hbm>>
        %dma_wait3A_372 = arith.constant 0 : i32
        %dma_wait3A_373 = arith.constant 0 : i32
        %dma_wait3A_374 = tpu.memref_slice %arg9[%dma_wait3A_372, %dma_wait3A_373] : memref<32x1536xf32, #tpu.memory_space<vmem>> -> memref<32x128xf32, #tpu.memory_space<vmem>>
        tpu.wait_dma2 semaphore(%run_scoped3A : memref<!tpu.dma_semaphore, #tpu.memory_space<semaphore_mem>>) src(%dma_wait3A_374 : memref<32x128xf32, #tpu.memory_space<vmem>>) dst(%dma_wait3A_371 : memref<32x128xf32, #tpu.memory_space<hbm>>)
        tpu.yield
      }) : () -> ()
    }
    return
  }
}

</mosaic_0001>

<sc_bundles>
// kernel: kernel.3.cloned.1.call-start
scs
__scs_entry_jumppad:
0x0: {  	(pc) =	sbr.rel $0x88, $3  }
0x1: {  	(tag) =	ssettag $0x0;
	lr =	simm.s32 $0x1  }
0x2: {  	[smem:$0x3F9D] =	sst lr;
	_ =	strace $0xD0000000  }
0x3: {  	_ = 	snop  }
0x4: {  	_ = 	snop  }
0x5: {  	_ = 	snop  }
0x6: {  	_ = 	snop  }
0x7: {  	_ = 	snop  }
__scs_overlays_trampoline_lowered:
0x8: {  	[smem:$0x3FAC] =	sst s0  }
0x9: {  	[smem:$0x3FAD] =	sst s1  }
0xa: {  	[smem:$0x3FAE] =	sst s2  }
0xb: {  	[smem:$0x3FAF] =	sst s3  }
0xc: {  	[smem:$0x3FB0] =	sst s4  }
0xd: {  	[smem:$0x3FB1] =	sst s5  }
0xe: {  	[smem:$0x3FB2] =	sst s6  }
0xf: {  	[smem:$0x3FB3] =	sst s7  }
0x10: {  	[smem:$0x3FB4] =	sst s8  }
0x11: {  	[smem:$0x3FB5] =	sst s9;
	s0 =	simm.s32 @!p0 $0x0  }
0x12: {  	s1 =	sld [smem:$0x3F9B];
	s0 =	simm.s32 @p0 $0x1  }
0x13: {  	[smem:$0x3FB6] =	sst s0;
	s0 =	simm.s32 @!p1 $0x0  }
0x14: {  	s2 =	sld [smem:$0x3F9A];
	s0 =	simm.s32 @p1 $0x1  }
0x15: {  	[smem:$0x3FB7] =	sst s0;
	s0 =	simm.s32 @!p2 $0x0  }
0x16: {  	s3 =	sld [smem:$0x3FDB];
	s0 =	simm.s32 @p2 $0x1  }
0x17: {  	s4 =	simm.s32 $0x1BF5;
	[smem:$0x3FB9] =	sst s0  }
0x18: {  	s0 =	sld [smem:$0x3F9C];
	_ =	swait.ge [sflag:s4], $0x0  }
0x19: {  	s7 =	sld [smem:$0x3F9D]  }
0x1a: {  	s8 =	sadd.s32 $0xFFFFE003, lr  }
0x1b: {  	s9 =	sadd.s32 $0xFFFFFEF7, lr;
	s5 =	simm.s32 $0xFFFFFFFF;
	p2 =	slt.u32 s8, $0xFFFFF086  }
0x1c: {  	p1 =	slt.u32 s9, $0xF7A;
	s5 =	simm.s32 @!p2 $0x0  }
0x1d: {  	s5 =	simm.s32 @p1 $0x1;
	p0 =	seq.s32 s7, s2  }
0x1e: {  	s7 =	smul.u32 @!p0 $0xF7A, s2;
	p2 =	seq.s32 @!p0 s5, $0x0  }
0x1f: {  	s9 =	smul.u32 $0xF7A, s1;
	s8 =	simm.s32 @!p0 $0x1BF5;
	p2 =	por !p2, p0  }
0x20: {  	[sflag:s8] =	ssyncset.s32 @!p0 $0xFFFFF086;
	s6 =	sadd.s32 @!p0 s3, s7;
	s7 =	simm.s32 @!p0 $0x108  }
0x21: {  	s3 =	sadd.s32 s3, s9;
	s6 =	sadd.s32 @!p0 $0x88, s6;
	s7 =	simm.s32 @p2 $0x1082  }
0x22: {  	[simem:s7], [sflag:s8] =	dma.local @!p0 [hbm:s6], $0xF7A  }
0x23: {  	s9 =	sor.u32 $0xD0000000, s2;
	s6 =	simm.s32 $0x108;
	_ =	swait.ge @!p0 [sflag:s8], $0x0  }
0x24: {  	s3 =	sadd.s32 $0x88, s3;
	s6 =	simm.s32 @!p1 $0x1082;
	[sflag:s4] =	ssyncset.s32 $0xFFFFF086  }
0x25: {  	[simem:s6], [sflag:s4] =	dma.local [hbm:s3], $0xF7A  }
0x26: {  	[smem:$0x3F9D] =	sst s1;
	(tag) =	ssettag s2;
	_ =	strace s9  }
0x27: {  	s1 =	sld [smem:$0x3FAD]  }
0x28: {  	s2 =	sld [smem:$0x3FAE]  }
0x29: {  	s4 =	sld [smem:$0x3FB0]  }
0x2a: {  	p0 =	seq.s32 s5, $0x0;
	s5 =	sld [smem:$0x3FB1]  }
0x2b: {  	s6 =	sld [smem:$0x3FB2]  }
0x2c: {  	s7 =	sld [smem:$0x3FB3]  }
0x2d: {  	s3 =	simm.s32 $0x108;
	s8 =	sld [smem:$0x3FB4]  }
0x2e: {  	s3 =	simm.s32 @!p0 $0x1082;
	s9 =	sld [smem:$0x3FB5]  }
0x2f: {  	lr =	sadd.s32 s0, s3;
	s0 =	sld [smem:$0x3FAC]  }
0x30: {  	s3 =	sld [smem:$0x3FAF]  }
0x31: {  	[smem:$0x3FB8] =	sst s10  }
0x32: {  	s10 =	sld [smem:$0x3FB6];
	_ =	sdelay $0x3  }
0x33: {  	p0 =	seq.s32 s10, $0x1;
	s10 =	sld [smem:$0x3FB8];
	_ =	sdelay $0x3  }
0x34: {  	[smem:$0x3FB8] =	sst s10  }
0x35: {  	s10 =	sld [smem:$0x3FB7];
	_ =	sdelay $0x3  }
0x36: {  	p1 =	seq.s32 s10, $0x1;
	s10 =	sld [smem:$0x3FB8];
	_ =	sdelay $0x3  }
0x37: {  	[smem:$0x3FB8] =	sst s10  }
0x38: {  	s10 =	sld [smem:$0x3FB9]  }
0x39: {  	_ = 	snop;
	(pc) =	sbr.ind lr, $3  }
0x3a: {  	_ = 	snop  }
0x3b: {  	_ = 	snop  }
0x3c: {  	p2 =	seq.s32 s10, $0x1;
	s10 =	sld [smem:$0x3FB8]  }
0x3d: {  	_ =	shalt  }
0x3e: {  	_ =	shalt  }
0x3f: {  	_ =	shalt  }
0x40: {  	_ =	shalt  }
0x41: {  	_ =	shalt  }
0x42: {  	_ =	shalt  }
0x43: {  	_ =	shalt  }
0x44: {  	_ =	shalt  }
0x45: {  	_ =	shalt  }
0x46: {  	_ =	shalt  }
0x47: {  	_ =	shalt  }
0x48: {  	_ =	shalt  }
0x49: {  	_ =	shalt  }
0x4a: {  	_ =	shalt  }
0x4b: {  	_ =	shalt  }
0x4c: {  	_ =	shalt  }
0x4d: {  	_ =	shalt  }
0x4e: {  	_ =	shalt  }
0x4f: {  	_ =	shalt  }
0x50: {  	_ =	shalt  }
0x51: {  	_ =	shalt  }
0x52: {  	_ =	shalt  }
0x53: {  	_ =	shalt  }
0x54: {  	_ =	shalt  }
0x55: {  	_ =	shalt  }
0x56: {  	_ =	shalt  }
0x57: {  	_ =	shalt  }
0x58: {  	_ =	shalt  }
0x59: {  	_ =	shalt  }
0x5a: {  	_ =	shalt  }
0x5b: {  	_ =	shalt  }
0x5c: {  	_ =	shalt  }
0x5d: {  	_ =	shalt  }
0x5e: {  	_ =	shalt  }
0x5f: {  	_ =	shalt  }
0x60: {  	_ =	shalt  }
0x61: {  	_ =	shalt  }
0x62: {  	_ =	shalt  }
0x63: {  	_ =	shalt  }
0x64: {  	_ =	shalt  }
0x65: {  	_ =	shalt  }
0x66: {  	_ =	shalt  }
0x67: {  	_ =	shalt  }
0x68: {  	_ =	shalt  }
0x69: {  	_ =	shalt  }
0x6a: {  	_ =	shalt  }
0x6b: {  	_ =	shalt  }
0x6c: {  	_ =	shalt  }
0x6d: {  	_ =	shalt  }
0x6e: {  	_ =	shalt  }
0x6f: {  	_ =	shalt  }
0x70: {  	_ =	shalt  }
0x71: {  	_ =	shalt  }
0x72: {  	_ =	shalt  }
0x73: {  	_ =	shalt  }
0x74: {  	_ =	shalt  }
0x75: {  	_ =	shalt  }
0x76: {  	_ =	shalt  }
0x77: {  	_ =	shalt  }
0x78: {  	_ =	shalt  }
0x79: {  	_ =	shalt  }
0x7a: {  	_ =	shalt  }
0x7b: {  	_ =	shalt  }
0x7c: {  	_ =	shalt  }
0x7d: {  	_ =	shalt  }
0x7e: {  	_ =	shalt  }
0x7f: {  	_ =	shalt  }
0x80: {  	_ =	shalt  }
0x81: {  	_ =	shalt  }
0x82: {  	_ =	shalt  }
0x83: {  	_ =	shalt  }
0x84: {  	_ =	shalt  }
0x85: {  	_ =	shalt  }
0x86: {  	_ =	shalt  }
0x87: {  	_ =	shalt  }
.Lfunc_end0:
.L_simem_size_0:
called_computation_lowered:
.L_overlay_start_0:
0x88: {  	s2 =	sld [smem:$0x3FD9]  }
0x89: {  	s3 =	sld [smem:$0x3FFE];
	_ =	sdelay $0x1  }
0x8a: {  	s1 =	srdreg.scid  }
0x8b: {  	s0 =	sand.u32 $0x1, s1  }
0x8c: {  	s17 =	sshll.u32 s0, $0xA;
	s2 =	sadd.s32 s3, s2  }
0x8d: {  	s2 =	sadd.s32 s2, s17  }
0x8e: {  	[smem:$0x3FC4] =	sst s2  }
0x8f: {  	_ = 	snop  }
0x90: {  	s2 =	sld [smem:$0x3FC9]  }
0x91: {  	s18 =	sld [smem:$0x3FD0];
	(tm) =	ssettm $0x1  }
0x92: {  	s4 =	sld [smem:$0x3FFB];
	_ =	sdelay $0x3  }
0x93: {  	_ =	strace s4  }
0x94: {  	s4 =	sld [smem:$0x3FFC];
	_ =	sdelay $0x3  }
0x95: {  	_ =	strace s4  }
0x96: {  	s4 =	sld [smem:$0x3FFD];
	_ =	sdelay $0x3  }
0x97: {  	_ =	strace s4  }
0x98: {  	_ =	strace $0x8FFFFFFF  }
0x99: {  	s19 =	sld [smem:$0x3FDB];
	_ =	sdelay $0x1  }
0x9a: {  	s5 =	simm.s32 $_scs_section_size  }
0x9b: {  	s6 =	simm.s32 $_size__tile_overlayer_lowered;
	s7 =	simm.s32 $_tile_overlayer_lowered  }
0x9c: {  	s22 =	simm.s32 $0x1BFF;
	s21 =	sshll.u32 s7, $0x1;
	s4 =	sadd.s32 s5, s19  }
0x9d: {  	s8 =	simm.s32 $0x0;
	s20 =	sshll.u32 s6, $0x1;
	s6 =	sadd.s32 s21, s4  }
0x9e: {  	[timem:s8], [sflag:s22] =	dma.local [hbm:s6], s20  }
0x9f: {  	_ =	swait.ge [sflag:s22], s20  }
0xa0: {  	s5 =	ssub.s32 $0x0, s20;
	[sflag:s22] =	ssyncset.done $0x0  }
0xa1: {  	[sflag:s22] =	ssyncadd.s32 s5;
	_ =	sdelay $0x1  }
0xa2: {  	s23 =	simm.s32 $0x1B8B  }
0xa3: {  	_ =	swait.ge [sflag:s23], $0x1  }
0xa4: {  	[sflag:s23] =	ssyncset.done $0x0  }
0xa5: {  	s25 =	simm.s32 $0x1B8E;
	s24 =	sld [smem:$0x3FFE];
	[sflag:s23] =	ssyncadd.s32 $0xFFFFFFFF  }
0xa6: {  	s26 =	simm.s32 $execute0_lowered;
	[smem:$0x3FD2] =	sst s25  }
0xa7: {  	s6 =	sshll.u32 s26, $0x1;
	_ =	strace $0x80000046;
	[dreg:$0x1] =	wrdreg $0xFFFFFFFF  }
0xa8: {  	s28 =	simm.s32 $_size_execute0_lowered;
	s4 =	sadd.s32 s4, s6;
	[dreg:$0x0] =	wrdreg $0x0  }
0xa9: {  	s6 =	sshll.u32 s28, $0x1;
	[dreg:$0x2] =	wrdreg s4  }
0xaa: {  	[dreg:$0x3] =	wrdreg s6  }
0xab: {  	[dreg:$0x4] =	wrdreg $0xC0  }
0xac: {  	_ =	task [dreg:s8], $0x5FFFF  }
0xad: {  	[dreg:$0x1] =	wrdreg $0xFFFFFFFF  }
0xae: {  	[dreg:$0x0] =	wrdreg $0x60  }
0xaf: {  	[dreg:$0x2] =	wrdreg s2  }
0xb0: {  	[dreg:$0x3] =	wrdreg s24  }
0xb1: {  	[dreg:$0x4] =	wrdreg s18  }
0xb2: {  	[dreg:$0x5] =	wrdreg $0x9  }
0xb3: {  	_ =	task.clear_ibuf [dreg:s8], $0x6FFFF;
	_ =	strace $0x90000046  }
0xb4: {  	s29 =	simm.s32 $0x9;
	_ =	strace $0x80000048  }
0xb5: {  	_ =	swait.ge [sflag:s29], $0x1  }
0xb6: {  	[sflag:s29] =	ssyncadd.s32 $0xFFFFFFFF  }
0xb7: {  	_ =	strace $0x90000048  }
0xb8: {  	_ =	sfence  }
0xb9: {  	s30 =	sld [smem:$0x0];
	_ =	sdelay $0x2  }
0xba: {  	s31 =	sshll.u32 s1, $0xD;
	s1 =	sshrl.u32 s1, $0x2  }
0xbb: {  	s3 =	sand.u32 $0x4000, s31;
	s1 =	sadd.s32 s1, s30  }
0xbc: {  	s0 =	sor.u32 s3, s0;
	s1 =	sshll.u32 s1, $0x11  }
0xbd: {  	s0 =	sor.u32 s1, s0  }
0xbe: {  	s0 =	sadd.s32 $0x8F2B, s0  }
0xbf: {  	[sflag:s0] =	ssyncadd.remote.s32 $0x1  }
0xc0: {  	_ =	sfence.sel $0xFFFF  }
0xc1: {  	[dreg:$0x0] =	wrdreg $0xFFFFFFFF;
	(pc) =	sbr.abs _section_cstart, $3  }
0xc2: {  	[dreg:$0x1] =	wrdreg $0xFFFFFFFF  }
0xc3: {  	_ =	task.clear_ibuf [dreg:s8], $0x2FFFF;
	_ =	strace $0x9FFFFFFF  }
0xc4: {  	(tm) =	ssettm $0x7FFFFFFF  }
0xc5: {  	_ =	shalt  }
tec
execute0_lowered:
.L_overlay_start_1:
0x0: {  	(tag) =	ssettag $0x1  }
0x1: {  	s1 =	rddreg [dreg:$0x0]  }
0x2: {  	s0 =	rddreg [dreg:$0x1]  }
0x3: {  	s2 =	srdreg.scid;
	s8 =	stileid.u32  }
0x4: {  	s3 =	rddreg [dreg:$0x2];
	s4 =	simm.s32 $0x0;
	s12 =	simm.s32 $0x7  }
0x5: {  	s18 =	simm.s32 $0x5;
	s21 =	simm.s32 $0x1800;
	s22 =	simm.s32 $0x1  }
0x6: {  	s23 =	simm.s32 $0xC35000;
	s28 =	simm.s32 $0x3;
	s29 =	simm.s32 $0x4  }
0x7: {  	s30 =	simm.s32 $0x6000;
	s31 =	simm.s32 $0x9000;
	s2 =	sand.u32 $0x1, s2  }
0x8: {  	s5 =	sshll.u32 s8, $0x1;
	[smem:$0x7FF] =	sst s4;
	s7 =	sadd.s32 $0x400, s0  }
0x9: {  	s24 =	sadd.s32 $0x600, s0;
	_ =	strace $0x80000047;
	[dreg:$0x4] =	wrdreg s7  }
0xa: {  	s0 =	sadd.s32 $0x800, s0;
	p0 =	slt.u32 s8, $0xA;
	[dreg:$0x5] =	wrdreg s24  }
0xb: {  	s5 =	sor.u32 s2, s5;
	s2 =	ssub.s32 $0x2, s2;
	[dreg:$0x6] =	wrdreg s0  }
0xc: {  	s12 =	simm.s32 @!p0 $0x6;
	s6 =	smul.u32 $0x186, s5;
	s25 =	sshrl.u32 s2, $0x1  }
0xd: {  	s24 =	simm.s32 $0x3000;
	s5 =	smin.u32 s5, $0x14;
	s0 =	ssub.s32 s2, s25  }
0xe: {  	s25 =	simm.s32 $0x2;
	s2 =	simm.s32 $0xC000;
	s7 =	sadd.s32 s5, s6  }
0xf: {  	s0 =	smax.u32 s0, $0x1;
	s5 =	sshll.u32 s7, $0x6;
	s11 =	sadd.s32 $0x18, s7  }
0x10: {  	s13 =	sadd.s32 $0xC, s7;
	s14 =	sadd.s32 $0x24, s7;
	s9 =	sadd.s32 s1, s5  }
0x11: {  	s15 =	sadd.s32 $0x180, s7;
	[dreg:$0x8] =	wrdreg s0;
	s26 =	sadd.s32 $0x300, s9  }
0x12: {  	s0 =	simm.s32 $0x0;
	[dreg:$0x7] =	wrdreg s26;
	s26 =	simm.s32 $0xF000  }
.LBB2_1:
0x13: {  	s5 =	rddreg [dreg:$0x4];
	s6 =	simm.s32 $0x1B000  }
0x14: {  	[tilespmem:s6], [sflag:$0x5] =	stream.linear.gather [hbm4b:s5+s4], $0x200, $0x38;
	[tilespmem:$0x1B600] =	vst v63  }
0x15: {  	_ =	swait.ge [sflag:s18], $0x200  }
0x16: {  	[sflag:s18] =	ssyncset.done $0x0  }
0x17: {  	s16 =	simm.s32 $0x1B200;
	s10 =	rddreg [dreg:$0x5];
	[sflag:s18] =	ssyncadd.s32 $0xFFFFFE00  }
0x18: {  	[tilespmem:s16], [sflag:$0x5] =	stream.linear.gather [hbm4b:s10+s4], $0x200, $0x38;
	[tilespmem:$0x1B600] =	vst v63  }
0x19: {  	_ =	swait.ge [sflag:s18], $0x200  }
0x1a: {  	[sflag:s18] =	ssyncset.done $0x0  }
0x1b: {  	s19 =	simm.s32 $0x1B400;
	s17 =	rddreg [dreg:$0x6];
	[sflag:s18] =	ssyncadd.s32 $0xFFFFFE00  }
0x1c: {  	[tilespmem:s19], [sflag:$0x5] =	stream.linear.gather [hbm4b:s17+s4], $0x200, $0x38;
	[tilespmem:$0x1B600] =	vst v63  }
0x1d: {  	_ =	swait.ge [sflag:s18], $0x200  }
0x1e: {  	[sflag:s18] =	ssyncset.done $0x0  }
0x1f: {  	[sflag:s18] =	ssyncadd.s32 $0xFFFFFE00  }
0x20: {  	[tilespmem:s4], [sflag:$0x1] =	stream.linear.gather [hbm4b:s9+s4], $0x1800, $0x38;
	[tilespmem:$0x1B600] =	vst v63  }
0x21: {  	s17 =	simm.s32 $0x0;
	s20 =	rddreg [dreg:$0x7]  }
0x22: {  	[tilespmem:s21], [sflag:$0x2] =	stream.linear.gather [hbm4b:s20+s4], $0x1800, $0x38;
	[tilespmem:$0x1B600] =	vst v63  }
.LBB2_2:
0x23: {  	p0 =	seq.s32 s17, $0x0  }
0x24: {  	s5 =	simm.s32 @!p0 $0x3  }
0x25: {  	_ =	swait.ge @!p0 [sflag:s5], $0xC000  }
0x26: {  	[sflag:s5] =	ssyncset.done @!p0 $0x0  }
0x27: {  	[sflag:s5] =	ssyncadd.s32 @!p0 $0xFFFF4000  }
0x28: {  	_ =	swait.ge [sflag:s22], $0x1800  }
0x29: {  	[sflag:s22] =	ssyncset.done $0x0  }
0x2a: {  	[sflag:s22] =	ssyncadd.s32 $0xFFFFE800  }
0x2b: {  	v25 =	vld [tilespmem:$0x1B000]  }
0x2c: {  	v8 =	vld [tilespmem:$0x1B010]  }
0x2d: {  	v12 =	vld [tilespmem:$0x1B020]  }
0x2e: {  	v10 =	vld [tilespmem:$0x1B030]  }
0x2f: {  	v26 =	vld [tilespmem:$0x1B040]  }
0x30: {  	v31 =	vld [tilespmem:$0x1B050]  }
0x31: {  	v0 =	vld [tilespmem:$0x1B060]  }
0x32: {  	v15 =	vld [tilespmem:$0x1B070]  }
0x33: {  	v29 =	vld [tilespmem:$0x1B080]  }
0x34: {  	v58 =	vld [tilespmem:$0x1B090]  }
0x35: {  	v59 =	vld [tilespmem:$0x1B0A0]  }
0x36: {  	v7 =	vld [tilespmem:$0x1B0B0]  }
0x37: {  	v30 =	vld [tilespmem:$0x1B0C0]  }
0x38: {  	v13 =	vld [tilespmem:$0x1B0D0]  }
0x39: {  	v38 =	vld [tilespmem:$0x1B0E0]  }
0x3a: {  	v60 =	vld [tilespmem:$0x1B0F0]  }
0x3b: {  	v21 =	vld [tilespmem:$0x1B200]  }
0x3c: {  	v27 =	vld [tilespmem:$0x1B210]  }
0x3d: {  	v32 =	vld [tilespmem:$0x1B220]  }
0x3e: {  	v14 =	vld [tilespmem:$0x1B230]  }
0x3f: {  	v22 =	vld [tilespmem:$0x1B240]  }
0x40: {  	v44 =	vld [tilespmem:$0x1B250]  }
0x41: {  	v61 =	vld [tilespmem:$0x1B260]  }
0x42: {  	v20 =	vld [tilespmem:$0x1B270]  }
0x43: {  	v43 =	vld [tilespmem:$0x1B280]  }
0x44: {  	v24 =	vld [tilespmem:$0x1B290]  }
0x45: {  	v62 =	vld [tilespmem:$0x1B2A0]  }
0x46: {  	v36 =	vld [tilespmem:$0x1B2B0]  }
0x47: {  	v41 =	vld [tilespmem:$0x1B2C0]  }
0x48: {  	v37 =	vld [tilespmem:$0x1B2D0]  }
0x49: {  	v46 =	vld [tilespmem:$0x1B2E0]  }
0x4a: {  	v63 =	vld [tilespmem:$0x1B2F0]  }
0x4b: {  	v47 =	vld [tilespmem:$0x1B400]  }
0x4c: {  	v45 =	vld [tilespmem:$0x1B410]  }
0x4d: {  	v34 =	vld [tilespmem:$0x1B420]  }
0x4e: {  	v18 =	vld [tilespmem:$0x1B430]  }
0x4f: {  	v16 =	vld [tilespmem:$0x1B440]  }
0x50: {  	v42 =	vld [tilespmem:$0x1B450]  }
0x51: {  	s8 =	simm.s32 $0x0;
	s5 =	simm.s32 $0x0;
	v9 =	vld [tilespmem:$0x1B460]  }
0x52: {  	s8 =	sand.u32 $0x3FFFFE00, s8;
	s6 =	sand.u32 $0x70, s5;
	v48 =	vld [tilespmem:$0x1B4E0]  }
0x53: {  	s8 =	sor.u32 s6, s8;
	v49 =	vld [tilespmem:$0x1B4F0]  }
0x54: {  	v11 =	vld [tilespmem:s8+$0x100]  }
0x55: {  	v23 =	vld [tilespmem:s8+$0x0]  }
0x56: {  	v28 =	vld [tilespmem:s8+$0x80]  }
0x57: {  	v51 =	vld [tilespmem:$0x1B4C0];
	[tilespmem:$0x1FF90] =	vst v0  }
0x58: {  	v33 =	vld [tilespmem:$0x1B470];
	[tilespmem:$0x1FFA0] =	vst v58  }
0x59: {  	v50 =	vld [tilespmem:$0x1B480];
	[tilespmem:$0x1FFB0] =	vst v59;
	v19 =	vand.u32 $0xF, v11  }
0x5a: {  	v17 =	vld [tilespmem:$0x1B490];
	[tilespmem:$0x1FFC0] =	vst v60;
	v35 =	vand.u32 $0xF, v23;
	v40 =	vperm.xlane v47, v19;
	v23 =	vperm.xlane v49, v19  }
0x5b: {  	v52 =	vld [tilespmem:$0x1B4D0];
	[tilespmem:$0x1FFD0] =	vst v61;
	v39 =	vand.u32 $0xF, v28;
	v55 =	vperm.xlane v31, v35;
	v53 =	vperm.xlane v48, v19  }
0x5c: {  	[tilespmem:$0x1FFE0] =	vst v62;
	v11 =	vld [tilespmem:$0x1B4A0];
	v56 =	vperm.xlane v44, v39;
	v54 =	vperm.xlane v51, v19  }
0x5d: {  	s20 =	simm.s32 $0x1;
	s19 =	simm.s32 $0x0;
	[tilespmem:$0x1FFF0] =	vst v63;
	v28 =	vld [tilespmem:$0x1B4B0];
	v57 =	vperm.xlane v38, v35;
	v58 =	vperm.xlane v46, v39  }
.LBB2_3:
0x5e: {  	v59 =	vperm.xlane v25, v35;
	v60 =	vperm.xlane v50, v19  }
0x5f: {  	v61 =	vperm.xlane v45, v19;
	v62 =	vperm.xlane v43, v39  }
0x60: {  	v63 =	vperm.xlane v29, v35;
	v4 =	vperm.xlane v42, v19;
	v55 =	vadd.f32 v56, v55  }
0x61: {  	v0 =	vperm.xlane v41, v39;
	v1 =	vperm.xlane v32, v39;
	s10 =	sshll.u32 s19, $0x7  }
0x62: {  	s8 =	smov.u32 s20;
	v2 =	vperm.xlane v36, v39;
	v3 =	vperm.xlane v27, v39;
	s10 =	sand.u32 $0x3FFFFC00, s10;
	v4 =	vadd.f32 v4, v55  }
0x63: {  	v5 =	vperm.xlane v15, v35;
	v56 =	vperm.xlane v30, v35;
	s19 =	smov.u32 s8;
	s8 =	sor.u32 s6, s10  }
0x64: {  	v6 =	vperm.xlane v22, v39;
	[tilespmem:s8+$0x3280] =	vst v4;
	v4 =	vperm.xlane v20, v39  }
0x65: {  	v57 =	vadd.f32 v58, v57;
	v58 =	vperm.xlane v26, v35;
	v0 =	vadd.f32 v0, v56  }
0x66: {  	v62 =	vadd.f32 v62, v63;
	v4 =	vadd.f32 v4, v5;
	v5 =	vperm.xlane v33, v19  }
0x67: {  	v63 =	vperm.xlane v52, v19;
	v56 =	vperm.xlane v37, v39;
	v0 =	vadd.f32 v54, v0  }
0x68: {  	v55 =	vperm.xlane v12, v35;
	v6 =	vadd.f32 v6, v58;
	v4 =	vadd.f32 v5, v4  }
0x69: {  	v58 =	vperm.xlane v8, v35;
	v60 =	vadd.f32 v60, v62;
	v62 =	vperm.xlane v21, v39;
	[tilespmem:s8+$0x6200] =	vst v0  }
0x6a: {  	v54 =	vperm.xlane v34, v19;
	v1 =	vadd.f32 v1, v55;
	v0 =	vadd.f32 v53, v57;
	[tilespmem:s8+$0x3380] =	vst v4;
	v4 =	vld [tilespmem:$0x1FFA0]  }
0x6b: {  	v3 =	vadd.f32 v3, v58;
	v58 =	vperm.xlane v7, v35;
	v57 =	vperm.xlane v13, v35  }
0x6c: {  	v53 =	vperm.xlane v10, v35;
	[tilespmem:s8+$0x6300] =	vst v0;
	v0 =	vperm.xlane v14, v39  }
0x6d: {  	[tilespmem:s8+$0x6000] =	vst v60;
	v60 =	vperm.xlane v24, v39;
	v1 =	vadd.f32 v54, v1;
	v54 =	vadd.f32 v56, v57  }
0x6e: {  	v3 =	vadd.f32 v61, v3;
	v61 =	vld [tilespmem:$0x1FFE0];
	v57 =	vperm.xlane v18, v19;
	v0 =	vadd.f32 v0, v53  }
0x6f: {  	[tilespmem:s8+$0x3100] =	vst v1;
	v1 =	vadd.f32 v2, v58;
	v58 =	vld [tilespmem:$0x1FFD0];
	v5 =	vadd.f32 v63, v54;
	v4 =	vperm.xlane v4, v35  }
0x70: {  	v55 =	vperm.xlane v16, v19;
	v0 =	vadd.f32 v57, v0;
	v57 =	vld [tilespmem:$0x1FF90]  }
0x71: {  	[tilespmem:s8+$0x6280] =	vst v5;
	v5 =	vadd.f32 v62, v59;
	v59 =	vld [tilespmem:$0x1FFC0];
	v56 =	vadd.f32 v60, v4;
	v4 =	vperm.xlane v17, v19  }
0x72: {  	v63 =	vperm.xlane v28, v19;
	v60 =	vld [tilespmem:$0x1FFB0]  }
0x73: {  	v6 =	vadd.f32 v55, v6;
	[tilespmem:s8+$0x3180] =	vst v0;
	v0 =	vadd.f32 v4, v56;
	v4 =	vld [tilespmem:$0x1FFF0]  }
0x74: {  	[tilespmem:s8+$0x3080] =	vst v3;
	v1 =	vadd.f32 v63, v1  }
0x75: {  	[tilespmem:s8+$0x3200] =	vst v6;
	v6 =	vperm.xlane v9, v19  }
0x76: {  	v53 =	vperm.xlane v58, v39;
	[tilespmem:s8+$0x6180] =	vst v1;
	v3 =	vperm.xlane v57, v35  }
0x77: {  	v1 =	vperm.xlane v61, v39;
	[tilespmem:s8+$0x6080] =	vst v0;
	v0 =	vperm.xlane v60, v35  }
0x78: {  	v2 =	vperm.xlane v59, v35;
	v3 =	vadd.f32 v53, v3;
	v4 =	vperm.xlane v4, v39  }
0x79: {  	v62 =	vperm.xlane v11, v19;
	v5 =	vadd.f32 v40, v5;
	v0 =	vadd.f32 v1, v0  }
0x7a: {  	v3 =	vadd.f32 v6, v3;
	v2 =	vadd.f32 v4, v2  }
0x7b: {  	[tilespmem:s8+$0x3000] =	vst v5;
	v0 =	vadd.f32 v62, v0  }
0x7c: {  	s5 =	sadd.s32 $0x10, s5;
	s16 =	sshll.u32 s19, $0x6;
	[tilespmem:s8+$0x3300] =	vst v3;
	v2 =	vadd.f32 v23, v2  }
0x7d: {  	s6 =	sand.u32 $0x70, s5;
	s10 =	sand.u32 $0x3FFFFE00, s16;
	[tilespmem:s8+$0x6100] =	vst v0  }
0x7e: {  	s10 =	sor.u32 s6, s10;
	[tilespmem:s8+$0x6380] =	vst v2  }
0x7f: {  	v0 =	vld [tilespmem:s10+$0x100]  }
0x80: {  	v63 =	vld [tilespmem:s10+$0x0]  }
0x81: {  	v2 =	vld [tilespmem:s10+$0x80];
	_ =	sdelay $0x1  }
0x82: {  	p0 =	sne.s32 s20, $0x5F  }
.Ltmp0:
0x83: {  	v19 =	vand.u32 $0xF, v0;
	(pc) =	sbr.rel @p0 .LBB2_3-.Ltmp0, $4  }
0x84: {  	v35 =	vand.u32 $0xF, v63;
	v40 =	vperm.xlane v47, v19;
	v23 =	vperm.xlane v49, v19  }
0x85: {  	v39 =	vand.u32 $0xF, v2;
	v55 =	vperm.xlane v31, v35;
	v53 =	vperm.xlane v48, v19  }
0x86: {  	v56 =	vperm.xlane v44, v39;
	v54 =	vperm.xlane v51, v19  }
0x87: {  	s20 =	sadd.s32 $0x1, s20;
	v57 =	vperm.xlane v38, v35;
	v58 =	vperm.xlane v46, v39  }
0x88: {  	v0 =	vperm.xlane v25, v35  }
0x89: {  	v1 =	vperm.xlane v50, v19;
	v2 =	vperm.xlane v45, v19  }
0x8a: {  	v3 =	vperm.xlane v43, v39;
	v4 =	vperm.xlane v26, v35  }
0x8b: {  	v6 =	vperm.xlane v29, v35;
	v25 =	vperm.xlane v30, v35  }
0x8c: {  	v29 =	vperm.xlane v41, v39;
	v30 =	vperm.xlane v32, v39  }
0x8d: {  	v10 =	vperm.xlane v10, v35;
	v14 =	vperm.xlane v14, v39;
	v5 =	vadd.f32 v58, v57  }
0x8e: {  	v27 =	vperm.xlane v27, v39;
	s5 =	sshll.u32 s19, $0x7;
	v8 =	vperm.xlane v8, v35  }
0x8f: {  	s5 =	sand.u32 $0x3FFFFC00, s5;
	v10 =	vadd.f32 v14, v10;
	v14 =	vperm.xlane v18, v19;
	v5 =	vadd.f32 v53, v5  }
0x90: {  	v31 =	vperm.xlane v36, v39;
	v46 =	vperm.xlane v42, v19;
	s5 =	sor.u32 s6, s5;
	v8 =	vadd.f32 v27, v8  }
0x91: {  	v47 =	vperm.xlane v21, v39;
	[tilespmem:s5+$0x6300] =	vst v5;
	v5 =	vperm.xlane v7, v35;
	v7 =	vadd.f32 v14, v10  }
0x92: {  	v15 =	vperm.xlane v15, v35;
	v22 =	vperm.xlane v22, v39;
	v2 =	vadd.f32 v2, v8;
	v8 =	vld [tilespmem:$0x1FF90]  }
0x93: {  	v20 =	vperm.xlane v20, v39;
	v13 =	vperm.xlane v13, v35;
	v3 =	vadd.f32 v3, v6;
	[tilespmem:s5+$0x3180] =	vst v7;
	v7 =	vld [tilespmem:$0x1FFD0]  }
0x94: {  	v26 =	vadd.f32 v56, v55;
	v48 =	vperm.xlane v33, v19;
	v16 =	vperm.xlane v16, v19  }
0x95: {  	v6 =	vperm.xlane v52, v19;
	v15 =	vadd.f32 v20, v15;
	v1 =	vadd.f32 v1, v3  }
0x96: {  	v25 =	vadd.f32 v29, v25;
	v29 =	vperm.xlane v37, v39;
	v4 =	vadd.f32 v22, v4;
	v10 =	vld [tilespmem:$0x1FFA0]  }
0x97: {  	[tilespmem:s5+$0x6000] =	vst v1;
	v1 =	vadd.f32 v48, v15;
	v49 =	vadd.f32 v31, v5;
	v5 =	vperm.xlane v28, v19  }
0x98: {  	v52 =	vld [tilespmem:$0x1FFF0];
	v4 =	vadd.f32 v16, v4;
	v8 =	vperm.xlane v8, v35;
	v7 =	vperm.xlane v7, v39  }
0x99: {  	v12 =	vperm.xlane v12, v35;
	v13 =	vadd.f32 v29, v13;
	[tilespmem:s5+$0x3380] =	vst v1;
	v1 =	vadd.f32 v5, v49;
	v5 =	vld [tilespmem:$0x1FFC0]  }
0x9a: {  	v24 =	vperm.xlane v24, v39;
	v26 =	vadd.f32 v46, v26;
	[tilespmem:s5+$0x3200] =	vst v4;
	v4 =	vadd.f32 v7, v8;
	v7 =	vld [tilespmem:$0x1FFB0]  }
0x9b: {  	v12 =	vadd.f32 v30, v12;
	v6 =	vadd.f32 v6, v13;
	v10 =	vperm.xlane v10, v35;
	v8 =	vld [tilespmem:$0x1FFE0]  }
0x9c: {  	v0 =	vadd.f32 v47, v0;
	v21 =	vadd.f32 v54, v25;
	v25 =	vperm.xlane v34, v19;
	[tilespmem:s5+$0x3280] =	vst v26  }
0x9d: {  	[tilespmem:s5+$0x6280] =	vst v6;
	v6 =	vperm.xlane v17, v19;
	v50 =	vadd.f32 v24, v10  }
0x9e: {  	v0 =	vadd.f32 v40, v0;
	v12 =	vadd.f32 v25, v12;
	[tilespmem:s5+$0x6200] =	vst v21;
	v3 =	vperm.xlane v52, v39  }
0x9f: {  	[tilespmem:s5+$0x3080] =	vst v2;
	v5 =	vperm.xlane v5, v35;
	v51 =	vadd.f32 v6, v50;
	v6 =	vperm.xlane v9, v19  }
0xa0: {  	[tilespmem:s5+$0x3000] =	vst v0;
	v7 =	vperm.xlane v7, v35;
	v8 =	vperm.xlane v8, v39  }
0xa1: {  	[tilespmem:s5+$0x3100] =	vst v12;
	v53 =	vadd.f32 v3, v5  }
0xa2: {  	[tilespmem:s5+$0x6180] =	vst v1;
	v54 =	vadd.f32 v6, v4;
	v4 =	vperm.xlane v11, v19;
	v55 =	vadd.f32 v8, v7  }
0xa3: {  	[tilespmem:s5+$0x6080] =	vst v51;
	v56 =	vadd.f32 v23, v53  }
0xa4: {  	[tilespmem:s5+$0x3300] =	vst v54;
	v57 =	vadd.f32 v4, v55  }
0xa5: {  	[tilespmem:s5+$0x6380] =	vst v56  }
0xa6: {  	[tilespmem:s5+$0x6100] =	vst v57  }
0xa7: {  	v25 =	vld [tilespmem:$0x1B100]  }
0xa8: {  	v8 =	vld [tilespmem:$0x1B110]  }
0xa9: {  	v12 =	vld [tilespmem:$0x1B120]  }
0xaa: {  	v10 =	vld [tilespmem:$0x1B130]  }
0xab: {  	v26 =	vld [tilespmem:$0x1B140]  }
0xac: {  	v31 =	vld [tilespmem:$0x1B150]  }
0xad: {  	v0 =	vld [tilespmem:$0x1B160]  }
0xae: {  	v15 =	vld [tilespmem:$0x1B170]  }
0xaf: {  	v29 =	vld [tilespmem:$0x1B180]  }
0xb0: {  	v58 =	vld [tilespmem:$0x1B190]  }
0xb1: {  	v59 =	vld [tilespmem:$0x1B1A0]  }
0xb2: {  	v7 =	vld [tilespmem:$0x1B1B0]  }
0xb3: {  	v30 =	vld [tilespmem:$0x1B1C0]  }
0xb4: {  	v13 =	vld [tilespmem:$0x1B1D0]  }
0xb5: {  	v38 =	vld [tilespmem:$0x1B1E0]  }
0xb6: {  	v60 =	vld [tilespmem:$0x1B1F0]  }
0xb7: {  	v22 =	vld [tilespmem:$0x1B300]  }
0xb8: {  	v27 =	vld [tilespmem:$0x1B310]  }
0xb9: {  	v32 =	vld [tilespmem:$0x1B320]  }
0xba: {  	v14 =	vld [tilespmem:$0x1B330]  }
0xbb: {  	v23 =	vld [tilespmem:$0x1B340]  }
0xbc: {  	v44 =	vld [tilespmem:$0x1B350]  }
0xbd: {  	v61 =	vld [tilespmem:$0x1B360]  }
0xbe: {  	v20 =	vld [tilespmem:$0x1B370]  }
0xbf: {  	v43 =	vld [tilespmem:$0x1B380]  }
0xc0: {  	v24 =	vld [tilespmem:$0x1B390]  }
0xc1: {  	v62 =	vld [tilespmem:$0x1B3A0]  }
0xc2: {  	v36 =	vld [tilespmem:$0x1B3B0]  }
0xc3: {  	v41 =	vld [tilespmem:$0x1B3C0]  }
0xc4: {  	v37 =	vld [tilespmem:$0x1B3D0]  }
0xc5: {  	v46 =	vld [tilespmem:$0x1B3E0]  }
0xc6: {  	v63 =	vld [tilespmem:$0x1B3F0]  }
0xc7: {  	v47 =	vld [tilespmem:$0x1B500]  }
0xc8: {  	v45 =	vld [tilespmem:$0x1B510]  }
0xc9: {  	v34 =	vld [tilespmem:$0x1B520]  }
0xca: {  	v18 =	vld [tilespmem:$0x1B530]  }
0xcb: {  	v16 =	vld [tilespmem:$0x1B540]  }
0xcc: {  	v42 =	vld [tilespmem:$0x1B550]  }
0xcd: {  	s8 =	simm.s32 $0x0;
	s5 =	simm.s32 $0x0;
	v9 =	vld [tilespmem:$0x1B560]  }
0xce: {  	s8 =	sand.u32 $0x3FFFFE00, s8;
	v48 =	vld [tilespmem:$0x1B5E0];
	s6 =	sand.u32 $0x70, s5  }
0xcf: {  	v49 =	vld [tilespmem:$0x1B5F0];
	s8 =	sor.u32 s6, s8  }
0xd0: {  	v11 =	vld [tilespmem:s8+$0x100]  }
0xd1: {  	v21 =	vld [tilespmem:s8+$0x0]  }
0xd2: {  	v28 =	vld [tilespmem:s8+$0x80]  }
0xd3: {  	v51 =	vld [tilespmem:$0x1B5C0];
	[tilespmem:$0x1FF20] =	vst v0  }
0xd4: {  	v33 =	vld [tilespmem:$0x1B570];
	[tilespmem:$0x1FF30] =	vst v58  }
0xd5: {  	v50 =	vld [tilespmem:$0x1B580];
	[tilespmem:$0x1FF40] =	vst v59;
	v19 =	vand.u32 $0xF, v11  }
0xd6: {  	v17 =	vld [tilespmem:$0x1B590];
	[tilespmem:$0x1FF50] =	vst v60;
	v35 =	vand.u32 $0xF, v21;
	v40 =	vperm.xlane v47, v19;
	v21 =	vperm.xlane v49, v19  }
0xd7: {  	v52 =	vld [tilespmem:$0x1B5D0];
	[tilespmem:$0x1FF60] =	vst v61;
	v39 =	vand.u32 $0xF, v28;
	v55 =	vperm.xlane v31, v35;
	v53 =	vperm.xlane v48, v19  }
0xd8: {  	[tilespmem:$0x1FF70] =	vst v62;
	v11 =	vld [tilespmem:$0x1B5A0];
	v56 =	vperm.xlane v44, v39;
	v54 =	vperm.xlane v51, v19  }
0xd9: {  	s20 =	simm.s32 $0x1;
	s19 =	simm.s32 $0x0;
	[tilespmem:$0x1FF80] =	vst v63;
	v28 =	vld [tilespmem:$0x1B5B0];
	v57 =	vperm.xlane v38, v35;
	v58 =	vperm.xlane v46, v39  }
.LBB2_5:
0xda: {  	v59 =	vperm.xlane v25, v35;
	v60 =	vperm.xlane v50, v19  }
0xdb: {  	v61 =	vperm.xlane v45, v19;
	v62 =	vperm.xlane v43, v39  }
0xdc: {  	v63 =	vperm.xlane v29, v35;
	v4 =	vperm.xlane v42, v19;
	v55 =	vadd.f32 v56, v55  }
0xdd: {  	v0 =	vperm.xlane v41, v39;
	v1 =	vperm.xlane v32, v39;
	s10 =	sshll.u32 s19, $0x7  }
0xde: {  	s8 =	smov.u32 s20;
	v2 =	vperm.xlane v36, v39;
	v3 =	vperm.xlane v27, v39;
	s10 =	sand.u32 $0x3FFFFC00, s10;
	v4 =	vadd.f32 v4, v55  }
0xdf: {  	v5 =	vperm.xlane v15, v35;
	v56 =	vperm.xlane v30, v35;
	s19 =	smov.u32 s8;
	s8 =	sor.u32 s6, s10  }
0xe0: {  	v6 =	vperm.xlane v23, v39;
	[tilespmem:s8+$0x9280] =	vst v4;
	v4 =	vperm.xlane v20, v39  }
0xe1: {  	v57 =	vadd.f32 v58, v57;
	v58 =	vperm.xlane v26, v35;
	v0 =	vadd.f32 v0, v56  }
0xe2: {  	v62 =	vadd.f32 v62, v63;
	v4 =	vadd.f32 v4, v5;
	v5 =	vperm.xlane v33, v19  }
0xe3: {  	v63 =	vperm.xlane v52, v19;
	v56 =	vperm.xlane v37, v39;
	v0 =	vadd.f32 v54, v0  }
0xe4: {  	v55 =	vperm.xlane v12, v35;
	v6 =	vadd.f32 v6, v58;
	v4 =	vadd.f32 v5, v4  }
0xe5: {  	v58 =	vperm.xlane v8, v35;
	v60 =	vadd.f32 v60, v62;
	v62 =	vperm.xlane v22, v39;
	[tilespmem:s8+$0xC200] =	vst v0  }
0xe6: {  	v54 =	vperm.xlane v34, v19;
	v1 =	vadd.f32 v1, v55;
	v0 =	vadd.f32 v53, v57;
	[tilespmem:s8+$0x9380] =	vst v4;
	v4 =	vld [tilespmem:$0x1FF30]  }
0xe7: {  	v3 =	vadd.f32 v3, v58;
	v58 =	vperm.xlane v7, v35;
	v57 =	vperm.xlane v13, v35  }
0xe8: {  	v53 =	vperm.xlane v10, v35;
	[tilespmem:s8+$0xC300] =	vst v0;
	v0 =	vperm.xlane v14, v39  }
0xe9: {  	[tilespmem:s8+$0xC000] =	vst v60;
	v60 =	vperm.xlane v24, v39;
	v1 =	vadd.f32 v54, v1;
	v54 =	vadd.f32 v56, v57  }
0xea: {  	v3 =	vadd.f32 v61, v3;
	v61 =	vld [tilespmem:$0x1FF70];
	v57 =	vperm.xlane v18, v19;
	v0 =	vadd.f32 v0, v53  }
0xeb: {  	[tilespmem:s8+$0x9100] =	vst v1;
	v1 =	vadd.f32 v2, v58;
	v58 =	vld [tilespmem:$0x1FF60];
	v5 =	vadd.f32 v63, v54;
	v4 =	vperm.xlane v4, v35  }
0xec: {  	v55 =	vperm.xlane v16, v19;
	v0 =	vadd.f32 v57, v0;
	v57 =	vld [tilespmem:$0x1FF20]  }
0xed: {  	[tilespmem:s8+$0xC280] =	vst v5;
	v5 =	vadd.f32 v62, v59;
	v59 =	vld [tilespmem:$0x1FF50];
	v56 =	vadd.f32 v60, v4;
	v4 =	vperm.xlane v17, v19  }
0xee: {  	v63 =	vperm.xlane v28, v19;
	v60 =	vld [tilespmem:$0x1FF40]  }
0xef: {  	v6 =	vadd.f32 v55, v6;
	[tilespmem:s8+$0x9180] =	vst v0;
	v0 =	vadd.f32 v4, v56;
	v4 =	vld [tilespmem:$0x1FF80]  }
0xf0: {  	[tilespmem:s8+$0x9080] =	vst v3;
	v1 =	vadd.f32 v63, v1  }
0xf1: {  	[tilespmem:s8+$0x9200] =	vst v6;
	v6 =	vperm.xlane v9, v19  }
0xf2: {  	v53 =	vperm.xlane v58, v39;
	[tilespmem:s8+$0xC180] =	vst v1;
	v3 =	vperm.xlane v57, v35  }
0xf3: {  	v1 =	vperm.xlane v61, v39;
	[tilespmem:s8+$0xC080] =	vst v0;
	v0 =	vperm.xlane v60, v35  }
0xf4: {  	v2 =	vperm.xlane v59, v35;
	v3 =	vadd.f32 v53, v3;
	v4 =	vperm.xlane v4, v39  }
0xf5: {  	v62 =	vperm.xlane v11, v19;
	v5 =	vadd.f32 v40, v5;
	v0 =	vadd.f32 v1, v0  }
0xf6: {  	v3 =	vadd.f32 v6, v3;
	v2 =	vadd.f32 v4, v2  }
0xf7: {  	[tilespmem:s8+$0x9000] =	vst v5;
	v0 =	vadd.f32 v62, v0  }
0xf8: {  	s5 =	sadd.s32 $0x10, s5;
	s16 =	sshll.u32 s19, $0x6;
	[tilespmem:s8+$0x9300] =	vst v3;
	v2 =	vadd.f32 v21, v2  }
0xf9: {  	s6 =	sand.u32 $0x70, s5;
	s10 =	sand.u32 $0x3FFFFE00, s16;
	[tilespmem:s8+$0xC100] =	vst v0  }
0xfa: {  	s10 =	sor.u32 s6, s10;
	[tilespmem:s8+$0xC380] =	vst v2  }
0xfb: {  	v0 =	vld [tilespmem:s10+$0x100]  }
0xfc: {  	v63 =	vld [tilespmem:s10+$0x0]  }
0xfd: {  	v2 =	vld [tilespmem:s10+$0x80];
	_ =	sdelay $0x1  }
0xfe: {  	p0 =	sne.s32 s20, $0x5F  }
.Ltmp1:
0xff: {  	v19 =	vand.u32 $0xF, v0;
	(pc) =	sbr.rel @p0 .LBB2_5-.Ltmp1, $4  }
0x100: {  	v35 =	vand.u32 $0xF, v63;
	v40 =	vperm.xlane v47, v19;
	v21 =	vperm.xlane v49, v19  }
0x101: {  	v39 =	vand.u32 $0xF, v2;
	v55 =	vperm.xlane v31, v35;
	v53 =	vperm.xlane v48, v19  }
0x102: {  	v56 =	vperm.xlane v44, v39;
	v54 =	vperm.xlane v51, v19  }
0x103: {  	s20 =	sadd.s32 $0x1, s20;
	v57 =	vperm.xlane v38, v35;
	v58 =	vperm.xlane v46, v39  }
0x104: {  	v0 =	vperm.xlane v25, v35  }
0x105: {  	v1 =	vperm.xlane v50, v19;
	v2 =	vperm.xlane v45, v19  }
0x106: {  	v3 =	vperm.xlane v43, v39;
	v4 =	vperm.xlane v26, v35  }
0x107: {  	v6 =	vperm.xlane v29, v35;
	v25 =	vperm.xlane v30, v35  }
0x108: {  	v29 =	vperm.xlane v41, v39;
	v30 =	vperm.xlane v32, v39  }
0x109: {  	v10 =	vperm.xlane v10, v35;
	v14 =	vperm.xlane v14, v39;
	v5 =	vadd.f32 v58, v57  }
0x10a: {  	v27 =	vperm.xlane v27, v39;
	s5 =	sshll.u32 s19, $0x7;
	v8 =	vperm.xlane v8, v35  }
0x10b: {  	s5 =	sand.u32 $0x3FFFFC00, s5;
	v10 =	vadd.f32 v14, v10;
	v14 =	vperm.xlane v18, v19;
	v5 =	vadd.f32 v53, v5  }
0x10c: {  	v31 =	vperm.xlane v36, v39;
	v45 =	vperm.xlane v42, v19;
	s5 =	sor.u32 s6, s5;
	v8 =	vadd.f32 v27, v8  }
0x10d: {  	v46 =	vperm.xlane v22, v39;
	[tilespmem:s5+$0xC300] =	vst v5;
	v5 =	vperm.xlane v7, v35;
	v7 =	vadd.f32 v14, v10  }
0x10e: {  	v15 =	vperm.xlane v15, v35;
	v23 =	vperm.xlane v23, v39;
	v2 =	vadd.f32 v2, v8;
	v8 =	vld [tilespmem:$0x1FF20]  }
0x10f: {  	v12 =	vperm.xlane v12, v35;
	v20 =	vperm.xlane v20, v39;
	v3 =	vadd.f32 v3, v6;
	[tilespmem:s5+$0x9180] =	vst v7;
	v7 =	vld [tilespmem:$0x1FF60]  }
0x110: {  	v26 =	vadd.f32 v56, v55;
	v13 =	vperm.xlane v13, v35;
	v47 =	vperm.xlane v33, v19  }
0x111: {  	v16 =	vperm.xlane v16, v19;
	v15 =	vadd.f32 v20, v15;
	v1 =	vadd.f32 v1, v3  }
0x112: {  	v25 =	vadd.f32 v29, v25;
	v29 =	vperm.xlane v37, v39;
	v4 =	vadd.f32 v23, v4;
	v10 =	vld [tilespmem:$0x1FF30]  }
0x113: {  	[tilespmem:s5+$0xC000] =	vst v1;
	v1 =	vadd.f32 v47, v15;
	v48 =	vadd.f32 v31, v5;
	v5 =	vperm.xlane v28, v19  }
0x114: {  	v51 =	vld [tilespmem:$0x1FF80];
	v4 =	vadd.f32 v16, v4;
	v8 =	vperm.xlane v8, v35;
	v7 =	vperm.xlane v7, v39  }
0x115: {  	v6 =	vperm.xlane v52, v19;
	v13 =	vadd.f32 v29, v13;
	[tilespmem:s5+$0x9380] =	vst v1;
	v1 =	vadd.f32 v5, v48;
	v5 =	vld [tilespmem:$0x1FF50]  }
0x116: {  	v24 =	vperm.xlane v24, v39;
	v26 =	vadd.f32 v45, v26;
	[tilespmem:s5+$0x9200] =	vst v4;
	v4 =	vadd.f32 v7, v8;
	v7 =	vld [tilespmem:$0x1FF40]  }
0x117: {  	v12 =	vadd.f32 v30, v12;
	v6 =	vadd.f32 v6, v13;
	v10 =	vperm.xlane v10, v35;
	v8 =	vld [tilespmem:$0x1FF70]  }
0x118: {  	v0 =	vadd.f32 v46, v0;
	v22 =	vadd.f32 v54, v25;
	v25 =	vperm.xlane v34, v19;
	[tilespmem:s5+$0x9280] =	vst v26  }
0x119: {  	[tilespmem:s5+$0xC280] =	vst v6;
	v6 =	vperm.xlane v17, v19;
	v49 =	vadd.f32 v24, v10  }
0x11a: {  	v0 =	vadd.f32 v40, v0;
	v3 =	vperm.xlane v51, v39;
	v12 =	vadd.f32 v25, v12;
	[tilespmem:s5+$0xC200] =	vst v22  }
0x11b: {  	[tilespmem:s5+$0x9080] =	vst v2;
	v5 =	vperm.xlane v5, v35;
	v50 =	vadd.f32 v6, v49;
	v6 =	vperm.xlane v9, v19  }
0x11c: {  	[tilespmem:s5+$0x9000] =	vst v0;
	v7 =	vperm.xlane v7, v35;
	v8 =	vperm.xlane v8, v39  }
0x11d: {  	s19 =	smul.u32 $0x18, s17;
	[tilespmem:s5+$0x9100] =	vst v12;
	v52 =	vadd.f32 v3, v5  }
0x11e: {  	[tilespmem:s5+$0xC180] =	vst v1;
	v53 =	vadd.f32 v6, v4;
	v4 =	vperm.xlane v11, v19;
	v54 =	vadd.f32 v8, v7  }
0x11f: {  	s10 =	sadd.s32 s7, s19;
	[tilespmem:s5+$0xC080] =	vst v50;
	v55 =	vadd.f32 v21, v52  }
0x120: {  	s6 =	sshll.u32 s10, $0x7;
	[tilespmem:s5+$0x9300] =	vst v53;
	v56 =	vadd.f32 v4, v54  }
0x121: {  	p0 =	seq.s32 s17, $0xF;
	s6 =	sand.u32 $0x1FFFFF80, s6;
	[tilespmem:s5+$0xC380] =	vst v55  }
0x122: {  	s16 =	sadd.s32 s3, s6;
	[tilespmem:s5+$0xC100] =	vst v56;
	s5 =	sadd.s32 @!p0 s19, s11  }
0x123: {  	[hbm4b:s16+s24] =	stream.strided.scatter [tilespmem:s24], [sflag:$0x3], $0xC000, s23, s24, $0x38;
	[tilespmem:$0x1B600] =	vst v63  }
0x124: {  	s5 =	sshll.u32 @!p0 s5, $0x6  }
0x125: {  	p1 =	seq.s32 @!p0 s17, $0x0;
	s5 =	sand.u32 @!p0 $0x1FFFFFC0, s5  }
0x126: {  	p1 =	por p0, !p1;
	s6 =	simm.s32 @!p0 $0x0;
	s5 =	sadd.s32 @!p0 s1, s5  }
0x127: {  	[tilespmem:s6], [sflag:$0x1] =	stream.linear.gather @!p0 [hbm4b:s5+s6], $0x1800, $0x38;
	[tilespmem:$0x1B600] =	vst v63  }
0x128: {  	_ =	swait.ge @p1 [sflag:s29], $0xC000  }
0x129: {  	[sflag:s29] =	ssyncset.done @p1 $0x0  }
0x12a: {  	[sflag:s29] =	ssyncadd.s32 @p1 $0xFFFF4000  }
0x12b: {  	_ =	swait.ge [sflag:s25], $0x1800  }
0x12c: {  	[sflag:s25] =	ssyncset.done $0x0  }
0x12d: {  	[sflag:s25] =	ssyncadd.s32 $0xFFFFE800  }
0x12e: {  	v25 =	vld [tilespmem:$0x1B000]  }
0x12f: {  	v8 =	vld [tilespmem:$0x1B010]  }
0x130: {  	v12 =	vld [tilespmem:$0x1B020]  }
0x131: {  	v10 =	vld [tilespmem:$0x1B030]  }
0x132: {  	v26 =	vld [tilespmem:$0x1B040]  }
0x133: {  	v31 =	vld [tilespmem:$0x1B050]  }
0x134: {  	v57 =	vld [tilespmem:$0x1B060]  }
0x135: {  	v15 =	vld [tilespmem:$0x1B070]  }
0x136: {  	v29 =	vld [tilespmem:$0x1B080]  }
0x137: {  	v58 =	vld [tilespmem:$0x1B090]  }
0x138: {  	v59 =	vld [tilespmem:$0x1B0A0]  }
0x139: {  	v7 =	vld [tilespmem:$0x1B0B0]  }
0x13a: {  	v30 =	vld [tilespmem:$0x1B0C0]  }
0x13b: {  	v13 =	vld [tilespmem:$0x1B0D0]  }
0x13c: {  	v38 =	vld [tilespmem:$0x1B0E0]  }
0x13d: {  	v60 =	vld [tilespmem:$0x1B0F0]  }
0x13e: {  	v21 =	vld [tilespmem:$0x1B200]  }
0x13f: {  	v27 =	vld [tilespmem:$0x1B210]  }
0x140: {  	v32 =	vld [tilespmem:$0x1B220]  }
0x141: {  	v14 =	vld [tilespmem:$0x1B230]  }
0x142: {  	v22 =	vld [tilespmem:$0x1B240]  }
0x143: {  	v44 =	vld [tilespmem:$0x1B250]  }
0x144: {  	v61 =	vld [tilespmem:$0x1B260]  }
0x145: {  	v20 =	vld [tilespmem:$0x1B270]  }
0x146: {  	v43 =	vld [tilespmem:$0x1B280]  }
0x147: {  	v24 =	vld [tilespmem:$0x1B290]  }
0x148: {  	v62 =	vld [tilespmem:$0x1B2A0]  }
0x149: {  	v36 =	vld [tilespmem:$0x1B2B0]  }
0x14a: {  	v41 =	vld [tilespmem:$0x1B2C0]  }
0x14b: {  	v37 =	vld [tilespmem:$0x1B2D0]  }
0x14c: {  	v46 =	vld [tilespmem:$0x1B2E0]  }
0x14d: {  	v63 =	vld [tilespmem:$0x1B2F0]  }
0x14e: {  	v47 =	vld [tilespmem:$0x1B400]  }
0x14f: {  	v45 =	vld [tilespmem:$0x1B410]  }
0x150: {  	v34 =	vld [tilespmem:$0x1B420]  }
0x151: {  	v18 =	vld [tilespmem:$0x1B430]  }
0x152: {  	v16 =	vld [tilespmem:$0x1B440]  }
0x153: {  	v42 =	vld [tilespmem:$0x1B450]  }
0x154: {  	s20 =	simm.s32 $0x0;
	s5 =	simm.s32 $0x0;
	v9 =	vld [tilespmem:$0x1B460]  }
0x155: {  	s6 =	sand.u32 $0x3FFFFE00, s20;
	s8 =	sand.u32 $0x70, s5;
	v48 =	vld [tilespmem:$0x1B4E0]  }
0x156: {  	s6 =	sor.u32 s8, s6;
	v49 =	vld [tilespmem:$0x1B4F0]  }
0x157: {  	v11 =	vld [tilespmem:s6+$0x1900]  }
0x158: {  	v23 =	vld [tilespmem:s6+$0x1800]  }
0x159: {  	v28 =	vld [tilespmem:s6+$0x1880]  }
0x15a: {  	v51 =	vld [tilespmem:$0x1B4C0];
	[tilespmem:$0x1FEB0] =	vst v57  }
0x15b: {  	v33 =	vld [tilespmem:$0x1B470];
	[tilespmem:$0x1FEC0] =	vst v58  }
0x15c: {  	v50 =	vld [tilespmem:$0x1B480];
	[tilespmem:$0x1FED0] =	vst v59;
	v19 =	vand.u32 $0xF, v11  }
0x15d: {  	v17 =	vld [tilespmem:$0x1B490];
	[tilespmem:$0x1FEE0] =	vst v60;
	v35 =	vand.u32 $0xF, v23;
	v40 =	vperm.xlane v47, v19;
	v23 =	vperm.xlane v49, v19  }
0x15e: {  	v52 =	vld [tilespmem:$0x1B4D0];
	[tilespmem:$0x1FEF0] =	vst v61;
	v39 =	vand.u32 $0xF, v28;
	v55 =	vperm.xlane v31, v35;
	v53 =	vperm.xlane v48, v19  }
0x15f: {  	[tilespmem:$0x1FF00] =	vst v62;
	v11 =	vld [tilespmem:$0x1B4A0];
	v56 =	vperm.xlane v44, v39;
	v54 =	vperm.xlane v51, v19  }
0x160: {  	s20 =	simm.s32 $0x0;
	s6 =	simm.s32 $0x1;
	[tilespmem:$0x1FF10] =	vst v63;
	v28 =	vld [tilespmem:$0x1B4B0];
	v57 =	vperm.xlane v38, v35;
	v58 =	vperm.xlane v46, v39  }
.LBB2_7:
0x161: {  	v59 =	vperm.xlane v25, v35;
	v60 =	vperm.xlane v50, v19  }
0x162: {  	v61 =	vperm.xlane v45, v19;
	v62 =	vperm.xlane v43, v39  }
0x163: {  	v63 =	vperm.xlane v29, v35;
	v4 =	vperm.xlane v42, v19;
	v55 =	vadd.f32 v56, v55  }
0x164: {  	v0 =	vperm.xlane v41, v39;
	v1 =	vperm.xlane v32, v39;
	s16 =	sshll.u32 s20, $0x7  }
0x165: {  	s10 =	smov.u32 s6;
	v2 =	vperm.xlane v36, v39;
	v3 =	vperm.xlane v27, v39;
	s16 =	sand.u32 $0x3FFFFC00, s16;
	v4 =	vadd.f32 v4, v55  }
0x166: {  	v5 =	vperm.xlane v15, v35;
	v56 =	vperm.xlane v30, v35;
	s20 =	smov.u32 s10;
	s10 =	sor.u32 s8, s16  }
0x167: {  	v6 =	vperm.xlane v22, v39;
	[tilespmem:s10+$0xF280] =	vst v4;
	v4 =	vperm.xlane v20, v39  }
0x168: {  	v57 =	vadd.f32 v58, v57;
	v58 =	vperm.xlane v26, v35;
	v0 =	vadd.f32 v0, v56  }
0x169: {  	v62 =	vadd.f32 v62, v63;
	v4 =	vadd.f32 v4, v5;
	v5 =	vperm.xlane v33, v19  }
0x16a: {  	v63 =	vperm.xlane v52, v19;
	v56 =	vperm.xlane v37, v39;
	v0 =	vadd.f32 v54, v0  }
0x16b: {  	v55 =	vperm.xlane v12, v35;
	v6 =	vadd.f32 v6, v58;
	v4 =	vadd.f32 v5, v4  }
0x16c: {  	v58 =	vperm.xlane v8, v35;
	v60 =	vadd.f32 v60, v62;
	v62 =	vperm.xlane v21, v39;
	[tilespmem:s10+$0x12200] =	vst v0  }
0x16d: {  	v54 =	vperm.xlane v34, v19;
	v1 =	vadd.f32 v1, v55;
	v0 =	vadd.f32 v53, v57;
	[tilespmem:s10+$0xF380] =	vst v4;
	v4 =	vld [tilespmem:$0x1FEC0]  }
0x16e: {  	v3 =	vadd.f32 v3, v58;
	v58 =	vperm.xlane v7, v35;
	v57 =	vperm.xlane v13, v35  }
0x16f: {  	v53 =	vperm.xlane v10, v35;
	[tilespmem:s10+$0x12300] =	vst v0;
	v0 =	vperm.xlane v14, v39  }
0x170: {  	[tilespmem:s10+$0x12000] =	vst v60;
	v60 =	vperm.xlane v24, v39;
	v1 =	vadd.f32 v54, v1;
	v54 =	vadd.f32 v56, v57  }
0x171: {  	v3 =	vadd.f32 v61, v3;
	v61 =	vld [tilespmem:$0x1FF00];
	v57 =	vperm.xlane v18, v19;
	v0 =	vadd.f32 v0, v53  }
0x172: {  	[tilespmem:s10+$0xF100] =	vst v1;
	v1 =	vadd.f32 v2, v58;
	v58 =	vld [tilespmem:$0x1FEF0];
	v5 =	vadd.f32 v63, v54;
	v4 =	vperm.xlane v4, v35  }
0x173: {  	v55 =	vperm.xlane v16, v19;
	v0 =	vadd.f32 v57, v0;
	v57 =	vld [tilespmem:$0x1FEB0]  }
0x174: {  	[tilespmem:s10+$0x12280] =	vst v5;
	v5 =	vadd.f32 v62, v59;
	v59 =	vld [tilespmem:$0x1FEE0];
	v56 =	vadd.f32 v60, v4;
	v4 =	vperm.xlane v17, v19  }
0x175: {  	v63 =	vperm.xlane v28, v19;
	v60 =	vld [tilespmem:$0x1FED0]  }
0x176: {  	v6 =	vadd.f32 v55, v6;
	[tilespmem:s10+$0xF180] =	vst v0;
	v0 =	vadd.f32 v4, v56;
	v4 =	vld [tilespmem:$0x1FF10]  }
0x177: {  	[tilespmem:s10+$0xF080] =	vst v3;
	v1 =	vadd.f32 v63, v1  }
0x178: {  	[tilespmem:s10+$0xF200] =	vst v6;
	v6 =	vperm.xlane v9, v19  }
0x179: {  	v53 =	vperm.xlane v58, v39;
	[tilespmem:s10+$0x12180] =	vst v1;
	v3 =	vperm.xlane v57, v35  }
0x17a: {  	v1 =	vperm.xlane v61, v39;
	[tilespmem:s10+$0x12080] =	vst v0;
	v0 =	vperm.xlane v60, v35  }
0x17b: {  	v2 =	vperm.xlane v59, v35;
	v3 =	vadd.f32 v53, v3;
	v4 =	vperm.xlane v4, v39  }
0x17c: {  	v62 =	vperm.xlane v11, v19;
	v5 =	vadd.f32 v40, v5;
	v0 =	vadd.f32 v1, v0  }
0x17d: {  	v3 =	vadd.f32 v6, v3;
	v2 =	vadd.f32 v4, v2  }
0x17e: {  	[tilespmem:s10+$0xF000] =	vst v5;
	v0 =	vadd.f32 v62, v0  }
0x17f: {  	s5 =	sadd.s32 $0x10, s5;
	s16 =	sshll.u32 s20, $0x6;
	[tilespmem:s10+$0xF300] =	vst v3;
	v2 =	vadd.f32 v23, v2  }
0x180: {  	s8 =	sand.u32 $0x70, s5;
	s16 =	sand.u32 $0x3FFFFE00, s16;
	[tilespmem:s10+$0x12100] =	vst v0  }
0x181: {  	s16 =	sor.u32 s8, s16;
	[tilespmem:s10+$0x12380] =	vst v2  }
0x182: {  	v0 =	vld [tilespmem:s16+$0x1900]  }
0x183: {  	v63 =	vld [tilespmem:s16+$0x1800]  }
0x184: {  	v2 =	vld [tilespmem:s16+$0x1880];
	_ =	sdelay $0x1  }
0x185: {  	p1 =	sne.s32 s6, $0x5F  }
.Ltmp2:
0x186: {  	v19 =	vand.u32 $0xF, v0;
	(pc) =	sbr.rel @p1 .LBB2_7-.Ltmp2, $4  }
0x187: {  	v35 =	vand.u32 $0xF, v63;
	v40 =	vperm.xlane v47, v19;
	v23 =	vperm.xlane v49, v19  }
0x188: {  	v39 =	vand.u32 $0xF, v2;
	v55 =	vperm.xlane v31, v35;
	v53 =	vperm.xlane v48, v19  }
0x189: {  	v56 =	vperm.xlane v44, v39;
	v54 =	vperm.xlane v51, v19  }
0x18a: {  	s6 =	sadd.s32 $0x1, s6;
	v57 =	vperm.xlane v38, v35;
	v58 =	vperm.xlane v46, v39  }
0x18b: {  	v0 =	vperm.xlane v25, v35  }
0x18c: {  	v1 =	vperm.xlane v50, v19;
	v2 =	vperm.xlane v45, v19  }
0x18d: {  	v3 =	vperm.xlane v43, v39;
	v4 =	vperm.xlane v26, v35  }
0x18e: {  	v6 =	vperm.xlane v29, v35;
	v25 =	vperm.xlane v30, v35  }
0x18f: {  	v29 =	vperm.xlane v41, v39;
	v30 =	vperm.xlane v32, v39  }
0x190: {  	v10 =	vperm.xlane v10, v35;
	v14 =	vperm.xlane v14, v39;
	v5 =	vadd.f32 v58, v57  }
0x191: {  	v27 =	vperm.xlane v27, v39;
	s5 =	sshll.u32 s20, $0x7;
	v8 =	vperm.xlane v8, v35  }
0x192: {  	s5 =	sand.u32 $0x3FFFFC00, s5;
	v10 =	vadd.f32 v14, v10;
	v14 =	vperm.xlane v18, v19;
	v5 =	vadd.f32 v53, v5  }
0x193: {  	v31 =	vperm.xlane v36, v39;
	v46 =	vperm.xlane v42, v19;
	s5 =	sor.u32 s8, s5;
	v8 =	vadd.f32 v27, v8  }
0x194: {  	v47 =	vperm.xlane v21, v39;
	[tilespmem:s5+$0x12300] =	vst v5;
	v5 =	vperm.xlane v7, v35;
	v7 =	vadd.f32 v14, v10  }
0x195: {  	v15 =	vperm.xlane v15, v35;
	v22 =	vperm.xlane v22, v39;
	v2 =	vadd.f32 v2, v8;
	v8 =	vld [tilespmem:$0x1FEB0]  }
0x196: {  	v20 =	vperm.xlane v20, v39;
	v13 =	vperm.xlane v13, v35;
	v3 =	vadd.f32 v3, v6;
	[tilespmem:s5+$0xF180] =	vst v7;
	v7 =	vld [tilespmem:$0x1FEF0]  }
0x197: {  	v26 =	vadd.f32 v56, v55;
	v48 =	vperm.xlane v33, v19;
	v16 =	vperm.xlane v16, v19  }
0x198: {  	v6 =	vperm.xlane v52, v19;
	v15 =	vadd.f32 v20, v15;
	v1 =	vadd.f32 v1, v3  }
0x199: {  	v25 =	vadd.f32 v29, v25;
	v29 =	vperm.xlane v37, v39;
	v4 =	vadd.f32 v22, v4;
	v10 =	vld [tilespmem:$0x1FEC0]  }
0x19a: {  	[tilespmem:s5+$0x12000] =	vst v1;
	v1 =	vadd.f32 v48, v15;
	v49 =	vadd.f32 v31, v5;
	v5 =	vperm.xlane v28, v19  }
0x19b: {  	v52 =	vld [tilespmem:$0x1FF10];
	v4 =	vadd.f32 v16, v4;
	v8 =	vperm.xlane v8, v35;
	v7 =	vperm.xlane v7, v39  }
0x19c: {  	v12 =	vperm.xlane v12, v35;
	v13 =	vadd.f32 v29, v13;
	[tilespmem:s5+$0xF380] =	vst v1;
	v1 =	vadd.f32 v5, v49;
	v5 =	vld [tilespmem:$0x1FEE0]  }
0x19d: {  	v24 =	vperm.xlane v24, v39;
	v26 =	vadd.f32 v46, v26;
	[tilespmem:s5+$0xF200] =	vst v4;
	v4 =	vadd.f32 v7, v8;
	v7 =	vld [tilespmem:$0x1FED0]  }
0x19e: {  	v12 =	vadd.f32 v30, v12;
	v6 =	vadd.f32 v6, v13;
	v10 =	vperm.xlane v10, v35;
	v8 =	vld [tilespmem:$0x1FF00]  }
0x19f: {  	v0 =	vadd.f32 v47, v0;
	v21 =	vadd.f32 v54, v25;
	v25 =	vperm.xlane v34, v19;
	[tilespmem:s5+$0xF280] =	vst v26  }
0x1a0: {  	[tilespmem:s5+$0x12280] =	vst v6;
	v6 =	vperm.xlane v17, v19;
	v50 =	vadd.f32 v24, v10  }
0x1a1: {  	v0 =	vadd.f32 v40, v0;
	v12 =	vadd.f32 v25, v12;
	[tilespmem:s5+$0x12200] =	vst v21;
	v3 =	vperm.xlane v52, v39  }
0x1a2: {  	[tilespmem:s5+$0xF080] =	vst v2;
	v5 =	vperm.xlane v5, v35;
	v51 =	vadd.f32 v6, v50;
	v6 =	vperm.xlane v9, v19  }
0x1a3: {  	[tilespmem:s5+$0xF000] =	vst v0;
	v7 =	vperm.xlane v7, v35;
	v8 =	vperm.xlane v8, v39  }
0x1a4: {  	[tilespmem:s5+$0xF100] =	vst v12;
	v53 =	vadd.f32 v3, v5  }
0x1a5: {  	[tilespmem:s5+$0x12180] =	vst v1;
	v54 =	vadd.f32 v6, v4;
	v4 =	vperm.xlane v11, v19;
	v55 =	vadd.f32 v8, v7  }
0x1a6: {  	[tilespmem:s5+$0x12080] =	vst v51;
	v56 =	vadd.f32 v23, v53  }
0x1a7: {  	[tilespmem:s5+$0xF300] =	vst v54;
	v57 =	vadd.f32 v4, v55  }
0x1a8: {  	[tilespmem:s5+$0x12380] =	vst v56  }
0x1a9: {  	[tilespmem:s5+$0x12100] =	vst v57  }
0x1aa: {  	v25 =	vld [tilespmem:$0x1B100]  }
0x1ab: {  	v8 =	vld [tilespmem:$0x1B110]  }
0x1ac: {  	v12 =	vld [tilespmem:$0x1B120]  }
0x1ad: {  	v10 =	vld [tilespmem:$0x1B130]  }
0x1ae: {  	v26 =	vld [tilespmem:$0x1B140]  }
0x1af: {  	v31 =	vld [tilespmem:$0x1B150]  }
0x1b0: {  	v0 =	vld [tilespmem:$0x1B160]  }
0x1b1: {  	v15 =	vld [tilespmem:$0x1B170]  }
0x1b2: {  	v29 =	vld [tilespmem:$0x1B180]  }
0x1b3: {  	v58 =	vld [tilespmem:$0x1B190]  }
0x1b4: {  	v59 =	vld [tilespmem:$0x1B1A0]  }
0x1b5: {  	v7 =	vld [tilespmem:$0x1B1B0]  }
0x1b6: {  	v30 =	vld [tilespmem:$0x1B1C0]  }
0x1b7: {  	v13 =	vld [tilespmem:$0x1B1D0]  }
0x1b8: {  	v38 =	vld [tilespmem:$0x1B1E0]  }
0x1b9: {  	v60 =	vld [tilespmem:$0x1B1F0]  }
0x1ba: {  	v21 =	vld [tilespmem:$0x1B300]  }
0x1bb: {  	v27 =	vld [tilespmem:$0x1B310]  }
0x1bc: {  	v32 =	vld [tilespmem:$0x1B320]  }
0x1bd: {  	v14 =	vld [tilespmem:$0x1B330]  }
0x1be: {  	v22 =	vld [tilespmem:$0x1B340]  }
0x1bf: {  	v44 =	vld [tilespmem:$0x1B350]  }
0x1c0: {  	v61 =	vld [tilespmem:$0x1B360]  }
0x1c1: {  	v20 =	vld [tilespmem:$0x1B370]  }
0x1c2: {  	v43 =	vld [tilespmem:$0x1B380]  }
0x1c3: {  	v24 =	vld [tilespmem:$0x1B390]  }
0x1c4: {  	v62 =	vld [tilespmem:$0x1B3A0]  }
0x1c5: {  	v36 =	vld [tilespmem:$0x1B3B0]  }
0x1c6: {  	v41 =	vld [tilespmem:$0x1B3C0]  }
0x1c7: {  	v37 =	vld [tilespmem:$0x1B3D0]  }
0x1c8: {  	v46 =	vld [tilespmem:$0x1B3E0]  }
0x1c9: {  	v63 =	vld [tilespmem:$0x1B3F0]  }
0x1ca: {  	v47 =	vld [tilespmem:$0x1B500]  }
0x1cb: {  	v45 =	vld [tilespmem:$0x1B510]  }
0x1cc: {  	v34 =	vld [tilespmem:$0x1B520]  }
0x1cd: {  	v18 =	vld [tilespmem:$0x1B530]  }
0x1ce: {  	v16 =	vld [tilespmem:$0x1B540]  }
0x1cf: {  	v42 =	vld [tilespmem:$0x1B550]  }
0x1d0: {  	s6 =	simm.s32 $0x0;
	s5 =	simm.s32 $0x0;
	v9 =	vld [tilespmem:$0x1B560]  }
0x1d1: {  	s6 =	sand.u32 $0x3FFFFE00, s6;
	v48 =	vld [tilespmem:$0x1B5E0];
	s8 =	sand.u32 $0x70, s5  }
0x1d2: {  	v49 =	vld [tilespmem:$0x1B5F0];
	s6 =	sor.u32 s8, s6  }
0x1d3: {  	v11 =	vld [tilespmem:s6+$0x1900]  }
0x1d4: {  	v23 =	vld [tilespmem:s6+$0x1800]  }
0x1d5: {  	v28 =	vld [tilespmem:s6+$0x1880]  }
0x1d6: {  	v51 =	vld [tilespmem:$0x1B5C0];
	[tilespmem:$0x1FE40] =	vst v0  }
0x1d7: {  	v33 =	vld [tilespmem:$0x1B570];
	[tilespmem:$0x1FE50] =	vst v58  }
0x1d8: {  	v50 =	vld [tilespmem:$0x1B580];
	[tilespmem:$0x1FE60] =	vst v59;
	v19 =	vand.u32 $0xF, v11  }
0x1d9: {  	v17 =	vld [tilespmem:$0x1B590];
	[tilespmem:$0x1FE70] =	vst v60;
	v35 =	vand.u32 $0xF, v23;
	v40 =	vperm.xlane v47, v19;
	v23 =	vperm.xlane v49, v19  }
0x1da: {  	v52 =	vld [tilespmem:$0x1B5D0];
	[tilespmem:$0x1FE80] =	vst v61;
	v39 =	vand.u32 $0xF, v28;
	v55 =	vperm.xlane v31, v35;
	v53 =	vperm.xlane v48, v19  }
0x1db: {  	[tilespmem:$0x1FE90] =	vst v62;
	v11 =	vld [tilespmem:$0x1B5A0];
	v56 =	vperm.xlane v44, v39;
	v54 =	vperm.xlane v51, v19  }
0x1dc: {  	s20 =	simm.s32 $0x0;
	s6 =	simm.s32 $0x1;
	[tilespmem:$0x1FEA0] =	vst v63;
	v28 =	vld [tilespmem:$0x1B5B0];
	v57 =	vperm.xlane v38, v35;
	v58 =	vperm.xlane v46, v39  }
.LBB2_9:
0x1dd: {  	v59 =	vperm.xlane v25, v35;
	v60 =	vperm.xlane v50, v19  }
0x1de: {  	v61 =	vperm.xlane v45, v19;
	v62 =	vperm.xlane v43, v39  }
0x1df: {  	v63 =	vperm.xlane v29, v35;
	v4 =	vperm.xlane v42, v19;
	v55 =	vadd.f32 v56, v55  }
0x1e0: {  	v0 =	vperm.xlane v41, v39;
	v1 =	vperm.xlane v32, v39;
	s16 =	sshll.u32 s20, $0x7  }
0x1e1: {  	s10 =	smov.u32 s6;
	v2 =	vperm.xlane v36, v39;
	v3 =	vperm.xlane v27, v39;
	s16 =	sand.u32 $0x3FFFFC00, s16;
	v4 =	vadd.f32 v4, v55  }
0x1e2: {  	v5 =	vperm.xlane v15, v35;
	v56 =	vperm.xlane v30, v35;
	s20 =	smov.u32 s10;
	s10 =	sor.u32 s8, s16  }
0x1e3: {  	v6 =	vperm.xlane v22, v39;
	[tilespmem:s10+$0x15280] =	vst v4;
	v4 =	vperm.xlane v20, v39  }
0x1e4: {  	v57 =	vadd.f32 v58, v57;
	v58 =	vperm.xlane v26, v35;
	v0 =	vadd.f32 v0, v56  }
0x1e5: {  	v62 =	vadd.f32 v62, v63;
	v4 =	vadd.f32 v4, v5;
	v5 =	vperm.xlane v33, v19  }
0x1e6: {  	v63 =	vperm.xlane v52, v19;
	v56 =	vperm.xlane v37, v39;
	v0 =	vadd.f32 v54, v0  }
0x1e7: {  	v55 =	vperm.xlane v12, v35;
	v6 =	vadd.f32 v6, v58;
	v4 =	vadd.f32 v5, v4  }
0x1e8: {  	v58 =	vperm.xlane v8, v35;
	v60 =	vadd.f32 v60, v62;
	v62 =	vperm.xlane v21, v39;
	[tilespmem:s10+$0x18200] =	vst v0  }
0x1e9: {  	v54 =	vperm.xlane v34, v19;
	v1 =	vadd.f32 v1, v55;
	v0 =	vadd.f32 v53, v57;
	[tilespmem:s10+$0x15380] =	vst v4;
	v4 =	vld [tilespmem:$0x1FE50]  }
0x1ea: {  	v3 =	vadd.f32 v3, v58;
	v58 =	vperm.xlane v7, v35;
	v57 =	vperm.xlane v13, v35  }
0x1eb: {  	v53 =	vperm.xlane v10, v35;
	[tilespmem:s10+$0x18300] =	vst v0;
	v0 =	vperm.xlane v14, v39  }
0x1ec: {  	[tilespmem:s10+$0x18000] =	vst v60;
	v60 =	vperm.xlane v24, v39;
	v1 =	vadd.f32 v54, v1;
	v54 =	vadd.f32 v56, v57  }
0x1ed: {  	v3 =	vadd.f32 v61, v3;
	v61 =	vld [tilespmem:$0x1FE90];
	v57 =	vperm.xlane v18, v19;
	v0 =	vadd.f32 v0, v53  }
0x1ee: {  	[tilespmem:s10+$0x15100] =	vst v1;
	v1 =	vadd.f32 v2, v58;
	v58 =	vld [tilespmem:$0x1FE80];
	v5 =	vadd.f32 v63, v54;
	v4 =	vperm.xlane v4, v35  }
0x1ef: {  	v55 =	vperm.xlane v16, v19;
	v0 =	vadd.f32 v57, v0;
	v57 =	vld [tilespmem:$0x1FE40]  }
0x1f0: {  	[tilespmem:s10+$0x18280] =	vst v5;
	v5 =	vadd.f32 v62, v59;
	v59 =	vld [tilespmem:$0x1FE70];
	v56 =	vadd.f32 v60, v4;
	v4 =	vperm.xlane v17, v19  }
0x1f1: {  	v63 =	vperm.xlane v28, v19;
	v60 =	vld [tilespmem:$0x1FE60]  }
0x1f2: {  	v6 =	vadd.f32 v55, v6;
	[tilespmem:s10+$0x15180] =	vst v0;
	v0 =	vadd.f32 v4, v56;
	v4 =	vld [tilespmem:$0x1FEA0]  }
0x1f3: {  	[tilespmem:s10+$0x15080] =	vst v3;
	v1 =	vadd.f32 v63, v1  }
0x1f4: {  	[tilespmem:s10+$0x15200] =	vst v6;
	v6 =	vperm.xlane v9, v19  }
0x1f5: {  	v53 =	vperm.xlane v58, v39;
	[tilespmem:s10+$0x18180] =	vst v1;
	v3 =	vperm.xlane v57, v35  }
0x1f6: {  	v1 =	vperm.xlane v61, v39;
	[tilespmem:s10+$0x18080] =	vst v0;
	v0 =	vperm.xlane v60, v35  }
0x1f7: {  	v2 =	vperm.xlane v59, v35;
	v3 =	vadd.f32 v53, v3;
	v4 =	vperm.xlane v4, v39  }
0x1f8: {  	v62 =	vperm.xlane v11, v19;
	v5 =	vadd.f32 v40, v5;
	v0 =	vadd.f32 v1, v0  }
0x1f9: {  	v3 =	vadd.f32 v6, v3;
	v2 =	vadd.f32 v4, v2  }
0x1fa: {  	[tilespmem:s10+$0x15000] =	vst v5;
	v0 =	vadd.f32 v62, v0  }
0x1fb: {  	s5 =	sadd.s32 $0x10, s5;
	s16 =	sshll.u32 s20, $0x6;
	[tilespmem:s10+$0x15300] =	vst v3;
	v2 =	vadd.f32 v23, v2  }
0x1fc: {  	s8 =	sand.u32 $0x70, s5;
	s16 =	sand.u32 $0x3FFFFE00, s16;
	[tilespmem:s10+$0x18100] =	vst v0  }
0x1fd: {  	s16 =	sor.u32 s8, s16;
	[tilespmem:s10+$0x18380] =	vst v2  }
0x1fe: {  	v0 =	vld [tilespmem:s16+$0x1900]  }
0x1ff: {  	v63 =	vld [tilespmem:s16+$0x1800]  }
0x200: {  	v2 =	vld [tilespmem:s16+$0x1880];
	_ =	sdelay $0x1  }
0x201: {  	p1 =	sne.s32 s6, $0x5F  }
.Ltmp3:
0x202: {  	v19 =	vand.u32 $0xF, v0;
	(pc) =	sbr.rel @p1 .LBB2_9-.Ltmp3, $4  }
0x203: {  	v35 =	vand.u32 $0xF, v63;
	v40 =	vperm.xlane v47, v19;
	v23 =	vperm.xlane v49, v19  }
0x204: {  	v39 =	vand.u32 $0xF, v2;
	v55 =	vperm.xlane v31, v35;
	v53 =	vperm.xlane v48, v19  }
0x205: {  	v56 =	vperm.xlane v44, v39;
	v54 =	vperm.xlane v51, v19  }
0x206: {  	s6 =	sadd.s32 $0x1, s6;
	v57 =	vperm.xlane v38, v35;
	v58 =	vperm.xlane v46, v39  }
0x207: {  	v0 =	vperm.xlane v25, v35;
	v1 =	vperm.xlane v50, v19  }
0x208: {  	v2 =	vperm.xlane v45, v19;
	v3 =	vperm.xlane v43, v39  }
0x209: {  	v4 =	vperm.xlane v26, v35;
	v6 =	vperm.xlane v29, v35  }
0x20a: {  	v51 =	vperm.xlane v30, v35;
	v59 =	vperm.xlane v32, v39  }
0x20b: {  	v60 =	vperm.xlane v52, v19;
	v31 =	vperm.xlane v36, v39  }
0x20c: {  	v61 =	vperm.xlane v37, v39;
	v27 =	vperm.xlane v27, v39  }
0x20d: {  	v62 =	vperm.xlane v42, v19;
	v63 =	vperm.xlane v21, v39  }
0x20e: {  	v15 =	vperm.xlane v15, v35;
	v37 =	vperm.xlane v34, v19  }
0x20f: {  	v22 =	vperm.xlane v22, v39;
	v12 =	vperm.xlane v12, v35  }
0x210: {  	v24 =	vperm.xlane v24, v39;
	v20 =	vperm.xlane v20, v39  }
0x211: {  	v10 =	vperm.xlane v10, v35;
	v13 =	vperm.xlane v13, v35;
	v5 =	vadd.f32 v58, v57  }
0x212: {  	v14 =	vperm.xlane v14, v39;
	v57 =	vadd.f32 v56, v55;
	v3 =	vadd.f32 v3, v6  }
0x213: {  	s5 =	sshll.u32 s20, $0x7;
	v38 =	vperm.xlane v33, v19;
	v4 =	vadd.f32 v22, v4;
	v12 =	vadd.f32 v59, v12  }
0x214: {  	v8 =	vperm.xlane v8, v35;
	v44 =	vld [tilespmem:$0x1FE50];
	s5 =	sand.u32 $0x3FFFFC00, s5;
	v15 =	vadd.f32 v20, v15;
	v26 =	vadd.f32 v62, v57  }
0x215: {  	v16 =	vperm.xlane v16, v19;
	v49 =	vld [tilespmem:$0x1FE40];
	s5 =	sor.u32 s8, s5;
	v13 =	vadd.f32 v61, v13;
	v5 =	vadd.f32 v53, v5  }
0x216: {  	v50 =	vld [tilespmem:$0x1FE80];
	v58 =	vperm.xlane v41, v39;
	v10 =	vadd.f32 v14, v10;
	v1 =	vadd.f32 v1, v3;
	[tilespmem:s5+$0x15280] =	vst v26  }
0x217: {  	v41 =	vperm.xlane v18, v19;
	v56 =	vld [tilespmem:$0x1FE60];
	v8 =	vadd.f32 v27, v8;
	v12 =	vadd.f32 v37, v12;
	[tilespmem:s5+$0x18300] =	vst v5  }
0x218: {  	v42 =	vperm.xlane v7, v35;
	v25 =	vadd.f32 v58, v51;
	v51 =	vld [tilespmem:$0x1FE70];
	v6 =	vadd.f32 v60, v13;
	[tilespmem:s5+$0x18000] =	vst v1  }
0x219: {  	v46 =	vperm.xlane v28, v19;
	v0 =	vadd.f32 v63, v0;
	v53 =	vld [tilespmem:$0x1FEA0];
	v43 =	vadd.f32 v41, v10;
	[tilespmem:s5+$0x15100] =	vst v12  }
0x21a: {  	v48 =	vperm.xlane v17, v19;
	v45 =	vadd.f32 v31, v42;
	v57 =	vld [tilespmem:$0x1FE90];
	v2 =	vadd.f32 v2, v8;
	[tilespmem:s5+$0x18280] =	vst v6  }
0x21b: {  	v4 =	vadd.f32 v16, v4;
	v0 =	vadd.f32 v40, v0;
	v10 =	vperm.xlane v44, v35;
	[tilespmem:s5+$0x15180] =	vst v43  }
0x21c: {  	v36 =	vadd.f32 v54, v25;
	v8 =	vperm.xlane v49, v35;
	v7 =	vperm.xlane v50, v39;
	[tilespmem:s5+$0x15080] =	vst v2  }
0x21d: {  	v54 =	vperm.xlane v9, v19;
	v1 =	vadd.f32 v38, v15;
	[tilespmem:s5+$0x15200] =	vst v4;
	v47 =	vadd.f32 v24, v10  }
0x21e: {  	[tilespmem:s5+$0x15000] =	vst v0;
	v55 =	vadd.f32 v7, v8;
	v5 =	vperm.xlane v51, v35;
	v3 =	vperm.xlane v53, v39  }
0x21f: {  	v7 =	vperm.xlane v56, v35;
	[tilespmem:s5+$0x15380] =	vst v1;
	v1 =	vadd.f32 v46, v45;
	v8 =	vperm.xlane v57, v39  }
0x220: {  	[tilespmem:s5+$0x18200] =	vst v36;
	v52 =	vadd.f32 v48, v47;
	v58 =	vadd.f32 v3, v5  }
0x221: {  	v61 =	vperm.xlane v11, v19;
	v59 =	vadd.f32 v54, v55;
	[tilespmem:s5+$0x18180] =	vst v1;
	v60 =	vadd.f32 v8, v7  }
.Ltmp4:
0x222: {  	s6 =	sadd.s32 s19, s13;
	[tilespmem:s5+$0x18080] =	vst v52;
	v62 =	vadd.f32 v23, v58;
	(pc) =	sbr.rel @p0 .LBB2_12-.Ltmp4, $4  }
0x223: {  	s6 =	sshll.u32 s6, $0x7;
	[tilespmem:s5+$0x15300] =	vst v59;
	v63 =	vadd.f32 v61, v60  }
0x224: {  	s6 =	sand.u32 $0x1FFFFF80, s6;
	[tilespmem:s5+$0x18380] =	vst v62  }
0x225: {  	s20 =	sadd.s32 s3, s6;
	[tilespmem:s5+$0x18100] =	vst v63  }
0x226: {  	[hbm4b:s20+s24] =	stream.strided.scatter [tilespmem:s26], [sflag:$0x4], $0xC000, s23, s24, $0x38;
	[tilespmem:$0x1B600] =	vst v63  }
.Ltmp5:
0x227: {  	s5 =	sadd.s32 s19, s14;
	(pc) =	sbr.rel .LBB2_2-.Ltmp5, $4  }
0x228: {  	s5 =	sshll.u32 s5, $0x6  }
0x229: {  	s5 =	sand.u32 $0x1FFFFFC0, s5  }
0x22a: {  	s17 =	sadd.s32 $0x1, s17;
	s5 =	sadd.s32 s1, s5  }
0x22b: {  	[tilespmem:s21], [sflag:$0x2] =	stream.linear.gather [hbm4b:s5+s4], $0x1800, $0x38;
	[tilespmem:$0x1B600] =	vst v63  }
.LBB2_12:
0x22c: {  	_ =	swait.ge [sflag:s28], $0xC000  }
0x22d: {  	[sflag:s28] =	ssyncset.done $0x0  }
0x22e: {  	[sflag:s28] =	ssyncadd.s32 $0xFFFF4000  }
0x22f: {  	_ =	swait.ge [sflag:s29], $0xC000  }
0x230: {  	[sflag:s29] =	ssyncset.done $0x0  }
0x231: {  	s17 =	simm.s32 $0x0;
	s19 =	simm.s32 $0x0;
	[sflag:s29] =	ssyncadd.s32 $0xFFFF4000  }
.LBB2_13:
0x232: {  	s20 =	sadd.s32 s19, s15  }
0x233: {  	s5 =	sshll.u32 s20, $0x6  }
0x234: {  	s5 =	sand.u32 $0x1FFFFFC0, s5  }
0x235: {  	s5 =	sadd.s32 s1, s5  }
0x236: {  	[tilespmem:s17], [sflag:$0x5] =	stream.linear.gather [hbm4b:s5+s17], $0x200, $0x38;
	[tilespmem:$0x1B600] =	vst v63  }
0x237: {  	_ =	swait.ge [sflag:s18], $0x200  }
0x238: {  	[sflag:s18] =	ssyncset.done $0x0  }
0x239: {  	[sflag:s18] =	ssyncadd.s32 $0xFFFFFE00  }
0x23a: {  	v10 =	vld [tilespmem:$0x1B000]  }
0x23b: {  	v24 =	vld [tilespmem:$0x1B010]  }
0x23c: {  	v13 =	vld [tilespmem:$0x1B020]  }
0x23d: {  	v22 =	vld [tilespmem:$0x1B030]  }
0x23e: {  	v23 =	vld [tilespmem:$0x1B040]  }
0x23f: {  	v0 =	vld [tilespmem:$0x1B050]  }
0x240: {  	v25 =	vld [tilespmem:$0x1B060]  }
0x241: {  	v27 =	vld [tilespmem:$0x1B070]  }
0x242: {  	v5 =	vld [tilespmem:$0x1B080]  }
0x243: {  	v16 =	vld [tilespmem:$0x1B090]  }
0x244: {  	v6 =	vld [tilespmem:$0x1B0A0]  }
0x245: {  	v19 =	vld [tilespmem:$0x1B0B0]  }
0x246: {  	v21 =	vld [tilespmem:$0x1B0C0]  }
0x247: {  	v2 =	vld [tilespmem:$0x1B200]  }
0x248: {  	v3 =	vld [tilespmem:$0x1B220]  }
0x249: {  	v9 =	vld [tilespmem:$0x1B230]  }
0x24a: {  	v12 =	vld [tilespmem:$0x1B240]  }
0x24b: {  	v14 =	vld [tilespmem:$0x1B250]  }
0x24c: {  	v15 =	vld [tilespmem:$0x1B260]  }
0x24d: {  	v26 =	vld [tilespmem:$0x1B270]  }
0x24e: {  	v28 =	vld [tilespmem:$0x1B290]  }
0x24f: {  	v17 =	vld [tilespmem:$0x1B2A0]  }
0x250: {  	v4 =	vld [tilespmem:$0x1B450]  }
0x251: {  	s5 =	simm.s32 $0x0;
	v8 =	vld [tilespmem:$0x1B4F0]  }
0x252: {  	v1 =	vld [tilespmem:s5+$0x80]  }
0x253: {  	v20 =	vld [tilespmem:$0x1B4E0]  }
0x254: {  	v31 =	vld [tilespmem:$0x1B430];
	[tilespmem:$0x1FCE0] =	vst v0  }
0x255: {  	v32 =	vld [tilespmem:$0x1B4D0];
	[tilespmem:$0x1FCF0] =	vst v4  }
0x256: {  	v0 =	vld [tilespmem:s5+$0x100];
	[tilespmem:$0x1FD00] =	vst v8  }
0x257: {  	v29 =	vand.u32 $0xF, v1;
	[tilespmem:$0x1FD10] =	vst v2;
	v1 =	vld [tilespmem:s5+$0x0]  }
0x258: {  	v30 =	vld [tilespmem:$0x1B2D0];
	[tilespmem:$0x1FD20] =	vst v20  }
0x259: {  	v33 =	vld [tilespmem:$0x1B480];
	[tilespmem:$0x1FD30] =	vst v3  }
0x25a: {  	v34 =	vld [tilespmem:$0x1B410];
	[tilespmem:$0x1FD40] =	vst v31  }
0x25b: {  	v35 =	vld [tilespmem:$0x1B4C0];
	[tilespmem:$0x1FD50] =	vst v17;
	v44 =	vperm.xlane v9, v29;
	v50 =	vperm.xlane v14, v29  }
0x25c: {  	v41 =	vld [tilespmem:$0x1B420];
	[tilespmem:$0x1FD60] =	vst v32;
	v11 =	vand.u32 $0xF, v0;
	v47 =	vand.u32 $0xF, v1;
	v1 =	vperm.xlane v26, v29  }
0x25d: {  	v54 =	vld [tilespmem:$0x1B470];
	[tilespmem:$0x1FD70] =	vst v9;
	v7 =	vperm.xlane v4, v11;
	v18 =	vperm.xlane v8, v11  }
0x25e: {  	v51 =	vld [tilespmem:$0x1B210];
	[tilespmem:$0x1FD80] =	vst v33;
	v4 =	vperm.xlane v2, v29;
	v20 =	vperm.xlane v20, v11  }
0x25f: {  	[tilespmem:$0x1FDB0] =	vst v14;
	v14 =	vld [tilespmem:$0x1B4A0];
	v8 =	vperm.xlane v3, v29;
	v38 =	vperm.xlane v31, v11  }
0x260: {  	[tilespmem:$0x1FD90] =	vst v12;
	v0 =	vld [tilespmem:$0x1B490];
	v2 =	vperm.xlane v17, v29;
	v55 =	vperm.xlane v32, v11  }
0x261: {  	v52 =	vld [tilespmem:$0x1B2C0];
	[tilespmem:$0x1FDC0] =	vst v30;
	v58 =	vperm.xlane v33, v11;
	v31 =	vperm.xlane v12, v29  }
0x262: {  	[tilespmem:$0x1FDD0] =	vst v15;
	v12 =	vld [tilespmem:$0x1B4B0];
	v17 =	vperm.xlane v30, v29;
	v61 =	vperm.xlane v34, v11  }
0x263: {  	v53 =	vld [tilespmem:$0x1B400];
	[tilespmem:$0x1FE00] =	vst v26;
	v26 =	vmov v10;
	v9 =	vperm.xlane v6, v47;
	v10 =	vperm.xlane v10, v47  }
0x264: {  	v56 =	vld [tilespmem:$0x1B2B0];
	[tilespmem:$0x1FDF0] =	vst v34;
	v37 =	vmovc v6;
	v6 =	vperm.xlane v41, v11;
	v43 =	vmov v14;
	v14 =	vperm.xlane v14, v11  }
0x265: {  	v45 =	vmovc v41;
	v34 =	vld [tilespmem:$0x1B0D0];
	v4 =	vadd.f32 v4, v10;
	v10 =	vperm.xlane v16, v47;
	v59 =	vperm.xlane v0, v11  }
0x266: {  	v30 =	vld [tilespmem:$0x1B2F0];
	v9 =	vadd.f32 v2, v9;
	[tilespmem:$0x1FDA0] =	vst v0;
	v0 =	vperm.xlane v15, v29;
	v15 =	vperm.xlane v13, v47  }
0x267: {  	v60 =	vld [tilespmem:$0x1B280];
	v39 =	vmovc v19;
	v41 =	vmovc v28;
	v48 =	vmov v12;
	v63 =	vperm.xlane v12, v11;
	v12 =	vperm.xlane v28, v29  }
0x268: {  	v28 =	vmovc v13;
	v13 =	vperm.xlane v19, v47;
	v19 =	vadd.f32 v14, v9;
	v14 =	vadd.f32 v8, v15;
	v8 =	vld [tilespmem:$0x1B0F0]  }
0x269: {  	[tilespmem:$0x1FDE0] =	vst v35;
	v36 =	vmovc v16;
	v3 =	vperm.xlane v35, v11;
	v35 =	vmov v5;
	v5 =	vperm.xlane v5, v47;
	v9 =	vld [tilespmem:$0x1B0E0]  }
0x26a: {  	v40 =	vmovc v21;
	v16 =	vperm.xlane v21, v47;
	v21 =	vperm.xlane v34, v47;
	v12 =	vadd.f32 v12, v10;
	v10 =	vld [tilespmem:$0x1B2E0]  }
0x26b: {  	v57 =	vld [tilespmem:$0x1B440];
	v46 =	vmovc v54;
	v62 =	vperm.xlane v54, v11;
	v32 =	vmovc v23;
	v33 =	vmov v25;
	v2 =	vperm.xlane v30, v29  }
0x26c: {  	v54 =	vld [tilespmem:$0x1B460];
	v15 =	vperm.xlane v53, v11;
	[tilespmem:s5+$0x6100] =	vst v19;
	v21 =	vadd.f32 v17, v21;
	v17 =	vperm.xlane v24, v47  }
0x26d: {  	v49 =	vmovc v30;
	v30 =	vmov v22;
	v19 =	vperm.xlane v25, v47;
	[tilespmem:$0x1FE20] =	vst v8;
	v8 =	vperm.xlane v52, v29  }
0x26e: {  	v4 =	vadd.f32 v15, v4;
	v15 =	vperm.xlane v27, v47;
	[tilespmem:$0x1FE10] =	vst v9;
	v9 =	vperm.xlane v51, v29  }
0x26f: {  	[tilespmem:$0x1FE30] =	vst v10;
	v10 =	vperm.xlane v22, v47;
	v22 =	vadd.f32 v8, v16;
	v8 =	vperm.xlane v23, v47  }
0x270: {  	s6 =	simm.s32 $0x40;
	v42 =	vmovc v34;
	v34 =	vmovc v27;
	v27 =	vmov v24;
	v16 =	vperm.xlane v56, v29;
	v23 =	vperm.xlane v60, v29  }
.LBB2_14:
0x271: {  	_ = 	snop  }
0x272: {  	s8 =	sshra.s32 s6, $0x2;
	v13 =	vadd.f32 v16, v13;
	v3 =	vadd.f32 v3, v22  }
0x273: {  	v16 =	vld [tilespmem:s8+$0x100];
	v19 =	vadd.f32 v0, v19;
	v0 =	vadd.f32 v23, v5  }
0x274: {  	v22 =	vld [tilespmem:s8+$0x80]  }
0x275: {  	[tilespmem:s5+$0x6200] =	vst v3;
	v3 =	vld [tilespmem:$0x1FE30];
	v0 =	vadd.f32 v58, v0  }
0x276: {  	v6 =	vadd.f32 v6, v14;
	v14 =	vld [tilespmem:s8+$0x0]  }
0x277: {  	[tilespmem:s5+$0x6000] =	vst v0;
	v0 =	vld [tilespmem:$0x1FD10];
	_ =	sdelay $0x2  }
0x278: {  	v24 =	vperm.xlane v57, v11  }
0x279: {  	v9 =	vadd.f32 v9, v17;
	v3 =	vperm.xlane v3, v29;
	v29 =	vand.u32 $0xF, v22  }
0x27a: {  	v17 =	vperm.xlane v54, v11;
	v11 =	vand.u32 $0xF, v16;
	v16 =	vperm.xlane v0, v29;
	v0 =	vld [tilespmem:$0x1FD20];
	_ =	sdelay $0x2  }
0x27b: {  	v21 =	vadd.f32 v55, v21;
	v1 =	vadd.f32 v1, v15;
	_ =	sdelay $0x1  }
0x27c: {  	[tilespmem:s5+$0x6280] =	vst v21;
	v21 =	vperm.xlane v0, v11;
	v0 =	vadd.f32 v62, v1;
	v1 =	vld [tilespmem:$0x1FD30];
	_ =	sdelay $0x2  }
0x27d: {  	v23 =	vld [tilespmem:$0x1FE20]  }
0x27e: {  	[tilespmem:s5+$0x3380] =	vst v0;
	v0 =	vld [tilespmem:$0x1FD90]  }
0x27f: {  	v22 =	vperm.xlane v1, v29;
	v1 =	vld [tilespmem:$0x1FD40];
	_ =	sdelay $0x2  }
0x280: {  	v5 =	vld [tilespmem:$0x1FE10];
	v23 =	vperm.xlane v23, v47  }
0x281: {  	v8 =	vadd.f32 v31, v8;
	v31 =	vperm.xlane v0, v29;
	v0 =	vld [tilespmem:$0x1FDA0]  }
0x282: {  	v2 =	vadd.f32 v2, v23;
	v23 =	vperm.xlane v1, v11;
	v1 =	vadd.f32 v63, v13;
	v13 =	vld [tilespmem:$0x1FD60]  }
0x283: {  	v12 =	vadd.f32 v59, v12;
	v15 =	vld [tilespmem:$0x1FD00]  }
0x284: {  	[tilespmem:s5+$0x3100] =	vst v6;
	v6 =	vld [tilespmem:$0x1FCE0]  }
0x285: {  	[tilespmem:s5+$0x6080] =	vst v12;
	v12 =	vld [tilespmem:$0x1FCF0]  }
0x286: {  	v10 =	vadd.f32 v44, v10;
	v59 =	vperm.xlane v0, v11;
	v0 =	vld [tilespmem:$0x1FDB0]  }
0x287: {  	v9 =	vadd.f32 v61, v9;
	v55 =	vperm.xlane v13, v11;
	v13 =	vld [tilespmem:$0x1FD70]  }
0x288: {  	v10 =	vadd.f32 v38, v10;
	[tilespmem:s5+$0x3000] =	vst v4;
	v5 =	vperm.xlane v5, v47  }
0x289: {  	v4 =	vadd.f32 v24, v8;
	[tilespmem:s5+$0x3080] =	vst v9;
	v9 =	vld [tilespmem:$0x1FD50];
	v15 =	vperm.xlane v15, v11;
	v6 =	vperm.xlane v6, v47  }
0x28a: {  	v8 =	vadd.f32 v17, v19;
	v19 =	vperm.xlane v53, v11;
	v12 =	vperm.xlane v12, v11;
	[tilespmem:s5+$0x6180] =	vst v1;
	v1 =	vld [tilespmem:$0x1FDE0]  }
0x28b: {  	v47 =	vand.u32 $0xF, v14;
	v6 =	vadd.f32 v50, v6;
	v50 =	vperm.xlane v0, v29;
	v0 =	vld [tilespmem:$0x1FDC0]  }
0x28c: {  	[tilespmem:s5+$0x3200] =	vst v4;
	v4 =	vperm.xlane v26, v47;
	v44 =	vperm.xlane v13, v29;
	v13 =	vld [tilespmem:$0x1FD80]  }
0x28d: {  	[tilespmem:s5+$0x3180] =	vst v10;
	v10 =	vperm.xlane v41, v29;
	v17 =	vperm.xlane v52, v29  }
0x28e: {  	v9 =	vperm.xlane v9, v29;
	v2 =	vadd.f32 v18, v2;
	v4 =	vadd.f32 v16, v4  }
0x28f: {  	v14 =	vperm.xlane v28, v47;
	v18 =	vmov v15;
	v15 =	vperm.xlane v40, v47  }
0x290: {  	[tilespmem:s5+$0x6380] =	vst v2;
	v2 =	vperm.xlane v49, v29;
	v4 =	vadd.f32 v19, v4;
	v25 =	vperm.xlane v0, v29;
	v0 =	vld [tilespmem:$0x1FDD0]  }
0x291: {  	v58 =	vperm.xlane v13, v11;
	v13 =	vadd.f32 v3, v5;
	v3 =	vperm.xlane v1, v11;
	v1 =	vld [tilespmem:$0x1FDF0]  }
0x292: {  	v19 =	vperm.xlane v33, v47;
	v62 =	vperm.xlane v46, v11;
	v14 =	vadd.f32 v22, v14  }
0x293: {  	v22 =	vadd.f32 v17, v15;
	v15 =	vperm.xlane v34, v47;
	v17 =	vperm.xlane v27, v47  }
0x294: {  	v63 =	vperm.xlane v48, v11;
	v38 =	vmov v23;
	v23 =	vperm.xlane v60, v29  }
0x295: {  	v5 =	vadd.f32 v7, v6;
	v7 =	vmovc v12;
	v12 =	vperm.xlane v37, v47;
	v6 =	vperm.xlane v45, v11  }
0x296: {  	p0 =	sne.s32 s6, $0x1C0;
	[tilespmem:s5+$0x3300] =	vst v8;
	v0 =	vperm.xlane v0, v29;
	v8 =	vadd.f32 v20, v13;
	v61 =	vperm.xlane v1, v11;
	v1 =	vld [tilespmem:$0x1FE00]  }
.Ltmp6:
0x297: {  	[tilespmem:s5+$0x3280] =	vst v5;
	v5 =	vperm.xlane v35, v47;
	v9 =	vadd.f32 v9, v12;
	v12 =	vperm.xlane v43, v11;
	(pc) =	sbr.rel @p0 .LBB2_14-.Ltmp6, $4  }
0x298: {  	v13 =	vperm.xlane v39, v47;
	[tilespmem:s5+$0x6300] =	vst v8;
	v8 =	vperm.xlane v36, v47  }
0x299: {  	v20 =	vmovc v21;
	v21 =	vperm.xlane v42, v47;
	v16 =	vadd.f32 v12, v9;
	v9 =	vperm.xlane v51, v29  }
0x29a: {  	s5 =	smov.u32 s8;
	v12 =	vadd.f32 v10, v8;
	v10 =	vperm.xlane v30, v47;
	v8 =	vperm.xlane v32, v47  }
0x29b: {  	s6 =	sadd.s32 $0x40, s6;
	v21 =	vadd.f32 v25, v21;
	[tilespmem:s5+$0x6100] =	vst v16;
	v16 =	vperm.xlane v56, v29;
	v1 =	vperm.xlane v1, v29  }
0x29c: {  	v6 =	vadd.f32 v6, v14;
	_ =	sdelay $0x1  }
0x29d: {  	[tilespmem:s5+$0x3100] =	vst v6;
	v6 =	vadd.f32 v59, v12;
	v12 =	vld [tilespmem:$0x1FCE0]  }
0x29e: {  	v3 =	vadd.f32 v3, v22;
	_ =	sdelay $0x1  }
0x29f: {  	v9 =	vadd.f32 v9, v17;
	[tilespmem:s5+$0x6200] =	vst v3;
	v3 =	vadd.f32 v55, v21  }
0x2a0: {  	v1 =	vadd.f32 v1, v15  }
0x2a1: {  	v9 =	vadd.f32 v61, v9;
	[tilespmem:s5+$0x6280] =	vst v3;
	v3 =	vadd.f32 v16, v13;
	v12 =	vperm.xlane v12, v47  }
0x2a2: {  	v5 =	vadd.f32 v23, v5;
	v1 =	vadd.f32 v62, v1;
	[tilespmem:s5+$0x6080] =	vst v6  }
0x2a3: {  	[tilespmem:s5+$0x3080] =	vst v9;
	v9 =	vld [tilespmem:$0x1FE10];
	v3 =	vadd.f32 v63, v3;
	v6 =	vadd.f32 v50, v12  }
0x2a4: {  	[tilespmem:s5+$0x3380] =	vst v1;
	v1 =	vld [tilespmem:$0x1FE20]  }
0x2a5: {  	v5 =	vadd.f32 v58, v5;
	[tilespmem:s5+$0x6180] =	vst v3;
	v3 =	vadd.f32 v7, v6;
	v7 =	vld [tilespmem:$0x1FE30];
	_ =	sdelay $0x1  }
0x2a6: {  	v8 =	vadd.f32 v31, v8;
	[tilespmem:s5+$0x6000] =	vst v5;
	v5 =	vperm.xlane v57, v11  }
0x2a7: {  	v0 =	vadd.f32 v0, v19  }
0x2a8: {  	[tilespmem:s5+$0x3000] =	vst v4;
	v11 =	vperm.xlane v54, v11;
	v4 =	vadd.f32 v5, v8;
	v1 =	vperm.xlane v1, v47  }
0x2a9: {  	v9 =	vperm.xlane v9, v47;
	v6 =	vadd.f32 v44, v10;
	v7 =	vperm.xlane v7, v29  }
0x2aa: {  	v0 =	vadd.f32 v11, v0;
	[tilespmem:s5+$0x3200] =	vst v4;
	v1 =	vadd.f32 v2, v1  }
0x2ab: {  	[tilespmem:s5+$0x3280] =	vst v3;
	v3 =	vadd.f32 v38, v6;
	v2 =	vadd.f32 v7, v9  }
0x2ac: {  	[tilespmem:s5+$0x3300] =	vst v0;
	v0 =	vadd.f32 v18, v1  }
0x2ad: {  	[tilespmem:s5+$0x3180] =	vst v3;
	v1 =	vadd.f32 v20, v2  }
0x2ae: {  	[tilespmem:s5+$0x6380] =	vst v0  }
0x2af: {  	[tilespmem:s5+$0x6300] =	vst v1  }
0x2b0: {  	v10 =	vld [tilespmem:$0x1B100]  }
0x2b1: {  	v24 =	vld [tilespmem:$0x1B110]  }
0x2b2: {  	v13 =	vld [tilespmem:$0x1B120]  }
0x2b3: {  	v22 =	vld [tilespmem:$0x1B130]  }
0x2b4: {  	v23 =	vld [tilespmem:$0x1B140]  }
0x2b5: {  	v0 =	vld [tilespmem:$0x1B150]  }
0x2b6: {  	v25 =	vld [tilespmem:$0x1B160]  }
0x2b7: {  	v27 =	vld [tilespmem:$0x1B170]  }
0x2b8: {  	v5 =	vld [tilespmem:$0x1B180]  }
0x2b9: {  	v16 =	vld [tilespmem:$0x1B190]  }
0x2ba: {  	v6 =	vld [tilespmem:$0x1B1A0]  }
0x2bb: {  	v19 =	vld [tilespmem:$0x1B1B0]  }
0x2bc: {  	v21 =	vld [tilespmem:$0x1B1C0]  }
0x2bd: {  	v2 =	vld [tilespmem:$0x1B300]  }
0x2be: {  	v3 =	vld [tilespmem:$0x1B320]  }
0x2bf: {  	v9 =	vld [tilespmem:$0x1B330]  }
0x2c0: {  	v12 =	vld [tilespmem:$0x1B340]  }
0x2c1: {  	v14 =	vld [tilespmem:$0x1B350]  }
0x2c2: {  	v15 =	vld [tilespmem:$0x1B360]  }
0x2c3: {  	v26 =	vld [tilespmem:$0x1B370]  }
0x2c4: {  	v28 =	vld [tilespmem:$0x1B390]  }
0x2c5: {  	v17 =	vld [tilespmem:$0x1B3A0]  }
0x2c6: {  	v4 =	vld [tilespmem:$0x1B550]  }
0x2c7: {  	s5 =	simm.s32 $0x0;
	v8 =	vld [tilespmem:$0x1B5F0]  }
0x2c8: {  	v1 =	vld [tilespmem:s5+$0x80]  }
0x2c9: {  	v20 =	vld [tilespmem:$0x1B5E0]  }
0x2ca: {  	v31 =	vld [tilespmem:$0x1B530];
	[tilespmem:$0x1FB80] =	vst v0  }
0x2cb: {  	v32 =	vld [tilespmem:$0x1B5D0];
	[tilespmem:$0x1FB90] =	vst v4  }
0x2cc: {  	v0 =	vld [tilespmem:s5+$0x100];
	[tilespmem:$0x1FBA0] =	vst v8  }
0x2cd: {  	v29 =	vand.u32 $0xF, v1;
	[tilespmem:$0x1FBB0] =	vst v2;
	v1 =	vld [tilespmem:s5+$0x0]  }
0x2ce: {  	v30 =	vld [tilespmem:$0x1B3D0];
	[tilespmem:$0x1FBC0] =	vst v20  }
0x2cf: {  	v33 =	vld [tilespmem:$0x1B580];
	[tilespmem:$0x1FBD0] =	vst v3  }
0x2d0: {  	v34 =	vld [tilespmem:$0x1B510];
	[tilespmem:$0x1FBE0] =	vst v31  }
0x2d1: {  	v35 =	vld [tilespmem:$0x1B5C0];
	[tilespmem:$0x1FBF0] =	vst v17;
	v44 =	vperm.xlane v9, v29;
	v50 =	vperm.xlane v14, v29  }
0x2d2: {  	v41 =	vld [tilespmem:$0x1B520];
	[tilespmem:$0x1FC00] =	vst v32;
	v11 =	vand.u32 $0xF, v0;
	v47 =	vand.u32 $0xF, v1;
	v1 =	vperm.xlane v26, v29  }
0x2d3: {  	v54 =	vld [tilespmem:$0x1B570];
	[tilespmem:$0x1FC10] =	vst v9;
	v7 =	vperm.xlane v4, v11;
	v18 =	vperm.xlane v8, v11  }
0x2d4: {  	v51 =	vld [tilespmem:$0x1B310];
	[tilespmem:$0x1FC20] =	vst v33;
	v4 =	vperm.xlane v2, v29;
	v20 =	vperm.xlane v20, v11  }
0x2d5: {  	[tilespmem:$0x1FC50] =	vst v14;
	v14 =	vld [tilespmem:$0x1B5A0];
	v8 =	vperm.xlane v3, v29;
	v38 =	vperm.xlane v31, v11  }
0x2d6: {  	[tilespmem:$0x1FC30] =	vst v12;
	v0 =	vld [tilespmem:$0x1B590];
	v2 =	vperm.xlane v17, v29;
	v55 =	vperm.xlane v32, v11  }
0x2d7: {  	v52 =	vld [tilespmem:$0x1B3C0];
	[tilespmem:$0x1FC60] =	vst v30;
	v58 =	vperm.xlane v33, v11;
	v31 =	vperm.xlane v12, v29  }
0x2d8: {  	[tilespmem:$0x1FC70] =	vst v15;
	v12 =	vld [tilespmem:$0x1B5B0];
	v17 =	vperm.xlane v30, v29;
	v61 =	vperm.xlane v34, v11  }
0x2d9: {  	v53 =	vld [tilespmem:$0x1B500];
	[tilespmem:$0x1FCA0] =	vst v26;
	v26 =	vmov v10;
	v9 =	vperm.xlane v6, v47;
	v10 =	vperm.xlane v10, v47  }
0x2da: {  	v56 =	vld [tilespmem:$0x1B3B0];
	[tilespmem:$0x1FC90] =	vst v34;
	v37 =	vmovc v6;
	v6 =	vperm.xlane v41, v11;
	v43 =	vmov v14;
	v14 =	vperm.xlane v14, v11  }
0x2db: {  	v45 =	vmovc v41;
	v34 =	vld [tilespmem:$0x1B1D0];
	v4 =	vadd.f32 v4, v10;
	v10 =	vperm.xlane v16, v47;
	v59 =	vperm.xlane v0, v11  }
0x2dc: {  	v30 =	vld [tilespmem:$0x1B3F0];
	v9 =	vadd.f32 v2, v9;
	[tilespmem:$0x1FC40] =	vst v0;
	v0 =	vperm.xlane v15, v29;
	v15 =	vperm.xlane v13, v47  }
0x2dd: {  	v60 =	vld [tilespmem:$0x1B380];
	v39 =	vmovc v19;
	v41 =	vmovc v28;
	v48 =	vmov v12;
	v63 =	vperm.xlane v12, v11;
	v12 =	vperm.xlane v28, v29  }
0x2de: {  	v28 =	vmovc v13;
	v13 =	vperm.xlane v19, v47;
	v19 =	vadd.f32 v14, v9;
	v14 =	vadd.f32 v8, v15;
	v8 =	vld [tilespmem:$0x1B1F0]  }
0x2df: {  	[tilespmem:$0x1FC80] =	vst v35;
	v36 =	vmovc v16;
	v3 =	vperm.xlane v35, v11;
	v35 =	vmov v5;
	v5 =	vperm.xlane v5, v47;
	v9 =	vld [tilespmem:$0x1B1E0]  }
0x2e0: {  	v40 =	vmovc v21;
	v16 =	vperm.xlane v21, v47;
	v21 =	vperm.xlane v34, v47;
	v12 =	vadd.f32 v12, v10;
	v10 =	vld [tilespmem:$0x1B3E0]  }
0x2e1: {  	v57 =	vld [tilespmem:$0x1B540];
	v46 =	vmovc v54;
	v62 =	vperm.xlane v54, v11;
	v32 =	vmovc v23;
	v33 =	vmov v25;
	v2 =	vperm.xlane v30, v29  }
0x2e2: {  	v54 =	vld [tilespmem:$0x1B560];
	v15 =	vperm.xlane v53, v11;
	[tilespmem:s5+$0xC100] =	vst v19;
	v21 =	vadd.f32 v17, v21;
	v17 =	vperm.xlane v24, v47  }
0x2e3: {  	v49 =	vmovc v30;
	v30 =	vmov v22;
	v19 =	vperm.xlane v25, v47;
	[tilespmem:$0x1FCC0] =	vst v8;
	v8 =	vperm.xlane v52, v29  }
0x2e4: {  	v4 =	vadd.f32 v15, v4;
	v15 =	vperm.xlane v27, v47;
	[tilespmem:$0x1FCB0] =	vst v9;
	v9 =	vperm.xlane v51, v29  }
0x2e5: {  	[tilespmem:$0x1FCD0] =	vst v10;
	v10 =	vperm.xlane v22, v47;
	v22 =	vadd.f32 v8, v16;
	v8 =	vperm.xlane v23, v47  }
0x2e6: {  	s6 =	simm.s32 $0x40;
	v42 =	vmovc v34;
	v34 =	vmovc v27;
	v27 =	vmov v24;
	v16 =	vperm.xlane v56, v29;
	v23 =	vperm.xlane v60, v29  }
.LBB2_16:
0x2e7: {  	_ = 	snop  }
0x2e8: {  	s8 =	sshra.s32 s6, $0x2;
	v13 =	vadd.f32 v16, v13;
	v3 =	vadd.f32 v3, v22  }
0x2e9: {  	v16 =	vld [tilespmem:s8+$0x100];
	v19 =	vadd.f32 v0, v19;
	v0 =	vadd.f32 v23, v5  }
0x2ea: {  	v22 =	vld [tilespmem:s8+$0x80]  }
0x2eb: {  	[tilespmem:s5+$0xC200] =	vst v3;
	v3 =	vld [tilespmem:$0x1FCD0];
	v0 =	vadd.f32 v58, v0  }
0x2ec: {  	v6 =	vadd.f32 v6, v14;
	v14 =	vld [tilespmem:s8+$0x0]  }
0x2ed: {  	[tilespmem:s5+$0xC000] =	vst v0;
	v0 =	vld [tilespmem:$0x1FBB0];
	_ =	sdelay $0x2  }
0x2ee: {  	v24 =	vperm.xlane v57, v11  }
0x2ef: {  	v9 =	vadd.f32 v9, v17;
	v3 =	vperm.xlane v3, v29;
	v29 =	vand.u32 $0xF, v22  }
0x2f0: {  	v17 =	vperm.xlane v54, v11;
	v11 =	vand.u32 $0xF, v16;
	v16 =	vperm.xlane v0, v29;
	v0 =	vld [tilespmem:$0x1FBC0];
	_ =	sdelay $0x2  }
0x2f1: {  	v21 =	vadd.f32 v55, v21;
	v1 =	vadd.f32 v1, v15;
	_ =	sdelay $0x1  }
0x2f2: {  	[tilespmem:s5+$0xC280] =	vst v21;
	v21 =	vperm.xlane v0, v11;
	v0 =	vadd.f32 v62, v1;
	v1 =	vld [tilespmem:$0x1FBD0];
	_ =	sdelay $0x2  }
0x2f3: {  	v23 =	vld [tilespmem:$0x1FCC0]  }
0x2f4: {  	[tilespmem:s5+$0x9380] =	vst v0;
	v0 =	vld [tilespmem:$0x1FC30]  }
0x2f5: {  	v22 =	vperm.xlane v1, v29;
	v1 =	vld [tilespmem:$0x1FBE0];
	_ =	sdelay $0x2  }
0x2f6: {  	v5 =	vld [tilespmem:$0x1FCB0];
	v23 =	vperm.xlane v23, v47  }
0x2f7: {  	v8 =	vadd.f32 v31, v8;
	v31 =	vperm.xlane v0, v29;
	v0 =	vld [tilespmem:$0x1FC40]  }
0x2f8: {  	v2 =	vadd.f32 v2, v23;
	v23 =	vperm.xlane v1, v11;
	v1 =	vadd.f32 v63, v13;
	v13 =	vld [tilespmem:$0x1FC00]  }
0x2f9: {  	v12 =	vadd.f32 v59, v12;
	v15 =	vld [tilespmem:$0x1FBA0]  }
0x2fa: {  	[tilespmem:s5+$0x9100] =	vst v6;
	v6 =	vld [tilespmem:$0x1FB80]  }
0x2fb: {  	[tilespmem:s5+$0xC080] =	vst v12;
	v12 =	vld [tilespmem:$0x1FB90]  }
0x2fc: {  	v10 =	vadd.f32 v44, v10;
	v59 =	vperm.xlane v0, v11;
	v0 =	vld [tilespmem:$0x1FC50]  }
0x2fd: {  	v9 =	vadd.f32 v61, v9;
	v55 =	vperm.xlane v13, v11;
	v13 =	vld [tilespmem:$0x1FC10]  }
0x2fe: {  	v10 =	vadd.f32 v38, v10;
	[tilespmem:s5+$0x9000] =	vst v4;
	v5 =	vperm.xlane v5, v47  }
0x2ff: {  	v4 =	vadd.f32 v24, v8;
	[tilespmem:s5+$0x9080] =	vst v9;
	v9 =	vld [tilespmem:$0x1FBF0];
	v15 =	vperm.xlane v15, v11;
	v6 =	vperm.xlane v6, v47  }
0x300: {  	v8 =	vadd.f32 v17, v19;
	v19 =	vperm.xlane v53, v11;
	v12 =	vperm.xlane v12, v11;
	[tilespmem:s5+$0xC180] =	vst v1;
	v1 =	vld [tilespmem:$0x1FC80]  }
0x301: {  	v47 =	vand.u32 $0xF, v14;
	v6 =	vadd.f32 v50, v6;
	v50 =	vperm.xlane v0, v29;
	v0 =	vld [tilespmem:$0x1FC60]  }
0x302: {  	[tilespmem:s5+$0x9200] =	vst v4;
	v4 =	vperm.xlane v26, v47;
	v44 =	vperm.xlane v13, v29;
	v13 =	vld [tilespmem:$0x1FC20]  }
0x303: {  	[tilespmem:s5+$0x9180] =	vst v10;
	v10 =	vperm.xlane v41, v29;
	v17 =	vperm.xlane v52, v29  }
0x304: {  	v9 =	vperm.xlane v9, v29;
	v2 =	vadd.f32 v18, v2;
	v4 =	vadd.f32 v16, v4  }
0x305: {  	v14 =	vperm.xlane v28, v47;
	v18 =	vmov v15;
	v15 =	vperm.xlane v40, v47  }
0x306: {  	[tilespmem:s5+$0xC380] =	vst v2;
	v2 =	vperm.xlane v49, v29;
	v4 =	vadd.f32 v19, v4;
	v25 =	vperm.xlane v0, v29;
	v0 =	vld [tilespmem:$0x1FC70]  }
0x307: {  	v58 =	vperm.xlane v13, v11;
	v13 =	vadd.f32 v3, v5;
	v3 =	vperm.xlane v1, v11;
	v1 =	vld [tilespmem:$0x1FC90]  }
0x308: {  	v19 =	vperm.xlane v33, v47;
	v62 =	vperm.xlane v46, v11;
	v14 =	vadd.f32 v22, v14  }
0x309: {  	v22 =	vadd.f32 v17, v15;
	v15 =	vperm.xlane v34, v47;
	v17 =	vperm.xlane v27, v47  }
0x30a: {  	v63 =	vperm.xlane v48, v11;
	v38 =	vmov v23;
	v23 =	vperm.xlane v60, v29  }
0x30b: {  	v5 =	vadd.f32 v7, v6;
	v7 =	vmovc v12;
	v12 =	vperm.xlane v37, v47;
	v6 =	vperm.xlane v45, v11  }
0x30c: {  	p0 =	sne.s32 s6, $0x1C0;
	[tilespmem:s5+$0x9300] =	vst v8;
	v0 =	vperm.xlane v0, v29;
	v8 =	vadd.f32 v20, v13;
	v61 =	vperm.xlane v1, v11;
	v1 =	vld [tilespmem:$0x1FCA0]  }
.Ltmp7:
0x30d: {  	[tilespmem:s5+$0x9280] =	vst v5;
	v5 =	vperm.xlane v35, v47;
	v9 =	vadd.f32 v9, v12;
	v12 =	vperm.xlane v43, v11;
	(pc) =	sbr.rel @p0 .LBB2_16-.Ltmp7, $4  }
0x30e: {  	v13 =	vperm.xlane v39, v47;
	[tilespmem:s5+$0xC300] =	vst v8;
	v8 =	vperm.xlane v36, v47  }
0x30f: {  	v20 =	vmovc v21;
	v21 =	vperm.xlane v42, v47;
	v16 =	vadd.f32 v12, v9;
	v9 =	vperm.xlane v51, v29  }
0x310: {  	s5 =	smov.u32 s8;
	v12 =	vadd.f32 v10, v8;
	v10 =	vperm.xlane v30, v47;
	v8 =	vperm.xlane v32, v47  }
0x311: {  	s6 =	sadd.s32 $0x40, s6;
	v21 =	vadd.f32 v25, v21;
	[tilespmem:s5+$0xC100] =	vst v16;
	v16 =	vperm.xlane v56, v29;
	v1 =	vperm.xlane v1, v29  }
0x312: {  	v3 =	vadd.f32 v3, v22;
	v6 =	vadd.f32 v6, v14;
	v48 =	vld [tilespmem:$0x1FB80]  }
0x313: {  	v5 =	vadd.f32 v23, v5;
	v9 =	vadd.f32 v9, v17;
	[tilespmem:s5+$0x9000] =	vst v4  }
0x314: {  	v45 =	vadd.f32 v59, v12;
	v0 =	vadd.f32 v0, v19;
	v52 =	vld [tilespmem:$0x1FCB0];
	[tilespmem:s5+$0xC200] =	vst v3  }
0x315: {  	v8 =	vadd.f32 v31, v8;
	v53 =	vld [tilespmem:$0x1FCC0];
	v43 =	vadd.f32 v55, v21;
	[tilespmem:s5+$0x9100] =	vst v6  }
0x316: {  	v49 =	vperm.xlane v57, v11;
	v1 =	vadd.f32 v1, v15;
	v5 =	vadd.f32 v58, v5;
	[tilespmem:s5+$0xC080] =	vst v45;
	v58 =	vld [tilespmem:$0x1FCD0]  }
0x317: {  	v57 =	vadd.f32 v44, v10;
	v9 =	vadd.f32 v61, v9;
	[tilespmem:s5+$0xC280] =	vst v43;
	v12 =	vperm.xlane v48, v47  }
0x318: {  	v46 =	vadd.f32 v16, v13;
	v1 =	vadd.f32 v62, v1;
	[tilespmem:s5+$0xC000] =	vst v5  }
0x319: {  	v55 =	vperm.xlane v54, v11;
	v59 =	vadd.f32 v49, v8;
	[tilespmem:s5+$0x9080] =	vst v9;
	v51 =	vadd.f32 v50, v12  }
0x31a: {  	v61 =	vadd.f32 v38, v57;
	v3 =	vadd.f32 v63, v46;
	[tilespmem:s5+$0x9380] =	vst v1;
	v1 =	vperm.xlane v53, v47  }
0x31b: {  	[tilespmem:s5+$0x9200] =	vst v59;
	v9 =	vperm.xlane v52, v47;
	v56 =	vadd.f32 v7, v51;
	v7 =	vperm.xlane v58, v29  }
0x31c: {  	v0 =	vadd.f32 v55, v0;
	[tilespmem:s5+$0x9180] =	vst v61;
	v1 =	vadd.f32 v2, v1  }
0x31d: {  	[tilespmem:s5+$0xC180] =	vst v3;
	v60 =	vadd.f32 v7, v9  }
0x31e: {  	[tilespmem:s5+$0x9300] =	vst v0;
	v62 =	vadd.f32 v18, v1  }
0x31f: {  	s6 =	sshll.u32 s20, $0x7;
	[tilespmem:s5+$0x9280] =	vst v56;
	v63 =	vadd.f32 v20, v60  }
0x320: {  	s6 =	sand.u32 $0x1FFFFF80, s6;
	[tilespmem:s5+$0xC380] =	vst v62  }
0x321: {  	s16 =	sadd.s32 s3, s6;
	[tilespmem:s5+$0xC300] =	vst v63  }
0x322: {  	[hbm4b:s16+s4] =	stream.linear.scatter [tilespmem:s24], [sflag:$0x5], $0x400, $0x38;
	[tilespmem:$0x1B600] =	vst v63  }
0x323: {  	s19 =	sadd.s32 $0x1, s19;
	s6 =	sadd.s32 $0x186A00, s16  }
0x324: {  	[hbm4b:s6+s4] =	stream.linear.scatter [tilespmem:s30], [sflag:$0x5], $0x400, $0x38;
	[tilespmem:$0x1B600] =	vst v63  }
0x325: {  	p0 =	sne.s32 s19, s12;
	s20 =	sadd.s32 $0x30D400, s16  }
0x326: {  	[hbm4b:s20+s4] =	stream.linear.scatter [tilespmem:s31], [sflag:$0x5], $0x400, $0x38;
	[tilespmem:$0x1B600] =	vst v63  }
.Ltmp8:
0x327: {  	s5 =	sadd.s32 $0x493E00, s16;
	(pc) =	sbr.rel @p0 .LBB2_13-.Ltmp8, $4  }
0x328: {  	[hbm4b:s5+s4] =	stream.linear.scatter [tilespmem:s2], [sflag:$0x5], $0x400, $0x38;
	[tilespmem:$0x1B600] =	vst v63  }
0x329: {  	_ =	swait.ge [sflag:s18], $0x1000  }
0x32a: {  	[sflag:s18] =	ssyncset.done $0x0  }
0x32b: {  	[sflag:s18] =	ssyncadd.s32 $0xFFFFF000  }
0x32c: {  	s0 =	sadd.s32 $0x1, s0;
	s5 =	rddreg [dreg:$0x8]  }
0x32d: {  	p0 =	sne.s32 s0, s5  }
.Ltmp9:
0x32e: {  	_ = 	snop;
	(pc) =	sbr.rel @p0 .LBB2_1-.Ltmp9, $1  }
0x32f: {  	_ =	sdelay $0x3  }
0x330: {  	_ =	sfence.sel $0x180000  }
0x331: {  	[bflag:$0x0] =	sbarrier.arrive $0xFFFF  }
0x332: {  	_ =	strace $0x90000047  }
0x333: {  	s0 =	stileid.u32;
	[bflag:$0x2] =	sbarrier.arrive $0xFFFF  }
0x334: {  	p0 =	sne.s32 s0, $0x0;
	s0 =	rddreg [dreg:$0x3]  }
0x335: {  	s0 =	sadd.s32 @!p0 $0x100000, s0  }
0x336: {  	[sflag:s0] =	ssyncadd.tile.s32 @!p0 $0x1;
	_ =	shalt  }
.Lfunc_end2:
_tile_overlayer_lowered:
.L_overlay_start_2:
0x337: {  	(tag) =	ssettag $0x2  }
0x338: {  	s0 =	rddreg [dreg:$0x0];
	s2 =	stileid.u32  }
0x339: {  	s1 =	rddreg [dreg:$0x1];
	p0 =	sne.s32 s2, $0x0  }
0x33a: {  	s3 =	rddreg [dreg:$0x2];
	[bflag:$0x3] =	sbarrier.arrive $0xFFFF;
	s2 =	simm.s32 @!p0 $0x1C05  }
0x33b: {  	[timem:s3], [sflag:s2] =	dma.local @!p0 [hbm:s0], s1  }
0x33c: {  	s0 =	simm.s32 @!p0 $0x5  }
0x33d: {  	_ =	swait.ge @!p0 [sflag:s0], s1  }
0x33e: {  	s1 =	ssub.s32 @!p0 $0x0, s1;
	[sflag:s0] =	ssyncset.done @!p0 $0x0  }
0x33f: {  	[sflag:s0] =	ssyncadd.s32 @!p0 s1  }
0x340: {  	[bflag:$0x3] =	sbarrier.arrive $0xFFFF  }
0x341: {  	_ =	shalt  }

</sc_bundles>
